<compile_context>
chip_gen: v7x
topology: tpu7x:2x2x1
jax: 0.10.2.dev20260603
libtpu: 0.0.44.dev20260713+nightly
codegen_flags: <defaults>
</compile_context>

<pallas_src>
import functools

import jax
import jax.numpy as jnp
from jax import lax
from jax.experimental import pallas as pl
from jax.experimental.pallas import tpu as pltpu
from jax.experimental.pallas import tpu_sc as plsc

D = 32
NW = 32



def _map_body(x_ref, w_ref, o_ref):
    o_ref[...] = jnp.dot(x_ref[...], w_ref[...],
                         preferred_element_type=jnp.float32)


def _feature_map(features4, w_big):
    n4, f4 = features4.shape
    b4 = 1000
    return pl.pallas_call(
        _map_body,
        grid=(n4 // b4,),
        in_specs=[pl.BlockSpec((b4, f4), lambda i: (i, 0)),
                  pl.BlockSpec((f4, 4 * D), lambda i: (0, 0))],
        out_specs=pl.BlockSpec((b4, 4 * D), lambda i: (i, 0)),
        out_shape=jax.ShapeDtypeStruct((n4, 4 * D), jnp.float32),
    )(features4, w_big)



def _layer_body(e_ref, s_ref, w_ref, m_ref, mt_ref, o_ref, *, inv):
    agg = (e_ref[...] + s_ref[...]) * inv
    h = jnp.maximum(jnp.dot(agg, w_ref[...],
                            preferred_element_type=jnp.float32), 0.0)
    seg = jnp.dot(h * h, m_ref[...], preferred_element_type=jnp.float32)
    inv_n = 1.0 / jnp.maximum(jnp.sqrt(seg), 1e-12)
    scale = jnp.dot(inv_n, mt_ref[...], preferred_element_type=jnp.float32)
    o_ref[...] = h * scale


def _dense_layer(emb_p, sums_p, w_bd, m_seg, inv):
    n4 = emb_p.shape[0]
    b4 = 1000
    return pl.pallas_call(
        functools.partial(_layer_body, inv=inv),
        grid=(n4 // b4,),
        in_specs=[pl.BlockSpec((b4, 4 * D), lambda i: (i, 0)),
                  pl.BlockSpec((b4, 4 * D), lambda i: (i, 0)),
                  pl.BlockSpec((4 * D, 4 * D), lambda i: (0, 0)),
                  pl.BlockSpec((4 * D, 4), lambda i: (0, 0)),
                  pl.BlockSpec((4, 4 * D), lambda i: (0, 0))],
        out_specs=pl.BlockSpec((b4, 4 * D), lambda i: (i, 0)),
        out_shape=jax.ShapeDtypeStruct((n4, 4 * D), jnp.float32),
    )(emb_p, sums_p, w_bd, m_seg, m_seg.T)



def _gather_sum(emb2d, idx_flat, s_fan, chunk):
    n = emb2d.shape[0]
    cs = chunk * s_fan
    n_chunks = (n + chunk - 1) // chunk
    last_off = n - chunk
    mesh = plsc.VectorSubcoreMesh(core_axis_name="c", subcore_axis_name="s",
                                  num_cores=2, num_subcores=16)

    def body(emb_hbm, idx_hbm, out_hbm,
             idx_a, idx_b, rows_a, rows_b, acc_a, acc_b,
             sem_a, sem_b, osem_a, osem_b):
        wid = lax.axis_index("s") * 2 + lax.axis_index("c")
        cnt = (n_chunks - 1 - wid) // NW + 1
        pairs = cnt // 2

        def node_off(j):
            return jnp.minimum((wid + NW * j) * chunk, last_off)

        def start(idx_v, rows_v, sem, j):
            off = node_off(j)
            pltpu.sync_copy(idx_hbm.at[pl.ds(off * s_fan, cs)], idx_v)
            pltpu.async_copy(emb_hbm.at[idx_v], rows_v, sem)

        def accum(rows_v, acc_v):
            def node(b, c2):
                k = b * s_fan
                lo = rows_v[k, pl.ds(0, 16)]
                hi = rows_v[k, pl.ds(16, 16)]
                for s in range(1, s_fan):
                    lo = lo + rows_v[k + s, pl.ds(0, 16)]
                    hi = hi + rows_v[k + s, pl.ds(16, 16)]
                r = b // 4
                c = (b % 4) * D
                acc_v[r, pl.ds(c, 16)] = lo
                acc_v[r, pl.ds(c + 16, 16)] = hi
                return c2
            lax.fori_loop(0, chunk, node, 0)

        def finish(idx_v, rows_v, sem, acc_v, osem, j, wait_prev):
            pltpu.make_async_copy(emb_hbm.at[idx_v], rows_v, sem).wait()
            dst = out_hbm.at[pl.ds(node_off(j) * D // 128, chunk * D // 128)]

            @pl.when(wait_prev)
            def _():
                pltpu.make_async_copy(acc_v, dst, osem).wait()

            accum(rows_v, acc_v)
            pltpu.async_copy(acc_v, dst, osem)

        start(idx_a, rows_a, sem_a, 0)

        def pair(p, carry):
            start(idx_b, rows_b, sem_b, 2 * p + 1)
            finish(idx_a, rows_a, sem_a, acc_a, osem_a, 2 * p, p > 0)

            @pl.when(2 * p + 2 < cnt)
            def _():
                start(idx_a, rows_a, sem_a, 2 * p + 2)

            finish(idx_b, rows_b, sem_b, acc_b, osem_b, 2 * p + 1, p > 0)
            return carry

        lax.fori_loop(0, pairs, pair, 0)

        @pl.when(cnt % 2 == 1)
        def _():
            finish(idx_a, rows_a, sem_a, acc_a, osem_a, cnt - 1, pairs > 0)

        pltpu.make_async_copy(
            acc_a, out_hbm.at[pl.ds(0, chunk * D // 128)], osem_a).wait()
        pltpu.make_async_copy(
            acc_b, out_hbm.at[pl.ds(0, chunk * D // 128)], osem_b).wait()

    run = pl.kernel(
        body,
        out_type=jax.ShapeDtypeStruct((n * D // 128, 128), jnp.float32),
        mesh=mesh,
        compiler_params=pltpu.CompilerParams(use_tc_tiling_on_sc=False),
        scratch_types=[
            pltpu.VMEM((cs,), jnp.int32),
            pltpu.VMEM((cs,), jnp.int32),
            pltpu.VMEM((cs, D), jnp.float32),
            pltpu.VMEM((cs, D), jnp.float32),
            pltpu.VMEM((chunk * D // 128, 128), jnp.float32),
            pltpu.VMEM((chunk * D // 128, 128), jnp.float32),
            pltpu.SemaphoreType.DMA,
            pltpu.SemaphoreType.DMA,
            pltpu.SemaphoreType.DMA,
            pltpu.SemaphoreType.DMA,
        ],
    )
    return run(emb2d, idx_flat)


def kernel(features, W_map, W_agg1, W_agg2, neigh1, neigh2):
    n = features.shape[0]
    s1 = neigh1.shape[1]
    s2 = neigh2.shape[1]
    eye4 = jnp.eye(4, dtype=jnp.float32)

    features4 = features.reshape(n // 4, 4 * features.shape[1])
    w_big = jnp.kron(eye4, W_map.T.astype(jnp.float32))
    emb_p = _feature_map(features4, w_big)

    m_seg = jnp.kron(eye4, jnp.ones((D, 1), jnp.float32))
    n1 = neigh1.astype(jnp.int32).reshape(-1)
    n2 = neigh2.astype(jnp.int32).reshape(-1)

    sum1_p = _gather_sum(emb_p.reshape(n, D), n1, s1, 64)
    emb1_p = _dense_layer(emb_p, sum1_p, jnp.kron(eye4, W_agg1.T), m_seg,
                          1.0 / (s1 + 1.0))
    sum2_p = _gather_sum(emb1_p.reshape(n, D), n2, s2, 160)
    out_p = _dense_layer(emb1_p, sum2_p, jnp.kron(eye4, W_agg2.T), m_seg,
                         1.0 / (s2 + 1.0))
    return out_p.reshape(n, D)

# --- scband reference (transcript-rebuilt; emitter-appended) ---
"""Pipeline reference for scband-graph-sage-15668040696564 (READ-ONLY COPY).

The authoritative reference and input builder live on the scoring server;
editing this copy changes nothing except your own understanding.
"""

import jax, jax.numpy as jnp
import numpy as np

N_NODES = 100000
NUM_FEATURES = 128
EMBED_DIM = 32
S1 = 25
S2 = 10


def _sage_layer(emb, neigh, W):
    # mean over {node} U sampled_neighbors, like torch.mean over stacked rows
    nbr = jnp.take(emb, neigh, axis=0)            # [N, S, D] gather
    agg = (emb + nbr.sum(axis=1)) / (neigh.shape[1] + 1.0)
    out = jax.nn.relu(agg @ W.T)                  # nn.Linear(dim,dim,bias=False) + ReLU
    nrm = jnp.linalg.norm(out, axis=-1, keepdims=True)
    return out / jnp.maximum(nrm, 1e-12)          # F.normalize(dim=0) per node vector


def setup_inputs(seed: int = 0) -> dict:
    key = jax.random.key(seed)
    ks = jax.random.split(key, 6)
    features = jax.random.normal(ks[0], (N_NODES, NUM_FEATURES), dtype=jnp.float32)
    W_map = jax.random.normal(ks[1], (EMBED_DIM, NUM_FEATURES), dtype=jnp.float32) * (1.0 / np.sqrt(NUM_FEATURES))
    W_agg1 = jax.random.normal(ks[2], (EMBED_DIM, EMBED_DIM), dtype=jnp.float32) * (1.0 / np.sqrt(EMBED_DIM))
    W_agg2 = jax.random.normal(ks[3], (EMBED_DIM, EMBED_DIM), dtype=jnp.float32) * (1.0 / np.sqrt(EMBED_DIM))
    neigh1 = jax.random.randint(ks[4], (N_NODES, S1), 0, N_NODES, dtype=jnp.int64 if jax.config.jax_enable_x64 else jnp.int32)
    neigh2 = jax.random.randint(ks[5], (N_NODES, S2), 0, N_NODES, dtype=jnp.int64 if jax.config.jax_enable_x64 else jnp.int32)
    return {"features": features, "W_map": W_map, "W_agg1": W_agg1, "W_agg2": W_agg2, "neigh1": neigh1, "neigh2": neigh2}


def reference(features, W_map, W_agg1, W_agg2, neigh1, neigh2):
    # feature_mapper: nn.Linear(num_features, embed_dim, bias=False)
    emb = features @ W_map.T
    # depth-2 GraphSage with mean aggregator; dropout inactive (eval mode)
    emb = _sage_layer(emb, neigh1, W_agg1)  # k=1, fan-out neighbourhood_sizes[0]=25
    emb = _sage_layer(emb, neigh2, W_agg2)  # k=2, fan-out neighbourhood_sizes[1]=10
    return emb

if __name__ == "__main__":
    import jax
    _d = setup_inputs()
    print(jax.jit(kernel)(*tuple(_d.values())))

</pallas_src>

<mosaic_0001>
#map = affine_map<(d0, d1) -> (0, 0)>
#map1 = affine_map<(d0, d1) -> (0)>
module attributes {stable_mosaic.version = 14 : i64} {
  func.func @body(%arg0: i32, %arg1: i32, %arg2: memref<100000x32xf32, #tpu.memory_space<hbm>>, %arg3: memref<1000000xi32, #tpu.memory_space<hbm>>, %arg4: memref<25000x128xf32, #tpu.memory_space<hbm>>, %arg5: memref<1600xi32, #tpu.memory_space<vmem>>, %arg6: memref<1600xi32, #tpu.memory_space<vmem>>, %arg7: memref<1600x32xf32, #tpu.memory_space<vmem>>, %arg8: memref<1600x32xf32, #tpu.memory_space<vmem>>, %arg9: memref<40x128xf32, #tpu.memory_space<vmem>>, %arg10: memref<40x128xf32, #tpu.memory_space<vmem>>, %arg11: memref<!tpu.dma_semaphore, #tpu.memory_space<semaphore_mem>>, %arg12: memref<!tpu.dma_semaphore, #tpu.memory_space<semaphore_mem>>, %arg13: memref<!tpu.dma_semaphore, #tpu.memory_space<semaphore_mem>>, %arg14: memref<!tpu.dma_semaphore, #tpu.memory_space<semaphore_mem>>) attributes {dimension_semantics = [#tpu.dimension_semantics<core_parallel>, #tpu.dimension_semantics<subcore_parallel>], iteration_bounds = array<i64: 2, 16>, scalar_prefetch = 0 : i64, scratch_operands = 10 : i64, tpu.core_type = #tpu.core_type<sc_vector_subcore>, window_params = [{transform_indices = #map}, {transform_indices = #map1}, {transform_indices = #map}]} {
    %mul3A = arith.constant 2 : i32
    %mul3A_0 = arith.muli %arg1, %mul3A : i32
    %add3A = arith.addi %mul3A_0, %arg0 : i32
    %sub3A = arith.constant 624 : i32
    %sub3A_1 = arith.subi %sub3A, %add3A : i32
    %jit3A = arith.constant 32 : i32
    %div3A = arith.divsi %sub3A_1, %jit3A : i32
    %sign3A = arith.constant 0 : i32
    %sign3A_2 = arith.cmpi sgt, %sub3A_1, %sign3A : i32
    %sign3A_3 = arith.extui %sign3A_2 : i1 to i32
    %sign3A_4 = arith.constant 0 : i32
    %sign3A_5 = arith.cmpi slt, %sub3A_1, %sign3A_4 : i32
    %sign3A_6 = arith.extui %sign3A_5 : i1 to i32
    %sign3A_7 = arith.subi %sign3A_3, %sign3A_6 : i32
    %sign3A_8 = arith.constant 0 : i32
    %sign3A_9 = arith.cmpi sgt, %jit3A, %sign3A_8 : i32
    %sign3A_10 = arith.extui %sign3A_9 : i1 to i32
    %sign3A_11 = arith.constant 0 : i32
    %sign3A_12 = arith.cmpi slt, %jit3A, %sign3A_11 : i32
    %sign3A_13 = arith.extui %sign3A_12 : i1 to i32
    %sign3A_14 = arith.subi %sign3A_10, %sign3A_13 : i32
    %ne3A = arith.cmpi ne, %sign3A_7, %sign3A_14 : i32
    %rem3A = arith.remsi %sub3A_1, %jit3A : i32
    %ne3A_15 = arith.constant 0 : i32
    %ne3A_16 = arith.cmpi ne, %rem3A, %ne3A_15 : i32
    %and3A = arith.andi %ne3A, %ne3A_16 : i1
    %sub3A_17 = arith.constant 1 : i32
    %sub3A_18 = arith.subi %div3A, %sub3A_17 : i32
    %select_n3A = arith.select %and3A, %sub3A_18, %div3A : i32
    %add3A_19 = arith.constant 1 : i32
    %add3A_20 = arith.addi %select_n3A, %add3A_19 : i32
    %jit3A_21 = arith.constant 2 : i32
    %div3A_22 = arith.divsi %add3A_20, %jit3A_21 : i32
    %sign3A_23 = arith.constant 0 : i32
    %sign3A_24 = arith.cmpi sgt, %add3A_20, %sign3A_23 : i32
    %sign3A_25 = arith.extui %sign3A_24 : i1 to i32
    %sign3A_26 = arith.constant 0 : i32
    %sign3A_27 = arith.cmpi slt, %add3A_20, %sign3A_26 : i32
    %sign3A_28 = arith.extui %sign3A_27 : i1 to i32
    %sign3A_29 = arith.subi %sign3A_25, %sign3A_28 : i32
    %sign3A_30 = arith.constant 0 : i32
    %sign3A_31 = arith.cmpi sgt, %jit3A_21, %sign3A_30 : i32
    %sign3A_32 = arith.extui %sign3A_31 : i1 to i32
    %sign3A_33 = arith.constant 0 : i32
    %sign3A_34 = arith.cmpi slt, %jit3A_21, %sign3A_33 : i32
    %sign3A_35 = arith.extui %sign3A_34 : i1 to i32
    %sign3A_36 = arith.subi %sign3A_32, %sign3A_35 : i32
    %ne3A_37 = arith.cmpi ne, %sign3A_29, %sign3A_36 : i32
    %rem3A_38 = arith.remsi %add3A_20, %jit3A_21 : i32
    %ne3A_39 = arith.constant 0 : i32
    %ne3A_40 = arith.cmpi ne, %rem3A_38, %ne3A_39 : i32
    %and3A_41 = arith.andi %ne3A_37, %ne3A_40 : i1
    %sub3A_42 = arith.constant 1 : i32
    %sub3A_43 = arith.subi %div3A_22, %sub3A_42 : i32
    %select_n3A_44 = arith.select %and3A_41, %sub3A_43, %div3A_22 : i32
    %add3A_45 = arith.constant 0 : i32
    %add3A_46 = arith.addi %add3A, %add3A_45 : i32
    %mul3A_47 = arith.constant 160 : i32
    %mul3A_48 = arith.muli %add3A_46, %mul3A_47 : i32
    %min3A = arith.constant 99840 : i32
    %min3A_49 = arith.minsi %mul3A_48, %min3A : i32
    %mul3A_50 = arith.constant 10 : i32
    %mul3A_51 = arith.muli %min3A_49, %mul3A_50 : i32
    "tpu.region"() ({
      %run_scoped3A = tpu.sem_alloc : memref<!tpu.dma_semaphore, #tpu.memory_space<semaphore_mem>>
      %dma_start3A_91 = tpu.memref_slice %arg3[%mul3A_51] : memref<1000000xi32, #tpu.memory_space<hbm>> -> memref<1600xi32, #tpu.memory_space<hbm>>
      %dma_start3A_92 = tpu.memref_slice %arg3[%mul3A_51] : memref<1000000xi32, #tpu.memory_space<hbm>> -> memref<1600xi32, #tpu.memory_space<hbm>>
      tpu.enqueue_dma source(%dma_start3A_92 : memref<1600xi32, #tpu.memory_space<hbm>>) target(%arg5 : memref<1600xi32, #tpu.memory_space<vmem>>) target_semaphore(%run_scoped3A : memref<!tpu.dma_semaphore, #tpu.memory_space<semaphore_mem>>)
      %dma_wait3A_93 = tpu.memref_slice %arg3[%mul3A_51] : memref<1000000xi32, #tpu.memory_space<hbm>> -> memref<1600xi32, #tpu.memory_space<hbm>>
      %dma_wait3A_94 = tpu.memref_slice %arg3[%mul3A_51] : memref<1000000xi32, #tpu.memory_space<hbm>> -> memref<1600xi32, #tpu.memory_space<hbm>>
      tpu.wait_dma2 semaphore(%run_scoped3A : memref<!tpu.dma_semaphore, #tpu.memory_space<semaphore_mem>>) src(%dma_wait3A_94 : memref<1600xi32, #tpu.memory_space<hbm>>) dst(%arg5 : memref<1600xi32, #tpu.memory_space<vmem>>)
      tpu.yield
    }) : () -> ()
    %dma_start3A = arith.constant 0 : i32
    %dma_start3A_52 = arith.constant 0 : i32
    %dma_start3A_53 = tpu.memref_slice %arg2[%dma_start3A, %dma_start3A_52] : memref<100000x32xf32, #tpu.memory_space<hbm>> -> memref<100000x32xf32, #tpu.memory_space<hbm>>
    tpu.enqueue_indirect_dma source(%dma_start3A_53 : memref<100000x32xf32, #tpu.memory_space<hbm>>) target(%arg7 : memref<1600x32xf32, #tpu.memory_space<vmem>>) offsets(%arg5 : memref<1600xi32, #tpu.memory_space<vmem>>) semaphore(%arg11 : memref<!tpu.dma_semaphore, #tpu.memory_space<semaphore_mem>>)
    %while3A = arith.constant 0 : i32
    %while3A_54 = arith.constant 0 : i32
    %while3A_55 = arith.subi %select_n3A_44, %while3A_54 : i32
    %while3A_56 = arith.addi %while3A_54, %while3A_55 : i32
    %while3A_57 = arith.constant 1 : i32
    %while3A_58 = arith.divsi %while3A_55, %while3A_57 : i32
    %while3A_59 = arith.muli %while3A_58, %while3A_57 : i32
    %while3A_60 = arith.addi %while3A_54, %while3A_59 : i32
    %while3A_61 = arith.constant 1 : i32
    scf.for %while3A_91 = %while3A_54 to %while3A_60 step %while3A_61  : i32 {
      %mul3A_92 = arith.constant 2 : i32
      %mul3A_93 = arith.muli %mul3A_92, %while3A_91 : i32
      %add3A_94 = arith.constant 1 : i32
      %add3A_95 = arith.addi %mul3A_93, %add3A_94 : i32
      %mul3A_96 = arith.constant 32 : i32
      %mul3A_97 = arith.muli %mul3A_96, %add3A_95 : i32
      %add3A_98 = arith.addi %add3A, %mul3A_97 : i32
      %mul3A_99 = arith.constant 160 : i32
      %mul3A_100 = arith.muli %add3A_98, %mul3A_99 : i32
      %min3A_101 = arith.constant 99840 : i32
      %min3A_102 = arith.minsi %mul3A_100, %min3A_101 : i32
      %mul3A_103 = arith.constant 10 : i32
      %mul3A_104 = arith.muli %min3A_102, %mul3A_103 : i32
      "tpu.region"() ({
        %run_scoped3A = tpu.sem_alloc : memref<!tpu.dma_semaphore, #tpu.memory_space<semaphore_mem>>
        %dma_start3A_222 = tpu.memref_slice %arg3[%mul3A_104] : memref<1000000xi32, #tpu.memory_space<hbm>> -> memref<1600xi32, #tpu.memory_space<hbm>>
        %dma_start3A_223 = tpu.memref_slice %arg3[%mul3A_104] : memref<1000000xi32, #tpu.memory_space<hbm>> -> memref<1600xi32, #tpu.memory_space<hbm>>
        tpu.enqueue_dma source(%dma_start3A_223 : memref<1600xi32, #tpu.memory_space<hbm>>) target(%arg6 : memref<1600xi32, #tpu.memory_space<vmem>>) target_semaphore(%run_scoped3A : memref<!tpu.dma_semaphore, #tpu.memory_space<semaphore_mem>>)
        %dma_wait3A_224 = tpu.memref_slice %arg3[%mul3A_104] : memref<1000000xi32, #tpu.memory_space<hbm>> -> memref<1600xi32, #tpu.memory_space<hbm>>
        %dma_wait3A_225 = tpu.memref_slice %arg3[%mul3A_104] : memref<1000000xi32, #tpu.memory_space<hbm>> -> memref<1600xi32, #tpu.memory_space<hbm>>
        tpu.wait_dma2 semaphore(%run_scoped3A : memref<!tpu.dma_semaphore, #tpu.memory_space<semaphore_mem>>) src(%dma_wait3A_225 : memref<1600xi32, #tpu.memory_space<hbm>>) dst(%arg6 : memref<1600xi32, #tpu.memory_space<vmem>>)
        tpu.yield
      }) : () -> ()
      %dma_start3A_105 = arith.constant 0 : i32
      %dma_start3A_106 = arith.constant 0 : i32
      %dma_start3A_107 = tpu.memref_slice %arg2[%dma_start3A_105, %dma_start3A_106] : memref<100000x32xf32, #tpu.memory_space<hbm>> -> memref<100000x32xf32, #tpu.memory_space<hbm>>
      tpu.enqueue_indirect_dma source(%dma_start3A_107 : memref<100000x32xf32, #tpu.memory_space<hbm>>) target(%arg8 : memref<1600x32xf32, #tpu.memory_space<vmem>>) offsets(%arg6 : memref<1600xi32, #tpu.memory_space<vmem>>) semaphore(%arg12 : memref<!tpu.dma_semaphore, #tpu.memory_space<semaphore_mem>>)
      %mul3A_108 = arith.constant 2 : i32
      %mul3A_109 = arith.muli %mul3A_108, %while3A_91 : i32
      %gt3A = arith.constant 0 : i32
      %gt3A_110 = arith.cmpi sgt, %while3A_91, %gt3A : i32
      %dma_wait3A_111 = arith.constant 0 : i32
      %dma_wait3A_112 = arith.constant 0 : i32
      %dma_wait3A_113 = tpu.memref_slice %arg2[%dma_wait3A_111, %dma_wait3A_112] : memref<100000x32xf32, #tpu.memory_space<hbm>> -> memref<100000x32xf32, #tpu.memory_space<hbm>>
      tpu.wait_indirect_dma semaphore(%arg11 : memref<!tpu.dma_semaphore, #tpu.memory_space<semaphore_mem>>) src(%dma_wait3A_113 : memref<100000x32xf32, #tpu.memory_space<hbm>>) dst(%arg7 : memref<1600x32xf32, #tpu.memory_space<vmem>>)
      %mul3A_114 = arith.constant 32 : i32
      %mul3A_115 = arith.muli %mul3A_114, %mul3A_109 : i32
      %add3A_116 = arith.addi %add3A, %mul3A_115 : i32
      %mul3A_117 = arith.constant 160 : i32
      %mul3A_118 = arith.muli %add3A_116, %mul3A_117 : i32
      %min3A_119 = arith.constant 99840 : i32
      %min3A_120 = arith.minsi %mul3A_118, %min3A_119 : i32
      %mul3A_121 = arith.constant 32 : i32
      %mul3A_122 = arith.muli %min3A_120, %mul3A_121 : i32
      %jit3A_123 = arith.constant 128 : i32
      %div3A_124 = arith.divsi %mul3A_122, %jit3A_123 : i32
      %sign3A_125 = arith.constant 0 : i32
      %sign3A_126 = arith.cmpi sgt, %mul3A_122, %sign3A_125 : i32
      %sign3A_127 = arith.extui %sign3A_126 : i1 to i32
      %sign3A_128 = arith.constant 0 : i32
      %sign3A_129 = arith.cmpi slt, %mul3A_122, %sign3A_128 : i32
      %sign3A_130 = arith.extui %sign3A_129 : i1 to i32
      %sign3A_131 = arith.subi %sign3A_127, %sign3A_130 : i32
      %sign3A_132 = arith.constant 0 : i32
      %sign3A_133 = arith.cmpi sgt, %jit3A_123, %sign3A_132 : i32
      %sign3A_134 = arith.extui %sign3A_133 : i1 to i32
      %sign3A_135 = arith.constant 0 : i32
      %sign3A_136 = arith.cmpi slt, %jit3A_123, %sign3A_135 : i32
      %sign3A_137 = arith.extui %sign3A_136 : i1 to i32
      %sign3A_138 = arith.subi %sign3A_134, %sign3A_137 : i32
      %ne3A_139 = arith.cmpi ne, %sign3A_131, %sign3A_138 : i32
      %rem3A_140 = arith.remsi %mul3A_122, %jit3A_123 : i32
      %ne3A_141 = arith.constant 0 : i32
      %ne3A_142 = arith.cmpi ne, %rem3A_140, %ne3A_141 : i32
      %and3A_143 = arith.andi %ne3A_139, %ne3A_142 : i1
      %sub3A_144 = arith.constant 1 : i32
      %sub3A_145 = arith.subi %div3A_124, %sub3A_144 : i32
      %select_n3A_146 = arith.select %and3A_143, %sub3A_145, %div3A_124 : i32
      %convert_element_type3A_147 = arith.extui %gt3A_110 : i1 to i32
      %cond3A_148 = arith.constant 0 : i32
      %cond3A_149 = arith.cmpi ne, %convert_element_type3A_147, %cond3A_148 : i32
      scf.if %cond3A_149 {
        %dma_wait3A_222 = arith.constant 0 : i32
        %dma_wait3A_223 = tpu.memref_slice %arg4[%select_n3A_146, %dma_wait3A_222] : memref<25000x128xf32, #tpu.memory_space<hbm>> -> memref<40x128xf32, #tpu.memory_space<hbm>>
        %dma_wait3A_224 = arith.constant 0 : i32
        %dma_wait3A_225 = tpu.memref_slice %arg4[%select_n3A_146, %dma_wait3A_224] : memref<25000x128xf32, #tpu.memory_space<hbm>> -> memref<40x128xf32, #tpu.memory_space<hbm>>
        tpu.wait_dma2 semaphore(%arg13 : memref<!tpu.dma_semaphore, #tpu.memory_space<semaphore_mem>>) src(%arg9 : memref<40x128xf32, #tpu.memory_space<vmem>>) dst(%dma_wait3A_225 : memref<40x128xf32, #tpu.memory_space<hbm>>)
      } else {
      }
      %scan3A = arith.constant 0 : i32
      %scan3A_150 = arith.constant 0 : i32
      %scan3A_151 = arith.constant 160 : i32
      %scan3A_152 = arith.addi %scan3A_150, %scan3A_151 : i32
      %scan3A_153 = arith.constant 1 : i32
      scf.for %scan3A_222 = %scan3A_150 to %scan3A_152 step %scan3A_153  : i32 {
        %mul3A_223 = arith.constant 10 : i32
        %mul3A_224 = arith.muli %scan3A_222, %mul3A_223 : i32
        %get3A = arith.index_cast %mul3A_224 : i32 to index
        %get3A_225 = arith.constant 0 : index
        %get3A_226 = tpu.vector_load %arg7[%get3A, %get3A_225] {strides = array<i32>} : memref<1600x32xf32, #tpu.memory_space<vmem>>, vector<1x16xf32>,
        %get3A_227 = vector.shape_cast %get3A_226 : vector<1x16xf32> to vector<16xf32>
        %get3A_228 = arith.index_cast %mul3A_224 : i32 to index
        %get3A_229 = arith.constant 16 : index
        %get3A_230 = tpu.vector_load %arg7[%get3A_228, %get3A_229] {strides = array<i32>} : memref<1600x32xf32, #tpu.memory_space<vmem>>, vector<1x16xf32>,
        %get3A_231 = vector.shape_cast %get3A_230 : vector<1x16xf32> to vector<16xf32>
        %add3A_232 = arith.constant 1 : i32
        %add3A_233 = arith.addi %mul3A_224, %add3A_232 : i32
        %get3A_234 = arith.index_cast %add3A_233 : i32 to index
        %get3A_235 = arith.constant 0 : index
        %get3A_236 = tpu.vector_load %arg7[%get3A_234, %get3A_235] {strides = array<i32>} : memref<1600x32xf32, #tpu.memory_space<vmem>>, vector<1x16xf32>,
        %get3A_237 = vector.shape_cast %get3A_236 : vector<1x16xf32> to vector<16xf32>
        %add3A_238 = arith.addf %get3A_227, %get3A_237 : vector<16xf32>
        %add3A_239 = arith.constant 1 : i32
        %add3A_240 = arith.addi %mul3A_224, %add3A_239 : i32
        %get3A_241 = arith.index_cast %add3A_240 : i32 to index
        %get3A_242 = arith.constant 16 : index
        %get3A_243 = tpu.vector_load %arg7[%get3A_241, %get3A_242] {strides = array<i32>} : memref<1600x32xf32, #tpu.memory_space<vmem>>, vector<1x16xf32>,
        %get3A_244 = vector.shape_cast %get3A_243 : vector<1x16xf32> to vector<16xf32>
        %add3A_245 = arith.addf %get3A_231, %get3A_244 : vector<16xf32>
        %add3A_246 = arith.constant 2 : i32
        %add3A_247 = arith.addi %mul3A_224, %add3A_246 : i32
        %get3A_248 = arith.index_cast %add3A_247 : i32 to index
        %get3A_249 = arith.constant 0 : index
        %get3A_250 = tpu.vector_load %arg7[%get3A_248, %get3A_249] {strides = array<i32>} : memref<1600x32xf32, #tpu.memory_space<vmem>>, vector<1x16xf32>,
        %get3A_251 = vector.shape_cast %get3A_250 : vector<1x16xf32> to vector<16xf32>
        %add3A_252 = arith.addf %add3A_238, %get3A_251 : vector<16xf32>
        %add3A_253 = arith.constant 2 : i32
        %add3A_254 = arith.addi %mul3A_224, %add3A_253 : i32
        %get3A_255 = arith.index_cast %add3A_254 : i32 to index
        %get3A_256 = arith.constant 16 : index
        %get3A_257 = tpu.vector_load %arg7[%get3A_255, %get3A_256] {strides = array<i32>} : memref<1600x32xf32, #tpu.memory_space<vmem>>, vector<1x16xf32>,
        %get3A_258 = vector.shape_cast %get3A_257 : vector<1x16xf32> to vector<16xf32>
        %add3A_259 = arith.addf %add3A_245, %get3A_258 : vector<16xf32>
        %add3A_260 = arith.constant 3 : i32
        %add3A_261 = arith.addi %mul3A_224, %add3A_260 : i32
        %get3A_262 = arith.index_cast %add3A_261 : i32 to index
        %get3A_263 = arith.constant 0 : index
        %get3A_264 = tpu.vector_load %arg7[%get3A_262, %get3A_263] {strides = array<i32>} : memref<1600x32xf32, #tpu.memory_space<vmem>>, vector<1x16xf32>,
        %get3A_265 = vector.shape_cast %get3A_264 : vector<1x16xf32> to vector<16xf32>
        %add3A_266 = arith.addf %add3A_252, %get3A_265 : vector<16xf32>
        %add3A_267 = arith.constant 3 : i32
        %add3A_268 = arith.addi %mul3A_224, %add3A_267 : i32
        %get3A_269 = arith.index_cast %add3A_268 : i32 to index
        %get3A_270 = arith.constant 16 : index
        %get3A_271 = tpu.vector_load %arg7[%get3A_269, %get3A_270] {strides = array<i32>} : memref<1600x32xf32, #tpu.memory_space<vmem>>, vector<1x16xf32>,
        %get3A_272 = vector.shape_cast %get3A_271 : vector<1x16xf32> to vector<16xf32>
        %add3A_273 = arith.addf %add3A_259, %get3A_272 : vector<16xf32>
        %add3A_274 = arith.constant 4 : i32
        %add3A_275 = arith.addi %mul3A_224, %add3A_274 : i32
        %get3A_276 = arith.index_cast %add3A_275 : i32 to index
        %get3A_277 = arith.constant 0 : index
        %get3A_278 = tpu.vector_load %arg7[%get3A_276, %get3A_277] {strides = array<i32>} : memref<1600x32xf32, #tpu.memory_space<vmem>>, vector<1x16xf32>,
        %get3A_279 = vector.shape_cast %get3A_278 : vector<1x16xf32> to vector<16xf32>
        %add3A_280 = arith.addf %add3A_266, %get3A_279 : vector<16xf32>
        %add3A_281 = arith.constant 4 : i32
        %add3A_282 = arith.addi %mul3A_224, %add3A_281 : i32
        %get3A_283 = arith.index_cast %add3A_282 : i32 to index
        %get3A_284 = arith.constant 16 : index
        %get3A_285 = tpu.vector_load %arg7[%get3A_283, %get3A_284] {strides = array<i32>} : memref<1600x32xf32, #tpu.memory_space<vmem>>, vector<1x16xf32>,
        %get3A_286 = vector.shape_cast %get3A_285 : vector<1x16xf32> to vector<16xf32>
        %add3A_287 = arith.addf %add3A_273, %get3A_286 : vector<16xf32>
        %add3A_288 = arith.constant 5 : i32
        %add3A_289 = arith.addi %mul3A_224, %add3A_288 : i32
        %get3A_290 = arith.index_cast %add3A_289 : i32 to index
        %get3A_291 = arith.constant 0 : index
        %get3A_292 = tpu.vector_load %arg7[%get3A_290, %get3A_291] {strides = array<i32>} : memref<1600x32xf32, #tpu.memory_space<vmem>>, vector<1x16xf32>,
        %get3A_293 = vector.shape_cast %get3A_292 : vector<1x16xf32> to vector<16xf32>
        %add3A_294 = arith.addf %add3A_280, %get3A_293 : vector<16xf32>
        %add3A_295 = arith.constant 5 : i32
        %add3A_296 = arith.addi %mul3A_224, %add3A_295 : i32
        %get3A_297 = arith.index_cast %add3A_296 : i32 to index
        %get3A_298 = arith.constant 16 : index
        %get3A_299 = tpu.vector_load %arg7[%get3A_297, %get3A_298] {strides = array<i32>} : memref<1600x32xf32, #tpu.memory_space<vmem>>, vector<1x16xf32>,
        %get3A_300 = vector.shape_cast %get3A_299 : vector<1x16xf32> to vector<16xf32>
        %add3A_301 = arith.addf %add3A_287, %get3A_300 : vector<16xf32>
        %add3A_302 = arith.constant 6 : i32
        %add3A_303 = arith.addi %mul3A_224, %add3A_302 : i32
        %get3A_304 = arith.index_cast %add3A_303 : i32 to index
        %get3A_305 = arith.constant 0 : index
        %get3A_306 = tpu.vector_load %arg7[%get3A_304, %get3A_305] {strides = array<i32>} : memref<1600x32xf32, #tpu.memory_space<vmem>>, vector<1x16xf32>,
        %get3A_307 = vector.shape_cast %get3A_306 : vector<1x16xf32> to vector<16xf32>
        %add3A_308 = arith.addf %add3A_294, %get3A_307 : vector<16xf32>
        %add3A_309 = arith.constant 6 : i32
        %add3A_310 = arith.addi %mul3A_224, %add3A_309 : i32
        %get3A_311 = arith.index_cast %add3A_310 : i32 to index
        %get3A_312 = arith.constant 16 : index
        %get3A_313 = tpu.vector_load %arg7[%get3A_311, %get3A_312] {strides = array<i32>} : memref<1600x32xf32, #tpu.memory_space<vmem>>, vector<1x16xf32>,
        %get3A_314 = vector.shape_cast %get3A_313 : vector<1x16xf32> to vector<16xf32>
        %add3A_315 = arith.addf %add3A_301, %get3A_314 : vector<16xf32>
        %add3A_316 = arith.constant 7 : i32
        %add3A_317 = arith.addi %mul3A_224, %add3A_316 : i32
        %get3A_318 = arith.index_cast %add3A_317 : i32 to index
        %get3A_319 = arith.constant 0 : index
        %get3A_320 = tpu.vector_load %arg7[%get3A_318, %get3A_319] {strides = array<i32>} : memref<1600x32xf32, #tpu.memory_space<vmem>>, vector<1x16xf32>,
        %get3A_321 = vector.shape_cast %get3A_320 : vector<1x16xf32> to vector<16xf32>
        %add3A_322 = arith.addf %add3A_308, %get3A_321 : vector<16xf32>
        %add3A_323 = arith.constant 7 : i32
        %add3A_324 = arith.addi %mul3A_224, %add3A_323 : i32
        %get3A_325 = arith.index_cast %add3A_324 : i32 to index
        %get3A_326 = arith.constant 16 : index
        %get3A_327 = tpu.vector_load %arg7[%get3A_325, %get3A_326] {strides = array<i32>} : memref<1600x32xf32, #tpu.memory_space<vmem>>, vector<1x16xf32>,
        %get3A_328 = vector.shape_cast %get3A_327 : vector<1x16xf32> to vector<16xf32>
        %add3A_329 = arith.addf %add3A_315, %get3A_328 : vector<16xf32>
        %add3A_330 = arith.constant 8 : i32
        %add3A_331 = arith.addi %mul3A_224, %add3A_330 : i32
        %get3A_332 = arith.index_cast %add3A_331 : i32 to index
        %get3A_333 = arith.constant 0 : index
        %get3A_334 = tpu.vector_load %arg7[%get3A_332, %get3A_333] {strides = array<i32>} : memref<1600x32xf32, #tpu.memory_space<vmem>>, vector<1x16xf32>,
        %get3A_335 = vector.shape_cast %get3A_334 : vector<1x16xf32> to vector<16xf32>
        %add3A_336 = arith.addf %add3A_322, %get3A_335 : vector<16xf32>
        %add3A_337 = arith.constant 8 : i32
        %add3A_338 = arith.addi %mul3A_224, %add3A_337 : i32
        %get3A_339 = arith.index_cast %add3A_338 : i32 to index
        %get3A_340 = arith.constant 16 : index
        %get3A_341 = tpu.vector_load %arg7[%get3A_339, %get3A_340] {strides = array<i32>} : memref<1600x32xf32, #tpu.memory_space<vmem>>, vector<1x16xf32>,
        %get3A_342 = vector.shape_cast %get3A_341 : vector<1x16xf32> to vector<16xf32>
        %add3A_343 = arith.addf %add3A_329, %get3A_342 : vector<16xf32>
        %add3A_344 = arith.constant 9 : i32
        %add3A_345 = arith.addi %mul3A_224, %add3A_344 : i32
        %get3A_346 = arith.index_cast %add3A_345 : i32 to index
        %get3A_347 = arith.constant 0 : index
        %get3A_348 = tpu.vector_load %arg7[%get3A_346, %get3A_347] {strides = array<i32>} : memref<1600x32xf32, #tpu.memory_space<vmem>>, vector<1x16xf32>,
        %get3A_349 = vector.shape_cast %get3A_348 : vector<1x16xf32> to vector<16xf32>
        %add3A_350 = arith.addf %add3A_336, %get3A_349 : vector<16xf32>
        %add3A_351 = arith.constant 9 : i32
        %add3A_352 = arith.addi %mul3A_224, %add3A_351 : i32
        %get3A_353 = arith.index_cast %add3A_352 : i32 to index
        %get3A_354 = arith.constant 16 : index
        %get3A_355 = tpu.vector_load %arg7[%get3A_353, %get3A_354] {strides = array<i32>} : memref<1600x32xf32, #tpu.memory_space<vmem>>, vector<1x16xf32>,
        %get3A_356 = vector.shape_cast %get3A_355 : vector<1x16xf32> to vector<16xf32>
        %add3A_357 = arith.addf %add3A_343, %get3A_356 : vector<16xf32>
        %jit3A_358 = arith.constant 4 : i32
        %div3A_359 = arith.divsi %scan3A_222, %jit3A_358 : i32
        %sign3A_360 = arith.constant 0 : i32
        %sign3A_361 = arith.cmpi sgt, %scan3A_222, %sign3A_360 : i32
        %sign3A_362 = arith.extui %sign3A_361 : i1 to i32
        %sign3A_363 = arith.constant 0 : i32
        %sign3A_364 = arith.cmpi slt, %scan3A_222, %sign3A_363 : i32
        %sign3A_365 = arith.extui %sign3A_364 : i1 to i32
        %sign3A_366 = arith.subi %sign3A_362, %sign3A_365 : i32
        %sign3A_367 = arith.constant 0 : i32
        %sign3A_368 = arith.cmpi sgt, %jit3A_358, %sign3A_367 : i32
        %sign3A_369 = arith.extui %sign3A_368 : i1 to i32
        %sign3A_370 = arith.constant 0 : i32
        %sign3A_371 = arith.cmpi slt, %jit3A_358, %sign3A_370 : i32
        %sign3A_372 = arith.extui %sign3A_371 : i1 to i32
        %sign3A_373 = arith.subi %sign3A_369, %sign3A_372 : i32
        %ne3A_374 = arith.cmpi ne, %sign3A_366, %sign3A_373 : i32
        %rem3A_375 = arith.remsi %scan3A_222, %jit3A_358 : i32
        %ne3A_376 = arith.constant 0 : i32
        %ne3A_377 = arith.cmpi ne, %rem3A_375, %ne3A_376 : i32
        %and3A_378 = arith.andi %ne3A_374, %ne3A_377 : i1
        %sub3A_379 = arith.constant 1 : i32
        %sub3A_380 = arith.subi %div3A_359, %sub3A_379 : i32
        %select_n3A_381 = arith.select %and3A_378, %sub3A_380, %div3A_359 : i32
        %jit3A_382 = arith.constant 4 : i32
        %eq3A_383 = arith.constant 0 : i32
        %eq3A_384 = arith.cmpi eq, %jit3A_382, %eq3A_383 : i32
        %jit3A_385 = arith.constant 1 : i32
        %select_n3A_386 = arith.select %eq3A_384, %jit3A_385, %jit3A_382 : i32
        %rem3A_387 = arith.remsi %scan3A_222, %select_n3A_386 : i32
        %ne3A_388 = arith.constant 0 : i32
        %ne3A_389 = arith.cmpi ne, %rem3A_387, %ne3A_388 : i32
        %lt3A_390 = arith.constant 0 : i32
        %lt3A_391 = arith.cmpi slt, %rem3A_387, %lt3A_390 : i32
        %lt3A_392 = arith.constant 0 : i32
        %lt3A_393 = arith.cmpi slt, %select_n3A_386, %lt3A_392 : i32
        %ne3A_394 = arith.xori %lt3A_391, %lt3A_393 : i1
        %and3A_395 = arith.andi %ne3A_394, %ne3A_389 : i1
        %add3A_396 = arith.addi %rem3A_387, %select_n3A_386 : i32
        %select_n3A_397 = arith.select %and3A_395, %add3A_396, %rem3A_387 : i32
        %mul3A_398 = arith.constant 32 : i32
        %mul3A_399 = arith.muli %select_n3A_397, %mul3A_398 : i32
        %swap3A = arith.index_cast %select_n3A_381 : i32 to index
        %swap3A_400 = arith.index_cast %mul3A_399 : i32 to index
        %swap3A_401 = tpu.vector_load %arg9[%swap3A, %swap3A_400] {strides = array<i32>} : memref<40x128xf32, #tpu.memory_space<vmem>>, vector<1x16xf32>,
        %swap3A_402 = vector.shape_cast %swap3A_401 : vector<1x16xf32> to vector<16xf32>
        %swap3A_403 = vector.shape_cast %add3A_350 : vector<16xf32> to vector<1x16xf32>
        tpu.vector_store %arg9[%swap3A, %swap3A_400], %swap3A_403 {strides = array<i32>} : memref<40x128xf32, #tpu.memory_space<vmem>>, vector<1x16xf32>,
        %add3A_404 = arith.constant 16 : i32
        %add3A_405 = arith.addi %mul3A_399, %add3A_404 : i32
        %swap3A_406 = arith.index_cast %select_n3A_381 : i32 to index
        %swap3A_407 = arith.index_cast %add3A_405 : i32 to index
        %swap3A_408 = tpu.vector_load %arg9[%swap3A_406, %swap3A_407] {strides = array<i32>} : memref<40x128xf32, #tpu.memory_space<vmem>>, vector<1x16xf32>,
        %swap3A_409 = vector.shape_cast %swap3A_408 : vector<1x16xf32> to vector<16xf32>
        %swap3A_410 = vector.shape_cast %add3A_357 : vector<16xf32> to vector<1x16xf32>
        tpu.vector_store %arg9[%swap3A_406, %swap3A_407], %swap3A_410 {strides = array<i32>} : memref<40x128xf32, #tpu.memory_space<vmem>>, vector<1x16xf32>,
      }
      %scan3A_154 = arith.constant 160 : i32
      %dma_start3A_155 = arith.constant 0 : i32
      %dma_start3A_156 = tpu.memref_slice %arg4[%select_n3A_146, %dma_start3A_155] : memref<25000x128xf32, #tpu.memory_space<hbm>> -> memref<40x128xf32, #tpu.memory_space<hbm>>
      %dma_start3A_157 = arith.constant 0 : i32
      %dma_start3A_158 = tpu.memref_slice %arg4[%select_n3A_146, %dma_start3A_157] : memref<25000x128xf32, #tpu.memory_space<hbm>> -> memref<40x128xf32, #tpu.memory_space<hbm>>
      tpu.enqueue_dma source(%arg9 : memref<40x128xf32, #tpu.memory_space<vmem>>) target(%dma_start3A_158 : memref<40x128xf32, #tpu.memory_space<hbm>>) target_semaphore(%arg13 : memref<!tpu.dma_semaphore, #tpu.memory_space<semaphore_mem>>)
      %mul3A_159 = arith.constant 2 : i32
      %mul3A_160 = arith.muli %mul3A_159, %while3A_91 : i32
      %add3A_161 = arith.constant 2 : i32
      %add3A_162 = arith.addi %mul3A_160, %add3A_161 : i32
      %lt3A_163 = arith.cmpi slt, %add3A_162, %add3A_20 : i32
      %convert_element_type3A_164 = arith.extui %lt3A_163 : i1 to i32
      %cond3A_165 = arith.constant 0 : i32
      %cond3A_166 = arith.cmpi ne, %convert_element_type3A_164, %cond3A_165 : i32
      scf.if %cond3A_166 {
        %mul3A_222 = arith.constant 2 : i32
        %mul3A_223 = arith.muli %mul3A_222, %while3A_91 : i32
        %add3A_224 = arith.constant 2 : i32
        %add3A_225 = arith.addi %mul3A_223, %add3A_224 : i32
        %mul3A_226 = arith.constant 32 : i32
        %mul3A_227 = arith.muli %mul3A_226, %add3A_225 : i32
        %add3A_228 = arith.addi %add3A, %mul3A_227 : i32
        %mul3A_229 = arith.constant 160 : i32
        %mul3A_230 = arith.muli %add3A_228, %mul3A_229 : i32
        %min3A_231 = arith.constant 99840 : i32
        %min3A_232 = arith.minsi %mul3A_230, %min3A_231 : i32
        %mul3A_233 = arith.constant 10 : i32
        %mul3A_234 = arith.muli %min3A_232, %mul3A_233 : i32
        "tpu.region"() ({
          %run_scoped3A = tpu.sem_alloc : memref<!tpu.dma_semaphore, #tpu.memory_space<semaphore_mem>>
          %dma_start3A_238 = tpu.memref_slice %arg3[%mul3A_234] : memref<1000000xi32, #tpu.memory_space<hbm>> -> memref<1600xi32, #tpu.memory_space<hbm>>
          %dma_start3A_239 = tpu.memref_slice %arg3[%mul3A_234] : memref<1000000xi32, #tpu.memory_space<hbm>> -> memref<1600xi32, #tpu.memory_space<hbm>>
          tpu.enqueue_dma source(%dma_start3A_239 : memref<1600xi32, #tpu.memory_space<hbm>>) target(%arg5 : memref<1600xi32, #tpu.memory_space<vmem>>) target_semaphore(%run_scoped3A : memref<!tpu.dma_semaphore, #tpu.memory_space<semaphore_mem>>)
          %dma_wait3A_240 = tpu.memref_slice %arg3[%mul3A_234] : memref<1000000xi32, #tpu.memory_space<hbm>> -> memref<1600xi32, #tpu.memory_space<hbm>>
          %dma_wait3A_241 = tpu.memref_slice %arg3[%mul3A_234] : memref<1000000xi32, #tpu.memory_space<hbm>> -> memref<1600xi32, #tpu.memory_space<hbm>>
          tpu.wait_dma2 semaphore(%run_scoped3A : memref<!tpu.dma_semaphore, #tpu.memory_space<semaphore_mem>>) src(%dma_wait3A_241 : memref<1600xi32, #tpu.memory_space<hbm>>) dst(%arg5 : memref<1600xi32, #tpu.memory_space<vmem>>)
          tpu.yield
        }) : () -> ()
        %dma_start3A_235 = arith.constant 0 : i32
        %dma_start3A_236 = arith.constant 0 : i32
        %dma_start3A_237 = tpu.memref_slice %arg2[%dma_start3A_235, %dma_start3A_236] : memref<100000x32xf32, #tpu.memory_space<hbm>> -> memref<100000x32xf32, #tpu.memory_space<hbm>>
        tpu.enqueue_indirect_dma source(%dma_start3A_237 : memref<100000x32xf32, #tpu.memory_space<hbm>>) target(%arg7 : memref<1600x32xf32, #tpu.memory_space<vmem>>) offsets(%arg5 : memref<1600xi32, #tpu.memory_space<vmem>>) semaphore(%arg11 : memref<!tpu.dma_semaphore, #tpu.memory_space<semaphore_mem>>)
      } else {
      }
      %mul3A_167 = arith.constant 2 : i32
      %mul3A_168 = arith.muli %mul3A_167, %while3A_91 : i32
      %add3A_169 = arith.constant 1 : i32
      %add3A_170 = arith.addi %mul3A_168, %add3A_169 : i32
      %gt3A_171 = arith.constant 0 : i32
      %gt3A_172 = arith.cmpi sgt, %while3A_91, %gt3A_171 : i32
      %dma_wait3A_173 = arith.constant 0 : i32
      %dma_wait3A_174 = arith.constant 0 : i32
      %dma_wait3A_175 = tpu.memref_slice %arg2[%dma_wait3A_173, %dma_wait3A_174] : memref<100000x32xf32, #tpu.memory_space<hbm>> -> memref<100000x32xf32, #tpu.memory_space<hbm>>
      tpu.wait_indirect_dma semaphore(%arg12 : memref<!tpu.dma_semaphore, #tpu.memory_space<semaphore_mem>>) src(%dma_wait3A_175 : memref<100000x32xf32, #tpu.memory_space<hbm>>) dst(%arg8 : memref<1600x32xf32, #tpu.memory_space<vmem>>)
      %mul3A_176 = arith.constant 32 : i32
      %mul3A_177 = arith.muli %mul3A_176, %add3A_170 : i32
      %add3A_178 = arith.addi %add3A, %mul3A_177 : i32
      %mul3A_179 = arith.constant 160 : i32
      %mul3A_180 = arith.muli %add3A_178, %mul3A_179 : i32
      %min3A_181 = arith.constant 99840 : i32
      %min3A_182 = arith.minsi %mul3A_180, %min3A_181 : i32
      %mul3A_183 = arith.constant 32 : i32
      %mul3A_184 = arith.muli %min3A_182, %mul3A_183 : i32
      %jit3A_185 = arith.constant 128 : i32
      %div3A_186 = arith.divsi %mul3A_184, %jit3A_185 : i32
      %sign3A_187 = arith.constant 0 : i32
      %sign3A_188 = arith.cmpi sgt, %mul3A_184, %sign3A_187 : i32
      %sign3A_189 = arith.extui %sign3A_188 : i1 to i32
      %sign3A_190 = arith.constant 0 : i32
      %sign3A_191 = arith.cmpi slt, %mul3A_184, %sign3A_190 : i32
      %sign3A_192 = arith.extui %sign3A_191 : i1 to i32
      %sign3A_193 = arith.subi %sign3A_189, %sign3A_192 : i32
      %sign3A_194 = arith.constant 0 : i32
      %sign3A_195 = arith.cmpi sgt, %jit3A_185, %sign3A_194 : i32
      %sign3A_196 = arith.extui %sign3A_195 : i1 to i32
      %sign3A_197 = arith.constant 0 : i32
      %sign3A_198 = arith.cmpi slt, %jit3A_185, %sign3A_197 : i32
      %sign3A_199 = arith.extui %sign3A_198 : i1 to i32
      %sign3A_200 = arith.subi %sign3A_196, %sign3A_199 : i32
      %ne3A_201 = arith.cmpi ne, %sign3A_193, %sign3A_200 : i32
      %rem3A_202 = arith.remsi %mul3A_184, %jit3A_185 : i32
      %ne3A_203 = arith.constant 0 : i32
      %ne3A_204 = arith.cmpi ne, %rem3A_202, %ne3A_203 : i32
      %and3A_205 = arith.andi %ne3A_201, %ne3A_204 : i1
      %sub3A_206 = arith.constant 1 : i32
      %sub3A_207 = arith.subi %div3A_186, %sub3A_206 : i32
      %select_n3A_208 = arith.select %and3A_205, %sub3A_207, %div3A_186 : i32
      %convert_element_type3A_209 = arith.extui %gt3A_172 : i1 to i32
      %cond3A_210 = arith.constant 0 : i32
      %cond3A_211 = arith.cmpi ne, %convert_element_type3A_209, %cond3A_210 : i32
      scf.if %cond3A_211 {
        %dma_wait3A_222 = arith.constant 0 : i32
        %dma_wait3A_223 = tpu.memref_slice %arg4[%select_n3A_208, %dma_wait3A_222] : memref<25000x128xf32, #tpu.memory_space<hbm>> -> memref<40x128xf32, #tpu.memory_space<hbm>>
        %dma_wait3A_224 = arith.constant 0 : i32
        %dma_wait3A_225 = tpu.memref_slice %arg4[%select_n3A_208, %dma_wait3A_224] : memref<25000x128xf32, #tpu.memory_space<hbm>> -> memref<40x128xf32, #tpu.memory_space<hbm>>
        tpu.wait_dma2 semaphore(%arg14 : memref<!tpu.dma_semaphore, #tpu.memory_space<semaphore_mem>>) src(%arg10 : memref<40x128xf32, #tpu.memory_space<vmem>>) dst(%dma_wait3A_225 : memref<40x128xf32, #tpu.memory_space<hbm>>)
      } else {
      }
      %scan3A_212 = arith.constant 0 : i32
      %scan3A_213 = arith.constant 0 : i32
      %scan3A_214 = arith.constant 160 : i32
      %scan3A_215 = arith.addi %scan3A_213, %scan3A_214 : i32
      %scan3A_216 = arith.constant 1 : i32
      scf.for %scan3A_222 = %scan3A_213 to %scan3A_215 step %scan3A_216  : i32 {
        %mul3A_223 = arith.constant 10 : i32
        %mul3A_224 = arith.muli %scan3A_222, %mul3A_223 : i32
        %get3A = arith.index_cast %mul3A_224 : i32 to index
        %get3A_225 = arith.constant 0 : index
        %get3A_226 = tpu.vector_load %arg8[%get3A, %get3A_225] {strides = array<i32>} : memref<1600x32xf32, #tpu.memory_space<vmem>>, vector<1x16xf32>,
        %get3A_227 = vector.shape_cast %get3A_226 : vector<1x16xf32> to vector<16xf32>
        %get3A_228 = arith.index_cast %mul3A_224 : i32 to index
        %get3A_229 = arith.constant 16 : index
        %get3A_230 = tpu.vector_load %arg8[%get3A_228, %get3A_229] {strides = array<i32>} : memref<1600x32xf32, #tpu.memory_space<vmem>>, vector<1x16xf32>,
        %get3A_231 = vector.shape_cast %get3A_230 : vector<1x16xf32> to vector<16xf32>
        %add3A_232 = arith.constant 1 : i32
        %add3A_233 = arith.addi %mul3A_224, %add3A_232 : i32
        %get3A_234 = arith.index_cast %add3A_233 : i32 to index
        %get3A_235 = arith.constant 0 : index
        %get3A_236 = tpu.vector_load %arg8[%get3A_234, %get3A_235] {strides = array<i32>} : memref<1600x32xf32, #tpu.memory_space<vmem>>, vector<1x16xf32>,
        %get3A_237 = vector.shape_cast %get3A_236 : vector<1x16xf32> to vector<16xf32>
        %add3A_238 = arith.addf %get3A_227, %get3A_237 : vector<16xf32>
        %add3A_239 = arith.constant 1 : i32
        %add3A_240 = arith.addi %mul3A_224, %add3A_239 : i32
        %get3A_241 = arith.index_cast %add3A_240 : i32 to index
        %get3A_242 = arith.constant 16 : index
        %get3A_243 = tpu.vector_load %arg8[%get3A_241, %get3A_242] {strides = array<i32>} : memref<1600x32xf32, #tpu.memory_space<vmem>>, vector<1x16xf32>,
        %get3A_244 = vector.shape_cast %get3A_243 : vector<1x16xf32> to vector<16xf32>
        %add3A_245 = arith.addf %get3A_231, %get3A_244 : vector<16xf32>
        %add3A_246 = arith.constant 2 : i32
        %add3A_247 = arith.addi %mul3A_224, %add3A_246 : i32
        %get3A_248 = arith.index_cast %add3A_247 : i32 to index
        %get3A_249 = arith.constant 0 : index
        %get3A_250 = tpu.vector_load %arg8[%get3A_248, %get3A_249] {strides = array<i32>} : memref<1600x32xf32, #tpu.memory_space<vmem>>, vector<1x16xf32>,
        %get3A_251 = vector.shape_cast %get3A_250 : vector<1x16xf32> to vector<16xf32>
        %add3A_252 = arith.addf %add3A_238, %get3A_251 : vector<16xf32>
        %add3A_253 = arith.constant 2 : i32
        %add3A_254 = arith.addi %mul3A_224, %add3A_253 : i32
        %get3A_255 = arith.index_cast %add3A_254 : i32 to index
        %get3A_256 = arith.constant 16 : index
        %get3A_257 = tpu.vector_load %arg8[%get3A_255, %get3A_256] {strides = array<i32>} : memref<1600x32xf32, #tpu.memory_space<vmem>>, vector<1x16xf32>,
        %get3A_258 = vector.shape_cast %get3A_257 : vector<1x16xf32> to vector<16xf32>
        %add3A_259 = arith.addf %add3A_245, %get3A_258 : vector<16xf32>
        %add3A_260 = arith.constant 3 : i32
        %add3A_261 = arith.addi %mul3A_224, %add3A_260 : i32
        %get3A_262 = arith.index_cast %add3A_261 : i32 to index
        %get3A_263 = arith.constant 0 : index
        %get3A_264 = tpu.vector_load %arg8[%get3A_262, %get3A_263] {strides = array<i32>} : memref<1600x32xf32, #tpu.memory_space<vmem>>, vector<1x16xf32>,
        %get3A_265 = vector.shape_cast %get3A_264 : vector<1x16xf32> to vector<16xf32>
        %add3A_266 = arith.addf %add3A_252, %get3A_265 : vector<16xf32>
        %add3A_267 = arith.constant 3 : i32
        %add3A_268 = arith.addi %mul3A_224, %add3A_267 : i32
        %get3A_269 = arith.index_cast %add3A_268 : i32 to index
        %get3A_270 = arith.constant 16 : index
        %get3A_271 = tpu.vector_load %arg8[%get3A_269, %get3A_270] {strides = array<i32>} : memref<1600x32xf32, #tpu.memory_space<vmem>>, vector<1x16xf32>,
        %get3A_272 = vector.shape_cast %get3A_271 : vector<1x16xf32> to vector<16xf32>
        %add3A_273 = arith.addf %add3A_259, %get3A_272 : vector<16xf32>
        %add3A_274 = arith.constant 4 : i32
        %add3A_275 = arith.addi %mul3A_224, %add3A_274 : i32
        %get3A_276 = arith.index_cast %add3A_275 : i32 to index
        %get3A_277 = arith.constant 0 : index
        %get3A_278 = tpu.vector_load %arg8[%get3A_276, %get3A_277] {strides = array<i32>} : memref<1600x32xf32, #tpu.memory_space<vmem>>, vector<1x16xf32>,
        %get3A_279 = vector.shape_cast %get3A_278 : vector<1x16xf32> to vector<16xf32>
        %add3A_280 = arith.addf %add3A_266, %get3A_279 : vector<16xf32>
        %add3A_281 = arith.constant 4 : i32
        %add3A_282 = arith.addi %mul3A_224, %add3A_281 : i32
        %get3A_283 = arith.index_cast %add3A_282 : i32 to index
        %get3A_284 = arith.constant 16 : index
        %get3A_285 = tpu.vector_load %arg8[%get3A_283, %get3A_284] {strides = array<i32>} : memref<1600x32xf32, #tpu.memory_space<vmem>>, vector<1x16xf32>,
        %get3A_286 = vector.shape_cast %get3A_285 : vector<1x16xf32> to vector<16xf32>
        %add3A_287 = arith.addf %add3A_273, %get3A_286 : vector<16xf32>
        %add3A_288 = arith.constant 5 : i32
        %add3A_289 = arith.addi %mul3A_224, %add3A_288 : i32
        %get3A_290 = arith.index_cast %add3A_289 : i32 to index
        %get3A_291 = arith.constant 0 : index
        %get3A_292 = tpu.vector_load %arg8[%get3A_290, %get3A_291] {strides = array<i32>} : memref<1600x32xf32, #tpu.memory_space<vmem>>, vector<1x16xf32>,
        %get3A_293 = vector.shape_cast %get3A_292 : vector<1x16xf32> to vector<16xf32>
        %add3A_294 = arith.addf %add3A_280, %get3A_293 : vector<16xf32>
        %add3A_295 = arith.constant 5 : i32
        %add3A_296 = arith.addi %mul3A_224, %add3A_295 : i32
        %get3A_297 = arith.index_cast %add3A_296 : i32 to index
        %get3A_298 = arith.constant 16 : index
        %get3A_299 = tpu.vector_load %arg8[%get3A_297, %get3A_298] {strides = array<i32>} : memref<1600x32xf32, #tpu.memory_space<vmem>>, vector<1x16xf32>,
        %get3A_300 = vector.shape_cast %get3A_299 : vector<1x16xf32> to vector<16xf32>
        %add3A_301 = arith.addf %add3A_287, %get3A_300 : vector<16xf32>
        %add3A_302 = arith.constant 6 : i32
        %add3A_303 = arith.addi %mul3A_224, %add3A_302 : i32
        %get3A_304 = arith.index_cast %add3A_303 : i32 to index
        %get3A_305 = arith.constant 0 : index
        %get3A_306 = tpu.vector_load %arg8[%get3A_304, %get3A_305] {strides = array<i32>} : memref<1600x32xf32, #tpu.memory_space<vmem>>, vector<1x16xf32>,
        %get3A_307 = vector.shape_cast %get3A_306 : vector<1x16xf32> to vector<16xf32>
        %add3A_308 = arith.addf %add3A_294, %get3A_307 : vector<16xf32>
        %add3A_309 = arith.constant 6 : i32
        %add3A_310 = arith.addi %mul3A_224, %add3A_309 : i32
        %get3A_311 = arith.index_cast %add3A_310 : i32 to index
        %get3A_312 = arith.constant 16 : index
        %get3A_313 = tpu.vector_load %arg8[%get3A_311, %get3A_312] {strides = array<i32>} : memref<1600x32xf32, #tpu.memory_space<vmem>>, vector<1x16xf32>,
        %get3A_314 = vector.shape_cast %get3A_313 : vector<1x16xf32> to vector<16xf32>
        %add3A_315 = arith.addf %add3A_301, %get3A_314 : vector<16xf32>
        %add3A_316 = arith.constant 7 : i32
        %add3A_317 = arith.addi %mul3A_224, %add3A_316 : i32
        %get3A_318 = arith.index_cast %add3A_317 : i32 to index
        %get3A_319 = arith.constant 0 : index
        %get3A_320 = tpu.vector_load %arg8[%get3A_318, %get3A_319] {strides = array<i32>} : memref<1600x32xf32, #tpu.memory_space<vmem>>, vector<1x16xf32>,
        %get3A_321 = vector.shape_cast %get3A_320 : vector<1x16xf32> to vector<16xf32>
        %add3A_322 = arith.addf %add3A_308, %get3A_321 : vector<16xf32>
        %add3A_323 = arith.constant 7 : i32
        %add3A_324 = arith.addi %mul3A_224, %add3A_323 : i32
        %get3A_325 = arith.index_cast %add3A_324 : i32 to index
        %get3A_326 = arith.constant 16 : index
        %get3A_327 = tpu.vector_load %arg8[%get3A_325, %get3A_326] {strides = array<i32>} : memref<1600x32xf32, #tpu.memory_space<vmem>>, vector<1x16xf32>,
        %get3A_328 = vector.shape_cast %get3A_327 : vector<1x16xf32> to vector<16xf32>
        %add3A_329 = arith.addf %add3A_315, %get3A_328 : vector<16xf32>
        %add3A_330 = arith.constant 8 : i32
        %add3A_331 = arith.addi %mul3A_224, %add3A_330 : i32
        %get3A_332 = arith.index_cast %add3A_331 : i32 to index
        %get3A_333 = arith.constant 0 : index
        %get3A_334 = tpu.vector_load %arg8[%get3A_332, %get3A_333] {strides = array<i32>} : memref<1600x32xf32, #tpu.memory_space<vmem>>, vector<1x16xf32>,
        %get3A_335 = vector.shape_cast %get3A_334 : vector<1x16xf32> to vector<16xf32>
        %add3A_336 = arith.addf %add3A_322, %get3A_335 : vector<16xf32>
        %add3A_337 = arith.constant 8 : i32
        %add3A_338 = arith.addi %mul3A_224, %add3A_337 : i32
        %get3A_339 = arith.index_cast %add3A_338 : i32 to index
        %get3A_340 = arith.constant 16 : index
        %get3A_341 = tpu.vector_load %arg8[%get3A_339, %get3A_340] {strides = array<i32>} : memref<1600x32xf32, #tpu.memory_space<vmem>>, vector<1x16xf32>,
        %get3A_342 = vector.shape_cast %get3A_341 : vector<1x16xf32> to vector<16xf32>
        %add3A_343 = arith.addf %add3A_329, %get3A_342 : vector<16xf32>
        %add3A_344 = arith.constant 9 : i32
        %add3A_345 = arith.addi %mul3A_224, %add3A_344 : i32
        %get3A_346 = arith.index_cast %add3A_345 : i32 to index
        %get3A_347 = arith.constant 0 : index
        %get3A_348 = tpu.vector_load %arg8[%get3A_346, %get3A_347] {strides = array<i32>} : memref<1600x32xf32, #tpu.memory_space<vmem>>, vector<1x16xf32>,
        %get3A_349 = vector.shape_cast %get3A_348 : vector<1x16xf32> to vector<16xf32>
        %add3A_350 = arith.addf %add3A_336, %get3A_349 : vector<16xf32>
        %add3A_351 = arith.constant 9 : i32
        %add3A_352 = arith.addi %mul3A_224, %add3A_351 : i32
        %get3A_353 = arith.index_cast %add3A_352 : i32 to index
        %get3A_354 = arith.constant 16 : index
        %get3A_355 = tpu.vector_load %arg8[%get3A_353, %get3A_354] {strides = array<i32>} : memref<1600x32xf32, #tpu.memory_space<vmem>>, vector<1x16xf32>,
        %get3A_356 = vector.shape_cast %get3A_355 : vector<1x16xf32> to vector<16xf32>
        %add3A_357 = arith.addf %add3A_343, %get3A_356 : vector<16xf32>
        %jit3A_358 = arith.constant 4 : i32
        %div3A_359 = arith.divsi %scan3A_222, %jit3A_358 : i32
        %sign3A_360 = arith.constant 0 : i32
        %sign3A_361 = arith.cmpi sgt, %scan3A_222, %sign3A_360 : i32
        %sign3A_362 = arith.extui %sign3A_361 : i1 to i32
        %sign3A_363 = arith.constant 0 : i32
        %sign3A_364 = arith.cmpi slt, %scan3A_222, %sign3A_363 : i32
        %sign3A_365 = arith.extui %sign3A_364 : i1 to i32
        %sign3A_366 = arith.subi %sign3A_362, %sign3A_365 : i32
        %sign3A_367 = arith.constant 0 : i32
        %sign3A_368 = arith.cmpi sgt, %jit3A_358, %sign3A_367 : i32
        %sign3A_369 = arith.extui %sign3A_368 : i1 to i32
        %sign3A_370 = arith.constant 0 : i32
        %sign3A_371 = arith.cmpi slt, %jit3A_358, %sign3A_370 : i32
        %sign3A_372 = arith.extui %sign3A_371 : i1 to i32
        %sign3A_373 = arith.subi %sign3A_369, %sign3A_372 : i32
        %ne3A_374 = arith.cmpi ne, %sign3A_366, %sign3A_373 : i32
        %rem3A_375 = arith.remsi %scan3A_222, %jit3A_358 : i32
        %ne3A_376 = arith.constant 0 : i32
        %ne3A_377 = arith.cmpi ne, %rem3A_375, %ne3A_376 : i32
        %and3A_378 = arith.andi %ne3A_374, %ne3A_377 : i1
        %sub3A_379 = arith.constant 1 : i32
        %sub3A_380 = arith.subi %div3A_359, %sub3A_379 : i32
        %select_n3A_381 = arith.select %and3A_378, %sub3A_380, %div3A_359 : i32
        %jit3A_382 = arith.constant 4 : i32
        %eq3A_383 = arith.constant 0 : i32
        %eq3A_384 = arith.cmpi eq, %jit3A_382, %eq3A_383 : i32
        %jit3A_385 = arith.constant 1 : i32
        %select_n3A_386 = arith.select %eq3A_384, %jit3A_385, %jit3A_382 : i32
        %rem3A_387 = arith.remsi %scan3A_222, %select_n3A_386 : i32
        %ne3A_388 = arith.constant 0 : i32
        %ne3A_389 = arith.cmpi ne, %rem3A_387, %ne3A_388 : i32
        %lt3A_390 = arith.constant 0 : i32
        %lt3A_391 = arith.cmpi slt, %rem3A_387, %lt3A_390 : i32
        %lt3A_392 = arith.constant 0 : i32
        %lt3A_393 = arith.cmpi slt, %select_n3A_386, %lt3A_392 : i32
        %ne3A_394 = arith.xori %lt3A_391, %lt3A_393 : i1
        %and3A_395 = arith.andi %ne3A_394, %ne3A_389 : i1
        %add3A_396 = arith.addi %rem3A_387, %select_n3A_386 : i32
        %select_n3A_397 = arith.select %and3A_395, %add3A_396, %rem3A_387 : i32
        %mul3A_398 = arith.constant 32 : i32
        %mul3A_399 = arith.muli %select_n3A_397, %mul3A_398 : i32
        %swap3A = arith.index_cast %select_n3A_381 : i32 to index
        %swap3A_400 = arith.index_cast %mul3A_399 : i32 to index
        %swap3A_401 = tpu.vector_load %arg10[%swap3A, %swap3A_400] {strides = array<i32>} : memref<40x128xf32, #tpu.memory_space<vmem>>, vector<1x16xf32>,
        %swap3A_402 = vector.shape_cast %swap3A_401 : vector<1x16xf32> to vector<16xf32>
        %swap3A_403 = vector.shape_cast %add3A_350 : vector<16xf32> to vector<1x16xf32>
        tpu.vector_store %arg10[%swap3A, %swap3A_400], %swap3A_403 {strides = array<i32>} : memref<40x128xf32, #tpu.memory_space<vmem>>, vector<1x16xf32>,
        %add3A_404 = arith.constant 16 : i32
        %add3A_405 = arith.addi %mul3A_399, %add3A_404 : i32
        %swap3A_406 = arith.index_cast %select_n3A_381 : i32 to index
        %swap3A_407 = arith.index_cast %add3A_405 : i32 to index
        %swap3A_408 = tpu.vector_load %arg10[%swap3A_406, %swap3A_407] {strides = array<i32>} : memref<40x128xf32, #tpu.memory_space<vmem>>, vector<1x16xf32>,
        %swap3A_409 = vector.shape_cast %swap3A_408 : vector<1x16xf32> to vector<16xf32>
        %swap3A_410 = vector.shape_cast %add3A_357 : vector<16xf32> to vector<1x16xf32>
        tpu.vector_store %arg10[%swap3A_406, %swap3A_407], %swap3A_410 {strides = array<i32>} : memref<40x128xf32, #tpu.memory_space<vmem>>, vector<1x16xf32>,
      }
      %scan3A_217 = arith.constant 160 : i32
      %dma_start3A_218 = arith.constant 0 : i32
      %dma_start3A_219 = tpu.memref_slice %arg4[%select_n3A_208, %dma_start3A_218] : memref<25000x128xf32, #tpu.memory_space<hbm>> -> memref<40x128xf32, #tpu.memory_space<hbm>>
      %dma_start3A_220 = arith.constant 0 : i32
      %dma_start3A_221 = tpu.memref_slice %arg4[%select_n3A_208, %dma_start3A_220] : memref<25000x128xf32, #tpu.memory_space<hbm>> -> memref<40x128xf32, #tpu.memory_space<hbm>>
      tpu.enqueue_dma source(%arg10 : memref<40x128xf32, #tpu.memory_space<vmem>>) target(%dma_start3A_221 : memref<40x128xf32, #tpu.memory_space<hbm>>) target_semaphore(%arg14 : memref<!tpu.dma_semaphore, #tpu.memory_space<semaphore_mem>>)
    }
    %while3A_62 = arith.constant 1 : i32
    scf.for %while3A_91 = %while3A_60 to %while3A_56 step %while3A_62  : i32 {
      %mul3A_92 = arith.constant 2 : i32
      %mul3A_93 = arith.muli %mul3A_92, %while3A_91 : i32
      %add3A_94 = arith.constant 1 : i32
      %add3A_95 = arith.addi %mul3A_93, %add3A_94 : i32
      %mul3A_96 = arith.constant 32 : i32
      %mul3A_97 = arith.muli %mul3A_96, %add3A_95 : i32
      %add3A_98 = arith.addi %add3A, %mul3A_97 : i32
      %mul3A_99 = arith.constant 160 : i32
      %mul3A_100 = arith.muli %add3A_98, %mul3A_99 : i32
      %min3A_101 = arith.constant 99840 : i32
      %min3A_102 = arith.minsi %mul3A_100, %min3A_101 : i32
      %mul3A_103 = arith.constant 10 : i32
      %mul3A_104 = arith.muli %min3A_102, %mul3A_103 : i32
      "tpu.region"() ({
        %run_scoped3A = tpu.sem_alloc : memref<!tpu.dma_semaphore, #tpu.memory_space<semaphore_mem>>
        %dma_start3A_222 = tpu.memref_slice %arg3[%mul3A_104] : memref<1000000xi32, #tpu.memory_space<hbm>> -> memref<1600xi32, #tpu.memory_space<hbm>>
        %dma_start3A_223 = tpu.memref_slice %arg3[%mul3A_104] : memref<1000000xi32, #tpu.memory_space<hbm>> -> memref<1600xi32, #tpu.memory_space<hbm>>
        tpu.enqueue_dma source(%dma_start3A_223 : memref<1600xi32, #tpu.memory_space<hbm>>) target(%arg6 : memref<1600xi32, #tpu.memory_space<vmem>>) target_semaphore(%run_scoped3A : memref<!tpu.dma_semaphore, #tpu.memory_space<semaphore_mem>>)
        %dma_wait3A_224 = tpu.memref_slice %arg3[%mul3A_104] : memref<1000000xi32, #tpu.memory_space<hbm>> -> memref<1600xi32, #tpu.memory_space<hbm>>
        %dma_wait3A_225 = tpu.memref_slice %arg3[%mul3A_104] : memref<1000000xi32, #tpu.memory_space<hbm>> -> memref<1600xi32, #tpu.memory_space<hbm>>
        tpu.wait_dma2 semaphore(%run_scoped3A : memref<!tpu.dma_semaphore, #tpu.memory_space<semaphore_mem>>) src(%dma_wait3A_225 : memref<1600xi32, #tpu.memory_space<hbm>>) dst(%arg6 : memref<1600xi32, #tpu.memory_space<vmem>>)
        tpu.yield
      }) : () -> ()
      %dma_start3A_105 = arith.constant 0 : i32
      %dma_start3A_106 = arith.constant 0 : i32
      %dma_start3A_107 = tpu.memref_slice %arg2[%dma_start3A_105, %dma_start3A_106] : memref<100000x32xf32, #tpu.memory_space<hbm>> -> memref<100000x32xf32, #tpu.memory_space<hbm>>
      tpu.enqueue_indirect_dma source(%dma_start3A_107 : memref<100000x32xf32, #tpu.memory_space<hbm>>) target(%arg8 : memref<1600x32xf32, #tpu.memory_space<vmem>>) offsets(%arg6 : memref<1600xi32, #tpu.memory_space<vmem>>) semaphore(%arg12 : memref<!tpu.dma_semaphore, #tpu.memory_space<semaphore_mem>>)
      %mul3A_108 = arith.constant 2 : i32
      %mul3A_109 = arith.muli %mul3A_108, %while3A_91 : i32
      %gt3A = arith.constant 0 : i32
      %gt3A_110 = arith.cmpi sgt, %while3A_91, %gt3A : i32
      %dma_wait3A_111 = arith.constant 0 : i32
      %dma_wait3A_112 = arith.constant 0 : i32
      %dma_wait3A_113 = tpu.memref_slice %arg2[%dma_wait3A_111, %dma_wait3A_112] : memref<100000x32xf32, #tpu.memory_space<hbm>> -> memref<100000x32xf32, #tpu.memory_space<hbm>>
      tpu.wait_indirect_dma semaphore(%arg11 : memref<!tpu.dma_semaphore, #tpu.memory_space<semaphore_mem>>) src(%dma_wait3A_113 : memref<100000x32xf32, #tpu.memory_space<hbm>>) dst(%arg7 : memref<1600x32xf32, #tpu.memory_space<vmem>>)
      %mul3A_114 = arith.constant 32 : i32
      %mul3A_115 = arith.muli %mul3A_114, %mul3A_109 : i32
      %add3A_116 = arith.addi %add3A, %mul3A_115 : i32
      %mul3A_117 = arith.constant 160 : i32
      %mul3A_118 = arith.muli %add3A_116, %mul3A_117 : i32
      %min3A_119 = arith.constant 99840 : i32
      %min3A_120 = arith.minsi %mul3A_118, %min3A_119 : i32
      %mul3A_121 = arith.constant 32 : i32
      %mul3A_122 = arith.muli %min3A_120, %mul3A_121 : i32
      %jit3A_123 = arith.constant 128 : i32
      %div3A_124 = arith.divsi %mul3A_122, %jit3A_123 : i32
      %sign3A_125 = arith.constant 0 : i32
      %sign3A_126 = arith.cmpi sgt, %mul3A_122, %sign3A_125 : i32
      %sign3A_127 = arith.extui %sign3A_126 : i1 to i32
      %sign3A_128 = arith.constant 0 : i32
      %sign3A_129 = arith.cmpi slt, %mul3A_122, %sign3A_128 : i32
      %sign3A_130 = arith.extui %sign3A_129 : i1 to i32
      %sign3A_131 = arith.subi %sign3A_127, %sign3A_130 : i32
      %sign3A_132 = arith.constant 0 : i32
      %sign3A_133 = arith.cmpi sgt, %jit3A_123, %sign3A_132 : i32
      %sign3A_134 = arith.extui %sign3A_133 : i1 to i32
      %sign3A_135 = arith.constant 0 : i32
      %sign3A_136 = arith.cmpi slt, %jit3A_123, %sign3A_135 : i32
      %sign3A_137 = arith.extui %sign3A_136 : i1 to i32
      %sign3A_138 = arith.subi %sign3A_134, %sign3A_137 : i32
      %ne3A_139 = arith.cmpi ne, %sign3A_131, %sign3A_138 : i32
      %rem3A_140 = arith.remsi %mul3A_122, %jit3A_123 : i32
      %ne3A_141 = arith.constant 0 : i32
      %ne3A_142 = arith.cmpi ne, %rem3A_140, %ne3A_141 : i32
      %and3A_143 = arith.andi %ne3A_139, %ne3A_142 : i1
      %sub3A_144 = arith.constant 1 : i32
      %sub3A_145 = arith.subi %div3A_124, %sub3A_144 : i32
      %select_n3A_146 = arith.select %and3A_143, %sub3A_145, %div3A_124 : i32
      %convert_element_type3A_147 = arith.extui %gt3A_110 : i1 to i32
      %cond3A_148 = arith.constant 0 : i32
      %cond3A_149 = arith.cmpi ne, %convert_element_type3A_147, %cond3A_148 : i32
      scf.if %cond3A_149 {
        %dma_wait3A_222 = arith.constant 0 : i32
        %dma_wait3A_223 = tpu.memref_slice %arg4[%select_n3A_146, %dma_wait3A_222] : memref<25000x128xf32, #tpu.memory_space<hbm>> -> memref<40x128xf32, #tpu.memory_space<hbm>>
        %dma_wait3A_224 = arith.constant 0 : i32
        %dma_wait3A_225 = tpu.memref_slice %arg4[%select_n3A_146, %dma_wait3A_224] : memref<25000x128xf32, #tpu.memory_space<hbm>> -> memref<40x128xf32, #tpu.memory_space<hbm>>
        tpu.wait_dma2 semaphore(%arg13 : memref<!tpu.dma_semaphore, #tpu.memory_space<semaphore_mem>>) src(%arg9 : memref<40x128xf32, #tpu.memory_space<vmem>>) dst(%dma_wait3A_225 : memref<40x128xf32, #tpu.memory_space<hbm>>)
      } else {
      }
      %scan3A = arith.constant 0 : i32
      %scan3A_150 = arith.constant 0 : i32
      %scan3A_151 = arith.constant 160 : i32
      %scan3A_152 = arith.addi %scan3A_150, %scan3A_151 : i32
      %scan3A_153 = arith.constant 1 : i32
      scf.for %scan3A_222 = %scan3A_150 to %scan3A_152 step %scan3A_153  : i32 {
        %mul3A_223 = arith.constant 10 : i32
        %mul3A_224 = arith.muli %scan3A_222, %mul3A_223 : i32
        %get3A = arith.index_cast %mul3A_224 : i32 to index
        %get3A_225 = arith.constant 0 : index
        %get3A_226 = tpu.vector_load %arg7[%get3A, %get3A_225] {strides = array<i32>} : memref<1600x32xf32, #tpu.memory_space<vmem>>, vector<1x16xf32>,
        %get3A_227 = vector.shape_cast %get3A_226 : vector<1x16xf32> to vector<16xf32>
        %get3A_228 = arith.index_cast %mul3A_224 : i32 to index
        %get3A_229 = arith.constant 16 : index
        %get3A_230 = tpu.vector_load %arg7[%get3A_228, %get3A_229] {strides = array<i32>} : memref<1600x32xf32, #tpu.memory_space<vmem>>, vector<1x16xf32>,
        %get3A_231 = vector.shape_cast %get3A_230 : vector<1x16xf32> to vector<16xf32>
        %add3A_232 = arith.constant 1 : i32
        %add3A_233 = arith.addi %mul3A_224, %add3A_232 : i32
        %get3A_234 = arith.index_cast %add3A_233 : i32 to index
        %get3A_235 = arith.constant 0 : index
        %get3A_236 = tpu.vector_load %arg7[%get3A_234, %get3A_235] {strides = array<i32>} : memref<1600x32xf32, #tpu.memory_space<vmem>>, vector<1x16xf32>,
        %get3A_237 = vector.shape_cast %get3A_236 : vector<1x16xf32> to vector<16xf32>
        %add3A_238 = arith.addf %get3A_227, %get3A_237 : vector<16xf32>
        %add3A_239 = arith.constant 1 : i32
        %add3A_240 = arith.addi %mul3A_224, %add3A_239 : i32
        %get3A_241 = arith.index_cast %add3A_240 : i32 to index
        %get3A_242 = arith.constant 16 : index
        %get3A_243 = tpu.vector_load %arg7[%get3A_241, %get3A_242] {strides = array<i32>} : memref<1600x32xf32, #tpu.memory_space<vmem>>, vector<1x16xf32>,
        %get3A_244 = vector.shape_cast %get3A_243 : vector<1x16xf32> to vector<16xf32>
        %add3A_245 = arith.addf %get3A_231, %get3A_244 : vector<16xf32>
        %add3A_246 = arith.constant 2 : i32
        %add3A_247 = arith.addi %mul3A_224, %add3A_246 : i32
        %get3A_248 = arith.index_cast %add3A_247 : i32 to index
        %get3A_249 = arith.constant 0 : index
        %get3A_250 = tpu.vector_load %arg7[%get3A_248, %get3A_249] {strides = array<i32>} : memref<1600x32xf32, #tpu.memory_space<vmem>>, vector<1x16xf32>,
        %get3A_251 = vector.shape_cast %get3A_250 : vector<1x16xf32> to vector<16xf32>
        %add3A_252 = arith.addf %add3A_238, %get3A_251 : vector<16xf32>
        %add3A_253 = arith.constant 2 : i32
        %add3A_254 = arith.addi %mul3A_224, %add3A_253 : i32
        %get3A_255 = arith.index_cast %add3A_254 : i32 to index
        %get3A_256 = arith.constant 16 : index
        %get3A_257 = tpu.vector_load %arg7[%get3A_255, %get3A_256] {strides = array<i32>} : memref<1600x32xf32, #tpu.memory_space<vmem>>, vector<1x16xf32>,
        %get3A_258 = vector.shape_cast %get3A_257 : vector<1x16xf32> to vector<16xf32>
        %add3A_259 = arith.addf %add3A_245, %get3A_258 : vector<16xf32>
        %add3A_260 = arith.constant 3 : i32
        %add3A_261 = arith.addi %mul3A_224, %add3A_260 : i32
        %get3A_262 = arith.index_cast %add3A_261 : i32 to index
        %get3A_263 = arith.constant 0 : index
        %get3A_264 = tpu.vector_load %arg7[%get3A_262, %get3A_263] {strides = array<i32>} : memref<1600x32xf32, #tpu.memory_space<vmem>>, vector<1x16xf32>,
        %get3A_265 = vector.shape_cast %get3A_264 : vector<1x16xf32> to vector<16xf32>
        %add3A_266 = arith.addf %add3A_252, %get3A_265 : vector<16xf32>
        %add3A_267 = arith.constant 3 : i32
        %add3A_268 = arith.addi %mul3A_224, %add3A_267 : i32
        %get3A_269 = arith.index_cast %add3A_268 : i32 to index
        %get3A_270 = arith.constant 16 : index
        %get3A_271 = tpu.vector_load %arg7[%get3A_269, %get3A_270] {strides = array<i32>} : memref<1600x32xf32, #tpu.memory_space<vmem>>, vector<1x16xf32>,
        %get3A_272 = vector.shape_cast %get3A_271 : vector<1x16xf32> to vector<16xf32>
        %add3A_273 = arith.addf %add3A_259, %get3A_272 : vector<16xf32>
        %add3A_274 = arith.constant 4 : i32
        %add3A_275 = arith.addi %mul3A_224, %add3A_274 : i32
        %get3A_276 = arith.index_cast %add3A_275 : i32 to index
        %get3A_277 = arith.constant 0 : index
        %get3A_278 = tpu.vector_load %arg7[%get3A_276, %get3A_277] {strides = array<i32>} : memref<1600x32xf32, #tpu.memory_space<vmem>>, vector<1x16xf32>,
        %get3A_279 = vector.shape_cast %get3A_278 : vector<1x16xf32> to vector<16xf32>
        %add3A_280 = arith.addf %add3A_266, %get3A_279 : vector<16xf32>
        %add3A_281 = arith.constant 4 : i32
        %add3A_282 = arith.addi %mul3A_224, %add3A_281 : i32
        %get3A_283 = arith.index_cast %add3A_282 : i32 to index
        %get3A_284 = arith.constant 16 : index
        %get3A_285 = tpu.vector_load %arg7[%get3A_283, %get3A_284] {strides = array<i32>} : memref<1600x32xf32, #tpu.memory_space<vmem>>, vector<1x16xf32>,
        %get3A_286 = vector.shape_cast %get3A_285 : vector<1x16xf32> to vector<16xf32>
        %add3A_287 = arith.addf %add3A_273, %get3A_286 : vector<16xf32>
        %add3A_288 = arith.constant 5 : i32
        %add3A_289 = arith.addi %mul3A_224, %add3A_288 : i32
        %get3A_290 = arith.index_cast %add3A_289 : i32 to index
        %get3A_291 = arith.constant 0 : index
        %get3A_292 = tpu.vector_load %arg7[%get3A_290, %get3A_291] {strides = array<i32>} : memref<1600x32xf32, #tpu.memory_space<vmem>>, vector<1x16xf32>,
        %get3A_293 = vector.shape_cast %get3A_292 : vector<1x16xf32> to vector<16xf32>
        %add3A_294 = arith.addf %add3A_280, %get3A_293 : vector<16xf32>
        %add3A_295 = arith.constant 5 : i32
        %add3A_296 = arith.addi %mul3A_224, %add3A_295 : i32
        %get3A_297 = arith.index_cast %add3A_296 : i32 to index
        %get3A_298 = arith.constant 16 : index
        %get3A_299 = tpu.vector_load %arg7[%get3A_297, %get3A_298] {strides = array<i32>} : memref<1600x32xf32, #tpu.memory_space<vmem>>, vector<1x16xf32>,
        %get3A_300 = vector.shape_cast %get3A_299 : vector<1x16xf32> to vector<16xf32>
        %add3A_301 = arith.addf %add3A_287, %get3A_300 : vector<16xf32>
        %add3A_302 = arith.constant 6 : i32
        %add3A_303 = arith.addi %mul3A_224, %add3A_302 : i32
        %get3A_304 = arith.index_cast %add3A_303 : i32 to index
        %get3A_305 = arith.constant 0 : index
        %get3A_306 = tpu.vector_load %arg7[%get3A_304, %get3A_305] {strides = array<i32>} : memref<1600x32xf32, #tpu.memory_space<vmem>>, vector<1x16xf32>,
        %get3A_307 = vector.shape_cast %get3A_306 : vector<1x16xf32> to vector<16xf32>
        %add3A_308 = arith.addf %add3A_294, %get3A_307 : vector<16xf32>
        %add3A_309 = arith.constant 6 : i32
        %add3A_310 = arith.addi %mul3A_224, %add3A_309 : i32
        %get3A_311 = arith.index_cast %add3A_310 : i32 to index
        %get3A_312 = arith.constant 16 : index
        %get3A_313 = tpu.vector_load %arg7[%get3A_311, %get3A_312] {strides = array<i32>} : memref<1600x32xf32, #tpu.memory_space<vmem>>, vector<1x16xf32>,
        %get3A_314 = vector.shape_cast %get3A_313 : vector<1x16xf32> to vector<16xf32>
        %add3A_315 = arith.addf %add3A_301, %get3A_314 : vector<16xf32>
        %add3A_316 = arith.constant 7 : i32
        %add3A_317 = arith.addi %mul3A_224, %add3A_316 : i32
        %get3A_318 = arith.index_cast %add3A_317 : i32 to index
        %get3A_319 = arith.constant 0 : index
        %get3A_320 = tpu.vector_load %arg7[%get3A_318, %get3A_319] {strides = array<i32>} : memref<1600x32xf32, #tpu.memory_space<vmem>>, vector<1x16xf32>,
        %get3A_321 = vector.shape_cast %get3A_320 : vector<1x16xf32> to vector<16xf32>
        %add3A_322 = arith.addf %add3A_308, %get3A_321 : vector<16xf32>
        %add3A_323 = arith.constant 7 : i32
        %add3A_324 = arith.addi %mul3A_224, %add3A_323 : i32
        %get3A_325 = arith.index_cast %add3A_324 : i32 to index
        %get3A_326 = arith.constant 16 : index
        %get3A_327 = tpu.vector_load %arg7[%get3A_325, %get3A_326] {strides = array<i32>} : memref<1600x32xf32, #tpu.memory_space<vmem>>, vector<1x16xf32>,
        %get3A_328 = vector.shape_cast %get3A_327 : vector<1x16xf32> to vector<16xf32>
        %add3A_329 = arith.addf %add3A_315, %get3A_328 : vector<16xf32>
        %add3A_330 = arith.constant 8 : i32
        %add3A_331 = arith.addi %mul3A_224, %add3A_330 : i32
        %get3A_332 = arith.index_cast %add3A_331 : i32 to index
        %get3A_333 = arith.constant 0 : index
        %get3A_334 = tpu.vector_load %arg7[%get3A_332, %get3A_333] {strides = array<i32>} : memref<1600x32xf32, #tpu.memory_space<vmem>>, vector<1x16xf32>,
        %get3A_335 = vector.shape_cast %get3A_334 : vector<1x16xf32> to vector<16xf32>
        %add3A_336 = arith.addf %add3A_322, %get3A_335 : vector<16xf32>
        %add3A_337 = arith.constant 8 : i32
        %add3A_338 = arith.addi %mul3A_224, %add3A_337 : i32
        %get3A_339 = arith.index_cast %add3A_338 : i32 to index
        %get3A_340 = arith.constant 16 : index
        %get3A_341 = tpu.vector_load %arg7[%get3A_339, %get3A_340] {strides = array<i32>} : memref<1600x32xf32, #tpu.memory_space<vmem>>, vector<1x16xf32>,
        %get3A_342 = vector.shape_cast %get3A_341 : vector<1x16xf32> to vector<16xf32>
        %add3A_343 = arith.addf %add3A_329, %get3A_342 : vector<16xf32>
        %add3A_344 = arith.constant 9 : i32
        %add3A_345 = arith.addi %mul3A_224, %add3A_344 : i32
        %get3A_346 = arith.index_cast %add3A_345 : i32 to index
        %get3A_347 = arith.constant 0 : index
        %get3A_348 = tpu.vector_load %arg7[%get3A_346, %get3A_347] {strides = array<i32>} : memref<1600x32xf32, #tpu.memory_space<vmem>>, vector<1x16xf32>,
        %get3A_349 = vector.shape_cast %get3A_348 : vector<1x16xf32> to vector<16xf32>
        %add3A_350 = arith.addf %add3A_336, %get3A_349 : vector<16xf32>
        %add3A_351 = arith.constant 9 : i32
        %add3A_352 = arith.addi %mul3A_224, %add3A_351 : i32
        %get3A_353 = arith.index_cast %add3A_352 : i32 to index
        %get3A_354 = arith.constant 16 : index
        %get3A_355 = tpu.vector_load %arg7[%get3A_353, %get3A_354] {strides = array<i32>} : memref<1600x32xf32, #tpu.memory_space<vmem>>, vector<1x16xf32>,
        %get3A_356 = vector.shape_cast %get3A_355 : vector<1x16xf32> to vector<16xf32>
        %add3A_357 = arith.addf %add3A_343, %get3A_356 : vector<16xf32>
        %jit3A_358 = arith.constant 4 : i32
        %div3A_359 = arith.divsi %scan3A_222, %jit3A_358 : i32
        %sign3A_360 = arith.constant 0 : i32
        %sign3A_361 = arith.cmpi sgt, %scan3A_222, %sign3A_360 : i32
        %sign3A_362 = arith.extui %sign3A_361 : i1 to i32
        %sign3A_363 = arith.constant 0 : i32
        %sign3A_364 = arith.cmpi slt, %scan3A_222, %sign3A_363 : i32
        %sign3A_365 = arith.extui %sign3A_364 : i1 to i32
        %sign3A_366 = arith.subi %sign3A_362, %sign3A_365 : i32
        %sign3A_367 = arith.constant 0 : i32
        %sign3A_368 = arith.cmpi sgt, %jit3A_358, %sign3A_367 : i32
        %sign3A_369 = arith.extui %sign3A_368 : i1 to i32
        %sign3A_370 = arith.constant 0 : i32
        %sign3A_371 = arith.cmpi slt, %jit3A_358, %sign3A_370 : i32
        %sign3A_372 = arith.extui %sign3A_371 : i1 to i32
        %sign3A_373 = arith.subi %sign3A_369, %sign3A_372 : i32
        %ne3A_374 = arith.cmpi ne, %sign3A_366, %sign3A_373 : i32
        %rem3A_375 = arith.remsi %scan3A_222, %jit3A_358 : i32
        %ne3A_376 = arith.constant 0 : i32
        %ne3A_377 = arith.cmpi ne, %rem3A_375, %ne3A_376 : i32
        %and3A_378 = arith.andi %ne3A_374, %ne3A_377 : i1
        %sub3A_379 = arith.constant 1 : i32
        %sub3A_380 = arith.subi %div3A_359, %sub3A_379 : i32
        %select_n3A_381 = arith.select %and3A_378, %sub3A_380, %div3A_359 : i32
        %jit3A_382 = arith.constant 4 : i32
        %eq3A_383 = arith.constant 0 : i32
        %eq3A_384 = arith.cmpi eq, %jit3A_382, %eq3A_383 : i32
        %jit3A_385 = arith.constant 1 : i32
        %select_n3A_386 = arith.select %eq3A_384, %jit3A_385, %jit3A_382 : i32
        %rem3A_387 = arith.remsi %scan3A_222, %select_n3A_386 : i32
        %ne3A_388 = arith.constant 0 : i32
        %ne3A_389 = arith.cmpi ne, %rem3A_387, %ne3A_388 : i32
        %lt3A_390 = arith.constant 0 : i32
        %lt3A_391 = arith.cmpi slt, %rem3A_387, %lt3A_390 : i32
        %lt3A_392 = arith.constant 0 : i32
        %lt3A_393 = arith.cmpi slt, %select_n3A_386, %lt3A_392 : i32
        %ne3A_394 = arith.xori %lt3A_391, %lt3A_393 : i1
        %and3A_395 = arith.andi %ne3A_394, %ne3A_389 : i1
        %add3A_396 = arith.addi %rem3A_387, %select_n3A_386 : i32
        %select_n3A_397 = arith.select %and3A_395, %add3A_396, %rem3A_387 : i32
        %mul3A_398 = arith.constant 32 : i32
        %mul3A_399 = arith.muli %select_n3A_397, %mul3A_398 : i32
        %swap3A = arith.index_cast %select_n3A_381 : i32 to index
        %swap3A_400 = arith.index_cast %mul3A_399 : i32 to index
        %swap3A_401 = tpu.vector_load %arg9[%swap3A, %swap3A_400] {strides = array<i32>} : memref<40x128xf32, #tpu.memory_space<vmem>>, vector<1x16xf32>,
        %swap3A_402 = vector.shape_cast %swap3A_401 : vector<1x16xf32> to vector<16xf32>
        %swap3A_403 = vector.shape_cast %add3A_350 : vector<16xf32> to vector<1x16xf32>
        tpu.vector_store %arg9[%swap3A, %swap3A_400], %swap3A_403 {strides = array<i32>} : memref<40x128xf32, #tpu.memory_space<vmem>>, vector<1x16xf32>,
        %add3A_404 = arith.constant 16 : i32
        %add3A_405 = arith.addi %mul3A_399, %add3A_404 : i32
        %swap3A_406 = arith.index_cast %select_n3A_381 : i32 to index
        %swap3A_407 = arith.index_cast %add3A_405 : i32 to index
        %swap3A_408 = tpu.vector_load %arg9[%swap3A_406, %swap3A_407] {strides = array<i32>} : memref<40x128xf32, #tpu.memory_space<vmem>>, vector<1x16xf32>,
        %swap3A_409 = vector.shape_cast %swap3A_408 : vector<1x16xf32> to vector<16xf32>
        %swap3A_410 = vector.shape_cast %add3A_357 : vector<16xf32> to vector<1x16xf32>
        tpu.vector_store %arg9[%swap3A_406, %swap3A_407], %swap3A_410 {strides = array<i32>} : memref<40x128xf32, #tpu.memory_space<vmem>>, vector<1x16xf32>,
      }
      %scan3A_154 = arith.constant 160 : i32
      %dma_start3A_155 = arith.constant 0 : i32
      %dma_start3A_156 = tpu.memref_slice %arg4[%select_n3A_146, %dma_start3A_155] : memref<25000x128xf32, #tpu.memory_space<hbm>> -> memref<40x128xf32, #tpu.memory_space<hbm>>
      %dma_start3A_157 = arith.constant 0 : i32
      %dma_start3A_158 = tpu.memref_slice %arg4[%select_n3A_146, %dma_start3A_157] : memref<25000x128xf32, #tpu.memory_space<hbm>> -> memref<40x128xf32, #tpu.memory_space<hbm>>
      tpu.enqueue_dma source(%arg9 : memref<40x128xf32, #tpu.memory_space<vmem>>) target(%dma_start3A_158 : memref<40x128xf32, #tpu.memory_space<hbm>>) target_semaphore(%arg13 : memref<!tpu.dma_semaphore, #tpu.memory_space<semaphore_mem>>)
      %mul3A_159 = arith.constant 2 : i32
      %mul3A_160 = arith.muli %mul3A_159, %while3A_91 : i32
      %add3A_161 = arith.constant 2 : i32
      %add3A_162 = arith.addi %mul3A_160, %add3A_161 : i32
      %lt3A_163 = arith.cmpi slt, %add3A_162, %add3A_20 : i32
      %convert_element_type3A_164 = arith.extui %lt3A_163 : i1 to i32
      %cond3A_165 = arith.constant 0 : i32
      %cond3A_166 = arith.cmpi ne, %convert_element_type3A_164, %cond3A_165 : i32
      scf.if %cond3A_166 {
        %mul3A_222 = arith.constant 2 : i32
        %mul3A_223 = arith.muli %mul3A_222, %while3A_91 : i32
        %add3A_224 = arith.constant 2 : i32
        %add3A_225 = arith.addi %mul3A_223, %add3A_224 : i32
        %mul3A_226 = arith.constant 32 : i32
        %mul3A_227 = arith.muli %mul3A_226, %add3A_225 : i32
        %add3A_228 = arith.addi %add3A, %mul3A_227 : i32
        %mul3A_229 = arith.constant 160 : i32
        %mul3A_230 = arith.muli %add3A_228, %mul3A_229 : i32
        %min3A_231 = arith.constant 99840 : i32
        %min3A_232 = arith.minsi %mul3A_230, %min3A_231 : i32
        %mul3A_233 = arith.constant 10 : i32
        %mul3A_234 = arith.muli %min3A_232, %mul3A_233 : i32
        "tpu.region"() ({
          %run_scoped3A = tpu.sem_alloc : memref<!tpu.dma_semaphore, #tpu.memory_space<semaphore_mem>>
          %dma_start3A_238 = tpu.memref_slice %arg3[%mul3A_234] : memref<1000000xi32, #tpu.memory_space<hbm>> -> memref<1600xi32, #tpu.memory_space<hbm>>
          %dma_start3A_239 = tpu.memref_slice %arg3[%mul3A_234] : memref<1000000xi32, #tpu.memory_space<hbm>> -> memref<1600xi32, #tpu.memory_space<hbm>>
          tpu.enqueue_dma source(%dma_start3A_239 : memref<1600xi32, #tpu.memory_space<hbm>>) target(%arg5 : memref<1600xi32, #tpu.memory_space<vmem>>) target_semaphore(%run_scoped3A : memref<!tpu.dma_semaphore, #tpu.memory_space<semaphore_mem>>)
          %dma_wait3A_240 = tpu.memref_slice %arg3[%mul3A_234] : memref<1000000xi32, #tpu.memory_space<hbm>> -> memref<1600xi32, #tpu.memory_space<hbm>>
          %dma_wait3A_241 = tpu.memref_slice %arg3[%mul3A_234] : memref<1000000xi32, #tpu.memory_space<hbm>> -> memref<1600xi32, #tpu.memory_space<hbm>>
          tpu.wait_dma2 semaphore(%run_scoped3A : memref<!tpu.dma_semaphore, #tpu.memory_space<semaphore_mem>>) src(%dma_wait3A_241 : memref<1600xi32, #tpu.memory_space<hbm>>) dst(%arg5 : memref<1600xi32, #tpu.memory_space<vmem>>)
          tpu.yield
        }) : () -> ()
        %dma_start3A_235 = arith.constant 0 : i32
        %dma_start3A_236 = arith.constant 0 : i32
        %dma_start3A_237 = tpu.memref_slice %arg2[%dma_start3A_235, %dma_start3A_236] : memref<100000x32xf32, #tpu.memory_space<hbm>> -> memref<100000x32xf32, #tpu.memory_space<hbm>>
        tpu.enqueue_indirect_dma source(%dma_start3A_237 : memref<100000x32xf32, #tpu.memory_space<hbm>>) target(%arg7 : memref<1600x32xf32, #tpu.memory_space<vmem>>) offsets(%arg5 : memref<1600xi32, #tpu.memory_space<vmem>>) semaphore(%arg11 : memref<!tpu.dma_semaphore, #tpu.memory_space<semaphore_mem>>)
      } else {
      }
      %mul3A_167 = arith.constant 2 : i32
      %mul3A_168 = arith.muli %mul3A_167, %while3A_91 : i32
      %add3A_169 = arith.constant 1 : i32
      %add3A_170 = arith.addi %mul3A_168, %add3A_169 : i32
      %gt3A_171 = arith.constant 0 : i32
      %gt3A_172 = arith.cmpi sgt, %while3A_91, %gt3A_171 : i32
      %dma_wait3A_173 = arith.constant 0 : i32
      %dma_wait3A_174 = arith.constant 0 : i32
      %dma_wait3A_175 = tpu.memref_slice %arg2[%dma_wait3A_173, %dma_wait3A_174] : memref<100000x32xf32, #tpu.memory_space<hbm>> -> memref<100000x32xf32, #tpu.memory_space<hbm>>
      tpu.wait_indirect_dma semaphore(%arg12 : memref<!tpu.dma_semaphore, #tpu.memory_space<semaphore_mem>>) src(%dma_wait3A_175 : memref<100000x32xf32, #tpu.memory_space<hbm>>) dst(%arg8 : memref<1600x32xf32, #tpu.memory_space<vmem>>)
      %mul3A_176 = arith.constant 32 : i32
      %mul3A_177 = arith.muli %mul3A_176, %add3A_170 : i32
      %add3A_178 = arith.addi %add3A, %mul3A_177 : i32
      %mul3A_179 = arith.constant 160 : i32
      %mul3A_180 = arith.muli %add3A_178, %mul3A_179 : i32
      %min3A_181 = arith.constant 99840 : i32
      %min3A_182 = arith.minsi %mul3A_180, %min3A_181 : i32
      %mul3A_183 = arith.constant 32 : i32
      %mul3A_184 = arith.muli %min3A_182, %mul3A_183 : i32
      %jit3A_185 = arith.constant 128 : i32
      %div3A_186 = arith.divsi %mul3A_184, %jit3A_185 : i32
      %sign3A_187 = arith.constant 0 : i32
      %sign3A_188 = arith.cmpi sgt, %mul3A_184, %sign3A_187 : i32
      %sign3A_189 = arith.extui %sign3A_188 : i1 to i32
      %sign3A_190 = arith.constant 0 : i32
      %sign3A_191 = arith.cmpi slt, %mul3A_184, %sign3A_190 : i32
      %sign3A_192 = arith.extui %sign3A_191 : i1 to i32
      %sign3A_193 = arith.subi %sign3A_189, %sign3A_192 : i32
      %sign3A_194 = arith.constant 0 : i32
      %sign3A_195 = arith.cmpi sgt, %jit3A_185, %sign3A_194 : i32
      %sign3A_196 = arith.extui %sign3A_195 : i1 to i32
      %sign3A_197 = arith.constant 0 : i32
      %sign3A_198 = arith.cmpi slt, %jit3A_185, %sign3A_197 : i32
      %sign3A_199 = arith.extui %sign3A_198 : i1 to i32
      %sign3A_200 = arith.subi %sign3A_196, %sign3A_199 : i32
      %ne3A_201 = arith.cmpi ne, %sign3A_193, %sign3A_200 : i32
      %rem3A_202 = arith.remsi %mul3A_184, %jit3A_185 : i32
      %ne3A_203 = arith.constant 0 : i32
      %ne3A_204 = arith.cmpi ne, %rem3A_202, %ne3A_203 : i32
      %and3A_205 = arith.andi %ne3A_201, %ne3A_204 : i1
      %sub3A_206 = arith.constant 1 : i32
      %sub3A_207 = arith.subi %div3A_186, %sub3A_206 : i32
      %select_n3A_208 = arith.select %and3A_205, %sub3A_207, %div3A_186 : i32
      %convert_element_type3A_209 = arith.extui %gt3A_172 : i1 to i32
      %cond3A_210 = arith.constant 0 : i32
      %cond3A_211 = arith.cmpi ne, %convert_element_type3A_209, %cond3A_210 : i32
      scf.if %cond3A_211 {
        %dma_wait3A_222 = arith.constant 0 : i32
        %dma_wait3A_223 = tpu.memref_slice %arg4[%select_n3A_208, %dma_wait3A_222] : memref<25000x128xf32, #tpu.memory_space<hbm>> -> memref<40x128xf32, #tpu.memory_space<hbm>>
        %dma_wait3A_224 = arith.constant 0 : i32
        %dma_wait3A_225 = tpu.memref_slice %arg4[%select_n3A_208, %dma_wait3A_224] : memref<25000x128xf32, #tpu.memory_space<hbm>> -> memref<40x128xf32, #tpu.memory_space<hbm>>
        tpu.wait_dma2 semaphore(%arg14 : memref<!tpu.dma_semaphore, #tpu.memory_space<semaphore_mem>>) src(%arg10 : memref<40x128xf32, #tpu.memory_space<vmem>>) dst(%dma_wait3A_225 : memref<40x128xf32, #tpu.memory_space<hbm>>)
      } else {
      }
      %scan3A_212 = arith.constant 0 : i32
      %scan3A_213 = arith.constant 0 : i32
      %scan3A_214 = arith.constant 160 : i32
      %scan3A_215 = arith.addi %scan3A_213, %scan3A_214 : i32
      %scan3A_216 = arith.constant 1 : i32
      scf.for %scan3A_222 = %scan3A_213 to %scan3A_215 step %scan3A_216  : i32 {
        %mul3A_223 = arith.constant 10 : i32
        %mul3A_224 = arith.muli %scan3A_222, %mul3A_223 : i32
        %get3A = arith.index_cast %mul3A_224 : i32 to index
        %get3A_225 = arith.constant 0 : index
        %get3A_226 = tpu.vector_load %arg8[%get3A, %get3A_225] {strides = array<i32>} : memref<1600x32xf32, #tpu.memory_space<vmem>>, vector<1x16xf32>,
        %get3A_227 = vector.shape_cast %get3A_226 : vector<1x16xf32> to vector<16xf32>
        %get3A_228 = arith.index_cast %mul3A_224 : i32 to index
        %get3A_229 = arith.constant 16 : index
        %get3A_230 = tpu.vector_load %arg8[%get3A_228, %get3A_229] {strides = array<i32>} : memref<1600x32xf32, #tpu.memory_space<vmem>>, vector<1x16xf32>,
        %get3A_231 = vector.shape_cast %get3A_230 : vector<1x16xf32> to vector<16xf32>
        %add3A_232 = arith.constant 1 : i32
        %add3A_233 = arith.addi %mul3A_224, %add3A_232 : i32
        %get3A_234 = arith.index_cast %add3A_233 : i32 to index
        %get3A_235 = arith.constant 0 : index
        %get3A_236 = tpu.vector_load %arg8[%get3A_234, %get3A_235] {strides = array<i32>} : memref<1600x32xf32, #tpu.memory_space<vmem>>, vector<1x16xf32>,
        %get3A_237 = vector.shape_cast %get3A_236 : vector<1x16xf32> to vector<16xf32>
        %add3A_238 = arith.addf %get3A_227, %get3A_237 : vector<16xf32>
        %add3A_239 = arith.constant 1 : i32
        %add3A_240 = arith.addi %mul3A_224, %add3A_239 : i32
        %get3A_241 = arith.index_cast %add3A_240 : i32 to index
        %get3A_242 = arith.constant 16 : index
        %get3A_243 = tpu.vector_load %arg8[%get3A_241, %get3A_242] {strides = array<i32>} : memref<1600x32xf32, #tpu.memory_space<vmem>>, vector<1x16xf32>,
        %get3A_244 = vector.shape_cast %get3A_243 : vector<1x16xf32> to vector<16xf32>
        %add3A_245 = arith.addf %get3A_231, %get3A_244 : vector<16xf32>
        %add3A_246 = arith.constant 2 : i32
        %add3A_247 = arith.addi %mul3A_224, %add3A_246 : i32
        %get3A_248 = arith.index_cast %add3A_247 : i32 to index
        %get3A_249 = arith.constant 0 : index
        %get3A_250 = tpu.vector_load %arg8[%get3A_248, %get3A_249] {strides = array<i32>} : memref<1600x32xf32, #tpu.memory_space<vmem>>, vector<1x16xf32>,
        %get3A_251 = vector.shape_cast %get3A_250 : vector<1x16xf32> to vector<16xf32>
        %add3A_252 = arith.addf %add3A_238, %get3A_251 : vector<16xf32>
        %add3A_253 = arith.constant 2 : i32
        %add3A_254 = arith.addi %mul3A_224, %add3A_253 : i32
        %get3A_255 = arith.index_cast %add3A_254 : i32 to index
        %get3A_256 = arith.constant 16 : index
        %get3A_257 = tpu.vector_load %arg8[%get3A_255, %get3A_256] {strides = array<i32>} : memref<1600x32xf32, #tpu.memory_space<vmem>>, vector<1x16xf32>,
        %get3A_258 = vector.shape_cast %get3A_257 : vector<1x16xf32> to vector<16xf32>
        %add3A_259 = arith.addf %add3A_245, %get3A_258 : vector<16xf32>
        %add3A_260 = arith.constant 3 : i32
        %add3A_261 = arith.addi %mul3A_224, %add3A_260 : i32
        %get3A_262 = arith.index_cast %add3A_261 : i32 to index
        %get3A_263 = arith.constant 0 : index
        %get3A_264 = tpu.vector_load %arg8[%get3A_262, %get3A_263] {strides = array<i32>} : memref<1600x32xf32, #tpu.memory_space<vmem>>, vector<1x16xf32>,
        %get3A_265 = vector.shape_cast %get3A_264 : vector<1x16xf32> to vector<16xf32>
        %add3A_266 = arith.addf %add3A_252, %get3A_265 : vector<16xf32>
        %add3A_267 = arith.constant 3 : i32
        %add3A_268 = arith.addi %mul3A_224, %add3A_267 : i32
        %get3A_269 = arith.index_cast %add3A_268 : i32 to index
        %get3A_270 = arith.constant 16 : index
        %get3A_271 = tpu.vector_load %arg8[%get3A_269, %get3A_270] {strides = array<i32>} : memref<1600x32xf32, #tpu.memory_space<vmem>>, vector<1x16xf32>,
        %get3A_272 = vector.shape_cast %get3A_271 : vector<1x16xf32> to vector<16xf32>
        %add3A_273 = arith.addf %add3A_259, %get3A_272 : vector<16xf32>
        %add3A_274 = arith.constant 4 : i32
        %add3A_275 = arith.addi %mul3A_224, %add3A_274 : i32
        %get3A_276 = arith.index_cast %add3A_275 : i32 to index
        %get3A_277 = arith.constant 0 : index
        %get3A_278 = tpu.vector_load %arg8[%get3A_276, %get3A_277] {strides = array<i32>} : memref<1600x32xf32, #tpu.memory_space<vmem>>, vector<1x16xf32>,
        %get3A_279 = vector.shape_cast %get3A_278 : vector<1x16xf32> to vector<16xf32>
        %add3A_280 = arith.addf %add3A_266, %get3A_279 : vector<16xf32>
        %add3A_281 = arith.constant 4 : i32
        %add3A_282 = arith.addi %mul3A_224, %add3A_281 : i32
        %get3A_283 = arith.index_cast %add3A_282 : i32 to index
        %get3A_284 = arith.constant 16 : index
        %get3A_285 = tpu.vector_load %arg8[%get3A_283, %get3A_284] {strides = array<i32>} : memref<1600x32xf32, #tpu.memory_space<vmem>>, vector<1x16xf32>,
        %get3A_286 = vector.shape_cast %get3A_285 : vector<1x16xf32> to vector<16xf32>
        %add3A_287 = arith.addf %add3A_273, %get3A_286 : vector<16xf32>
        %add3A_288 = arith.constant 5 : i32
        %add3A_289 = arith.addi %mul3A_224, %add3A_288 : i32
        %get3A_290 = arith.index_cast %add3A_289 : i32 to index
        %get3A_291 = arith.constant 0 : index
        %get3A_292 = tpu.vector_load %arg8[%get3A_290, %get3A_291] {strides = array<i32>} : memref<1600x32xf32, #tpu.memory_space<vmem>>, vector<1x16xf32>,
        %get3A_293 = vector.shape_cast %get3A_292 : vector<1x16xf32> to vector<16xf32>
        %add3A_294 = arith.addf %add3A_280, %get3A_293 : vector<16xf32>
        %add3A_295 = arith.constant 5 : i32
        %add3A_296 = arith.addi %mul3A_224, %add3A_295 : i32
        %get3A_297 = arith.index_cast %add3A_296 : i32 to index
        %get3A_298 = arith.constant 16 : index
        %get3A_299 = tpu.vector_load %arg8[%get3A_297, %get3A_298] {strides = array<i32>} : memref<1600x32xf32, #tpu.memory_space<vmem>>, vector<1x16xf32>,
        %get3A_300 = vector.shape_cast %get3A_299 : vector<1x16xf32> to vector<16xf32>
        %add3A_301 = arith.addf %add3A_287, %get3A_300 : vector<16xf32>
        %add3A_302 = arith.constant 6 : i32
        %add3A_303 = arith.addi %mul3A_224, %add3A_302 : i32
        %get3A_304 = arith.index_cast %add3A_303 : i32 to index
        %get3A_305 = arith.constant 0 : index
        %get3A_306 = tpu.vector_load %arg8[%get3A_304, %get3A_305] {strides = array<i32>} : memref<1600x32xf32, #tpu.memory_space<vmem>>, vector<1x16xf32>,
        %get3A_307 = vector.shape_cast %get3A_306 : vector<1x16xf32> to vector<16xf32>
        %add3A_308 = arith.addf %add3A_294, %get3A_307 : vector<16xf32>
        %add3A_309 = arith.constant 6 : i32
        %add3A_310 = arith.addi %mul3A_224, %add3A_309 : i32
        %get3A_311 = arith.index_cast %add3A_310 : i32 to index
        %get3A_312 = arith.constant 16 : index
        %get3A_313 = tpu.vector_load %arg8[%get3A_311, %get3A_312] {strides = array<i32>} : memref<1600x32xf32, #tpu.memory_space<vmem>>, vector<1x16xf32>,
        %get3A_314 = vector.shape_cast %get3A_313 : vector<1x16xf32> to vector<16xf32>
        %add3A_315 = arith.addf %add3A_301, %get3A_314 : vector<16xf32>
        %add3A_316 = arith.constant 7 : i32
        %add3A_317 = arith.addi %mul3A_224, %add3A_316 : i32
        %get3A_318 = arith.index_cast %add3A_317 : i32 to index
        %get3A_319 = arith.constant 0 : index
        %get3A_320 = tpu.vector_load %arg8[%get3A_318, %get3A_319] {strides = array<i32>} : memref<1600x32xf32, #tpu.memory_space<vmem>>, vector<1x16xf32>,
        %get3A_321 = vector.shape_cast %get3A_320 : vector<1x16xf32> to vector<16xf32>
        %add3A_322 = arith.addf %add3A_308, %get3A_321 : vector<16xf32>
        %add3A_323 = arith.constant 7 : i32
        %add3A_324 = arith.addi %mul3A_224, %add3A_323 : i32
        %get3A_325 = arith.index_cast %add3A_324 : i32 to index
        %get3A_326 = arith.constant 16 : index
        %get3A_327 = tpu.vector_load %arg8[%get3A_325, %get3A_326] {strides = array<i32>} : memref<1600x32xf32, #tpu.memory_space<vmem>>, vector<1x16xf32>,
        %get3A_328 = vector.shape_cast %get3A_327 : vector<1x16xf32> to vector<16xf32>
        %add3A_329 = arith.addf %add3A_315, %get3A_328 : vector<16xf32>
        %add3A_330 = arith.constant 8 : i32
        %add3A_331 = arith.addi %mul3A_224, %add3A_330 : i32
        %get3A_332 = arith.index_cast %add3A_331 : i32 to index
        %get3A_333 = arith.constant 0 : index
        %get3A_334 = tpu.vector_load %arg8[%get3A_332, %get3A_333] {strides = array<i32>} : memref<1600x32xf32, #tpu.memory_space<vmem>>, vector<1x16xf32>,
        %get3A_335 = vector.shape_cast %get3A_334 : vector<1x16xf32> to vector<16xf32>
        %add3A_336 = arith.addf %add3A_322, %get3A_335 : vector<16xf32>
        %add3A_337 = arith.constant 8 : i32
        %add3A_338 = arith.addi %mul3A_224, %add3A_337 : i32
        %get3A_339 = arith.index_cast %add3A_338 : i32 to index
        %get3A_340 = arith.constant 16 : index
        %get3A_341 = tpu.vector_load %arg8[%get3A_339, %get3A_340] {strides = array<i32>} : memref<1600x32xf32, #tpu.memory_space<vmem>>, vector<1x16xf32>,
        %get3A_342 = vector.shape_cast %get3A_341 : vector<1x16xf32> to vector<16xf32>
        %add3A_343 = arith.addf %add3A_329, %get3A_342 : vector<16xf32>
        %add3A_344 = arith.constant 9 : i32
        %add3A_345 = arith.addi %mul3A_224, %add3A_344 : i32
        %get3A_346 = arith.index_cast %add3A_345 : i32 to index
        %get3A_347 = arith.constant 0 : index
        %get3A_348 = tpu.vector_load %arg8[%get3A_346, %get3A_347] {strides = array<i32>} : memref<1600x32xf32, #tpu.memory_space<vmem>>, vector<1x16xf32>,
        %get3A_349 = vector.shape_cast %get3A_348 : vector<1x16xf32> to vector<16xf32>
        %add3A_350 = arith.addf %add3A_336, %get3A_349 : vector<16xf32>
        %add3A_351 = arith.constant 9 : i32
        %add3A_352 = arith.addi %mul3A_224, %add3A_351 : i32
        %get3A_353 = arith.index_cast %add3A_352 : i32 to index
        %get3A_354 = arith.constant 16 : index
        %get3A_355 = tpu.vector_load %arg8[%get3A_353, %get3A_354] {strides = array<i32>} : memref<1600x32xf32, #tpu.memory_space<vmem>>, vector<1x16xf32>,
        %get3A_356 = vector.shape_cast %get3A_355 : vector<1x16xf32> to vector<16xf32>
        %add3A_357 = arith.addf %add3A_343, %get3A_356 : vector<16xf32>
        %jit3A_358 = arith.constant 4 : i32
        %div3A_359 = arith.divsi %scan3A_222, %jit3A_358 : i32
        %sign3A_360 = arith.constant 0 : i32
        %sign3A_361 = arith.cmpi sgt, %scan3A_222, %sign3A_360 : i32
        %sign3A_362 = arith.extui %sign3A_361 : i1 to i32
        %sign3A_363 = arith.constant 0 : i32
        %sign3A_364 = arith.cmpi slt, %scan3A_222, %sign3A_363 : i32
        %sign3A_365 = arith.extui %sign3A_364 : i1 to i32
        %sign3A_366 = arith.subi %sign3A_362, %sign3A_365 : i32
        %sign3A_367 = arith.constant 0 : i32
        %sign3A_368 = arith.cmpi sgt, %jit3A_358, %sign3A_367 : i32
        %sign3A_369 = arith.extui %sign3A_368 : i1 to i32
        %sign3A_370 = arith.constant 0 : i32
        %sign3A_371 = arith.cmpi slt, %jit3A_358, %sign3A_370 : i32
        %sign3A_372 = arith.extui %sign3A_371 : i1 to i32
        %sign3A_373 = arith.subi %sign3A_369, %sign3A_372 : i32
        %ne3A_374 = arith.cmpi ne, %sign3A_366, %sign3A_373 : i32
        %rem3A_375 = arith.remsi %scan3A_222, %jit3A_358 : i32
        %ne3A_376 = arith.constant 0 : i32
        %ne3A_377 = arith.cmpi ne, %rem3A_375, %ne3A_376 : i32
        %and3A_378 = arith.andi %ne3A_374, %ne3A_377 : i1
        %sub3A_379 = arith.constant 1 : i32
        %sub3A_380 = arith.subi %div3A_359, %sub3A_379 : i32
        %select_n3A_381 = arith.select %and3A_378, %sub3A_380, %div3A_359 : i32
        %jit3A_382 = arith.constant 4 : i32
        %eq3A_383 = arith.constant 0 : i32
        %eq3A_384 = arith.cmpi eq, %jit3A_382, %eq3A_383 : i32
        %jit3A_385 = arith.constant 1 : i32
        %select_n3A_386 = arith.select %eq3A_384, %jit3A_385, %jit3A_382 : i32
        %rem3A_387 = arith.remsi %scan3A_222, %select_n3A_386 : i32
        %ne3A_388 = arith.constant 0 : i32
        %ne3A_389 = arith.cmpi ne, %rem3A_387, %ne3A_388 : i32
        %lt3A_390 = arith.constant 0 : i32
        %lt3A_391 = arith.cmpi slt, %rem3A_387, %lt3A_390 : i32
        %lt3A_392 = arith.constant 0 : i32
        %lt3A_393 = arith.cmpi slt, %select_n3A_386, %lt3A_392 : i32
        %ne3A_394 = arith.xori %lt3A_391, %lt3A_393 : i1
        %and3A_395 = arith.andi %ne3A_394, %ne3A_389 : i1
        %add3A_396 = arith.addi %rem3A_387, %select_n3A_386 : i32
        %select_n3A_397 = arith.select %and3A_395, %add3A_396, %rem3A_387 : i32
        %mul3A_398 = arith.constant 32 : i32
        %mul3A_399 = arith.muli %select_n3A_397, %mul3A_398 : i32
        %swap3A = arith.index_cast %select_n3A_381 : i32 to index
        %swap3A_400 = arith.index_cast %mul3A_399 : i32 to index
        %swap3A_401 = tpu.vector_load %arg10[%swap3A, %swap3A_400] {strides = array<i32>} : memref<40x128xf32, #tpu.memory_space<vmem>>, vector<1x16xf32>,
        %swap3A_402 = vector.shape_cast %swap3A_401 : vector<1x16xf32> to vector<16xf32>
        %swap3A_403 = vector.shape_cast %add3A_350 : vector<16xf32> to vector<1x16xf32>
        tpu.vector_store %arg10[%swap3A, %swap3A_400], %swap3A_403 {strides = array<i32>} : memref<40x128xf32, #tpu.memory_space<vmem>>, vector<1x16xf32>,
        %add3A_404 = arith.constant 16 : i32
        %add3A_405 = arith.addi %mul3A_399, %add3A_404 : i32
        %swap3A_406 = arith.index_cast %select_n3A_381 : i32 to index
        %swap3A_407 = arith.index_cast %add3A_405 : i32 to index
        %swap3A_408 = tpu.vector_load %arg10[%swap3A_406, %swap3A_407] {strides = array<i32>} : memref<40x128xf32, #tpu.memory_space<vmem>>, vector<1x16xf32>,
        %swap3A_409 = vector.shape_cast %swap3A_408 : vector<1x16xf32> to vector<16xf32>
        %swap3A_410 = vector.shape_cast %add3A_357 : vector<16xf32> to vector<1x16xf32>
        tpu.vector_store %arg10[%swap3A_406, %swap3A_407], %swap3A_410 {strides = array<i32>} : memref<40x128xf32, #tpu.memory_space<vmem>>, vector<1x16xf32>,
      }
      %scan3A_217 = arith.constant 160 : i32
      %dma_start3A_218 = arith.constant 0 : i32
      %dma_start3A_219 = tpu.memref_slice %arg4[%select_n3A_208, %dma_start3A_218] : memref<25000x128xf32, #tpu.memory_space<hbm>> -> memref<40x128xf32, #tpu.memory_space<hbm>>
      %dma_start3A_220 = arith.constant 0 : i32
      %dma_start3A_221 = tpu.memref_slice %arg4[%select_n3A_208, %dma_start3A_220] : memref<25000x128xf32, #tpu.memory_space<hbm>> -> memref<40x128xf32, #tpu.memory_space<hbm>>
      tpu.enqueue_dma source(%arg10 : memref<40x128xf32, #tpu.memory_space<vmem>>) target(%dma_start3A_221 : memref<40x128xf32, #tpu.memory_space<hbm>>) target_semaphore(%arg14 : memref<!tpu.dma_semaphore, #tpu.memory_space<semaphore_mem>>)
    }
    %jit3A_63 = arith.constant 2 : i32
    %eq3A = arith.constant 0 : i32
    %eq3A_64 = arith.cmpi eq, %jit3A_63, %eq3A : i32
    %jit3A_65 = arith.constant 1 : i32
    %select_n3A_66 = arith.select %eq3A_64, %jit3A_65, %jit3A_63 : i32
    %rem3A_67 = arith.remsi %add3A_20, %select_n3A_66 : i32
    %ne3A_68 = arith.constant 0 : i32
    %ne3A_69 = arith.cmpi ne, %rem3A_67, %ne3A_68 : i32
    %lt3A = arith.constant 0 : i32
    %lt3A_70 = arith.cmpi slt, %rem3A_67, %lt3A : i32
    %lt3A_71 = arith.constant 0 : i32
    %lt3A_72 = arith.cmpi slt, %select_n3A_66, %lt3A_71 : i32
    %ne3A_73 = arith.xori %lt3A_70, %lt3A_72 : i1
    %and3A_74 = arith.andi %ne3A_73, %ne3A_69 : i1
    %add3A_75 = arith.addi %rem3A_67, %select_n3A_66 : i32
    %select_n3A_76 = arith.select %and3A_74, %add3A_75, %rem3A_67 : i32
    %eq3A_77 = arith.constant 1 : i32
    %eq3A_78 = arith.cmpi eq, %select_n3A_76, %eq3A_77 : i32
    %convert_element_type3A = arith.extui %eq3A_78 : i1 to i32
    %cond3A = arith.constant 0 : i32
    %cond3A_79 = arith.cmpi ne, %convert_element_type3A, %cond3A : i32
    scf.if %cond3A_79 {
      %sub3A_91 = arith.constant 1 : i32
      %sub3A_92 = arith.subi %add3A_20, %sub3A_91 : i32
      %gt3A = arith.constant 0 : i32
      %gt3A_93 = arith.cmpi sgt, %select_n3A_44, %gt3A : i32
      %dma_wait3A_94 = arith.constant 0 : i32
      %dma_wait3A_95 = arith.constant 0 : i32
      %dma_wait3A_96 = tpu.memref_slice %arg2[%dma_wait3A_94, %dma_wait3A_95] : memref<100000x32xf32, #tpu.memory_space<hbm>> -> memref<100000x32xf32, #tpu.memory_space<hbm>>
      tpu.wait_indirect_dma semaphore(%arg11 : memref<!tpu.dma_semaphore, #tpu.memory_space<semaphore_mem>>) src(%dma_wait3A_96 : memref<100000x32xf32, #tpu.memory_space<hbm>>) dst(%arg7 : memref<1600x32xf32, #tpu.memory_space<vmem>>)
      %mul3A_97 = arith.constant 32 : i32
      %mul3A_98 = arith.muli %mul3A_97, %sub3A_92 : i32
      %add3A_99 = arith.addi %add3A, %mul3A_98 : i32
      %mul3A_100 = arith.constant 160 : i32
      %mul3A_101 = arith.muli %add3A_99, %mul3A_100 : i32
      %min3A_102 = arith.constant 99840 : i32
      %min3A_103 = arith.minsi %mul3A_101, %min3A_102 : i32
      %mul3A_104 = arith.constant 32 : i32
      %mul3A_105 = arith.muli %min3A_103, %mul3A_104 : i32
      %jit3A_106 = arith.constant 128 : i32
      %div3A_107 = arith.divsi %mul3A_105, %jit3A_106 : i32
      %sign3A_108 = arith.constant 0 : i32
      %sign3A_109 = arith.cmpi sgt, %mul3A_105, %sign3A_108 : i32
      %sign3A_110 = arith.extui %sign3A_109 : i1 to i32
      %sign3A_111 = arith.constant 0 : i32
      %sign3A_112 = arith.cmpi slt, %mul3A_105, %sign3A_111 : i32
      %sign3A_113 = arith.extui %sign3A_112 : i1 to i32
      %sign3A_114 = arith.subi %sign3A_110, %sign3A_113 : i32
      %sign3A_115 = arith.constant 0 : i32
      %sign3A_116 = arith.cmpi sgt, %jit3A_106, %sign3A_115 : i32
      %sign3A_117 = arith.extui %sign3A_116 : i1 to i32
      %sign3A_118 = arith.constant 0 : i32
      %sign3A_119 = arith.cmpi slt, %jit3A_106, %sign3A_118 : i32
      %sign3A_120 = arith.extui %sign3A_119 : i1 to i32
      %sign3A_121 = arith.subi %sign3A_117, %sign3A_120 : i32
      %ne3A_122 = arith.cmpi ne, %sign3A_114, %sign3A_121 : i32
      %rem3A_123 = arith.remsi %mul3A_105, %jit3A_106 : i32
      %ne3A_124 = arith.constant 0 : i32
      %ne3A_125 = arith.cmpi ne, %rem3A_123, %ne3A_124 : i32
      %and3A_126 = arith.andi %ne3A_122, %ne3A_125 : i1
      %sub3A_127 = arith.constant 1 : i32
      %sub3A_128 = arith.subi %div3A_107, %sub3A_127 : i32
      %select_n3A_129 = arith.select %and3A_126, %sub3A_128, %div3A_107 : i32
      %convert_element_type3A_130 = arith.extui %gt3A_93 : i1 to i32
      %cond3A_131 = arith.constant 0 : i32
      %cond3A_132 = arith.cmpi ne, %convert_element_type3A_130, %cond3A_131 : i32
      scf.if %cond3A_132 {
        %dma_wait3A_142 = arith.constant 0 : i32
        %dma_wait3A_143 = tpu.memref_slice %arg4[%select_n3A_129, %dma_wait3A_142] : memref<25000x128xf32, #tpu.memory_space<hbm>> -> memref<40x128xf32, #tpu.memory_space<hbm>>
        %dma_wait3A_144 = arith.constant 0 : i32
        %dma_wait3A_145 = tpu.memref_slice %arg4[%select_n3A_129, %dma_wait3A_144] : memref<25000x128xf32, #tpu.memory_space<hbm>> -> memref<40x128xf32, #tpu.memory_space<hbm>>
        tpu.wait_dma2 semaphore(%arg13 : memref<!tpu.dma_semaphore, #tpu.memory_space<semaphore_mem>>) src(%arg9 : memref<40x128xf32, #tpu.memory_space<vmem>>) dst(%dma_wait3A_145 : memref<40x128xf32, #tpu.memory_space<hbm>>)
      } else {
      }
      %scan3A = arith.constant 0 : i32
      %scan3A_133 = arith.constant 0 : i32
      %scan3A_134 = arith.constant 160 : i32
      %scan3A_135 = arith.addi %scan3A_133, %scan3A_134 : i32
      %scan3A_136 = arith.constant 1 : i32
      scf.for %scan3A_142 = %scan3A_133 to %scan3A_135 step %scan3A_136  : i32 {
        %mul3A_143 = arith.constant 10 : i32
        %mul3A_144 = arith.muli %scan3A_142, %mul3A_143 : i32
        %get3A = arith.index_cast %mul3A_144 : i32 to index
        %get3A_145 = arith.constant 0 : index
        %get3A_146 = tpu.vector_load %arg7[%get3A, %get3A_145] {strides = array<i32>} : memref<1600x32xf32, #tpu.memory_space<vmem>>, vector<1x16xf32>,
        %get3A_147 = vector.shape_cast %get3A_146 : vector<1x16xf32> to vector<16xf32>
        %get3A_148 = arith.index_cast %mul3A_144 : i32 to index
        %get3A_149 = arith.constant 16 : index
        %get3A_150 = tpu.vector_load %arg7[%get3A_148, %get3A_149] {strides = array<i32>} : memref<1600x32xf32, #tpu.memory_space<vmem>>, vector<1x16xf32>,
        %get3A_151 = vector.shape_cast %get3A_150 : vector<1x16xf32> to vector<16xf32>
        %add3A_152 = arith.constant 1 : i32
        %add3A_153 = arith.addi %mul3A_144, %add3A_152 : i32
        %get3A_154 = arith.index_cast %add3A_153 : i32 to index
        %get3A_155 = arith.constant 0 : index
        %get3A_156 = tpu.vector_load %arg7[%get3A_154, %get3A_155] {strides = array<i32>} : memref<1600x32xf32, #tpu.memory_space<vmem>>, vector<1x16xf32>,
        %get3A_157 = vector.shape_cast %get3A_156 : vector<1x16xf32> to vector<16xf32>
        %add3A_158 = arith.addf %get3A_147, %get3A_157 : vector<16xf32>
        %add3A_159 = arith.constant 1 : i32
        %add3A_160 = arith.addi %mul3A_144, %add3A_159 : i32
        %get3A_161 = arith.index_cast %add3A_160 : i32 to index
        %get3A_162 = arith.constant 16 : index
        %get3A_163 = tpu.vector_load %arg7[%get3A_161, %get3A_162] {strides = array<i32>} : memref<1600x32xf32, #tpu.memory_space<vmem>>, vector<1x16xf32>,
        %get3A_164 = vector.shape_cast %get3A_163 : vector<1x16xf32> to vector<16xf32>
        %add3A_165 = arith.addf %get3A_151, %get3A_164 : vector<16xf32>
        %add3A_166 = arith.constant 2 : i32
        %add3A_167 = arith.addi %mul3A_144, %add3A_166 : i32
        %get3A_168 = arith.index_cast %add3A_167 : i32 to index
        %get3A_169 = arith.constant 0 : index
        %get3A_170 = tpu.vector_load %arg7[%get3A_168, %get3A_169] {strides = array<i32>} : memref<1600x32xf32, #tpu.memory_space<vmem>>, vector<1x16xf32>,
        %get3A_171 = vector.shape_cast %get3A_170 : vector<1x16xf32> to vector<16xf32>
        %add3A_172 = arith.addf %add3A_158, %get3A_171 : vector<16xf32>
        %add3A_173 = arith.constant 2 : i32
        %add3A_174 = arith.addi %mul3A_144, %add3A_173 : i32
        %get3A_175 = arith.index_cast %add3A_174 : i32 to index
        %get3A_176 = arith.constant 16 : index
        %get3A_177 = tpu.vector_load %arg7[%get3A_175, %get3A_176] {strides = array<i32>} : memref<1600x32xf32, #tpu.memory_space<vmem>>, vector<1x16xf32>,
        %get3A_178 = vector.shape_cast %get3A_177 : vector<1x16xf32> to vector<16xf32>
        %add3A_179 = arith.addf %add3A_165, %get3A_178 : vector<16xf32>
        %add3A_180 = arith.constant 3 : i32
        %add3A_181 = arith.addi %mul3A_144, %add3A_180 : i32
        %get3A_182 = arith.index_cast %add3A_181 : i32 to index
        %get3A_183 = arith.constant 0 : index
        %get3A_184 = tpu.vector_load %arg7[%get3A_182, %get3A_183] {strides = array<i32>} : memref<1600x32xf32, #tpu.memory_space<vmem>>, vector<1x16xf32>,
        %get3A_185 = vector.shape_cast %get3A_184 : vector<1x16xf32> to vector<16xf32>
        %add3A_186 = arith.addf %add3A_172, %get3A_185 : vector<16xf32>
        %add3A_187 = arith.constant 3 : i32
        %add3A_188 = arith.addi %mul3A_144, %add3A_187 : i32
        %get3A_189 = arith.index_cast %add3A_188 : i32 to index
        %get3A_190 = arith.constant 16 : index
        %get3A_191 = tpu.vector_load %arg7[%get3A_189, %get3A_190] {strides = array<i32>} : memref<1600x32xf32, #tpu.memory_space<vmem>>, vector<1x16xf32>,
        %get3A_192 = vector.shape_cast %get3A_191 : vector<1x16xf32> to vector<16xf32>
        %add3A_193 = arith.addf %add3A_179, %get3A_192 : vector<16xf32>
        %add3A_194 = arith.constant 4 : i32
        %add3A_195 = arith.addi %mul3A_144, %add3A_194 : i32
        %get3A_196 = arith.index_cast %add3A_195 : i32 to index
        %get3A_197 = arith.constant 0 : index
        %get3A_198 = tpu.vector_load %arg7[%get3A_196, %get3A_197] {strides = array<i32>} : memref<1600x32xf32, #tpu.memory_space<vmem>>, vector<1x16xf32>,
        %get3A_199 = vector.shape_cast %get3A_198 : vector<1x16xf32> to vector<16xf32>
        %add3A_200 = arith.addf %add3A_186, %get3A_199 : vector<16xf32>
        %add3A_201 = arith.constant 4 : i32
        %add3A_202 = arith.addi %mul3A_144, %add3A_201 : i32
        %get3A_203 = arith.index_cast %add3A_202 : i32 to index
        %get3A_204 = arith.constant 16 : index
        %get3A_205 = tpu.vector_load %arg7[%get3A_203, %get3A_204] {strides = array<i32>} : memref<1600x32xf32, #tpu.memory_space<vmem>>, vector<1x16xf32>,
        %get3A_206 = vector.shape_cast %get3A_205 : vector<1x16xf32> to vector<16xf32>
        %add3A_207 = arith.addf %add3A_193, %get3A_206 : vector<16xf32>
        %add3A_208 = arith.constant 5 : i32
        %add3A_209 = arith.addi %mul3A_144, %add3A_208 : i32
        %get3A_210 = arith.index_cast %add3A_209 : i32 to index
        %get3A_211 = arith.constant 0 : index
        %get3A_212 = tpu.vector_load %arg7[%get3A_210, %get3A_211] {strides = array<i32>} : memref<1600x32xf32, #tpu.memory_space<vmem>>, vector<1x16xf32>,
        %get3A_213 = vector.shape_cast %get3A_212 : vector<1x16xf32> to vector<16xf32>
        %add3A_214 = arith.addf %add3A_200, %get3A_213 : vector<16xf32>
        %add3A_215 = arith.constant 5 : i32
        %add3A_216 = arith.addi %mul3A_144, %add3A_215 : i32
        %get3A_217 = arith.index_cast %add3A_216 : i32 to index
        %get3A_218 = arith.constant 16 : index
        %get3A_219 = tpu.vector_load %arg7[%get3A_217, %get3A_218] {strides = array<i32>} : memref<1600x32xf32, #tpu.memory_space<vmem>>, vector<1x16xf32>,
        %get3A_220 = vector.shape_cast %get3A_219 : vector<1x16xf32> to vector<16xf32>
        %add3A_221 = arith.addf %add3A_207, %get3A_220 : vector<16xf32>
        %add3A_222 = arith.constant 6 : i32
        %add3A_223 = arith.addi %mul3A_144, %add3A_222 : i32
        %get3A_224 = arith.index_cast %add3A_223 : i32 to index
        %get3A_225 = arith.constant 0 : index
        %get3A_226 = tpu.vector_load %arg7[%get3A_224, %get3A_225] {strides = array<i32>} : memref<1600x32xf32, #tpu.memory_space<vmem>>, vector<1x16xf32>,
        %get3A_227 = vector.shape_cast %get3A_226 : vector<1x16xf32> to vector<16xf32>
        %add3A_228 = arith.addf %add3A_214, %get3A_227 : vector<16xf32>
        %add3A_229 = arith.constant 6 : i32
        %add3A_230 = arith.addi %mul3A_144, %add3A_229 : i32
        %get3A_231 = arith.index_cast %add3A_230 : i32 to index
        %get3A_232 = arith.constant 16 : index
        %get3A_233 = tpu.vector_load %arg7[%get3A_231, %get3A_232] {strides = array<i32>} : memref<1600x32xf32, #tpu.memory_space<vmem>>, vector<1x16xf32>,
        %get3A_234 = vector.shape_cast %get3A_233 : vector<1x16xf32> to vector<16xf32>
        %add3A_235 = arith.addf %add3A_221, %get3A_234 : vector<16xf32>
        %add3A_236 = arith.constant 7 : i32
        %add3A_237 = arith.addi %mul3A_144, %add3A_236 : i32
        %get3A_238 = arith.index_cast %add3A_237 : i32 to index
        %get3A_239 = arith.constant 0 : index
        %get3A_240 = tpu.vector_load %arg7[%get3A_238, %get3A_239] {strides = array<i32>} : memref<1600x32xf32, #tpu.memory_space<vmem>>, vector<1x16xf32>,
        %get3A_241 = vector.shape_cast %get3A_240 : vector<1x16xf32> to vector<16xf32>
        %add3A_242 = arith.addf %add3A_228, %get3A_241 : vector<16xf32>
        %add3A_243 = arith.constant 7 : i32
        %add3A_244 = arith.addi %mul3A_144, %add3A_243 : i32
        %get3A_245 = arith.index_cast %add3A_244 : i32 to index
        %get3A_246 = arith.constant 16 : index
        %get3A_247 = tpu.vector_load %arg7[%get3A_245, %get3A_246] {strides = array<i32>} : memref<1600x32xf32, #tpu.memory_space<vmem>>, vector<1x16xf32>,
        %get3A_248 = vector.shape_cast %get3A_247 : vector<1x16xf32> to vector<16xf32>
        %add3A_249 = arith.addf %add3A_235, %get3A_248 : vector<16xf32>
        %add3A_250 = arith.constant 8 : i32
        %add3A_251 = arith.addi %mul3A_144, %add3A_250 : i32
        %get3A_252 = arith.index_cast %add3A_251 : i32 to index
        %get3A_253 = arith.constant 0 : index
        %get3A_254 = tpu.vector_load %arg7[%get3A_252, %get3A_253] {strides = array<i32>} : memref<1600x32xf32, #tpu.memory_space<vmem>>, vector<1x16xf32>,
        %get3A_255 = vector.shape_cast %get3A_254 : vector<1x16xf32> to vector<16xf32>
        %add3A_256 = arith.addf %add3A_242, %get3A_255 : vector<16xf32>
        %add3A_257 = arith.constant 8 : i32
        %add3A_258 = arith.addi %mul3A_144, %add3A_257 : i32
        %get3A_259 = arith.index_cast %add3A_258 : i32 to index
        %get3A_260 = arith.constant 16 : index
        %get3A_261 = tpu.vector_load %arg7[%get3A_259, %get3A_260] {strides = array<i32>} : memref<1600x32xf32, #tpu.memory_space<vmem>>, vector<1x16xf32>,
        %get3A_262 = vector.shape_cast %get3A_261 : vector<1x16xf32> to vector<16xf32>
        %add3A_263 = arith.addf %add3A_249, %get3A_262 : vector<16xf32>
        %add3A_264 = arith.constant 9 : i32
        %add3A_265 = arith.addi %mul3A_144, %add3A_264 : i32
        %get3A_266 = arith.index_cast %add3A_265 : i32 to index
        %get3A_267 = arith.constant 0 : index
        %get3A_268 = tpu.vector_load %arg7[%get3A_266, %get3A_267] {strides = array<i32>} : memref<1600x32xf32, #tpu.memory_space<vmem>>, vector<1x16xf32>,
        %get3A_269 = vector.shape_cast %get3A_268 : vector<1x16xf32> to vector<16xf32>
        %add3A_270 = arith.addf %add3A_256, %get3A_269 : vector<16xf32>
        %add3A_271 = arith.constant 9 : i32
        %add3A_272 = arith.addi %mul3A_144, %add3A_271 : i32
        %get3A_273 = arith.index_cast %add3A_272 : i32 to index
        %get3A_274 = arith.constant 16 : index
        %get3A_275 = tpu.vector_load %arg7[%get3A_273, %get3A_274] {strides = array<i32>} : memref<1600x32xf32, #tpu.memory_space<vmem>>, vector<1x16xf32>,
        %get3A_276 = vector.shape_cast %get3A_275 : vector<1x16xf32> to vector<16xf32>
        %add3A_277 = arith.addf %add3A_263, %get3A_276 : vector<16xf32>
        %jit3A_278 = arith.constant 4 : i32
        %div3A_279 = arith.divsi %scan3A_142, %jit3A_278 : i32
        %sign3A_280 = arith.constant 0 : i32
        %sign3A_281 = arith.cmpi sgt, %scan3A_142, %sign3A_280 : i32
        %sign3A_282 = arith.extui %sign3A_281 : i1 to i32
        %sign3A_283 = arith.constant 0 : i32
        %sign3A_284 = arith.cmpi slt, %scan3A_142, %sign3A_283 : i32
        %sign3A_285 = arith.extui %sign3A_284 : i1 to i32
        %sign3A_286 = arith.subi %sign3A_282, %sign3A_285 : i32
        %sign3A_287 = arith.constant 0 : i32
        %sign3A_288 = arith.cmpi sgt, %jit3A_278, %sign3A_287 : i32
        %sign3A_289 = arith.extui %sign3A_288 : i1 to i32
        %sign3A_290 = arith.constant 0 : i32
        %sign3A_291 = arith.cmpi slt, %jit3A_278, %sign3A_290 : i32
        %sign3A_292 = arith.extui %sign3A_291 : i1 to i32
        %sign3A_293 = arith.subi %sign3A_289, %sign3A_292 : i32
        %ne3A_294 = arith.cmpi ne, %sign3A_286, %sign3A_293 : i32
        %rem3A_295 = arith.remsi %scan3A_142, %jit3A_278 : i32
        %ne3A_296 = arith.constant 0 : i32
        %ne3A_297 = arith.cmpi ne, %rem3A_295, %ne3A_296 : i32
        %and3A_298 = arith.andi %ne3A_294, %ne3A_297 : i1
        %sub3A_299 = arith.constant 1 : i32
        %sub3A_300 = arith.subi %div3A_279, %sub3A_299 : i32
        %select_n3A_301 = arith.select %and3A_298, %sub3A_300, %div3A_279 : i32
        %jit3A_302 = arith.constant 4 : i32
        %eq3A_303 = arith.constant 0 : i32
        %eq3A_304 = arith.cmpi eq, %jit3A_302, %eq3A_303 : i32
        %jit3A_305 = arith.constant 1 : i32
        %select_n3A_306 = arith.select %eq3A_304, %jit3A_305, %jit3A_302 : i32
        %rem3A_307 = arith.remsi %scan3A_142, %select_n3A_306 : i32
        %ne3A_308 = arith.constant 0 : i32
        %ne3A_309 = arith.cmpi ne, %rem3A_307, %ne3A_308 : i32
        %lt3A_310 = arith.constant 0 : i32
        %lt3A_311 = arith.cmpi slt, %rem3A_307, %lt3A_310 : i32
        %lt3A_312 = arith.constant 0 : i32
        %lt3A_313 = arith.cmpi slt, %select_n3A_306, %lt3A_312 : i32
        %ne3A_314 = arith.xori %lt3A_311, %lt3A_313 : i1
        %and3A_315 = arith.andi %ne3A_314, %ne3A_309 : i1
        %add3A_316 = arith.addi %rem3A_307, %select_n3A_306 : i32
        %select_n3A_317 = arith.select %and3A_315, %add3A_316, %rem3A_307 : i32
        %mul3A_318 = arith.constant 32 : i32
        %mul3A_319 = arith.muli %select_n3A_317, %mul3A_318 : i32
        %swap3A = arith.index_cast %select_n3A_301 : i32 to index
        %swap3A_320 = arith.index_cast %mul3A_319 : i32 to index
        %swap3A_321 = tpu.vector_load %arg9[%swap3A, %swap3A_320] {strides = array<i32>} : memref<40x128xf32, #tpu.memory_space<vmem>>, vector<1x16xf32>,
        %swap3A_322 = vector.shape_cast %swap3A_321 : vector<1x16xf32> to vector<16xf32>
        %swap3A_323 = vector.shape_cast %add3A_270 : vector<16xf32> to vector<1x16xf32>
        tpu.vector_store %arg9[%swap3A, %swap3A_320], %swap3A_323 {strides = array<i32>} : memref<40x128xf32, #tpu.memory_space<vmem>>, vector<1x16xf32>,
        %add3A_324 = arith.constant 16 : i32
        %add3A_325 = arith.addi %mul3A_319, %add3A_324 : i32
        %swap3A_326 = arith.index_cast %select_n3A_301 : i32 to index
        %swap3A_327 = arith.index_cast %add3A_325 : i32 to index
        %swap3A_328 = tpu.vector_load %arg9[%swap3A_326, %swap3A_327] {strides = array<i32>} : memref<40x128xf32, #tpu.memory_space<vmem>>, vector<1x16xf32>,
        %swap3A_329 = vector.shape_cast %swap3A_328 : vector<1x16xf32> to vector<16xf32>
        %swap3A_330 = vector.shape_cast %add3A_277 : vector<16xf32> to vector<1x16xf32>
        tpu.vector_store %arg9[%swap3A_326, %swap3A_327], %swap3A_330 {strides = array<i32>} : memref<40x128xf32, #tpu.memory_space<vmem>>, vector<1x16xf32>,
      }
      %scan3A_137 = arith.constant 160 : i32
      %dma_start3A_138 = arith.constant 0 : i32
      %dma_start3A_139 = tpu.memref_slice %arg4[%select_n3A_129, %dma_start3A_138] : memref<25000x128xf32, #tpu.memory_space<hbm>> -> memref<40x128xf32, #tpu.memory_space<hbm>>
      %dma_start3A_140 = arith.constant 0 : i32
      %dma_start3A_141 = tpu.memref_slice %arg4[%select_n3A_129, %dma_start3A_140] : memref<25000x128xf32, #tpu.memory_space<hbm>> -> memref<40x128xf32, #tpu.memory_space<hbm>>
      tpu.enqueue_dma source(%arg9 : memref<40x128xf32, #tpu.memory_space<vmem>>) target(%dma_start3A_141 : memref<40x128xf32, #tpu.memory_space<hbm>>) target_semaphore(%arg13 : memref<!tpu.dma_semaphore, #tpu.memory_space<semaphore_mem>>)
    } else {
    }
    %dma_wait3A = arith.constant 0 : i32
    %dma_wait3A_80 = arith.constant 0 : i32
    %dma_wait3A_81 = tpu.memref_slice %arg4[%dma_wait3A, %dma_wait3A_80] : memref<25000x128xf32, #tpu.memory_space<hbm>> -> memref<40x128xf32, #tpu.memory_space<hbm>>
    %dma_wait3A_82 = arith.constant 0 : i32
    %dma_wait3A_83 = arith.constant 0 : i32
    %dma_wait3A_84 = tpu.memref_slice %arg4[%dma_wait3A_82, %dma_wait3A_83] : memref<25000x128xf32, #tpu.memory_space<hbm>> -> memref<40x128xf32, #tpu.memory_space<hbm>>
    tpu.wait_dma2 semaphore(%arg13 : memref<!tpu.dma_semaphore, #tpu.memory_space<semaphore_mem>>) src(%arg9 : memref<40x128xf32, #tpu.memory_space<vmem>>) dst(%dma_wait3A_84 : memref<40x128xf32, #tpu.memory_space<hbm>>)
    %dma_wait3A_85 = arith.constant 0 : i32
    %dma_wait3A_86 = arith.constant 0 : i32
    %dma_wait3A_87 = tpu.memref_slice %arg4[%dma_wait3A_85, %dma_wait3A_86] : memref<25000x128xf32, #tpu.memory_space<hbm>> -> memref<40x128xf32, #tpu.memory_space<hbm>>
    %dma_wait3A_88 = arith.constant 0 : i32
    %dma_wait3A_89 = arith.constant 0 : i32
    %dma_wait3A_90 = tpu.memref_slice %arg4[%dma_wait3A_88, %dma_wait3A_89] : memref<25000x128xf32, #tpu.memory_space<hbm>> -> memref<40x128xf32, #tpu.memory_space<hbm>>
    tpu.wait_dma2 semaphore(%arg14 : memref<!tpu.dma_semaphore, #tpu.memory_space<semaphore_mem>>) src(%arg10 : memref<40x128xf32, #tpu.memory_space<vmem>>) dst(%dma_wait3A_90 : memref<40x128xf32, #tpu.memory_space<hbm>>)
    return
  }
}

#map = affine_map<(d0, d1) -> (0, 0)>
#map1 = affine_map<(d0, d1) -> (0)>
module attributes {stable_mosaic.version = 14 : i64} {
  func.func @body(%arg0: i32, %arg1: i32, %arg2: memref<100000x32xf32, #tpu.memory_space<hbm>>, %arg3: memref<2500000xi32, #tpu.memory_space<hbm>>, %arg4: memref<25000x128xf32, #tpu.memory_space<hbm>>, %arg5: memref<1600xi32, #tpu.memory_space<vmem>>, %arg6: memref<1600xi32, #tpu.memory_space<vmem>>, %arg7: memref<1600x32xf32, #tpu.memory_space<vmem>>, %arg8: memref<1600x32xf32, #tpu.memory_space<vmem>>, %arg9: memref<16x128xf32, #tpu.memory_space<vmem>>, %arg10: memref<16x128xf32, #tpu.memory_space<vmem>>, %arg11: memref<!tpu.dma_semaphore, #tpu.memory_space<semaphore_mem>>, %arg12: memref<!tpu.dma_semaphore, #tpu.memory_space<semaphore_mem>>, %arg13: memref<!tpu.dma_semaphore, #tpu.memory_space<semaphore_mem>>, %arg14: memref<!tpu.dma_semaphore, #tpu.memory_space<semaphore_mem>>) attributes {dimension_semantics = [#tpu.dimension_semantics<core_parallel>, #tpu.dimension_semantics<subcore_parallel>], iteration_bounds = array<i64: 2, 16>, scalar_prefetch = 0 : i64, scratch_operands = 10 : i64, tpu.core_type = #tpu.core_type<sc_vector_subcore>, window_params = [{transform_indices = #map}, {transform_indices = #map1}, {transform_indices = #map}]} {
    %mul3A = arith.constant 2 : i32
    %mul3A_0 = arith.muli %arg1, %mul3A : i32
    %add3A = arith.addi %mul3A_0, %arg0 : i32
    %sub3A = arith.constant 1562 : i32
    %sub3A_1 = arith.subi %sub3A, %add3A : i32
    %jit3A = arith.constant 32 : i32
    %div3A = arith.divsi %sub3A_1, %jit3A : i32
    %sign3A = arith.constant 0 : i32
    %sign3A_2 = arith.cmpi sgt, %sub3A_1, %sign3A : i32
    %sign3A_3 = arith.extui %sign3A_2 : i1 to i32
    %sign3A_4 = arith.constant 0 : i32
    %sign3A_5 = arith.cmpi slt, %sub3A_1, %sign3A_4 : i32
    %sign3A_6 = arith.extui %sign3A_5 : i1 to i32
    %sign3A_7 = arith.subi %sign3A_3, %sign3A_6 : i32
    %sign3A_8 = arith.constant 0 : i32
    %sign3A_9 = arith.cmpi sgt, %jit3A, %sign3A_8 : i32
    %sign3A_10 = arith.extui %sign3A_9 : i1 to i32
    %sign3A_11 = arith.constant 0 : i32
    %sign3A_12 = arith.cmpi slt, %jit3A, %sign3A_11 : i32
    %sign3A_13 = arith.extui %sign3A_12 : i1 to i32
    %sign3A_14 = arith.subi %sign3A_10, %sign3A_13 : i32
    %ne3A = arith.cmpi ne, %sign3A_7, %sign3A_14 : i32
    %rem3A = arith.remsi %sub3A_1, %jit3A : i32
    %ne3A_15 = arith.constant 0 : i32
    %ne3A_16 = arith.cmpi ne, %rem3A, %ne3A_15 : i32
    %and3A = arith.andi %ne3A, %ne3A_16 : i1
    %sub3A_17 = arith.constant 1 : i32
    %sub3A_18 = arith.subi %div3A, %sub3A_17 : i32
    %select_n3A = arith.select %and3A, %sub3A_18, %div3A : i32
    %add3A_19 = arith.constant 1 : i32
    %add3A_20 = arith.addi %select_n3A, %add3A_19 : i32
    %jit3A_21 = arith.constant 2 : i32
    %div3A_22 = arith.divsi %add3A_20, %jit3A_21 : i32
    %sign3A_23 = arith.constant 0 : i32
    %sign3A_24 = arith.cmpi sgt, %add3A_20, %sign3A_23 : i32
    %sign3A_25 = arith.extui %sign3A_24 : i1 to i32
    %sign3A_26 = arith.constant 0 : i32
    %sign3A_27 = arith.cmpi slt, %add3A_20, %sign3A_26 : i32
    %sign3A_28 = arith.extui %sign3A_27 : i1 to i32
    %sign3A_29 = arith.subi %sign3A_25, %sign3A_28 : i32
    %sign3A_30 = arith.constant 0 : i32
    %sign3A_31 = arith.cmpi sgt, %jit3A_21, %sign3A_30 : i32
    %sign3A_32 = arith.extui %sign3A_31 : i1 to i32
    %sign3A_33 = arith.constant 0 : i32
    %sign3A_34 = arith.cmpi slt, %jit3A_21, %sign3A_33 : i32
    %sign3A_35 = arith.extui %sign3A_34 : i1 to i32
    %sign3A_36 = arith.subi %sign3A_32, %sign3A_35 : i32
    %ne3A_37 = arith.cmpi ne, %sign3A_29, %sign3A_36 : i32
    %rem3A_38 = arith.remsi %add3A_20, %jit3A_21 : i32
    %ne3A_39 = arith.constant 0 : i32
    %ne3A_40 = arith.cmpi ne, %rem3A_38, %ne3A_39 : i32
    %and3A_41 = arith.andi %ne3A_37, %ne3A_40 : i1
    %sub3A_42 = arith.constant 1 : i32
    %sub3A_43 = arith.subi %div3A_22, %sub3A_42 : i32
    %select_n3A_44 = arith.select %and3A_41, %sub3A_43, %div3A_22 : i32
    %add3A_45 = arith.constant 0 : i32
    %add3A_46 = arith.addi %add3A, %add3A_45 : i32
    %mul3A_47 = arith.constant 64 : i32
    %mul3A_48 = arith.muli %add3A_46, %mul3A_47 : i32
    %min3A = arith.constant 99936 : i32
    %min3A_49 = arith.minsi %mul3A_48, %min3A : i32
    %mul3A_50 = arith.constant 25 : i32
    %mul3A_51 = arith.muli %min3A_49, %mul3A_50 : i32
    "tpu.region"() ({
      %run_scoped3A = tpu.sem_alloc : memref<!tpu.dma_semaphore, #tpu.memory_space<semaphore_mem>>
      %dma_start3A_91 = tpu.memref_slice %arg3[%mul3A_51] : memref<2500000xi32, #tpu.memory_space<hbm>> -> memref<1600xi32, #tpu.memory_space<hbm>>
      %dma_start3A_92 = tpu.memref_slice %arg3[%mul3A_51] : memref<2500000xi32, #tpu.memory_space<hbm>> -> memref<1600xi32, #tpu.memory_space<hbm>>
      tpu.enqueue_dma source(%dma_start3A_92 : memref<1600xi32, #tpu.memory_space<hbm>>) target(%arg5 : memref<1600xi32, #tpu.memory_space<vmem>>) target_semaphore(%run_scoped3A : memref<!tpu.dma_semaphore, #tpu.memory_space<semaphore_mem>>)
      %dma_wait3A_93 = tpu.memref_slice %arg3[%mul3A_51] : memref<2500000xi32, #tpu.memory_space<hbm>> -> memref<1600xi32, #tpu.memory_space<hbm>>
      %dma_wait3A_94 = tpu.memref_slice %arg3[%mul3A_51] : memref<2500000xi32, #tpu.memory_space<hbm>> -> memref<1600xi32, #tpu.memory_space<hbm>>
      tpu.wait_dma2 semaphore(%run_scoped3A : memref<!tpu.dma_semaphore, #tpu.memory_space<semaphore_mem>>) src(%dma_wait3A_94 : memref<1600xi32, #tpu.memory_space<hbm>>) dst(%arg5 : memref<1600xi32, #tpu.memory_space<vmem>>)
      tpu.yield
    }) : () -> ()
    %dma_start3A = arith.constant 0 : i32
    %dma_start3A_52 = arith.constant 0 : i32
    %dma_start3A_53 = tpu.memref_slice %arg2[%dma_start3A, %dma_start3A_52] : memref<100000x32xf32, #tpu.memory_space<hbm>> -> memref<100000x32xf32, #tpu.memory_space<hbm>>
    tpu.enqueue_indirect_dma source(%dma_start3A_53 : memref<100000x32xf32, #tpu.memory_space<hbm>>) target(%arg7 : memref<1600x32xf32, #tpu.memory_space<vmem>>) offsets(%arg5 : memref<1600xi32, #tpu.memory_space<vmem>>) semaphore(%arg11 : memref<!tpu.dma_semaphore, #tpu.memory_space<semaphore_mem>>)
    %while3A = arith.constant 0 : i32
    %while3A_54 = arith.constant 0 : i32
    %while3A_55 = arith.subi %select_n3A_44, %while3A_54 : i32
    %while3A_56 = arith.addi %while3A_54, %while3A_55 : i32
    %while3A_57 = arith.constant 1 : i32
    %while3A_58 = arith.divsi %while3A_55, %while3A_57 : i32
    %while3A_59 = arith.muli %while3A_58, %while3A_57 : i32
    %while3A_60 = arith.addi %while3A_54, %while3A_59 : i32
    %while3A_61 = arith.constant 1 : i32
    scf.for %while3A_91 = %while3A_54 to %while3A_60 step %while3A_61  : i32 {
      %mul3A_92 = arith.constant 2 : i32
      %mul3A_93 = arith.muli %mul3A_92, %while3A_91 : i32
      %add3A_94 = arith.constant 1 : i32
      %add3A_95 = arith.addi %mul3A_93, %add3A_94 : i32
      %mul3A_96 = arith.constant 32 : i32
      %mul3A_97 = arith.muli %mul3A_96, %add3A_95 : i32
      %add3A_98 = arith.addi %add3A, %mul3A_97 : i32
      %mul3A_99 = arith.constant 64 : i32
      %mul3A_100 = arith.muli %add3A_98, %mul3A_99 : i32
      %min3A_101 = arith.constant 99936 : i32
      %min3A_102 = arith.minsi %mul3A_100, %min3A_101 : i32
      %mul3A_103 = arith.constant 25 : i32
      %mul3A_104 = arith.muli %min3A_102, %mul3A_103 : i32
      "tpu.region"() ({
        %run_scoped3A = tpu.sem_alloc : memref<!tpu.dma_semaphore, #tpu.memory_space<semaphore_mem>>
        %dma_start3A_222 = tpu.memref_slice %arg3[%mul3A_104] : memref<2500000xi32, #tpu.memory_space<hbm>> -> memref<1600xi32, #tpu.memory_space<hbm>>
        %dma_start3A_223 = tpu.memref_slice %arg3[%mul3A_104] : memref<2500000xi32, #tpu.memory_space<hbm>> -> memref<1600xi32, #tpu.memory_space<hbm>>
        tpu.enqueue_dma source(%dma_start3A_223 : memref<1600xi32, #tpu.memory_space<hbm>>) target(%arg6 : memref<1600xi32, #tpu.memory_space<vmem>>) target_semaphore(%run_scoped3A : memref<!tpu.dma_semaphore, #tpu.memory_space<semaphore_mem>>)
        %dma_wait3A_224 = tpu.memref_slice %arg3[%mul3A_104] : memref<2500000xi32, #tpu.memory_space<hbm>> -> memref<1600xi32, #tpu.memory_space<hbm>>
        %dma_wait3A_225 = tpu.memref_slice %arg3[%mul3A_104] : memref<2500000xi32, #tpu.memory_space<hbm>> -> memref<1600xi32, #tpu.memory_space<hbm>>
        tpu.wait_dma2 semaphore(%run_scoped3A : memref<!tpu.dma_semaphore, #tpu.memory_space<semaphore_mem>>) src(%dma_wait3A_225 : memref<1600xi32, #tpu.memory_space<hbm>>) dst(%arg6 : memref<1600xi32, #tpu.memory_space<vmem>>)
        tpu.yield
      }) : () -> ()
      %dma_start3A_105 = arith.constant 0 : i32
      %dma_start3A_106 = arith.constant 0 : i32
      %dma_start3A_107 = tpu.memref_slice %arg2[%dma_start3A_105, %dma_start3A_106] : memref<100000x32xf32, #tpu.memory_space<hbm>> -> memref<100000x32xf32, #tpu.memory_space<hbm>>
      tpu.enqueue_indirect_dma source(%dma_start3A_107 : memref<100000x32xf32, #tpu.memory_space<hbm>>) target(%arg8 : memref<1600x32xf32, #tpu.memory_space<vmem>>) offsets(%arg6 : memref<1600xi32, #tpu.memory_space<vmem>>) semaphore(%arg12 : memref<!tpu.dma_semaphore, #tpu.memory_space<semaphore_mem>>)
      %mul3A_108 = arith.constant 2 : i32
      %mul3A_109 = arith.muli %mul3A_108, %while3A_91 : i32
      %gt3A = arith.constant 0 : i32
      %gt3A_110 = arith.cmpi sgt, %while3A_91, %gt3A : i32
      %dma_wait3A_111 = arith.constant 0 : i32
      %dma_wait3A_112 = arith.constant 0 : i32
      %dma_wait3A_113 = tpu.memref_slice %arg2[%dma_wait3A_111, %dma_wait3A_112] : memref<100000x32xf32, #tpu.memory_space<hbm>> -> memref<100000x32xf32, #tpu.memory_space<hbm>>
      tpu.wait_indirect_dma semaphore(%arg11 : memref<!tpu.dma_semaphore, #tpu.memory_space<semaphore_mem>>) src(%dma_wait3A_113 : memref<100000x32xf32, #tpu.memory_space<hbm>>) dst(%arg7 : memref<1600x32xf32, #tpu.memory_space<vmem>>)
      %mul3A_114 = arith.constant 32 : i32
      %mul3A_115 = arith.muli %mul3A_114, %mul3A_109 : i32
      %add3A_116 = arith.addi %add3A, %mul3A_115 : i32
      %mul3A_117 = arith.constant 64 : i32
      %mul3A_118 = arith.muli %add3A_116, %mul3A_117 : i32
      %min3A_119 = arith.constant 99936 : i32
      %min3A_120 = arith.minsi %mul3A_118, %min3A_119 : i32
      %mul3A_121 = arith.constant 32 : i32
      %mul3A_122 = arith.muli %min3A_120, %mul3A_121 : i32
      %jit3A_123 = arith.constant 128 : i32
      %div3A_124 = arith.divsi %mul3A_122, %jit3A_123 : i32
      %sign3A_125 = arith.constant 0 : i32
      %sign3A_126 = arith.cmpi sgt, %mul3A_122, %sign3A_125 : i32
      %sign3A_127 = arith.extui %sign3A_126 : i1 to i32
      %sign3A_128 = arith.constant 0 : i32
      %sign3A_129 = arith.cmpi slt, %mul3A_122, %sign3A_128 : i32
      %sign3A_130 = arith.extui %sign3A_129 : i1 to i32
      %sign3A_131 = arith.subi %sign3A_127, %sign3A_130 : i32
      %sign3A_132 = arith.constant 0 : i32
      %sign3A_133 = arith.cmpi sgt, %jit3A_123, %sign3A_132 : i32
      %sign3A_134 = arith.extui %sign3A_133 : i1 to i32
      %sign3A_135 = arith.constant 0 : i32
      %sign3A_136 = arith.cmpi slt, %jit3A_123, %sign3A_135 : i32
      %sign3A_137 = arith.extui %sign3A_136 : i1 to i32
      %sign3A_138 = arith.subi %sign3A_134, %sign3A_137 : i32
      %ne3A_139 = arith.cmpi ne, %sign3A_131, %sign3A_138 : i32
      %rem3A_140 = arith.remsi %mul3A_122, %jit3A_123 : i32
      %ne3A_141 = arith.constant 0 : i32
      %ne3A_142 = arith.cmpi ne, %rem3A_140, %ne3A_141 : i32
      %and3A_143 = arith.andi %ne3A_139, %ne3A_142 : i1
      %sub3A_144 = arith.constant 1 : i32
      %sub3A_145 = arith.subi %div3A_124, %sub3A_144 : i32
      %select_n3A_146 = arith.select %and3A_143, %sub3A_145, %div3A_124 : i32
      %convert_element_type3A_147 = arith.extui %gt3A_110 : i1 to i32
      %cond3A_148 = arith.constant 0 : i32
      %cond3A_149 = arith.cmpi ne, %convert_element_type3A_147, %cond3A_148 : i32
      scf.if %cond3A_149 {
        %dma_wait3A_222 = arith.constant 0 : i32
        %dma_wait3A_223 = tpu.memref_slice %arg4[%select_n3A_146, %dma_wait3A_222] : memref<25000x128xf32, #tpu.memory_space<hbm>> -> memref<16x128xf32, #tpu.memory_space<hbm>>
        %dma_wait3A_224 = arith.constant 0 : i32
        %dma_wait3A_225 = tpu.memref_slice %arg4[%select_n3A_146, %dma_wait3A_224] : memref<25000x128xf32, #tpu.memory_space<hbm>> -> memref<16x128xf32, #tpu.memory_space<hbm>>
        tpu.wait_dma2 semaphore(%arg13 : memref<!tpu.dma_semaphore, #tpu.memory_space<semaphore_mem>>) src(%arg9 : memref<16x128xf32, #tpu.memory_space<vmem>>) dst(%dma_wait3A_225 : memref<16x128xf32, #tpu.memory_space<hbm>>)
      } else {
      }
      %scan3A = arith.constant 0 : i32
      %scan3A_150 = arith.constant 0 : i32
      %scan3A_151 = arith.constant 64 : i32
      %scan3A_152 = arith.addi %scan3A_150, %scan3A_151 : i32
      %scan3A_153 = arith.constant 1 : i32
      scf.for %scan3A_222 = %scan3A_150 to %scan3A_152 step %scan3A_153  : i32 {
        %mul3A_223 = arith.constant 25 : i32
        %mul3A_224 = arith.muli %scan3A_222, %mul3A_223 : i32
        %get3A = arith.index_cast %mul3A_224 : i32 to index
        %get3A_225 = arith.constant 0 : index
        %get3A_226 = tpu.vector_load %arg7[%get3A, %get3A_225] {strides = array<i32>} : memref<1600x32xf32, #tpu.memory_space<vmem>>, vector<1x16xf32>,
        %get3A_227 = vector.shape_cast %get3A_226 : vector<1x16xf32> to vector<16xf32>
        %get3A_228 = arith.index_cast %mul3A_224 : i32 to index
        %get3A_229 = arith.constant 16 : index
        %get3A_230 = tpu.vector_load %arg7[%get3A_228, %get3A_229] {strides = array<i32>} : memref<1600x32xf32, #tpu.memory_space<vmem>>, vector<1x16xf32>,
        %get3A_231 = vector.shape_cast %get3A_230 : vector<1x16xf32> to vector<16xf32>
        %add3A_232 = arith.constant 1 : i32
        %add3A_233 = arith.addi %mul3A_224, %add3A_232 : i32
        %get3A_234 = arith.index_cast %add3A_233 : i32 to index
        %get3A_235 = arith.constant 0 : index
        %get3A_236 = tpu.vector_load %arg7[%get3A_234, %get3A_235] {strides = array<i32>} : memref<1600x32xf32, #tpu.memory_space<vmem>>, vector<1x16xf32>,
        %get3A_237 = vector.shape_cast %get3A_236 : vector<1x16xf32> to vector<16xf32>
        %add3A_238 = arith.addf %get3A_227, %get3A_237 : vector<16xf32>
        %add3A_239 = arith.constant 1 : i32
        %add3A_240 = arith.addi %mul3A_224, %add3A_239 : i32
        %get3A_241 = arith.index_cast %add3A_240 : i32 to index
        %get3A_242 = arith.constant 16 : index
        %get3A_243 = tpu.vector_load %arg7[%get3A_241, %get3A_242] {strides = array<i32>} : memref<1600x32xf32, #tpu.memory_space<vmem>>, vector<1x16xf32>,
        %get3A_244 = vector.shape_cast %get3A_243 : vector<1x16xf32> to vector<16xf32>
        %add3A_245 = arith.addf %get3A_231, %get3A_244 : vector<16xf32>
        %add3A_246 = arith.constant 2 : i32
        %add3A_247 = arith.addi %mul3A_224, %add3A_246 : i32
        %get3A_248 = arith.index_cast %add3A_247 : i32 to index
        %get3A_249 = arith.constant 0 : index
        %get3A_250 = tpu.vector_load %arg7[%get3A_248, %get3A_249] {strides = array<i32>} : memref<1600x32xf32, #tpu.memory_space<vmem>>, vector<1x16xf32>,
        %get3A_251 = vector.shape_cast %get3A_250 : vector<1x16xf32> to vector<16xf32>
        %add3A_252 = arith.addf %add3A_238, %get3A_251 : vector<16xf32>
        %add3A_253 = arith.constant 2 : i32
        %add3A_254 = arith.addi %mul3A_224, %add3A_253 : i32
        %get3A_255 = arith.index_cast %add3A_254 : i32 to index
        %get3A_256 = arith.constant 16 : index
        %get3A_257 = tpu.vector_load %arg7[%get3A_255, %get3A_256] {strides = array<i32>} : memref<1600x32xf32, #tpu.memory_space<vmem>>, vector<1x16xf32>,
        %get3A_258 = vector.shape_cast %get3A_257 : vector<1x16xf32> to vector<16xf32>
        %add3A_259 = arith.addf %add3A_245, %get3A_258 : vector<16xf32>
        %add3A_260 = arith.constant 3 : i32
        %add3A_261 = arith.addi %mul3A_224, %add3A_260 : i32
        %get3A_262 = arith.index_cast %add3A_261 : i32 to index
        %get3A_263 = arith.constant 0 : index
        %get3A_264 = tpu.vector_load %arg7[%get3A_262, %get3A_263] {strides = array<i32>} : memref<1600x32xf32, #tpu.memory_space<vmem>>, vector<1x16xf32>,
        %get3A_265 = vector.shape_cast %get3A_264 : vector<1x16xf32> to vector<16xf32>
        %add3A_266 = arith.addf %add3A_252, %get3A_265 : vector<16xf32>
        %add3A_267 = arith.constant 3 : i32
        %add3A_268 = arith.addi %mul3A_224, %add3A_267 : i32
        %get3A_269 = arith.index_cast %add3A_268 : i32 to index
        %get3A_270 = arith.constant 16 : index
        %get3A_271 = tpu.vector_load %arg7[%get3A_269, %get3A_270] {strides = array<i32>} : memref<1600x32xf32, #tpu.memory_space<vmem>>, vector<1x16xf32>,
        %get3A_272 = vector.shape_cast %get3A_271 : vector<1x16xf32> to vector<16xf32>
        %add3A_273 = arith.addf %add3A_259, %get3A_272 : vector<16xf32>
        %add3A_274 = arith.constant 4 : i32
        %add3A_275 = arith.addi %mul3A_224, %add3A_274 : i32
        %get3A_276 = arith.index_cast %add3A_275 : i32 to index
        %get3A_277 = arith.constant 0 : index
        %get3A_278 = tpu.vector_load %arg7[%get3A_276, %get3A_277] {strides = array<i32>} : memref<1600x32xf32, #tpu.memory_space<vmem>>, vector<1x16xf32>,
        %get3A_279 = vector.shape_cast %get3A_278 : vector<1x16xf32> to vector<16xf32>
        %add3A_280 = arith.addf %add3A_266, %get3A_279 : vector<16xf32>
        %add3A_281 = arith.constant 4 : i32
        %add3A_282 = arith.addi %mul3A_224, %add3A_281 : i32
        %get3A_283 = arith.index_cast %add3A_282 : i32 to index
        %get3A_284 = arith.constant 16 : index
        %get3A_285 = tpu.vector_load %arg7[%get3A_283, %get3A_284] {strides = array<i32>} : memref<1600x32xf32, #tpu.memory_space<vmem>>, vector<1x16xf32>,
        %get3A_286 = vector.shape_cast %get3A_285 : vector<1x16xf32> to vector<16xf32>
        %add3A_287 = arith.addf %add3A_273, %get3A_286 : vector<16xf32>
        %add3A_288 = arith.constant 5 : i32
        %add3A_289 = arith.addi %mul3A_224, %add3A_288 : i32
        %get3A_290 = arith.index_cast %add3A_289 : i32 to index
        %get3A_291 = arith.constant 0 : index
        %get3A_292 = tpu.vector_load %arg7[%get3A_290, %get3A_291] {strides = array<i32>} : memref<1600x32xf32, #tpu.memory_space<vmem>>, vector<1x16xf32>,
        %get3A_293 = vector.shape_cast %get3A_292 : vector<1x16xf32> to vector<16xf32>
        %add3A_294 = arith.addf %add3A_280, %get3A_293 : vector<16xf32>
        %add3A_295 = arith.constant 5 : i32
        %add3A_296 = arith.addi %mul3A_224, %add3A_295 : i32
        %get3A_297 = arith.index_cast %add3A_296 : i32 to index
        %get3A_298 = arith.constant 16 : index
        %get3A_299 = tpu.vector_load %arg7[%get3A_297, %get3A_298] {strides = array<i32>} : memref<1600x32xf32, #tpu.memory_space<vmem>>, vector<1x16xf32>,
        %get3A_300 = vector.shape_cast %get3A_299 : vector<1x16xf32> to vector<16xf32>
        %add3A_301 = arith.addf %add3A_287, %get3A_300 : vector<16xf32>
        %add3A_302 = arith.constant 6 : i32
        %add3A_303 = arith.addi %mul3A_224, %add3A_302 : i32
        %get3A_304 = arith.index_cast %add3A_303 : i32 to index
        %get3A_305 = arith.constant 0 : index
        %get3A_306 = tpu.vector_load %arg7[%get3A_304, %get3A_305] {strides = array<i32>} : memref<1600x32xf32, #tpu.memory_space<vmem>>, vector<1x16xf32>,
        %get3A_307 = vector.shape_cast %get3A_306 : vector<1x16xf32> to vector<16xf32>
        %add3A_308 = arith.addf %add3A_294, %get3A_307 : vector<16xf32>
        %add3A_309 = arith.constant 6 : i32
        %add3A_310 = arith.addi %mul3A_224, %add3A_309 : i32
        %get3A_311 = arith.index_cast %add3A_310 : i32 to index
        %get3A_312 = arith.constant 16 : index
        %get3A_313 = tpu.vector_load %arg7[%get3A_311, %get3A_312] {strides = array<i32>} : memref<1600x32xf32, #tpu.memory_space<vmem>>, vector<1x16xf32>,
        %get3A_314 = vector.shape_cast %get3A_313 : vector<1x16xf32> to vector<16xf32>
        %add3A_315 = arith.addf %add3A_301, %get3A_314 : vector<16xf32>
        %add3A_316 = arith.constant 7 : i32
        %add3A_317 = arith.addi %mul3A_224, %add3A_316 : i32
        %get3A_318 = arith.index_cast %add3A_317 : i32 to index
        %get3A_319 = arith.constant 0 : index
        %get3A_320 = tpu.vector_load %arg7[%get3A_318, %get3A_319] {strides = array<i32>} : memref<1600x32xf32, #tpu.memory_space<vmem>>, vector<1x16xf32>,
        %get3A_321 = vector.shape_cast %get3A_320 : vector<1x16xf32> to vector<16xf32>
        %add3A_322 = arith.addf %add3A_308, %get3A_321 : vector<16xf32>
        %add3A_323 = arith.constant 7 : i32
        %add3A_324 = arith.addi %mul3A_224, %add3A_323 : i32
        %get3A_325 = arith.index_cast %add3A_324 : i32 to index
        %get3A_326 = arith.constant 16 : index
        %get3A_327 = tpu.vector_load %arg7[%get3A_325, %get3A_326] {strides = array<i32>} : memref<1600x32xf32, #tpu.memory_space<vmem>>, vector<1x16xf32>,
        %get3A_328 = vector.shape_cast %get3A_327 : vector<1x16xf32> to vector<16xf32>
        %add3A_329 = arith.addf %add3A_315, %get3A_328 : vector<16xf32>
        %add3A_330 = arith.constant 8 : i32
        %add3A_331 = arith.addi %mul3A_224, %add3A_330 : i32
        %get3A_332 = arith.index_cast %add3A_331 : i32 to index
        %get3A_333 = arith.constant 0 : index
        %get3A_334 = tpu.vector_load %arg7[%get3A_332, %get3A_333] {strides = array<i32>} : memref<1600x32xf32, #tpu.memory_space<vmem>>, vector<1x16xf32>,
        %get3A_335 = vector.shape_cast %get3A_334 : vector<1x16xf32> to vector<16xf32>
        %add3A_336 = arith.addf %add3A_322, %get3A_335 : vector<16xf32>
        %add3A_337 = arith.constant 8 : i32
        %add3A_338 = arith.addi %mul3A_224, %add3A_337 : i32
        %get3A_339 = arith.index_cast %add3A_338 : i32 to index
        %get3A_340 = arith.constant 16 : index
        %get3A_341 = tpu.vector_load %arg7[%get3A_339, %get3A_340] {strides = array<i32>} : memref<1600x32xf32, #tpu.memory_space<vmem>>, vector<1x16xf32>,
        %get3A_342 = vector.shape_cast %get3A_341 : vector<1x16xf32> to vector<16xf32>
        %add3A_343 = arith.addf %add3A_329, %get3A_342 : vector<16xf32>
        %add3A_344 = arith.constant 9 : i32
        %add3A_345 = arith.addi %mul3A_224, %add3A_344 : i32
        %get3A_346 = arith.index_cast %add3A_345 : i32 to index
        %get3A_347 = arith.constant 0 : index
        %get3A_348 = tpu.vector_load %arg7[%get3A_346, %get3A_347] {strides = array<i32>} : memref<1600x32xf32, #tpu.memory_space<vmem>>, vector<1x16xf32>,
        %get3A_349 = vector.shape_cast %get3A_348 : vector<1x16xf32> to vector<16xf32>
        %add3A_350 = arith.addf %add3A_336, %get3A_349 : vector<16xf32>
        %add3A_351 = arith.constant 9 : i32
        %add3A_352 = arith.addi %mul3A_224, %add3A_351 : i32
        %get3A_353 = arith.index_cast %add3A_352 : i32 to index
        %get3A_354 = arith.constant 16 : index
        %get3A_355 = tpu.vector_load %arg7[%get3A_353, %get3A_354] {strides = array<i32>} : memref<1600x32xf32, #tpu.memory_space<vmem>>, vector<1x16xf32>,
        %get3A_356 = vector.shape_cast %get3A_355 : vector<1x16xf32> to vector<16xf32>
        %add3A_357 = arith.addf %add3A_343, %get3A_356 : vector<16xf32>
        %add3A_358 = arith.constant 10 : i32
        %add3A_359 = arith.addi %mul3A_224, %add3A_358 : i32
        %get3A_360 = arith.index_cast %add3A_359 : i32 to index
        %get3A_361 = arith.constant 0 : index
        %get3A_362 = tpu.vector_load %arg7[%get3A_360, %get3A_361] {strides = array<i32>} : memref<1600x32xf32, #tpu.memory_space<vmem>>, vector<1x16xf32>,
        %get3A_363 = vector.shape_cast %get3A_362 : vector<1x16xf32> to vector<16xf32>
        %add3A_364 = arith.addf %add3A_350, %get3A_363 : vector<16xf32>
        %add3A_365 = arith.constant 10 : i32
        %add3A_366 = arith.addi %mul3A_224, %add3A_365 : i32
        %get3A_367 = arith.index_cast %add3A_366 : i32 to index
        %get3A_368 = arith.constant 16 : index
        %get3A_369 = tpu.vector_load %arg7[%get3A_367, %get3A_368] {strides = array<i32>} : memref<1600x32xf32, #tpu.memory_space<vmem>>, vector<1x16xf32>,
        %get3A_370 = vector.shape_cast %get3A_369 : vector<1x16xf32> to vector<16xf32>
        %add3A_371 = arith.addf %add3A_357, %get3A_370 : vector<16xf32>
        %add3A_372 = arith.constant 11 : i32
        %add3A_373 = arith.addi %mul3A_224, %add3A_372 : i32
        %get3A_374 = arith.index_cast %add3A_373 : i32 to index
        %get3A_375 = arith.constant 0 : index
        %get3A_376 = tpu.vector_load %arg7[%get3A_374, %get3A_375] {strides = array<i32>} : memref<1600x32xf32, #tpu.memory_space<vmem>>, vector<1x16xf32>,
        %get3A_377 = vector.shape_cast %get3A_376 : vector<1x16xf32> to vector<16xf32>
        %add3A_378 = arith.addf %add3A_364, %get3A_377 : vector<16xf32>
        %add3A_379 = arith.constant 11 : i32
        %add3A_380 = arith.addi %mul3A_224, %add3A_379 : i32
        %get3A_381 = arith.index_cast %add3A_380 : i32 to index
        %get3A_382 = arith.constant 16 : index
        %get3A_383 = tpu.vector_load %arg7[%get3A_381, %get3A_382] {strides = array<i32>} : memref<1600x32xf32, #tpu.memory_space<vmem>>, vector<1x16xf32>,
        %get3A_384 = vector.shape_cast %get3A_383 : vector<1x16xf32> to vector<16xf32>
        %add3A_385 = arith.addf %add3A_371, %get3A_384 : vector<16xf32>
        %add3A_386 = arith.constant 12 : i32
        %add3A_387 = arith.addi %mul3A_224, %add3A_386 : i32
        %get3A_388 = arith.index_cast %add3A_387 : i32 to index
        %get3A_389 = arith.constant 0 : index
        %get3A_390 = tpu.vector_load %arg7[%get3A_388, %get3A_389] {strides = array<i32>} : memref<1600x32xf32, #tpu.memory_space<vmem>>, vector<1x16xf32>,
        %get3A_391 = vector.shape_cast %get3A_390 : vector<1x16xf32> to vector<16xf32>
        %add3A_392 = arith.addf %add3A_378, %get3A_391 : vector<16xf32>
        %add3A_393 = arith.constant 12 : i32
        %add3A_394 = arith.addi %mul3A_224, %add3A_393 : i32
        %get3A_395 = arith.index_cast %add3A_394 : i32 to index
        %get3A_396 = arith.constant 16 : index
        %get3A_397 = tpu.vector_load %arg7[%get3A_395, %get3A_396] {strides = array<i32>} : memref<1600x32xf32, #tpu.memory_space<vmem>>, vector<1x16xf32>,
        %get3A_398 = vector.shape_cast %get3A_397 : vector<1x16xf32> to vector<16xf32>
        %add3A_399 = arith.addf %add3A_385, %get3A_398 : vector<16xf32>
        %add3A_400 = arith.constant 13 : i32
        %add3A_401 = arith.addi %mul3A_224, %add3A_400 : i32
        %get3A_402 = arith.index_cast %add3A_401 : i32 to index
        %get3A_403 = arith.constant 0 : index
        %get3A_404 = tpu.vector_load %arg7[%get3A_402, %get3A_403] {strides = array<i32>} : memref<1600x32xf32, #tpu.memory_space<vmem>>, vector<1x16xf32>,
        %get3A_405 = vector.shape_cast %get3A_404 : vector<1x16xf32> to vector<16xf32>
        %add3A_406 = arith.addf %add3A_392, %get3A_405 : vector<16xf32>
        %add3A_407 = arith.constant 13 : i32
        %add3A_408 = arith.addi %mul3A_224, %add3A_407 : i32
        %get3A_409 = arith.index_cast %add3A_408 : i32 to index
        %get3A_410 = arith.constant 16 : index
        %get3A_411 = tpu.vector_load %arg7[%get3A_409, %get3A_410] {strides = array<i32>} : memref<1600x32xf32, #tpu.memory_space<vmem>>, vector<1x16xf32>,
        %get3A_412 = vector.shape_cast %get3A_411 : vector<1x16xf32> to vector<16xf32>
        %add3A_413 = arith.addf %add3A_399, %get3A_412 : vector<16xf32>
        %add3A_414 = arith.constant 14 : i32
        %add3A_415 = arith.addi %mul3A_224, %add3A_414 : i32
        %get3A_416 = arith.index_cast %add3A_415 : i32 to index
        %get3A_417 = arith.constant 0 : index
        %get3A_418 = tpu.vector_load %arg7[%get3A_416, %get3A_417] {strides = array<i32>} : memref<1600x32xf32, #tpu.memory_space<vmem>>, vector<1x16xf32>,
        %get3A_419 = vector.shape_cast %get3A_418 : vector<1x16xf32> to vector<16xf32>
        %add3A_420 = arith.addf %add3A_406, %get3A_419 : vector<16xf32>
        %add3A_421 = arith.constant 14 : i32
        %add3A_422 = arith.addi %mul3A_224, %add3A_421 : i32
        %get3A_423 = arith.index_cast %add3A_422 : i32 to index
        %get3A_424 = arith.constant 16 : index
        %get3A_425 = tpu.vector_load %arg7[%get3A_423, %get3A_424] {strides = array<i32>} : memref<1600x32xf32, #tpu.memory_space<vmem>>, vector<1x16xf32>,
        %get3A_426 = vector.shape_cast %get3A_425 : vector<1x16xf32> to vector<16xf32>
        %add3A_427 = arith.addf %add3A_413, %get3A_426 : vector<16xf32>
        %add3A_428 = arith.constant 15 : i32
        %add3A_429 = arith.addi %mul3A_224, %add3A_428 : i32
        %get3A_430 = arith.index_cast %add3A_429 : i32 to index
        %get3A_431 = arith.constant 0 : index
        %get3A_432 = tpu.vector_load %arg7[%get3A_430, %get3A_431] {strides = array<i32>} : memref<1600x32xf32, #tpu.memory_space<vmem>>, vector<1x16xf32>,
        %get3A_433 = vector.shape_cast %get3A_432 : vector<1x16xf32> to vector<16xf32>
        %add3A_434 = arith.addf %add3A_420, %get3A_433 : vector<16xf32>
        %add3A_435 = arith.constant 15 : i32
        %add3A_436 = arith.addi %mul3A_224, %add3A_435 : i32
        %get3A_437 = arith.index_cast %add3A_436 : i32 to index
        %get3A_438 = arith.constant 16 : index
        %get3A_439 = tpu.vector_load %arg7[%get3A_437, %get3A_438] {strides = array<i32>} : memref<1600x32xf32, #tpu.memory_space<vmem>>, vector<1x16xf32>,
        %get3A_440 = vector.shape_cast %get3A_439 : vector<1x16xf32> to vector<16xf32>
        %add3A_441 = arith.addf %add3A_427, %get3A_440 : vector<16xf32>
        %add3A_442 = arith.constant 16 : i32
        %add3A_443 = arith.addi %mul3A_224, %add3A_442 : i32
        %get3A_444 = arith.index_cast %add3A_443 : i32 to index
        %get3A_445 = arith.constant 0 : index
        %get3A_446 = tpu.vector_load %arg7[%get3A_444, %get3A_445] {strides = array<i32>} : memref<1600x32xf32, #tpu.memory_space<vmem>>, vector<1x16xf32>,
        %get3A_447 = vector.shape_cast %get3A_446 : vector<1x16xf32> to vector<16xf32>
        %add3A_448 = arith.addf %add3A_434, %get3A_447 : vector<16xf32>
        %add3A_449 = arith.constant 16 : i32
        %add3A_450 = arith.addi %mul3A_224, %add3A_449 : i32
        %get3A_451 = arith.index_cast %add3A_450 : i32 to index
        %get3A_452 = arith.constant 16 : index
        %get3A_453 = tpu.vector_load %arg7[%get3A_451, %get3A_452] {strides = array<i32>} : memref<1600x32xf32, #tpu.memory_space<vmem>>, vector<1x16xf32>,
        %get3A_454 = vector.shape_cast %get3A_453 : vector<1x16xf32> to vector<16xf32>
        %add3A_455 = arith.addf %add3A_441, %get3A_454 : vector<16xf32>
        %add3A_456 = arith.constant 17 : i32
        %add3A_457 = arith.addi %mul3A_224, %add3A_456 : i32
        %get3A_458 = arith.index_cast %add3A_457 : i32 to index
        %get3A_459 = arith.constant 0 : index
        %get3A_460 = tpu.vector_load %arg7[%get3A_458, %get3A_459] {strides = array<i32>} : memref<1600x32xf32, #tpu.memory_space<vmem>>, vector<1x16xf32>,
        %get3A_461 = vector.shape_cast %get3A_460 : vector<1x16xf32> to vector<16xf32>
        %add3A_462 = arith.addf %add3A_448, %get3A_461 : vector<16xf32>
        %add3A_463 = arith.constant 17 : i32
        %add3A_464 = arith.addi %mul3A_224, %add3A_463 : i32
        %get3A_465 = arith.index_cast %add3A_464 : i32 to index
        %get3A_466 = arith.constant 16 : index
        %get3A_467 = tpu.vector_load %arg7[%get3A_465, %get3A_466] {strides = array<i32>} : memref<1600x32xf32, #tpu.memory_space<vmem>>, vector<1x16xf32>,
        %get3A_468 = vector.shape_cast %get3A_467 : vector<1x16xf32> to vector<16xf32>
        %add3A_469 = arith.addf %add3A_455, %get3A_468 : vector<16xf32>
        %add3A_470 = arith.constant 18 : i32
        %add3A_471 = arith.addi %mul3A_224, %add3A_470 : i32
        %get3A_472 = arith.index_cast %add3A_471 : i32 to index
        %get3A_473 = arith.constant 0 : index
        %get3A_474 = tpu.vector_load %arg7[%get3A_472, %get3A_473] {strides = array<i32>} : memref<1600x32xf32, #tpu.memory_space<vmem>>, vector<1x16xf32>,
        %get3A_475 = vector.shape_cast %get3A_474 : vector<1x16xf32> to vector<16xf32>
        %add3A_476 = arith.addf %add3A_462, %get3A_475 : vector<16xf32>
        %add3A_477 = arith.constant 18 : i32
        %add3A_478 = arith.addi %mul3A_224, %add3A_477 : i32
        %get3A_479 = arith.index_cast %add3A_478 : i32 to index
        %get3A_480 = arith.constant 16 : index
        %get3A_481 = tpu.vector_load %arg7[%get3A_479, %get3A_480] {strides = array<i32>} : memref<1600x32xf32, #tpu.memory_space<vmem>>, vector<1x16xf32>,
        %get3A_482 = vector.shape_cast %get3A_481 : vector<1x16xf32> to vector<16xf32>
        %add3A_483 = arith.addf %add3A_469, %get3A_482 : vector<16xf32>
        %add3A_484 = arith.constant 19 : i32
        %add3A_485 = arith.addi %mul3A_224, %add3A_484 : i32
        %get3A_486 = arith.index_cast %add3A_485 : i32 to index
        %get3A_487 = arith.constant 0 : index
        %get3A_488 = tpu.vector_load %arg7[%get3A_486, %get3A_487] {strides = array<i32>} : memref<1600x32xf32, #tpu.memory_space<vmem>>, vector<1x16xf32>,
        %get3A_489 = vector.shape_cast %get3A_488 : vector<1x16xf32> to vector<16xf32>
        %add3A_490 = arith.addf %add3A_476, %get3A_489 : vector<16xf32>
        %add3A_491 = arith.constant 19 : i32
        %add3A_492 = arith.addi %mul3A_224, %add3A_491 : i32
        %get3A_493 = arith.index_cast %add3A_492 : i32 to index
        %get3A_494 = arith.constant 16 : index
        %get3A_495 = tpu.vector_load %arg7[%get3A_493, %get3A_494] {strides = array<i32>} : memref<1600x32xf32, #tpu.memory_space<vmem>>, vector<1x16xf32>,
        %get3A_496 = vector.shape_cast %get3A_495 : vector<1x16xf32> to vector<16xf32>
        %add3A_497 = arith.addf %add3A_483, %get3A_496 : vector<16xf32>
        %add3A_498 = arith.constant 20 : i32
        %add3A_499 = arith.addi %mul3A_224, %add3A_498 : i32
        %get3A_500 = arith.index_cast %add3A_499 : i32 to index
        %get3A_501 = arith.constant 0 : index
        %get3A_502 = tpu.vector_load %arg7[%get3A_500, %get3A_501] {strides = array<i32>} : memref<1600x32xf32, #tpu.memory_space<vmem>>, vector<1x16xf32>,
        %get3A_503 = vector.shape_cast %get3A_502 : vector<1x16xf32> to vector<16xf32>
        %add3A_504 = arith.addf %add3A_490, %get3A_503 : vector<16xf32>
        %add3A_505 = arith.constant 20 : i32
        %add3A_506 = arith.addi %mul3A_224, %add3A_505 : i32
        %get3A_507 = arith.index_cast %add3A_506 : i32 to index
        %get3A_508 = arith.constant 16 : index
        %get3A_509 = tpu.vector_load %arg7[%get3A_507, %get3A_508] {strides = array<i32>} : memref<1600x32xf32, #tpu.memory_space<vmem>>, vector<1x16xf32>,
        %get3A_510 = vector.shape_cast %get3A_509 : vector<1x16xf32> to vector<16xf32>
        %add3A_511 = arith.addf %add3A_497, %get3A_510 : vector<16xf32>
        %add3A_512 = arith.constant 21 : i32
        %add3A_513 = arith.addi %mul3A_224, %add3A_512 : i32
        %get3A_514 = arith.index_cast %add3A_513 : i32 to index
        %get3A_515 = arith.constant 0 : index
        %get3A_516 = tpu.vector_load %arg7[%get3A_514, %get3A_515] {strides = array<i32>} : memref<1600x32xf32, #tpu.memory_space<vmem>>, vector<1x16xf32>,
        %get3A_517 = vector.shape_cast %get3A_516 : vector<1x16xf32> to vector<16xf32>
        %add3A_518 = arith.addf %add3A_504, %get3A_517 : vector<16xf32>
        %add3A_519 = arith.constant 21 : i32
        %add3A_520 = arith.addi %mul3A_224, %add3A_519 : i32
        %get3A_521 = arith.index_cast %add3A_520 : i32 to index
        %get3A_522 = arith.constant 16 : index
        %get3A_523 = tpu.vector_load %arg7[%get3A_521, %get3A_522] {strides = array<i32>} : memref<1600x32xf32, #tpu.memory_space<vmem>>, vector<1x16xf32>,
        %get3A_524 = vector.shape_cast %get3A_523 : vector<1x16xf32> to vector<16xf32>
        %add3A_525 = arith.addf %add3A_511, %get3A_524 : vector<16xf32>
        %add3A_526 = arith.constant 22 : i32
        %add3A_527 = arith.addi %mul3A_224, %add3A_526 : i32
        %get3A_528 = arith.index_cast %add3A_527 : i32 to index
        %get3A_529 = arith.constant 0 : index
        %get3A_530 = tpu.vector_load %arg7[%get3A_528, %get3A_529] {strides = array<i32>} : memref<1600x32xf32, #tpu.memory_space<vmem>>, vector<1x16xf32>,
        %get3A_531 = vector.shape_cast %get3A_530 : vector<1x16xf32> to vector<16xf32>
        %add3A_532 = arith.addf %add3A_518, %get3A_531 : vector<16xf32>
        %add3A_533 = arith.constant 22 : i32
        %add3A_534 = arith.addi %mul3A_224, %add3A_533 : i32
        %get3A_535 = arith.index_cast %add3A_534 : i32 to index
        %get3A_536 = arith.constant 16 : index
        %get3A_537 = tpu.vector_load %arg7[%get3A_535, %get3A_536] {strides = array<i32>} : memref<1600x32xf32, #tpu.memory_space<vmem>>, vector<1x16xf32>,
        %get3A_538 = vector.shape_cast %get3A_537 : vector<1x16xf32> to vector<16xf32>
        %add3A_539 = arith.addf %add3A_525, %get3A_538 : vector<16xf32>
        %add3A_540 = arith.constant 23 : i32
        %add3A_541 = arith.addi %mul3A_224, %add3A_540 : i32
        %get3A_542 = arith.index_cast %add3A_541 : i32 to index
        %get3A_543 = arith.constant 0 : index
        %get3A_544 = tpu.vector_load %arg7[%get3A_542, %get3A_543] {strides = array<i32>} : memref<1600x32xf32, #tpu.memory_space<vmem>>, vector<1x16xf32>,
        %get3A_545 = vector.shape_cast %get3A_544 : vector<1x16xf32> to vector<16xf32>
        %add3A_546 = arith.addf %add3A_532, %get3A_545 : vector<16xf32>
        %add3A_547 = arith.constant 23 : i32
        %add3A_548 = arith.addi %mul3A_224, %add3A_547 : i32
        %get3A_549 = arith.index_cast %add3A_548 : i32 to index
        %get3A_550 = arith.constant 16 : index
        %get3A_551 = tpu.vector_load %arg7[%get3A_549, %get3A_550] {strides = array<i32>} : memref<1600x32xf32, #tpu.memory_space<vmem>>, vector<1x16xf32>,
        %get3A_552 = vector.shape_cast %get3A_551 : vector<1x16xf32> to vector<16xf32>
        %add3A_553 = arith.addf %add3A_539, %get3A_552 : vector<16xf32>
        %add3A_554 = arith.constant 24 : i32
        %add3A_555 = arith.addi %mul3A_224, %add3A_554 : i32
        %get3A_556 = arith.index_cast %add3A_555 : i32 to index
        %get3A_557 = arith.constant 0 : index
        %get3A_558 = tpu.vector_load %arg7[%get3A_556, %get3A_557] {strides = array<i32>} : memref<1600x32xf32, #tpu.memory_space<vmem>>, vector<1x16xf32>,
        %get3A_559 = vector.shape_cast %get3A_558 : vector<1x16xf32> to vector<16xf32>
        %add3A_560 = arith.addf %add3A_546, %get3A_559 : vector<16xf32>
        %add3A_561 = arith.constant 24 : i32
        %add3A_562 = arith.addi %mul3A_224, %add3A_561 : i32
        %get3A_563 = arith.index_cast %add3A_562 : i32 to index
        %get3A_564 = arith.constant 16 : index
        %get3A_565 = tpu.vector_load %arg7[%get3A_563, %get3A_564] {strides = array<i32>} : memref<1600x32xf32, #tpu.memory_space<vmem>>, vector<1x16xf32>,
        %get3A_566 = vector.shape_cast %get3A_565 : vector<1x16xf32> to vector<16xf32>
        %add3A_567 = arith.addf %add3A_553, %get3A_566 : vector<16xf32>
        %jit3A_568 = arith.constant 4 : i32
        %div3A_569 = arith.divsi %scan3A_222, %jit3A_568 : i32
        %sign3A_570 = arith.constant 0 : i32
        %sign3A_571 = arith.cmpi sgt, %scan3A_222, %sign3A_570 : i32
        %sign3A_572 = arith.extui %sign3A_571 : i1 to i32
        %sign3A_573 = arith.constant 0 : i32
        %sign3A_574 = arith.cmpi slt, %scan3A_222, %sign3A_573 : i32
        %sign3A_575 = arith.extui %sign3A_574 : i1 to i32
        %sign3A_576 = arith.subi %sign3A_572, %sign3A_575 : i32
        %sign3A_577 = arith.constant 0 : i32
        %sign3A_578 = arith.cmpi sgt, %jit3A_568, %sign3A_577 : i32
        %sign3A_579 = arith.extui %sign3A_578 : i1 to i32
        %sign3A_580 = arith.constant 0 : i32
        %sign3A_581 = arith.cmpi slt, %jit3A_568, %sign3A_580 : i32
        %sign3A_582 = arith.extui %sign3A_581 : i1 to i32
        %sign3A_583 = arith.subi %sign3A_579, %sign3A_582 : i32
        %ne3A_584 = arith.cmpi ne, %sign3A_576, %sign3A_583 : i32
        %rem3A_585 = arith.remsi %scan3A_222, %jit3A_568 : i32
        %ne3A_586 = arith.constant 0 : i32
        %ne3A_587 = arith.cmpi ne, %rem3A_585, %ne3A_586 : i32
        %and3A_588 = arith.andi %ne3A_584, %ne3A_587 : i1
        %sub3A_589 = arith.constant 1 : i32
        %sub3A_590 = arith.subi %div3A_569, %sub3A_589 : i32
        %select_n3A_591 = arith.select %and3A_588, %sub3A_590, %div3A_569 : i32
        %jit3A_592 = arith.constant 4 : i32
        %eq3A_593 = arith.constant 0 : i32
        %eq3A_594 = arith.cmpi eq, %jit3A_592, %eq3A_593 : i32
        %jit3A_595 = arith.constant 1 : i32
        %select_n3A_596 = arith.select %eq3A_594, %jit3A_595, %jit3A_592 : i32
        %rem3A_597 = arith.remsi %scan3A_222, %select_n3A_596 : i32
        %ne3A_598 = arith.constant 0 : i32
        %ne3A_599 = arith.cmpi ne, %rem3A_597, %ne3A_598 : i32
        %lt3A_600 = arith.constant 0 : i32
        %lt3A_601 = arith.cmpi slt, %rem3A_597, %lt3A_600 : i32
        %lt3A_602 = arith.constant 0 : i32
        %lt3A_603 = arith.cmpi slt, %select_n3A_596, %lt3A_602 : i32
        %ne3A_604 = arith.xori %lt3A_601, %lt3A_603 : i1
        %and3A_605 = arith.andi %ne3A_604, %ne3A_599 : i1
        %add3A_606 = arith.addi %rem3A_597, %select_n3A_596 : i32
        %select_n3A_607 = arith.select %and3A_605, %add3A_606, %rem3A_597 : i32
        %mul3A_608 = arith.constant 32 : i32
        %mul3A_609 = arith.muli %select_n3A_607, %mul3A_608 : i32
        %swap3A = arith.index_cast %select_n3A_591 : i32 to index
        %swap3A_610 = arith.index_cast %mul3A_609 : i32 to index
        %swap3A_611 = tpu.vector_load %arg9[%swap3A, %swap3A_610] {strides = array<i32>} : memref<16x128xf32, #tpu.memory_space<vmem>>, vector<1x16xf32>,
        %swap3A_612 = vector.shape_cast %swap3A_611 : vector<1x16xf32> to vector<16xf32>
        %swap3A_613 = vector.shape_cast %add3A_560 : vector<16xf32> to vector<1x16xf32>
        tpu.vector_store %arg9[%swap3A, %swap3A_610], %swap3A_613 {strides = array<i32>} : memref<16x128xf32, #tpu.memory_space<vmem>>, vector<1x16xf32>,
        %add3A_614 = arith.constant 16 : i32
        %add3A_615 = arith.addi %mul3A_609, %add3A_614 : i32
        %swap3A_616 = arith.index_cast %select_n3A_591 : i32 to index
        %swap3A_617 = arith.index_cast %add3A_615 : i32 to index
        %swap3A_618 = tpu.vector_load %arg9[%swap3A_616, %swap3A_617] {strides = array<i32>} : memref<16x128xf32, #tpu.memory_space<vmem>>, vector<1x16xf32>,
        %swap3A_619 = vector.shape_cast %swap3A_618 : vector<1x16xf32> to vector<16xf32>
        %swap3A_620 = vector.shape_cast %add3A_567 : vector<16xf32> to vector<1x16xf32>
        tpu.vector_store %arg9[%swap3A_616, %swap3A_617], %swap3A_620 {strides = array<i32>} : memref<16x128xf32, #tpu.memory_space<vmem>>, vector<1x16xf32>,
      }
      %scan3A_154 = arith.constant 64 : i32
      %dma_start3A_155 = arith.constant 0 : i32
      %dma_start3A_156 = tpu.memref_slice %arg4[%select_n3A_146, %dma_start3A_155] : memref<25000x128xf32, #tpu.memory_space<hbm>> -> memref<16x128xf32, #tpu.memory_space<hbm>>
      %dma_start3A_157 = arith.constant 0 : i32
      %dma_start3A_158 = tpu.memref_slice %arg4[%select_n3A_146, %dma_start3A_157] : memref<25000x128xf32, #tpu.memory_space<hbm>> -> memref<16x128xf32, #tpu.memory_space<hbm>>
      tpu.enqueue_dma source(%arg9 : memref<16x128xf32, #tpu.memory_space<vmem>>) target(%dma_start3A_158 : memref<16x128xf32, #tpu.memory_space<hbm>>) target_semaphore(%arg13 : memref<!tpu.dma_semaphore, #tpu.memory_space<semaphore_mem>>)
      %mul3A_159 = arith.constant 2 : i32
      %mul3A_160 = arith.muli %mul3A_159, %while3A_91 : i32
      %add3A_161 = arith.constant 2 : i32
      %add3A_162 = arith.addi %mul3A_160, %add3A_161 : i32
      %lt3A_163 = arith.cmpi slt, %add3A_162, %add3A_20 : i32
      %convert_element_type3A_164 = arith.extui %lt3A_163 : i1 to i32
      %cond3A_165 = arith.constant 0 : i32
      %cond3A_166 = arith.cmpi ne, %convert_element_type3A_164, %cond3A_165 : i32
      scf.if %cond3A_166 {
        %mul3A_222 = arith.constant 2 : i32
        %mul3A_223 = arith.muli %mul3A_222, %while3A_91 : i32
        %add3A_224 = arith.constant 2 : i32
        %add3A_225 = arith.addi %mul3A_223, %add3A_224 : i32
        %mul3A_226 = arith.constant 32 : i32
        %mul3A_227 = arith.muli %mul3A_226, %add3A_225 : i32
        %add3A_228 = arith.addi %add3A, %mul3A_227 : i32
        %mul3A_229 = arith.constant 64 : i32
        %mul3A_230 = arith.muli %add3A_228, %mul3A_229 : i32
        %min3A_231 = arith.constant 99936 : i32
        %min3A_232 = arith.minsi %mul3A_230, %min3A_231 : i32
        %mul3A_233 = arith.constant 25 : i32
        %mul3A_234 = arith.muli %min3A_232, %mul3A_233 : i32
        "tpu.region"() ({
          %run_scoped3A = tpu.sem_alloc : memref<!tpu.dma_semaphore, #tpu.memory_space<semaphore_mem>>
          %dma_start3A_238 = tpu.memref_slice %arg3[%mul3A_234] : memref<2500000xi32, #tpu.memory_space<hbm>> -> memref<1600xi32, #tpu.memory_space<hbm>>
          %dma_start3A_239 = tpu.memref_slice %arg3[%mul3A_234] : memref<2500000xi32, #tpu.memory_space<hbm>> -> memref<1600xi32, #tpu.memory_space<hbm>>
          tpu.enqueue_dma source(%dma_start3A_239 : memref<1600xi32, #tpu.memory_space<hbm>>) target(%arg5 : memref<1600xi32, #tpu.memory_space<vmem>>) target_semaphore(%run_scoped3A : memref<!tpu.dma_semaphore, #tpu.memory_space<semaphore_mem>>)
          %dma_wait3A_240 = tpu.memref_slice %arg3[%mul3A_234] : memref<2500000xi32, #tpu.memory_space<hbm>> -> memref<1600xi32, #tpu.memory_space<hbm>>
          %dma_wait3A_241 = tpu.memref_slice %arg3[%mul3A_234] : memref<2500000xi32, #tpu.memory_space<hbm>> -> memref<1600xi32, #tpu.memory_space<hbm>>
          tpu.wait_dma2 semaphore(%run_scoped3A : memref<!tpu.dma_semaphore, #tpu.memory_space<semaphore_mem>>) src(%dma_wait3A_241 : memref<1600xi32, #tpu.memory_space<hbm>>) dst(%arg5 : memref<1600xi32, #tpu.memory_space<vmem>>)
          tpu.yield
        }) : () -> ()
        %dma_start3A_235 = arith.constant 0 : i32
        %dma_start3A_236 = arith.constant 0 : i32
        %dma_start3A_237 = tpu.memref_slice %arg2[%dma_start3A_235, %dma_start3A_236] : memref<100000x32xf32, #tpu.memory_space<hbm>> -> memref<100000x32xf32, #tpu.memory_space<hbm>>
        tpu.enqueue_indirect_dma source(%dma_start3A_237 : memref<100000x32xf32, #tpu.memory_space<hbm>>) target(%arg7 : memref<1600x32xf32, #tpu.memory_space<vmem>>) offsets(%arg5 : memref<1600xi32, #tpu.memory_space<vmem>>) semaphore(%arg11 : memref<!tpu.dma_semaphore, #tpu.memory_space<semaphore_mem>>)
      } else {
      }
      %mul3A_167 = arith.constant 2 : i32
      %mul3A_168 = arith.muli %mul3A_167, %while3A_91 : i32
      %add3A_169 = arith.constant 1 : i32
      %add3A_170 = arith.addi %mul3A_168, %add3A_169 : i32
      %gt3A_171 = arith.constant 0 : i32
      %gt3A_172 = arith.cmpi sgt, %while3A_91, %gt3A_171 : i32
      %dma_wait3A_173 = arith.constant 0 : i32
      %dma_wait3A_174 = arith.constant 0 : i32
      %dma_wait3A_175 = tpu.memref_slice %arg2[%dma_wait3A_173, %dma_wait3A_174] : memref<100000x32xf32, #tpu.memory_space<hbm>> -> memref<100000x32xf32, #tpu.memory_space<hbm>>
      tpu.wait_indirect_dma semaphore(%arg12 : memref<!tpu.dma_semaphore, #tpu.memory_space<semaphore_mem>>) src(%dma_wait3A_175 : memref<100000x32xf32, #tpu.memory_space<hbm>>) dst(%arg8 : memref<1600x32xf32, #tpu.memory_space<vmem>>)
      %mul3A_176 = arith.constant 32 : i32
      %mul3A_177 = arith.muli %mul3A_176, %add3A_170 : i32
      %add3A_178 = arith.addi %add3A, %mul3A_177 : i32
      %mul3A_179 = arith.constant 64 : i32
      %mul3A_180 = arith.muli %add3A_178, %mul3A_179 : i32
      %min3A_181 = arith.constant 99936 : i32
      %min3A_182 = arith.minsi %mul3A_180, %min3A_181 : i32
      %mul3A_183 = arith.constant 32 : i32
      %mul3A_184 = arith.muli %min3A_182, %mul3A_183 : i32
      %jit3A_185 = arith.constant 128 : i32
      %div3A_186 = arith.divsi %mul3A_184, %jit3A_185 : i32
      %sign3A_187 = arith.constant 0 : i32
      %sign3A_188 = arith.cmpi sgt, %mul3A_184, %sign3A_187 : i32
      %sign3A_189 = arith.extui %sign3A_188 : i1 to i32
      %sign3A_190 = arith.constant 0 : i32
      %sign3A_191 = arith.cmpi slt, %mul3A_184, %sign3A_190 : i32
      %sign3A_192 = arith.extui %sign3A_191 : i1 to i32
      %sign3A_193 = arith.subi %sign3A_189, %sign3A_192 : i32
      %sign3A_194 = arith.constant 0 : i32
      %sign3A_195 = arith.cmpi sgt, %jit3A_185, %sign3A_194 : i32
      %sign3A_196 = arith.extui %sign3A_195 : i1 to i32
      %sign3A_197 = arith.constant 0 : i32
      %sign3A_198 = arith.cmpi slt, %jit3A_185, %sign3A_197 : i32
      %sign3A_199 = arith.extui %sign3A_198 : i1 to i32
      %sign3A_200 = arith.subi %sign3A_196, %sign3A_199 : i32
      %ne3A_201 = arith.cmpi ne, %sign3A_193, %sign3A_200 : i32
      %rem3A_202 = arith.remsi %mul3A_184, %jit3A_185 : i32
      %ne3A_203 = arith.constant 0 : i32
      %ne3A_204 = arith.cmpi ne, %rem3A_202, %ne3A_203 : i32
      %and3A_205 = arith.andi %ne3A_201, %ne3A_204 : i1
      %sub3A_206 = arith.constant 1 : i32
      %sub3A_207 = arith.subi %div3A_186, %sub3A_206 : i32
      %select_n3A_208 = arith.select %and3A_205, %sub3A_207, %div3A_186 : i32
      %convert_element_type3A_209 = arith.extui %gt3A_172 : i1 to i32
      %cond3A_210 = arith.constant 0 : i32
      %cond3A_211 = arith.cmpi ne, %convert_element_type3A_209, %cond3A_210 : i32
      scf.if %cond3A_211 {
        %dma_wait3A_222 = arith.constant 0 : i32
        %dma_wait3A_223 = tpu.memref_slice %arg4[%select_n3A_208, %dma_wait3A_222] : memref<25000x128xf32, #tpu.memory_space<hbm>> -> memref<16x128xf32, #tpu.memory_space<hbm>>
        %dma_wait3A_224 = arith.constant 0 : i32
        %dma_wait3A_225 = tpu.memref_slice %arg4[%select_n3A_208, %dma_wait3A_224] : memref<25000x128xf32, #tpu.memory_space<hbm>> -> memref<16x128xf32, #tpu.memory_space<hbm>>
        tpu.wait_dma2 semaphore(%arg14 : memref<!tpu.dma_semaphore, #tpu.memory_space<semaphore_mem>>) src(%arg10 : memref<16x128xf32, #tpu.memory_space<vmem>>) dst(%dma_wait3A_225 : memref<16x128xf32, #tpu.memory_space<hbm>>)
      } else {
      }
      %scan3A_212 = arith.constant 0 : i32
      %scan3A_213 = arith.constant 0 : i32
      %scan3A_214 = arith.constant 64 : i32
      %scan3A_215 = arith.addi %scan3A_213, %scan3A_214 : i32
      %scan3A_216 = arith.constant 1 : i32
      scf.for %scan3A_222 = %scan3A_213 to %scan3A_215 step %scan3A_216  : i32 {
        %mul3A_223 = arith.constant 25 : i32
        %mul3A_224 = arith.muli %scan3A_222, %mul3A_223 : i32
        %get3A = arith.index_cast %mul3A_224 : i32 to index
        %get3A_225 = arith.constant 0 : index
        %get3A_226 = tpu.vector_load %arg8[%get3A, %get3A_225] {strides = array<i32>} : memref<1600x32xf32, #tpu.memory_space<vmem>>, vector<1x16xf32>,
        %get3A_227 = vector.shape_cast %get3A_226 : vector<1x16xf32> to vector<16xf32>
        %get3A_228 = arith.index_cast %mul3A_224 : i32 to index
        %get3A_229 = arith.constant 16 : index
        %get3A_230 = tpu.vector_load %arg8[%get3A_228, %get3A_229] {strides = array<i32>} : memref<1600x32xf32, #tpu.memory_space<vmem>>, vector<1x16xf32>,
        %get3A_231 = vector.shape_cast %get3A_230 : vector<1x16xf32> to vector<16xf32>
        %add3A_232 = arith.constant 1 : i32
        %add3A_233 = arith.addi %mul3A_224, %add3A_232 : i32
        %get3A_234 = arith.index_cast %add3A_233 : i32 to index
        %get3A_235 = arith.constant 0 : index
        %get3A_236 = tpu.vector_load %arg8[%get3A_234, %get3A_235] {strides = array<i32>} : memref<1600x32xf32, #tpu.memory_space<vmem>>, vector<1x16xf32>,
        %get3A_237 = vector.shape_cast %get3A_236 : vector<1x16xf32> to vector<16xf32>
        %add3A_238 = arith.addf %get3A_227, %get3A_237 : vector<16xf32>
        %add3A_239 = arith.constant 1 : i32
        %add3A_240 = arith.addi %mul3A_224, %add3A_239 : i32
        %get3A_241 = arith.index_cast %add3A_240 : i32 to index
        %get3A_242 = arith.constant 16 : index
        %get3A_243 = tpu.vector_load %arg8[%get3A_241, %get3A_242] {strides = array<i32>} : memref<1600x32xf32, #tpu.memory_space<vmem>>, vector<1x16xf32>,
        %get3A_244 = vector.shape_cast %get3A_243 : vector<1x16xf32> to vector<16xf32>
        %add3A_245 = arith.addf %get3A_231, %get3A_244 : vector<16xf32>
        %add3A_246 = arith.constant 2 : i32
        %add3A_247 = arith.addi %mul3A_224, %add3A_246 : i32
        %get3A_248 = arith.index_cast %add3A_247 : i32 to index
        %get3A_249 = arith.constant 0 : index
        %get3A_250 = tpu.vector_load %arg8[%get3A_248, %get3A_249] {strides = array<i32>} : memref<1600x32xf32, #tpu.memory_space<vmem>>, vector<1x16xf32>,
        %get3A_251 = vector.shape_cast %get3A_250 : vector<1x16xf32> to vector<16xf32>
        %add3A_252 = arith.addf %add3A_238, %get3A_251 : vector<16xf32>
        %add3A_253 = arith.constant 2 : i32
        %add3A_254 = arith.addi %mul3A_224, %add3A_253 : i32
        %get3A_255 = arith.index_cast %add3A_254 : i32 to index
        %get3A_256 = arith.constant 16 : index
        %get3A_257 = tpu.vector_load %arg8[%get3A_255, %get3A_256] {strides = array<i32>} : memref<1600x32xf32, #tpu.memory_space<vmem>>, vector<1x16xf32>,
        %get3A_258 = vector.shape_cast %get3A_257 : vector<1x16xf32> to vector<16xf32>
        %add3A_259 = arith.addf %add3A_245, %get3A_258 : vector<16xf32>
        %add3A_260 = arith.constant 3 : i32
        %add3A_261 = arith.addi %mul3A_224, %add3A_260 : i32
        %get3A_262 = arith.index_cast %add3A_261 : i32 to index
        %get3A_263 = arith.constant 0 : index
        %get3A_264 = tpu.vector_load %arg8[%get3A_262, %get3A_263] {strides = array<i32>} : memref<1600x32xf32, #tpu.memory_space<vmem>>, vector<1x16xf32>,
        %get3A_265 = vector.shape_cast %get3A_264 : vector<1x16xf32> to vector<16xf32>
        %add3A_266 = arith.addf %add3A_252, %get3A_265 : vector<16xf32>
        %add3A_267 = arith.constant 3 : i32
        %add3A_268 = arith.addi %mul3A_224, %add3A_267 : i32
        %get3A_269 = arith.index_cast %add3A_268 : i32 to index
        %get3A_270 = arith.constant 16 : index
        %get3A_271 = tpu.vector_load %arg8[%get3A_269, %get3A_270] {strides = array<i32>} : memref<1600x32xf32, #tpu.memory_space<vmem>>, vector<1x16xf32>,
        %get3A_272 = vector.shape_cast %get3A_271 : vector<1x16xf32> to vector<16xf32>
        %add3A_273 = arith.addf %add3A_259, %get3A_272 : vector<16xf32>
        %add3A_274 = arith.constant 4 : i32
        %add3A_275 = arith.addi %mul3A_224, %add3A_274 : i32
        %get3A_276 = arith.index_cast %add3A_275 : i32 to index
        %get3A_277 = arith.constant 0 : index
        %get3A_278 = tpu.vector_load %arg8[%get3A_276, %get3A_277] {strides = array<i32>} : memref<1600x32xf32, #tpu.memory_space<vmem>>, vector<1x16xf32>,
        %get3A_279 = vector.shape_cast %get3A_278 : vector<1x16xf32> to vector<16xf32>
        %add3A_280 = arith.addf %add3A_266, %get3A_279 : vector<16xf32>
        %add3A_281 = arith.constant 4 : i32
        %add3A_282 = arith.addi %mul3A_224, %add3A_281 : i32
        %get3A_283 = arith.index_cast %add3A_282 : i32 to index
        %get3A_284 = arith.constant 16 : index
        %get3A_285 = tpu.vector_load %arg8[%get3A_283, %get3A_284] {strides = array<i32>} : memref<1600x32xf32, #tpu.memory_space<vmem>>, vector<1x16xf32>,
        %get3A_286 = vector.shape_cast %get3A_285 : vector<1x16xf32> to vector<16xf32>
        %add3A_287 = arith.addf %add3A_273, %get3A_286 : vector<16xf32>
        %add3A_288 = arith.constant 5 : i32
        %add3A_289 = arith.addi %mul3A_224, %add3A_288 : i32
        %get3A_290 = arith.index_cast %add3A_289 : i32 to index
        %get3A_291 = arith.constant 0 : index
        %get3A_292 = tpu.vector_load %arg8[%get3A_290, %get3A_291] {strides = array<i32>} : memref<1600x32xf32, #tpu.memory_space<vmem>>, vector<1x16xf32>,
        %get3A_293 = vector.shape_cast %get3A_292 : vector<1x16xf32> to vector<16xf32>
        %add3A_294 = arith.addf %add3A_280, %get3A_293 : vector<16xf32>
        %add3A_295 = arith.constant 5 : i32
        %add3A_296 = arith.addi %mul3A_224, %add3A_295 : i32
        %get3A_297 = arith.index_cast %add3A_296 : i32 to index
        %get3A_298 = arith.constant 16 : index
        %get3A_299 = tpu.vector_load %arg8[%get3A_297, %get3A_298] {strides = array<i32>} : memref<1600x32xf32, #tpu.memory_space<vmem>>, vector<1x16xf32>,
        %get3A_300 = vector.shape_cast %get3A_299 : vector<1x16xf32> to vector<16xf32>
        %add3A_301 = arith.addf %add3A_287, %get3A_300 : vector<16xf32>
        %add3A_302 = arith.constant 6 : i32
        %add3A_303 = arith.addi %mul3A_224, %add3A_302 : i32
        %get3A_304 = arith.index_cast %add3A_303 : i32 to index
        %get3A_305 = arith.constant 0 : index
        %get3A_306 = tpu.vector_load %arg8[%get3A_304, %get3A_305] {strides = array<i32>} : memref<1600x32xf32, #tpu.memory_space<vmem>>, vector<1x16xf32>,
        %get3A_307 = vector.shape_cast %get3A_306 : vector<1x16xf32> to vector<16xf32>
        %add3A_308 = arith.addf %add3A_294, %get3A_307 : vector<16xf32>
        %add3A_309 = arith.constant 6 : i32
        %add3A_310 = arith.addi %mul3A_224, %add3A_309 : i32
        %get3A_311 = arith.index_cast %add3A_310 : i32 to index
        %get3A_312 = arith.constant 16 : index
        %get3A_313 = tpu.vector_load %arg8[%get3A_311, %get3A_312] {strides = array<i32>} : memref<1600x32xf32, #tpu.memory_space<vmem>>, vector<1x16xf32>,
        %get3A_314 = vector.shape_cast %get3A_313 : vector<1x16xf32> to vector<16xf32>
        %add3A_315 = arith.addf %add3A_301, %get3A_314 : vector<16xf32>
        %add3A_316 = arith.constant 7 : i32
        %add3A_317 = arith.addi %mul3A_224, %add3A_316 : i32
        %get3A_318 = arith.index_cast %add3A_317 : i32 to index
        %get3A_319 = arith.constant 0 : index
        %get3A_320 = tpu.vector_load %arg8[%get3A_318, %get3A_319] {strides = array<i32>} : memref<1600x32xf32, #tpu.memory_space<vmem>>, vector<1x16xf32>,
        %get3A_321 = vector.shape_cast %get3A_320 : vector<1x16xf32> to vector<16xf32>
        %add3A_322 = arith.addf %add3A_308, %get3A_321 : vector<16xf32>
        %add3A_323 = arith.constant 7 : i32
        %add3A_324 = arith.addi %mul3A_224, %add3A_323 : i32
        %get3A_325 = arith.index_cast %add3A_324 : i32 to index
        %get3A_326 = arith.constant 16 : index
        %get3A_327 = tpu.vector_load %arg8[%get3A_325, %get3A_326] {strides = array<i32>} : memref<1600x32xf32, #tpu.memory_space<vmem>>, vector<1x16xf32>,
        %get3A_328 = vector.shape_cast %get3A_327 : vector<1x16xf32> to vector<16xf32>
        %add3A_329 = arith.addf %add3A_315, %get3A_328 : vector<16xf32>
        %add3A_330 = arith.constant 8 : i32
        %add3A_331 = arith.addi %mul3A_224, %add3A_330 : i32
        %get3A_332 = arith.index_cast %add3A_331 : i32 to index
        %get3A_333 = arith.constant 0 : index
        %get3A_334 = tpu.vector_load %arg8[%get3A_332, %get3A_333] {strides = array<i32>} : memref<1600x32xf32, #tpu.memory_space<vmem>>, vector<1x16xf32>,
        %get3A_335 = vector.shape_cast %get3A_334 : vector<1x16xf32> to vector<16xf32>
        %add3A_336 = arith.addf %add3A_322, %get3A_335 : vector<16xf32>
        %add3A_337 = arith.constant 8 : i32
        %add3A_338 = arith.addi %mul3A_224, %add3A_337 : i32
        %get3A_339 = arith.index_cast %add3A_338 : i32 to index
        %get3A_340 = arith.constant 16 : index
        %get3A_341 = tpu.vector_load %arg8[%get3A_339, %get3A_340] {strides = array<i32>} : memref<1600x32xf32, #tpu.memory_space<vmem>>, vector<1x16xf32>,
        %get3A_342 = vector.shape_cast %get3A_341 : vector<1x16xf32> to vector<16xf32>
        %add3A_343 = arith.addf %add3A_329, %get3A_342 : vector<16xf32>
        %add3A_344 = arith.constant 9 : i32
        %add3A_345 = arith.addi %mul3A_224, %add3A_344 : i32
        %get3A_346 = arith.index_cast %add3A_345 : i32 to index
        %get3A_347 = arith.constant 0 : index
        %get3A_348 = tpu.vector_load %arg8[%get3A_346, %get3A_347] {strides = array<i32>} : memref<1600x32xf32, #tpu.memory_space<vmem>>, vector<1x16xf32>,
        %get3A_349 = vector.shape_cast %get3A_348 : vector<1x16xf32> to vector<16xf32>
        %add3A_350 = arith.addf %add3A_336, %get3A_349 : vector<16xf32>
        %add3A_351 = arith.constant 9 : i32
        %add3A_352 = arith.addi %mul3A_224, %add3A_351 : i32
        %get3A_353 = arith.index_cast %add3A_352 : i32 to index
        %get3A_354 = arith.constant 16 : index
        %get3A_355 = tpu.vector_load %arg8[%get3A_353, %get3A_354] {strides = array<i32>} : memref<1600x32xf32, #tpu.memory_space<vmem>>, vector<1x16xf32>,
        %get3A_356 = vector.shape_cast %get3A_355 : vector<1x16xf32> to vector<16xf32>
        %add3A_357 = arith.addf %add3A_343, %get3A_356 : vector<16xf32>
        %add3A_358 = arith.constant 10 : i32
        %add3A_359 = arith.addi %mul3A_224, %add3A_358 : i32
        %get3A_360 = arith.index_cast %add3A_359 : i32 to index
        %get3A_361 = arith.constant 0 : index
        %get3A_362 = tpu.vector_load %arg8[%get3A_360, %get3A_361] {strides = array<i32>} : memref<1600x32xf32, #tpu.memory_space<vmem>>, vector<1x16xf32>,
        %get3A_363 = vector.shape_cast %get3A_362 : vector<1x16xf32> to vector<16xf32>
        %add3A_364 = arith.addf %add3A_350, %get3A_363 : vector<16xf32>
        %add3A_365 = arith.constant 10 : i32
        %add3A_366 = arith.addi %mul3A_224, %add3A_365 : i32
        %get3A_367 = arith.index_cast %add3A_366 : i32 to index
        %get3A_368 = arith.constant 16 : index
        %get3A_369 = tpu.vector_load %arg8[%get3A_367, %get3A_368] {strides = array<i32>} : memref<1600x32xf32, #tpu.memory_space<vmem>>, vector<1x16xf32>,
        %get3A_370 = vector.shape_cast %get3A_369 : vector<1x16xf32> to vector<16xf32>
        %add3A_371 = arith.addf %add3A_357, %get3A_370 : vector<16xf32>
        %add3A_372 = arith.constant 11 : i32
        %add3A_373 = arith.addi %mul3A_224, %add3A_372 : i32
        %get3A_374 = arith.index_cast %add3A_373 : i32 to index
        %get3A_375 = arith.constant 0 : index
        %get3A_376 = tpu.vector_load %arg8[%get3A_374, %get3A_375] {strides = array<i32>} : memref<1600x32xf32, #tpu.memory_space<vmem>>, vector<1x16xf32>,
        %get3A_377 = vector.shape_cast %get3A_376 : vector<1x16xf32> to vector<16xf32>
        %add3A_378 = arith.addf %add3A_364, %get3A_377 : vector<16xf32>
        %add3A_379 = arith.constant 11 : i32
        %add3A_380 = arith.addi %mul3A_224, %add3A_379 : i32
        %get3A_381 = arith.index_cast %add3A_380 : i32 to index
        %get3A_382 = arith.constant 16 : index
        %get3A_383 = tpu.vector_load %arg8[%get3A_381, %get3A_382] {strides = array<i32>} : memref<1600x32xf32, #tpu.memory_space<vmem>>, vector<1x16xf32>,
        %get3A_384 = vector.shape_cast %get3A_383 : vector<1x16xf32> to vector<16xf32>
        %add3A_385 = arith.addf %add3A_371, %get3A_384 : vector<16xf32>
        %add3A_386 = arith.constant 12 : i32
        %add3A_387 = arith.addi %mul3A_224, %add3A_386 : i32
        %get3A_388 = arith.index_cast %add3A_387 : i32 to index
        %get3A_389 = arith.constant 0 : index
        %get3A_390 = tpu.vector_load %arg8[%get3A_388, %get3A_389] {strides = array<i32>} : memref<1600x32xf32, #tpu.memory_space<vmem>>, vector<1x16xf32>,
        %get3A_391 = vector.shape_cast %get3A_390 : vector<1x16xf32> to vector<16xf32>
        %add3A_392 = arith.addf %add3A_378, %get3A_391 : vector<16xf32>
        %add3A_393 = arith.constant 12 : i32
        %add3A_394 = arith.addi %mul3A_224, %add3A_393 : i32
        %get3A_395 = arith.index_cast %add3A_394 : i32 to index
        %get3A_396 = arith.constant 16 : index
        %get3A_397 = tpu.vector_load %arg8[%get3A_395, %get3A_396] {strides = array<i32>} : memref<1600x32xf32, #tpu.memory_space<vmem>>, vector<1x16xf32>,
        %get3A_398 = vector.shape_cast %get3A_397 : vector<1x16xf32> to vector<16xf32>
        %add3A_399 = arith.addf %add3A_385, %get3A_398 : vector<16xf32>
        %add3A_400 = arith.constant 13 : i32
        %add3A_401 = arith.addi %mul3A_224, %add3A_400 : i32
        %get3A_402 = arith.index_cast %add3A_401 : i32 to index
        %get3A_403 = arith.constant 0 : index
        %get3A_404 = tpu.vector_load %arg8[%get3A_402, %get3A_403] {strides = array<i32>} : memref<1600x32xf32, #tpu.memory_space<vmem>>, vector<1x16xf32>,
        %get3A_405 = vector.shape_cast %get3A_404 : vector<1x16xf32> to vector<16xf32>
        %add3A_406 = arith.addf %add3A_392, %get3A_405 : vector<16xf32>
        %add3A_407 = arith.constant 13 : i32
        %add3A_408 = arith.addi %mul3A_224, %add3A_407 : i32
        %get3A_409 = arith.index_cast %add3A_408 : i32 to index
        %get3A_410 = arith.constant 16 : index
        %get3A_411 = tpu.vector_load %arg8[%get3A_409, %get3A_410] {strides = array<i32>} : memref<1600x32xf32, #tpu.memory_space<vmem>>, vector<1x16xf32>,
        %get3A_412 = vector.shape_cast %get3A_411 : vector<1x16xf32> to vector<16xf32>
        %add3A_413 = arith.addf %add3A_399, %get3A_412 : vector<16xf32>
        %add3A_414 = arith.constant 14 : i32
        %add3A_415 = arith.addi %mul3A_224, %add3A_414 : i32
        %get3A_416 = arith.index_cast %add3A_415 : i32 to index
        %get3A_417 = arith.constant 0 : index
        %get3A_418 = tpu.vector_load %arg8[%get3A_416, %get3A_417] {strides = array<i32>} : memref<1600x32xf32, #tpu.memory_space<vmem>>, vector<1x16xf32>,
        %get3A_419 = vector.shape_cast %get3A_418 : vector<1x16xf32> to vector<16xf32>
        %add3A_420 = arith.addf %add3A_406, %get3A_419 : vector<16xf32>
        %add3A_421 = arith.constant 14 : i32
        %add3A_422 = arith.addi %mul3A_224, %add3A_421 : i32
        %get3A_423 = arith.index_cast %add3A_422 : i32 to index
        %get3A_424 = arith.constant 16 : index
        %get3A_425 = tpu.vector_load %arg8[%get3A_423, %get3A_424] {strides = array<i32>} : memref<1600x32xf32, #tpu.memory_space<vmem>>, vector<1x16xf32>,
        %get3A_426 = vector.shape_cast %get3A_425 : vector<1x16xf32> to vector<16xf32>
        %add3A_427 = arith.addf %add3A_413, %get3A_426 : vector<16xf32>
        %add3A_428 = arith.constant 15 : i32
        %add3A_429 = arith.addi %mul3A_224, %add3A_428 : i32
        %get3A_430 = arith.index_cast %add3A_429 : i32 to index
        %get3A_431 = arith.constant 0 : index
        %get3A_432 = tpu.vector_load %arg8[%get3A_430, %get3A_431] {strides = array<i32>} : memref<1600x32xf32, #tpu.memory_space<vmem>>, vector<1x16xf32>,
        %get3A_433 = vector.shape_cast %get3A_432 : vector<1x16xf32> to vector<16xf32>
        %add3A_434 = arith.addf %add3A_420, %get3A_433 : vector<16xf32>
        %add3A_435 = arith.constant 15 : i32
        %add3A_436 = arith.addi %mul3A_224, %add3A_435 : i32
        %get3A_437 = arith.index_cast %add3A_436 : i32 to index
        %get3A_438 = arith.constant 16 : index
        %get3A_439 = tpu.vector_load %arg8[%get3A_437, %get3A_438] {strides = array<i32>} : memref<1600x32xf32, #tpu.memory_space<vmem>>, vector<1x16xf32>,
        %get3A_440 = vector.shape_cast %get3A_439 : vector<1x16xf32> to vector<16xf32>
        %add3A_441 = arith.addf %add3A_427, %get3A_440 : vector<16xf32>
        %add3A_442 = arith.constant 16 : i32
        %add3A_443 = arith.addi %mul3A_224, %add3A_442 : i32
        %get3A_444 = arith.index_cast %add3A_443 : i32 to index
        %get3A_445 = arith.constant 0 : index
        %get3A_446 = tpu.vector_load %arg8[%get3A_444, %get3A_445] {strides = array<i32>} : memref<1600x32xf32, #tpu.memory_space<vmem>>, vector<1x16xf32>,
        %get3A_447 = vector.shape_cast %get3A_446 : vector<1x16xf32> to vector<16xf32>
        %add3A_448 = arith.addf %add3A_434, %get3A_447 : vector<16xf32>
        %add3A_449 = arith.constant 16 : i32
        %add3A_450 = arith.addi %mul3A_224, %add3A_449 : i32
        %get3A_451 = arith.index_cast %add3A_450 : i32 to index
        %get3A_452 = arith.constant 16 : index
        %get3A_453 = tpu.vector_load %arg8[%get3A_451, %get3A_452] {strides = array<i32>} : memref<1600x32xf32, #tpu.memory_space<vmem>>, vector<1x16xf32>,
        %get3A_454 = vector.shape_cast %get3A_453 : vector<1x16xf32> to vector<16xf32>
        %add3A_455 = arith.addf %add3A_441, %get3A_454 : vector<16xf32>
        %add3A_456 = arith.constant 17 : i32
        %add3A_457 = arith.addi %mul3A_224, %add3A_456 : i32
        %get3A_458 = arith.index_cast %add3A_457 : i32 to index
        %get3A_459 = arith.constant 0 : index
        %get3A_460 = tpu.vector_load %arg8[%get3A_458, %get3A_459] {strides = array<i32>} : memref<1600x32xf32, #tpu.memory_space<vmem>>, vector<1x16xf32>,
        %get3A_461 = vector.shape_cast %get3A_460 : vector<1x16xf32> to vector<16xf32>
        %add3A_462 = arith.addf %add3A_448, %get3A_461 : vector<16xf32>
        %add3A_463 = arith.constant 17 : i32
        %add3A_464 = arith.addi %mul3A_224, %add3A_463 : i32
        %get3A_465 = arith.index_cast %add3A_464 : i32 to index
        %get3A_466 = arith.constant 16 : index
        %get3A_467 = tpu.vector_load %arg8[%get3A_465, %get3A_466] {strides = array<i32>} : memref<1600x32xf32, #tpu.memory_space<vmem>>, vector<1x16xf32>,
        %get3A_468 = vector.shape_cast %get3A_467 : vector<1x16xf32> to vector<16xf32>
        %add3A_469 = arith.addf %add3A_455, %get3A_468 : vector<16xf32>
        %add3A_470 = arith.constant 18 : i32
        %add3A_471 = arith.addi %mul3A_224, %add3A_470 : i32
        %get3A_472 = arith.index_cast %add3A_471 : i32 to index
        %get3A_473 = arith.constant 0 : index
        %get3A_474 = tpu.vector_load %arg8[%get3A_472, %get3A_473] {strides = array<i32>} : memref<1600x32xf32, #tpu.memory_space<vmem>>, vector<1x16xf32>,
        %get3A_475 = vector.shape_cast %get3A_474 : vector<1x16xf32> to vector<16xf32>
        %add3A_476 = arith.addf %add3A_462, %get3A_475 : vector<16xf32>
        %add3A_477 = arith.constant 18 : i32
        %add3A_478 = arith.addi %mul3A_224, %add3A_477 : i32
        %get3A_479 = arith.index_cast %add3A_478 : i32 to index
        %get3A_480 = arith.constant 16 : index
        %get3A_481 = tpu.vector_load %arg8[%get3A_479, %get3A_480] {strides = array<i32>} : memref<1600x32xf32, #tpu.memory_space<vmem>>, vector<1x16xf32>,
        %get3A_482 = vector.shape_cast %get3A_481 : vector<1x16xf32> to vector<16xf32>
        %add3A_483 = arith.addf %add3A_469, %get3A_482 : vector<16xf32>
        %add3A_484 = arith.constant 19 : i32
        %add3A_485 = arith.addi %mul3A_224, %add3A_484 : i32
        %get3A_486 = arith.index_cast %add3A_485 : i32 to index
        %get3A_487 = arith.constant 0 : index
        %get3A_488 = tpu.vector_load %arg8[%get3A_486, %get3A_487] {strides = array<i32>} : memref<1600x32xf32, #tpu.memory_space<vmem>>, vector<1x16xf32>,
        %get3A_489 = vector.shape_cast %get3A_488 : vector<1x16xf32> to vector<16xf32>
        %add3A_490 = arith.addf %add3A_476, %get3A_489 : vector<16xf32>
        %add3A_491 = arith.constant 19 : i32
        %add3A_492 = arith.addi %mul3A_224, %add3A_491 : i32
        %get3A_493 = arith.index_cast %add3A_492 : i32 to index
        %get3A_494 = arith.constant 16 : index
        %get3A_495 = tpu.vector_load %arg8[%get3A_493, %get3A_494] {strides = array<i32>} : memref<1600x32xf32, #tpu.memory_space<vmem>>, vector<1x16xf32>,
        %get3A_496 = vector.shape_cast %get3A_495 : vector<1x16xf32> to vector<16xf32>
        %add3A_497 = arith.addf %add3A_483, %get3A_496 : vector<16xf32>
        %add3A_498 = arith.constant 20 : i32
        %add3A_499 = arith.addi %mul3A_224, %add3A_498 : i32
        %get3A_500 = arith.index_cast %add3A_499 : i32 to index
        %get3A_501 = arith.constant 0 : index
        %get3A_502 = tpu.vector_load %arg8[%get3A_500, %get3A_501] {strides = array<i32>} : memref<1600x32xf32, #tpu.memory_space<vmem>>, vector<1x16xf32>,
        %get3A_503 = vector.shape_cast %get3A_502 : vector<1x16xf32> to vector<16xf32>
        %add3A_504 = arith.addf %add3A_490, %get3A_503 : vector<16xf32>
        %add3A_505 = arith.constant 20 : i32
        %add3A_506 = arith.addi %mul3A_224, %add3A_505 : i32
        %get3A_507 = arith.index_cast %add3A_506 : i32 to index
        %get3A_508 = arith.constant 16 : index
        %get3A_509 = tpu.vector_load %arg8[%get3A_507, %get3A_508] {strides = array<i32>} : memref<1600x32xf32, #tpu.memory_space<vmem>>, vector<1x16xf32>,
        %get3A_510 = vector.shape_cast %get3A_509 : vector<1x16xf32> to vector<16xf32>
        %add3A_511 = arith.addf %add3A_497, %get3A_510 : vector<16xf32>
        %add3A_512 = arith.constant 21 : i32
        %add3A_513 = arith.addi %mul3A_224, %add3A_512 : i32
        %get3A_514 = arith.index_cast %add3A_513 : i32 to index
        %get3A_515 = arith.constant 0 : index
        %get3A_516 = tpu.vector_load %arg8[%get3A_514, %get3A_515] {strides = array<i32>} : memref<1600x32xf32, #tpu.memory_space<vmem>>, vector<1x16xf32>,
        %get3A_517 = vector.shape_cast %get3A_516 : vector<1x16xf32> to vector<16xf32>
        %add3A_518 = arith.addf %add3A_504, %get3A_517 : vector<16xf32>
        %add3A_519 = arith.constant 21 : i32
        %add3A_520 = arith.addi %mul3A_224, %add3A_519 : i32
        %get3A_521 = arith.index_cast %add3A_520 : i32 to index
        %get3A_522 = arith.constant 16 : index
        %get3A_523 = tpu.vector_load %arg8[%get3A_521, %get3A_522] {strides = array<i32>} : memref<1600x32xf32, #tpu.memory_space<vmem>>, vector<1x16xf32>,
        %get3A_524 = vector.shape_cast %get3A_523 : vector<1x16xf32> to vector<16xf32>
        %add3A_525 = arith.addf %add3A_511, %get3A_524 : vector<16xf32>
        %add3A_526 = arith.constant 22 : i32
        %add3A_527 = arith.addi %mul3A_224, %add3A_526 : i32
        %get3A_528 = arith.index_cast %add3A_527 : i32 to index
        %get3A_529 = arith.constant 0 : index
        %get3A_530 = tpu.vector_load %arg8[%get3A_528, %get3A_529] {strides = array<i32>} : memref<1600x32xf32, #tpu.memory_space<vmem>>, vector<1x16xf32>,
        %get3A_531 = vector.shape_cast %get3A_530 : vector<1x16xf32> to vector<16xf32>
        %add3A_532 = arith.addf %add3A_518, %get3A_531 : vector<16xf32>
        %add3A_533 = arith.constant 22 : i32
        %add3A_534 = arith.addi %mul3A_224, %add3A_533 : i32
        %get3A_535 = arith.index_cast %add3A_534 : i32 to index
        %get3A_536 = arith.constant 16 : index
        %get3A_537 = tpu.vector_load %arg8[%get3A_535, %get3A_536] {strides = array<i32>} : memref<1600x32xf32, #tpu.memory_space<vmem>>, vector<1x16xf32>,
        %get3A_538 = vector.shape_cast %get3A_537 : vector<1x16xf32> to vector<16xf32>
        %add3A_539 = arith.addf %add3A_525, %get3A_538 : vector<16xf32>
        %add3A_540 = arith.constant 23 : i32
        %add3A_541 = arith.addi %mul3A_224, %add3A_540 : i32
        %get3A_542 = arith.index_cast %add3A_541 : i32 to index
        %get3A_543 = arith.constant 0 : index
        %get3A_544 = tpu.vector_load %arg8[%get3A_542, %get3A_543] {strides = array<i32>} : memref<1600x32xf32, #tpu.memory_space<vmem>>, vector<1x16xf32>,
        %get3A_545 = vector.shape_cast %get3A_544 : vector<1x16xf32> to vector<16xf32>
        %add3A_546 = arith.addf %add3A_532, %get3A_545 : vector<16xf32>
        %add3A_547 = arith.constant 23 : i32
        %add3A_548 = arith.addi %mul3A_224, %add3A_547 : i32
        %get3A_549 = arith.index_cast %add3A_548 : i32 to index
        %get3A_550 = arith.constant 16 : index
        %get3A_551 = tpu.vector_load %arg8[%get3A_549, %get3A_550] {strides = array<i32>} : memref<1600x32xf32, #tpu.memory_space<vmem>>, vector<1x16xf32>,
        %get3A_552 = vector.shape_cast %get3A_551 : vector<1x16xf32> to vector<16xf32>
        %add3A_553 = arith.addf %add3A_539, %get3A_552 : vector<16xf32>
        %add3A_554 = arith.constant 24 : i32
        %add3A_555 = arith.addi %mul3A_224, %add3A_554 : i32
        %get3A_556 = arith.index_cast %add3A_555 : i32 to index
        %get3A_557 = arith.constant 0 : index
        %get3A_558 = tpu.vector_load %arg8[%get3A_556, %get3A_557] {strides = array<i32>} : memref<1600x32xf32, #tpu.memory_space<vmem>>, vector<1x16xf32>,
        %get3A_559 = vector.shape_cast %get3A_558 : vector<1x16xf32> to vector<16xf32>
        %add3A_560 = arith.addf %add3A_546, %get3A_559 : vector<16xf32>
        %add3A_561 = arith.constant 24 : i32
        %add3A_562 = arith.addi %mul3A_224, %add3A_561 : i32
        %get3A_563 = arith.index_cast %add3A_562 : i32 to index
        %get3A_564 = arith.constant 16 : index
        %get3A_565 = tpu.vector_load %arg8[%get3A_563, %get3A_564] {strides = array<i32>} : memref<1600x32xf32, #tpu.memory_space<vmem>>, vector<1x16xf32>,
        %get3A_566 = vector.shape_cast %get3A_565 : vector<1x16xf32> to vector<16xf32>
        %add3A_567 = arith.addf %add3A_553, %get3A_566 : vector<16xf32>
        %jit3A_568 = arith.constant 4 : i32
        %div3A_569 = arith.divsi %scan3A_222, %jit3A_568 : i32
        %sign3A_570 = arith.constant 0 : i32
        %sign3A_571 = arith.cmpi sgt, %scan3A_222, %sign3A_570 : i32
        %sign3A_572 = arith.extui %sign3A_571 : i1 to i32
        %sign3A_573 = arith.constant 0 : i32
        %sign3A_574 = arith.cmpi slt, %scan3A_222, %sign3A_573 : i32
        %sign3A_575 = arith.extui %sign3A_574 : i1 to i32
        %sign3A_576 = arith.subi %sign3A_572, %sign3A_575 : i32
        %sign3A_577 = arith.constant 0 : i32
        %sign3A_578 = arith.cmpi sgt, %jit3A_568, %sign3A_577 : i32
        %sign3A_579 = arith.extui %sign3A_578 : i1 to i32
        %sign3A_580 = arith.constant 0 : i32
        %sign3A_581 = arith.cmpi slt, %jit3A_568, %sign3A_580 : i32
        %sign3A_582 = arith.extui %sign3A_581 : i1 to i32
        %sign3A_583 = arith.subi %sign3A_579, %sign3A_582 : i32
        %ne3A_584 = arith.cmpi ne, %sign3A_576, %sign3A_583 : i32
        %rem3A_585 = arith.remsi %scan3A_222, %jit3A_568 : i32
        %ne3A_586 = arith.constant 0 : i32
        %ne3A_587 = arith.cmpi ne, %rem3A_585, %ne3A_586 : i32
        %and3A_588 = arith.andi %ne3A_584, %ne3A_587 : i1
        %sub3A_589 = arith.constant 1 : i32
        %sub3A_590 = arith.subi %div3A_569, %sub3A_589 : i32
        %select_n3A_591 = arith.select %and3A_588, %sub3A_590, %div3A_569 : i32
        %jit3A_592 = arith.constant 4 : i32
        %eq3A_593 = arith.constant 0 : i32
        %eq3A_594 = arith.cmpi eq, %jit3A_592, %eq3A_593 : i32
        %jit3A_595 = arith.constant 1 : i32
        %select_n3A_596 = arith.select %eq3A_594, %jit3A_595, %jit3A_592 : i32
        %rem3A_597 = arith.remsi %scan3A_222, %select_n3A_596 : i32
        %ne3A_598 = arith.constant 0 : i32
        %ne3A_599 = arith.cmpi ne, %rem3A_597, %ne3A_598 : i32
        %lt3A_600 = arith.constant 0 : i32
        %lt3A_601 = arith.cmpi slt, %rem3A_597, %lt3A_600 : i32
        %lt3A_602 = arith.constant 0 : i32
        %lt3A_603 = arith.cmpi slt, %select_n3A_596, %lt3A_602 : i32
        %ne3A_604 = arith.xori %lt3A_601, %lt3A_603 : i1
        %and3A_605 = arith.andi %ne3A_604, %ne3A_599 : i1
        %add3A_606 = arith.addi %rem3A_597, %select_n3A_596 : i32
        %select_n3A_607 = arith.select %and3A_605, %add3A_606, %rem3A_597 : i32
        %mul3A_608 = arith.constant 32 : i32
        %mul3A_609 = arith.muli %select_n3A_607, %mul3A_608 : i32
        %swap3A = arith.index_cast %select_n3A_591 : i32 to index
        %swap3A_610 = arith.index_cast %mul3A_609 : i32 to index
        %swap3A_611 = tpu.vector_load %arg10[%swap3A, %swap3A_610] {strides = array<i32>} : memref<16x128xf32, #tpu.memory_space<vmem>>, vector<1x16xf32>,
        %swap3A_612 = vector.shape_cast %swap3A_611 : vector<1x16xf32> to vector<16xf32>
        %swap3A_613 = vector.shape_cast %add3A_560 : vector<16xf32> to vector<1x16xf32>
        tpu.vector_store %arg10[%swap3A, %swap3A_610], %swap3A_613 {strides = array<i32>} : memref<16x128xf32, #tpu.memory_space<vmem>>, vector<1x16xf32>,
        %add3A_614 = arith.constant 16 : i32
        %add3A_615 = arith.addi %mul3A_609, %add3A_614 : i32
        %swap3A_616 = arith.index_cast %select_n3A_591 : i32 to index
        %swap3A_617 = arith.index_cast %add3A_615 : i32 to index
        %swap3A_618 = tpu.vector_load %arg10[%swap3A_616, %swap3A_617] {strides = array<i32>} : memref<16x128xf32, #tpu.memory_space<vmem>>, vector<1x16xf32>,
        %swap3A_619 = vector.shape_cast %swap3A_618 : vector<1x16xf32> to vector<16xf32>
        %swap3A_620 = vector.shape_cast %add3A_567 : vector<16xf32> to vector<1x16xf32>
        tpu.vector_store %arg10[%swap3A_616, %swap3A_617], %swap3A_620 {strides = array<i32>} : memref<16x128xf32, #tpu.memory_space<vmem>>, vector<1x16xf32>,
      }
      %scan3A_217 = arith.constant 64 : i32
      %dma_start3A_218 = arith.constant 0 : i32
      %dma_start3A_219 = tpu.memref_slice %arg4[%select_n3A_208, %dma_start3A_218] : memref<25000x128xf32, #tpu.memory_space<hbm>> -> memref<16x128xf32, #tpu.memory_space<hbm>>
      %dma_start3A_220 = arith.constant 0 : i32
      %dma_start3A_221 = tpu.memref_slice %arg4[%select_n3A_208, %dma_start3A_220] : memref<25000x128xf32, #tpu.memory_space<hbm>> -> memref<16x128xf32, #tpu.memory_space<hbm>>
      tpu.enqueue_dma source(%arg10 : memref<16x128xf32, #tpu.memory_space<vmem>>) target(%dma_start3A_221 : memref<16x128xf32, #tpu.memory_space<hbm>>) target_semaphore(%arg14 : memref<!tpu.dma_semaphore, #tpu.memory_space<semaphore_mem>>)
    }
    %while3A_62 = arith.constant 1 : i32
    scf.for %while3A_91 = %while3A_60 to %while3A_56 step %while3A_62  : i32 {
      %mul3A_92 = arith.constant 2 : i32
      %mul3A_93 = arith.muli %mul3A_92, %while3A_91 : i32
      %add3A_94 = arith.constant 1 : i32
      %add3A_95 = arith.addi %mul3A_93, %add3A_94 : i32
      %mul3A_96 = arith.constant 32 : i32
      %mul3A_97 = arith.muli %mul3A_96, %add3A_95 : i32
      %add3A_98 = arith.addi %add3A, %mul3A_97 : i32
      %mul3A_99 = arith.constant 64 : i32
      %mul3A_100 = arith.muli %add3A_98, %mul3A_99 : i32
      %min3A_101 = arith.constant 99936 : i32
      %min3A_102 = arith.minsi %mul3A_100, %min3A_101 : i32
      %mul3A_103 = arith.constant 25 : i32
      %mul3A_104 = arith.muli %min3A_102, %mul3A_103 : i32
      "tpu.region"() ({
        %run_scoped3A = tpu.sem_alloc : memref<!tpu.dma_semaphore, #tpu.memory_space<semaphore_mem>>
        %dma_start3A_222 = tpu.memref_slice %arg3[%mul3A_104] : memref<2500000xi32, #tpu.memory_space<hbm>> -> memref<1600xi32, #tpu.memory_space<hbm>>
        %dma_start3A_223 = tpu.memref_slice %arg3[%mul3A_104] : memref<2500000xi32, #tpu.memory_space<hbm>> -> memref<1600xi32, #tpu.memory_space<hbm>>
        tpu.enqueue_dma source(%dma_start3A_223 : memref<1600xi32, #tpu.memory_space<hbm>>) target(%arg6 : memref<1600xi32, #tpu.memory_space<vmem>>) target_semaphore(%run_scoped3A : memref<!tpu.dma_semaphore, #tpu.memory_space<semaphore_mem>>)
        %dma_wait3A_224 = tpu.memref_slice %arg3[%mul3A_104] : memref<2500000xi32, #tpu.memory_space<hbm>> -> memref<1600xi32, #tpu.memory_space<hbm>>
        %dma_wait3A_225 = tpu.memref_slice %arg3[%mul3A_104] : memref<2500000xi32, #tpu.memory_space<hbm>> -> memref<1600xi32, #tpu.memory_space<hbm>>
        tpu.wait_dma2 semaphore(%run_scoped3A : memref<!tpu.dma_semaphore, #tpu.memory_space<semaphore_mem>>) src(%dma_wait3A_225 : memref<1600xi32, #tpu.memory_space<hbm>>) dst(%arg6 : memref<1600xi32, #tpu.memory_space<vmem>>)
        tpu.yield
      }) : () -> ()
      %dma_start3A_105 = arith.constant 0 : i32
      %dma_start3A_106 = arith.constant 0 : i32
      %dma_start3A_107 = tpu.memref_slice %arg2[%dma_start3A_105, %dma_start3A_106] : memref<100000x32xf32, #tpu.memory_space<hbm>> -> memref<100000x32xf32, #tpu.memory_space<hbm>>
      tpu.enqueue_indirect_dma source(%dma_start3A_107 : memref<100000x32xf32, #tpu.memory_space<hbm>>) target(%arg8 : memref<1600x32xf32, #tpu.memory_space<vmem>>) offsets(%arg6 : memref<1600xi32, #tpu.memory_space<vmem>>) semaphore(%arg12 : memref<!tpu.dma_semaphore, #tpu.memory_space<semaphore_mem>>)
      %mul3A_108 = arith.constant 2 : i32
      %mul3A_109 = arith.muli %mul3A_108, %while3A_91 : i32
      %gt3A = arith.constant 0 : i32
      %gt3A_110 = arith.cmpi sgt, %while3A_91, %gt3A : i32
      %dma_wait3A_111 = arith.constant 0 : i32
      %dma_wait3A_112 = arith.constant 0 : i32
      %dma_wait3A_113 = tpu.memref_slice %arg2[%dma_wait3A_111, %dma_wait3A_112] : memref<100000x32xf32, #tpu.memory_space<hbm>> -> memref<100000x32xf32, #tpu.memory_space<hbm>>
      tpu.wait_indirect_dma semaphore(%arg11 : memref<!tpu.dma_semaphore, #tpu.memory_space<semaphore_mem>>) src(%dma_wait3A_113 : memref<100000x32xf32, #tpu.memory_space<hbm>>) dst(%arg7 : memref<1600x32xf32, #tpu.memory_space<vmem>>)
      %mul3A_114 = arith.constant 32 : i32
      %mul3A_115 = arith.muli %mul3A_114, %mul3A_109 : i32
      %add3A_116 = arith.addi %add3A, %mul3A_115 : i32
      %mul3A_117 = arith.constant 64 : i32
      %mul3A_118 = arith.muli %add3A_116, %mul3A_117 : i32
      %min3A_119 = arith.constant 99936 : i32
      %min3A_120 = arith.minsi %mul3A_118, %min3A_119 : i32
      %mul3A_121 = arith.constant 32 : i32
      %mul3A_122 = arith.muli %min3A_120, %mul3A_121 : i32
      %jit3A_123 = arith.constant 128 : i32
      %div3A_124 = arith.divsi %mul3A_122, %jit3A_123 : i32
      %sign3A_125 = arith.constant 0 : i32
      %sign3A_126 = arith.cmpi sgt, %mul3A_122, %sign3A_125 : i32
      %sign3A_127 = arith.extui %sign3A_126 : i1 to i32
      %sign3A_128 = arith.constant 0 : i32
      %sign3A_129 = arith.cmpi slt, %mul3A_122, %sign3A_128 : i32
      %sign3A_130 = arith.extui %sign3A_129 : i1 to i32
      %sign3A_131 = arith.subi %sign3A_127, %sign3A_130 : i32
      %sign3A_132 = arith.constant 0 : i32
      %sign3A_133 = arith.cmpi sgt, %jit3A_123, %sign3A_132 : i32
      %sign3A_134 = arith.extui %sign3A_133 : i1 to i32
      %sign3A_135 = arith.constant 0 : i32
      %sign3A_136 = arith.cmpi slt, %jit3A_123, %sign3A_135 : i32
      %sign3A_137 = arith.extui %sign3A_136 : i1 to i32
      %sign3A_138 = arith.subi %sign3A_134, %sign3A_137 : i32
      %ne3A_139 = arith.cmpi ne, %sign3A_131, %sign3A_138 : i32
      %rem3A_140 = arith.remsi %mul3A_122, %jit3A_123 : i32
      %ne3A_141 = arith.constant 0 : i32
      %ne3A_142 = arith.cmpi ne, %rem3A_140, %ne3A_141 : i32
      %and3A_143 = arith.andi %ne3A_139, %ne3A_142 : i1
      %sub3A_144 = arith.constant 1 : i32
      %sub3A_145 = arith.subi %div3A_124, %sub3A_144 : i32
      %select_n3A_146 = arith.select %and3A_143, %sub3A_145, %div3A_124 : i32
      %convert_element_type3A_147 = arith.extui %gt3A_110 : i1 to i32
      %cond3A_148 = arith.constant 0 : i32
      %cond3A_149 = arith.cmpi ne, %convert_element_type3A_147, %cond3A_148 : i32
      scf.if %cond3A_149 {
        %dma_wait3A_222 = arith.constant 0 : i32
        %dma_wait3A_223 = tpu.memref_slice %arg4[%select_n3A_146, %dma_wait3A_222] : memref<25000x128xf32, #tpu.memory_space<hbm>> -> memref<16x128xf32, #tpu.memory_space<hbm>>
        %dma_wait3A_224 = arith.constant 0 : i32
        %dma_wait3A_225 = tpu.memref_slice %arg4[%select_n3A_146, %dma_wait3A_224] : memref<25000x128xf32, #tpu.memory_space<hbm>> -> memref<16x128xf32, #tpu.memory_space<hbm>>
        tpu.wait_dma2 semaphore(%arg13 : memref<!tpu.dma_semaphore, #tpu.memory_space<semaphore_mem>>) src(%arg9 : memref<16x128xf32, #tpu.memory_space<vmem>>) dst(%dma_wait3A_225 : memref<16x128xf32, #tpu.memory_space<hbm>>)
      } else {
      }
      %scan3A = arith.constant 0 : i32
      %scan3A_150 = arith.constant 0 : i32
      %scan3A_151 = arith.constant 64 : i32
      %scan3A_152 = arith.addi %scan3A_150, %scan3A_151 : i32
      %scan3A_153 = arith.constant 1 : i32
      scf.for %scan3A_222 = %scan3A_150 to %scan3A_152 step %scan3A_153  : i32 {
        %mul3A_223 = arith.constant 25 : i32
        %mul3A_224 = arith.muli %scan3A_222, %mul3A_223 : i32
        %get3A = arith.index_cast %mul3A_224 : i32 to index
        %get3A_225 = arith.constant 0 : index
        %get3A_226 = tpu.vector_load %arg7[%get3A, %get3A_225] {strides = array<i32>} : memref<1600x32xf32, #tpu.memory_space<vmem>>, vector<1x16xf32>,
        %get3A_227 = vector.shape_cast %get3A_226 : vector<1x16xf32> to vector<16xf32>
        %get3A_228 = arith.index_cast %mul3A_224 : i32 to index
        %get3A_229 = arith.constant 16 : index
        %get3A_230 = tpu.vector_load %arg7[%get3A_228, %get3A_229] {strides = array<i32>} : memref<1600x32xf32, #tpu.memory_space<vmem>>, vector<1x16xf32>,
        %get3A_231 = vector.shape_cast %get3A_230 : vector<1x16xf32> to vector<16xf32>
        %add3A_232 = arith.constant 1 : i32
        %add3A_233 = arith.addi %mul3A_224, %add3A_232 : i32
        %get3A_234 = arith.index_cast %add3A_233 : i32 to index
        %get3A_235 = arith.constant 0 : index
        %get3A_236 = tpu.vector_load %arg7[%get3A_234, %get3A_235] {strides = array<i32>} : memref<1600x32xf32, #tpu.memory_space<vmem>>, vector<1x16xf32>,
        %get3A_237 = vector.shape_cast %get3A_236 : vector<1x16xf32> to vector<16xf32>
        %add3A_238 = arith.addf %get3A_227, %get3A_237 : vector<16xf32>
        %add3A_239 = arith.constant 1 : i32
        %add3A_240 = arith.addi %mul3A_224, %add3A_239 : i32
        %get3A_241 = arith.index_cast %add3A_240 : i32 to index
        %get3A_242 = arith.constant 16 : index
        %get3A_243 = tpu.vector_load %arg7[%get3A_241, %get3A_242] {strides = array<i32>} : memref<1600x32xf32, #tpu.memory_space<vmem>>, vector<1x16xf32>,
        %get3A_244 = vector.shape_cast %get3A_243 : vector<1x16xf32> to vector<16xf32>
        %add3A_245 = arith.addf %get3A_231, %get3A_244 : vector<16xf32>
        %add3A_246 = arith.constant 2 : i32
        %add3A_247 = arith.addi %mul3A_224, %add3A_246 : i32
        %get3A_248 = arith.index_cast %add3A_247 : i32 to index
        %get3A_249 = arith.constant 0 : index
        %get3A_250 = tpu.vector_load %arg7[%get3A_248, %get3A_249] {strides = array<i32>} : memref<1600x32xf32, #tpu.memory_space<vmem>>, vector<1x16xf32>,
        %get3A_251 = vector.shape_cast %get3A_250 : vector<1x16xf32> to vector<16xf32>
        %add3A_252 = arith.addf %add3A_238, %get3A_251 : vector<16xf32>
        %add3A_253 = arith.constant 2 : i32
        %add3A_254 = arith.addi %mul3A_224, %add3A_253 : i32
        %get3A_255 = arith.index_cast %add3A_254 : i32 to index
        %get3A_256 = arith.constant 16 : index
        %get3A_257 = tpu.vector_load %arg7[%get3A_255, %get3A_256] {strides = array<i32>} : memref<1600x32xf32, #tpu.memory_space<vmem>>, vector<1x16xf32>,
        %get3A_258 = vector.shape_cast %get3A_257 : vector<1x16xf32> to vector<16xf32>
        %add3A_259 = arith.addf %add3A_245, %get3A_258 : vector<16xf32>
        %add3A_260 = arith.constant 3 : i32
        %add3A_261 = arith.addi %mul3A_224, %add3A_260 : i32
        %get3A_262 = arith.index_cast %add3A_261 : i32 to index
        %get3A_263 = arith.constant 0 : index
        %get3A_264 = tpu.vector_load %arg7[%get3A_262, %get3A_263] {strides = array<i32>} : memref<1600x32xf32, #tpu.memory_space<vmem>>, vector<1x16xf32>,
        %get3A_265 = vector.shape_cast %get3A_264 : vector<1x16xf32> to vector<16xf32>
        %add3A_266 = arith.addf %add3A_252, %get3A_265 : vector<16xf32>
        %add3A_267 = arith.constant 3 : i32
        %add3A_268 = arith.addi %mul3A_224, %add3A_267 : i32
        %get3A_269 = arith.index_cast %add3A_268 : i32 to index
        %get3A_270 = arith.constant 16 : index
        %get3A_271 = tpu.vector_load %arg7[%get3A_269, %get3A_270] {strides = array<i32>} : memref<1600x32xf32, #tpu.memory_space<vmem>>, vector<1x16xf32>,
        %get3A_272 = vector.shape_cast %get3A_271 : vector<1x16xf32> to vector<16xf32>
        %add3A_273 = arith.addf %add3A_259, %get3A_272 : vector<16xf32>
        %add3A_274 = arith.constant 4 : i32
        %add3A_275 = arith.addi %mul3A_224, %add3A_274 : i32
        %get3A_276 = arith.index_cast %add3A_275 : i32 to index
        %get3A_277 = arith.constant 0 : index
        %get3A_278 = tpu.vector_load %arg7[%get3A_276, %get3A_277] {strides = array<i32>} : memref<1600x32xf32, #tpu.memory_space<vmem>>, vector<1x16xf32>,
        %get3A_279 = vector.shape_cast %get3A_278 : vector<1x16xf32> to vector<16xf32>
        %add3A_280 = arith.addf %add3A_266, %get3A_279 : vector<16xf32>
        %add3A_281 = arith.constant 4 : i32
        %add3A_282 = arith.addi %mul3A_224, %add3A_281 : i32
        %get3A_283 = arith.index_cast %add3A_282 : i32 to index
        %get3A_284 = arith.constant 16 : index
        %get3A_285 = tpu.vector_load %arg7[%get3A_283, %get3A_284] {strides = array<i32>} : memref<1600x32xf32, #tpu.memory_space<vmem>>, vector<1x16xf32>,
        %get3A_286 = vector.shape_cast %get3A_285 : vector<1x16xf32> to vector<16xf32>
        %add3A_287 = arith.addf %add3A_273, %get3A_286 : vector<16xf32>
        %add3A_288 = arith.constant 5 : i32
        %add3A_289 = arith.addi %mul3A_224, %add3A_288 : i32
        %get3A_290 = arith.index_cast %add3A_289 : i32 to index
        %get3A_291 = arith.constant 0 : index
        %get3A_292 = tpu.vector_load %arg7[%get3A_290, %get3A_291] {strides = array<i32>} : memref<1600x32xf32, #tpu.memory_space<vmem>>, vector<1x16xf32>,
        %get3A_293 = vector.shape_cast %get3A_292 : vector<1x16xf32> to vector<16xf32>
        %add3A_294 = arith.addf %add3A_280, %get3A_293 : vector<16xf32>
        %add3A_295 = arith.constant 5 : i32
        %add3A_296 = arith.addi %mul3A_224, %add3A_295 : i32
        %get3A_297 = arith.index_cast %add3A_296 : i32 to index
        %get3A_298 = arith.constant 16 : index
        %get3A_299 = tpu.vector_load %arg7[%get3A_297, %get3A_298] {strides = array<i32>} : memref<1600x32xf32, #tpu.memory_space<vmem>>, vector<1x16xf32>,
        %get3A_300 = vector.shape_cast %get3A_299 : vector<1x16xf32> to vector<16xf32>
        %add3A_301 = arith.addf %add3A_287, %get3A_300 : vector<16xf32>
        %add3A_302 = arith.constant 6 : i32
        %add3A_303 = arith.addi %mul3A_224, %add3A_302 : i32
        %get3A_304 = arith.index_cast %add3A_303 : i32 to index
        %get3A_305 = arith.constant 0 : index
        %get3A_306 = tpu.vector_load %arg7[%get3A_304, %get3A_305] {strides = array<i32>} : memref<1600x32xf32, #tpu.memory_space<vmem>>, vector<1x16xf32>,
        %get3A_307 = vector.shape_cast %get3A_306 : vector<1x16xf32> to vector<16xf32>
        %add3A_308 = arith.addf %add3A_294, %get3A_307 : vector<16xf32>
        %add3A_309 = arith.constant 6 : i32
        %add3A_310 = arith.addi %mul3A_224, %add3A_309 : i32
        %get3A_311 = arith.index_cast %add3A_310 : i32 to index
        %get3A_312 = arith.constant 16 : index
        %get3A_313 = tpu.vector_load %arg7[%get3A_311, %get3A_312] {strides = array<i32>} : memref<1600x32xf32, #tpu.memory_space<vmem>>, vector<1x16xf32>,
        %get3A_314 = vector.shape_cast %get3A_313 : vector<1x16xf32> to vector<16xf32>
        %add3A_315 = arith.addf %add3A_301, %get3A_314 : vector<16xf32>
        %add3A_316 = arith.constant 7 : i32
        %add3A_317 = arith.addi %mul3A_224, %add3A_316 : i32
        %get3A_318 = arith.index_cast %add3A_317 : i32 to index
        %get3A_319 = arith.constant 0 : index
        %get3A_320 = tpu.vector_load %arg7[%get3A_318, %get3A_319] {strides = array<i32>} : memref<1600x32xf32, #tpu.memory_space<vmem>>, vector<1x16xf32>,
        %get3A_321 = vector.shape_cast %get3A_320 : vector<1x16xf32> to vector<16xf32>
        %add3A_322 = arith.addf %add3A_308, %get3A_321 : vector<16xf32>
        %add3A_323 = arith.constant 7 : i32
        %add3A_324 = arith.addi %mul3A_224, %add3A_323 : i32
        %get3A_325 = arith.index_cast %add3A_324 : i32 to index
        %get3A_326 = arith.constant 16 : index
        %get3A_327 = tpu.vector_load %arg7[%get3A_325, %get3A_326] {strides = array<i32>} : memref<1600x32xf32, #tpu.memory_space<vmem>>, vector<1x16xf32>,
        %get3A_328 = vector.shape_cast %get3A_327 : vector<1x16xf32> to vector<16xf32>
        %add3A_329 = arith.addf %add3A_315, %get3A_328 : vector<16xf32>
        %add3A_330 = arith.constant 8 : i32
        %add3A_331 = arith.addi %mul3A_224, %add3A_330 : i32
        %get3A_332 = arith.index_cast %add3A_331 : i32 to index
        %get3A_333 = arith.constant 0 : index
        %get3A_334 = tpu.vector_load %arg7[%get3A_332, %get3A_333] {strides = array<i32>} : memref<1600x32xf32, #tpu.memory_space<vmem>>, vector<1x16xf32>,
        %get3A_335 = vector.shape_cast %get3A_334 : vector<1x16xf32> to vector<16xf32>
        %add3A_336 = arith.addf %add3A_322, %get3A_335 : vector<16xf32>
        %add3A_337 = arith.constant 8 : i32
        %add3A_338 = arith.addi %mul3A_224, %add3A_337 : i32
        %get3A_339 = arith.index_cast %add3A_338 : i32 to index
        %get3A_340 = arith.constant 16 : index
        %get3A_341 = tpu.vector_load %arg7[%get3A_339, %get3A_340] {strides = array<i32>} : memref<1600x32xf32, #tpu.memory_space<vmem>>, vector<1x16xf32>,
        %get3A_342 = vector.shape_cast %get3A_341 : vector<1x16xf32> to vector<16xf32>
        %add3A_343 = arith.addf %add3A_329, %get3A_342 : vector<16xf32>
        %add3A_344 = arith.constant 9 : i32
        %add3A_345 = arith.addi %mul3A_224, %add3A_344 : i32
        %get3A_346 = arith.index_cast %add3A_345 : i32 to index
        %get3A_347 = arith.constant 0 : index
        %get3A_348 = tpu.vector_load %arg7[%get3A_346, %get3A_347] {strides = array<i32>} : memref<1600x32xf32, #tpu.memory_space<vmem>>, vector<1x16xf32>,
        %get3A_349 = vector.shape_cast %get3A_348 : vector<1x16xf32> to vector<16xf32>
        %add3A_350 = arith.addf %add3A_336, %get3A_349 : vector<16xf32>
        %add3A_351 = arith.constant 9 : i32
        %add3A_352 = arith.addi %mul3A_224, %add3A_351 : i32
        %get3A_353 = arith.index_cast %add3A_352 : i32 to index
        %get3A_354 = arith.constant 16 : index
        %get3A_355 = tpu.vector_load %arg7[%get3A_353, %get3A_354] {strides = array<i32>} : memref<1600x32xf32, #tpu.memory_space<vmem>>, vector<1x16xf32>,
        %get3A_356 = vector.shape_cast %get3A_355 : vector<1x16xf32> to vector<16xf32>
        %add3A_357 = arith.addf %add3A_343, %get3A_356 : vector<16xf32>
        %add3A_358 = arith.constant 10 : i32
        %add3A_359 = arith.addi %mul3A_224, %add3A_358 : i32
        %get3A_360 = arith.index_cast %add3A_359 : i32 to index
        %get3A_361 = arith.constant 0 : index
        %get3A_362 = tpu.vector_load %arg7[%get3A_360, %get3A_361] {strides = array<i32>} : memref<1600x32xf32, #tpu.memory_space<vmem>>, vector<1x16xf32>,
        %get3A_363 = vector.shape_cast %get3A_362 : vector<1x16xf32> to vector<16xf32>
        %add3A_364 = arith.addf %add3A_350, %get3A_363 : vector<16xf32>
        %add3A_365 = arith.constant 10 : i32
        %add3A_366 = arith.addi %mul3A_224, %add3A_365 : i32
        %get3A_367 = arith.index_cast %add3A_366 : i32 to index
        %get3A_368 = arith.constant 16 : index
        %get3A_369 = tpu.vector_load %arg7[%get3A_367, %get3A_368] {strides = array<i32>} : memref<1600x32xf32, #tpu.memory_space<vmem>>, vector<1x16xf32>,
        %get3A_370 = vector.shape_cast %get3A_369 : vector<1x16xf32> to vector<16xf32>
        %add3A_371 = arith.addf %add3A_357, %get3A_370 : vector<16xf32>
        %add3A_372 = arith.constant 11 : i32
        %add3A_373 = arith.addi %mul3A_224, %add3A_372 : i32
        %get3A_374 = arith.index_cast %add3A_373 : i32 to index
        %get3A_375 = arith.constant 0 : index
        %get3A_376 = tpu.vector_load %arg7[%get3A_374, %get3A_375] {strides = array<i32>} : memref<1600x32xf32, #tpu.memory_space<vmem>>, vector<1x16xf32>,
        %get3A_377 = vector.shape_cast %get3A_376 : vector<1x16xf32> to vector<16xf32>
        %add3A_378 = arith.addf %add3A_364, %get3A_377 : vector<16xf32>
        %add3A_379 = arith.constant 11 : i32
        %add3A_380 = arith.addi %mul3A_224, %add3A_379 : i32
        %get3A_381 = arith.index_cast %add3A_380 : i32 to index
        %get3A_382 = arith.constant 16 : index
        %get3A_383 = tpu.vector_load %arg7[%get3A_381, %get3A_382] {strides = array<i32>} : memref<1600x32xf32, #tpu.memory_space<vmem>>, vector<1x16xf32>,
        %get3A_384 = vector.shape_cast %get3A_383 : vector<1x16xf32> to vector<16xf32>
        %add3A_385 = arith.addf %add3A_371, %get3A_384 : vector<16xf32>
        %add3A_386 = arith.constant 12 : i32
        %add3A_387 = arith.addi %mul3A_224, %add3A_386 : i32
        %get3A_388 = arith.index_cast %add3A_387 : i32 to index
        %get3A_389 = arith.constant 0 : index
        %get3A_390 = tpu.vector_load %arg7[%get3A_388, %get3A_389] {strides = array<i32>} : memref<1600x32xf32, #tpu.memory_space<vmem>>, vector<1x16xf32>,
        %get3A_391 = vector.shape_cast %get3A_390 : vector<1x16xf32> to vector<16xf32>
        %add3A_392 = arith.addf %add3A_378, %get3A_391 : vector<16xf32>
        %add3A_393 = arith.constant 12 : i32
        %add3A_394 = arith.addi %mul3A_224, %add3A_393 : i32
        %get3A_395 = arith.index_cast %add3A_394 : i32 to index
        %get3A_396 = arith.constant 16 : index
        %get3A_397 = tpu.vector_load %arg7[%get3A_395, %get3A_396] {strides = array<i32>} : memref<1600x32xf32, #tpu.memory_space<vmem>>, vector<1x16xf32>,
        %get3A_398 = vector.shape_cast %get3A_397 : vector<1x16xf32> to vector<16xf32>
        %add3A_399 = arith.addf %add3A_385, %get3A_398 : vector<16xf32>
        %add3A_400 = arith.constant 13 : i32
        %add3A_401 = arith.addi %mul3A_224, %add3A_400 : i32
        %get3A_402 = arith.index_cast %add3A_401 : i32 to index
        %get3A_403 = arith.constant 0 : index
        %get3A_404 = tpu.vector_load %arg7[%get3A_402, %get3A_403] {strides = array<i32>} : memref<1600x32xf32, #tpu.memory_space<vmem>>, vector<1x16xf32>,
        %get3A_405 = vector.shape_cast %get3A_404 : vector<1x16xf32> to vector<16xf32>
        %add3A_406 = arith.addf %add3A_392, %get3A_405 : vector<16xf32>
        %add3A_407 = arith.constant 13 : i32
        %add3A_408 = arith.addi %mul3A_224, %add3A_407 : i32
        %get3A_409 = arith.index_cast %add3A_408 : i32 to index
        %get3A_410 = arith.constant 16 : index
        %get3A_411 = tpu.vector_load %arg7[%get3A_409, %get3A_410] {strides = array<i32>} : memref<1600x32xf32, #tpu.memory_space<vmem>>, vector<1x16xf32>,
        %get3A_412 = vector.shape_cast %get3A_411 : vector<1x16xf32> to vector<16xf32>
        %add3A_413 = arith.addf %add3A_399, %get3A_412 : vector<16xf32>
        %add3A_414 = arith.constant 14 : i32
        %add3A_415 = arith.addi %mul3A_224, %add3A_414 : i32
        %get3A_416 = arith.index_cast %add3A_415 : i32 to index
        %get3A_417 = arith.constant 0 : index
        %get3A_418 = tpu.vector_load %arg7[%get3A_416, %get3A_417] {strides = array<i32>} : memref<1600x32xf32, #tpu.memory_space<vmem>>, vector<1x16xf32>,
        %get3A_419 = vector.shape_cast %get3A_418 : vector<1x16xf32> to vector<16xf32>
        %add3A_420 = arith.addf %add3A_406, %get3A_419 : vector<16xf32>
        %add3A_421 = arith.constant 14 : i32
        %add3A_422 = arith.addi %mul3A_224, %add3A_421 : i32
        %get3A_423 = arith.index_cast %add3A_422 : i32 to index
        %get3A_424 = arith.constant 16 : index
        %get3A_425 = tpu.vector_load %arg7[%get3A_423, %get3A_424] {strides = array<i32>} : memref<1600x32xf32, #tpu.memory_space<vmem>>, vector<1x16xf32>,
        %get3A_426 = vector.shape_cast %get3A_425 : vector<1x16xf32> to vector<16xf32>
        %add3A_427 = arith.addf %add3A_413, %get3A_426 : vector<16xf32>
        %add3A_428 = arith.constant 15 : i32
        %add3A_429 = arith.addi %mul3A_224, %add3A_428 : i32
        %get3A_430 = arith.index_cast %add3A_429 : i32 to index
        %get3A_431 = arith.constant 0 : index
        %get3A_432 = tpu.vector_load %arg7[%get3A_430, %get3A_431] {strides = array<i32>} : memref<1600x32xf32, #tpu.memory_space<vmem>>, vector<1x16xf32>,
        %get3A_433 = vector.shape_cast %get3A_432 : vector<1x16xf32> to vector<16xf32>
        %add3A_434 = arith.addf %add3A_420, %get3A_433 : vector<16xf32>
        %add3A_435 = arith.constant 15 : i32
        %add3A_436 = arith.addi %mul3A_224, %add3A_435 : i32
        %get3A_437 = arith.index_cast %add3A_436 : i32 to index
        %get3A_438 = arith.constant 16 : index
        %get3A_439 = tpu.vector_load %arg7[%get3A_437, %get3A_438] {strides = array<i32>} : memref<1600x32xf32, #tpu.memory_space<vmem>>, vector<1x16xf32>,
        %get3A_440 = vector.shape_cast %get3A_439 : vector<1x16xf32> to vector<16xf32>
        %add3A_441 = arith.addf %add3A_427, %get3A_440 : vector<16xf32>
        %add3A_442 = arith.constant 16 : i32
        %add3A_443 = arith.addi %mul3A_224, %add3A_442 : i32
        %get3A_444 = arith.index_cast %add3A_443 : i32 to index
        %get3A_445 = arith.constant 0 : index
        %get3A_446 = tpu.vector_load %arg7[%get3A_444, %get3A_445] {strides = array<i32>} : memref<1600x32xf32, #tpu.memory_space<vmem>>, vector<1x16xf32>,
        %get3A_447 = vector.shape_cast %get3A_446 : vector<1x16xf32> to vector<16xf32>
        %add3A_448 = arith.addf %add3A_434, %get3A_447 : vector<16xf32>
        %add3A_449 = arith.constant 16 : i32
        %add3A_450 = arith.addi %mul3A_224, %add3A_449 : i32
        %get3A_451 = arith.index_cast %add3A_450 : i32 to index
        %get3A_452 = arith.constant 16 : index
        %get3A_453 = tpu.vector_load %arg7[%get3A_451, %get3A_452] {strides = array<i32>} : memref<1600x32xf32, #tpu.memory_space<vmem>>, vector<1x16xf32>,
        %get3A_454 = vector.shape_cast %get3A_453 : vector<1x16xf32> to vector<16xf32>
        %add3A_455 = arith.addf %add3A_441, %get3A_454 : vector<16xf32>
        %add3A_456 = arith.constant 17 : i32
        %add3A_457 = arith.addi %mul3A_224, %add3A_456 : i32
        %get3A_458 = arith.index_cast %add3A_457 : i32 to index
        %get3A_459 = arith.constant 0 : index
        %get3A_460 = tpu.vector_load %arg7[%get3A_458, %get3A_459] {strides = array<i32>} : memref<1600x32xf32, #tpu.memory_space<vmem>>, vector<1x16xf32>,
        %get3A_461 = vector.shape_cast %get3A_460 : vector<1x16xf32> to vector<16xf32>
        %add3A_462 = arith.addf %add3A_448, %get3A_461 : vector<16xf32>
        %add3A_463 = arith.constant 17 : i32
        %add3A_464 = arith.addi %mul3A_224, %add3A_463 : i32
        %get3A_465 = arith.index_cast %add3A_464 : i32 to index
        %get3A_466 = arith.constant 16 : index
        %get3A_467 = tpu.vector_load %arg7[%get3A_465, %get3A_466] {strides = array<i32>} : memref<1600x32xf32, #tpu.memory_space<vmem>>, vector<1x16xf32>,
        %get3A_468 = vector.shape_cast %get3A_467 : vector<1x16xf32> to vector<16xf32>
        %add3A_469 = arith.addf %add3A_455, %get3A_468 : vector<16xf32>
        %add3A_470 = arith.constant 18 : i32
        %add3A_471 = arith.addi %mul3A_224, %add3A_470 : i32
        %get3A_472 = arith.index_cast %add3A_471 : i32 to index
        %get3A_473 = arith.constant 0 : index
        %get3A_474 = tpu.vector_load %arg7[%get3A_472, %get3A_473] {strides = array<i32>} : memref<1600x32xf32, #tpu.memory_space<vmem>>, vector<1x16xf32>,
        %get3A_475 = vector.shape_cast %get3A_474 : vector<1x16xf32> to vector<16xf32>
        %add3A_476 = arith.addf %add3A_462, %get3A_475 : vector<16xf32>
        %add3A_477 = arith.constant 18 : i32
        %add3A_478 = arith.addi %mul3A_224, %add3A_477 : i32
        %get3A_479 = arith.index_cast %add3A_478 : i32 to index
        %get3A_480 = arith.constant 16 : index
        %get3A_481 = tpu.vector_load %arg7[%get3A_479, %get3A_480] {strides = array<i32>} : memref<1600x32xf32, #tpu.memory_space<vmem>>, vector<1x16xf32>,
        %get3A_482 = vector.shape_cast %get3A_481 : vector<1x16xf32> to vector<16xf32>
        %add3A_483 = arith.addf %add3A_469, %get3A_482 : vector<16xf32>
        %add3A_484 = arith.constant 19 : i32
        %add3A_485 = arith.addi %mul3A_224, %add3A_484 : i32
        %get3A_486 = arith.index_cast %add3A_485 : i32 to index
        %get3A_487 = arith.constant 0 : index
        %get3A_488 = tpu.vector_load %arg7[%get3A_486, %get3A_487] {strides = array<i32>} : memref<1600x32xf32, #tpu.memory_space<vmem>>, vector<1x16xf32>,
        %get3A_489 = vector.shape_cast %get3A_488 : vector<1x16xf32> to vector<16xf32>
        %add3A_490 = arith.addf %add3A_476, %get3A_489 : vector<16xf32>
        %add3A_491 = arith.constant 19 : i32
        %add3A_492 = arith.addi %mul3A_224, %add3A_491 : i32
        %get3A_493 = arith.index_cast %add3A_492 : i32 to index
        %get3A_494 = arith.constant 16 : index
        %get3A_495 = tpu.vector_load %arg7[%get3A_493, %get3A_494] {strides = array<i32>} : memref<1600x32xf32, #tpu.memory_space<vmem>>, vector<1x16xf32>,
        %get3A_496 = vector.shape_cast %get3A_495 : vector<1x16xf32> to vector<16xf32>
        %add3A_497 = arith.addf %add3A_483, %get3A_496 : vector<16xf32>
        %add3A_498 = arith.constant 20 : i32
        %add3A_499 = arith.addi %mul3A_224, %add3A_498 : i32
        %get3A_500 = arith.index_cast %add3A_499 : i32 to index
        %get3A_501 = arith.constant 0 : index
        %get3A_502 = tpu.vector_load %arg7[%get3A_500, %get3A_501] {strides = array<i32>} : memref<1600x32xf32, #tpu.memory_space<vmem>>, vector<1x16xf32>,
        %get3A_503 = vector.shape_cast %get3A_502 : vector<1x16xf32> to vector<16xf32>
        %add3A_504 = arith.addf %add3A_490, %get3A_503 : vector<16xf32>
        %add3A_505 = arith.constant 20 : i32
        %add3A_506 = arith.addi %mul3A_224, %add3A_505 : i32
        %get3A_507 = arith.index_cast %add3A_506 : i32 to index
        %get3A_508 = arith.constant 16 : index
        %get3A_509 = tpu.vector_load %arg7[%get3A_507, %get3A_508] {strides = array<i32>} : memref<1600x32xf32, #tpu.memory_space<vmem>>, vector<1x16xf32>,
        %get3A_510 = vector.shape_cast %get3A_509 : vector<1x16xf32> to vector<16xf32>
        %add3A_511 = arith.addf %add3A_497, %get3A_510 : vector<16xf32>
        %add3A_512 = arith.constant 21 : i32
        %add3A_513 = arith.addi %mul3A_224, %add3A_512 : i32
        %get3A_514 = arith.index_cast %add3A_513 : i32 to index
        %get3A_515 = arith.constant 0 : index
        %get3A_516 = tpu.vector_load %arg7[%get3A_514, %get3A_515] {strides = array<i32>} : memref<1600x32xf32, #tpu.memory_space<vmem>>, vector<1x16xf32>,
        %get3A_517 = vector.shape_cast %get3A_516 : vector<1x16xf32> to vector<16xf32>
        %add3A_518 = arith.addf %add3A_504, %get3A_517 : vector<16xf32>
        %add3A_519 = arith.constant 21 : i32
        %add3A_520 = arith.addi %mul3A_224, %add3A_519 : i32
        %get3A_521 = arith.index_cast %add3A_520 : i32 to index
        %get3A_522 = arith.constant 16 : index
        %get3A_523 = tpu.vector_load %arg7[%get3A_521, %get3A_522] {strides = array<i32>} : memref<1600x32xf32, #tpu.memory_space<vmem>>, vector<1x16xf32>,
        %get3A_524 = vector.shape_cast %get3A_523 : vector<1x16xf32> to vector<16xf32>
        %add3A_525 = arith.addf %add3A_511, %get3A_524 : vector<16xf32>
        %add3A_526 = arith.constant 22 : i32
        %add3A_527 = arith.addi %mul3A_224, %add3A_526 : i32
        %get3A_528 = arith.index_cast %add3A_527 : i32 to index
        %get3A_529 = arith.constant 0 : index
        %get3A_530 = tpu.vector_load %arg7[%get3A_528, %get3A_529] {strides = array<i32>} : memref<1600x32xf32, #tpu.memory_space<vmem>>, vector<1x16xf32>,
        %get3A_531 = vector.shape_cast %get3A_530 : vector<1x16xf32> to vector<16xf32>
        %add3A_532 = arith.addf %add3A_518, %get3A_531 : vector<16xf32>
        %add3A_533 = arith.constant 22 : i32
        %add3A_534 = arith.addi %mul3A_224, %add3A_533 : i32
        %get3A_535 = arith.index_cast %add3A_534 : i32 to index
        %get3A_536 = arith.constant 16 : index
        %get3A_537 = tpu.vector_load %arg7[%get3A_535, %get3A_536] {strides = array<i32>} : memref<1600x32xf32, #tpu.memory_space<vmem>>, vector<1x16xf32>,
        %get3A_538 = vector.shape_cast %get3A_537 : vector<1x16xf32> to vector<16xf32>
        %add3A_539 = arith.addf %add3A_525, %get3A_538 : vector<16xf32>
        %add3A_540 = arith.constant 23 : i32
        %add3A_541 = arith.addi %mul3A_224, %add3A_540 : i32
        %get3A_542 = arith.index_cast %add3A_541 : i32 to index
        %get3A_543 = arith.constant 0 : index
        %get3A_544 = tpu.vector_load %arg7[%get3A_542, %get3A_543] {strides = array<i32>} : memref<1600x32xf32, #tpu.memory_space<vmem>>, vector<1x16xf32>,
        %get3A_545 = vector.shape_cast %get3A_544 : vector<1x16xf32> to vector<16xf32>
        %add3A_546 = arith.addf %add3A_532, %get3A_545 : vector<16xf32>
        %add3A_547 = arith.constant 23 : i32
        %add3A_548 = arith.addi %mul3A_224, %add3A_547 : i32
        %get3A_549 = arith.index_cast %add3A_548 : i32 to index
        %get3A_550 = arith.constant 16 : index
        %get3A_551 = tpu.vector_load %arg7[%get3A_549, %get3A_550] {strides = array<i32>} : memref<1600x32xf32, #tpu.memory_space<vmem>>, vector<1x16xf32>,
        %get3A_552 = vector.shape_cast %get3A_551 : vector<1x16xf32> to vector<16xf32>
        %add3A_553 = arith.addf %add3A_539, %get3A_552 : vector<16xf32>
        %add3A_554 = arith.constant 24 : i32
        %add3A_555 = arith.addi %mul3A_224, %add3A_554 : i32
        %get3A_556 = arith.index_cast %add3A_555 : i32 to index
        %get3A_557 = arith.constant 0 : index
        %get3A_558 = tpu.vector_load %arg7[%get3A_556, %get3A_557] {strides = array<i32>} : memref<1600x32xf32, #tpu.memory_space<vmem>>, vector<1x16xf32>,
        %get3A_559 = vector.shape_cast %get3A_558 : vector<1x16xf32> to vector<16xf32>
        %add3A_560 = arith.addf %add3A_546, %get3A_559 : vector<16xf32>
        %add3A_561 = arith.constant 24 : i32
        %add3A_562 = arith.addi %mul3A_224, %add3A_561 : i32
        %get3A_563 = arith.index_cast %add3A_562 : i32 to index
        %get3A_564 = arith.constant 16 : index
        %get3A_565 = tpu.vector_load %arg7[%get3A_563, %get3A_564] {strides = array<i32>} : memref<1600x32xf32, #tpu.memory_space<vmem>>, vector<1x16xf32>,
        %get3A_566 = vector.shape_cast %get3A_565 : vector<1x16xf32> to vector<16xf32>
        %add3A_567 = arith.addf %add3A_553, %get3A_566 : vector<16xf32>
        %jit3A_568 = arith.constant 4 : i32
        %div3A_569 = arith.divsi %scan3A_222, %jit3A_568 : i32
        %sign3A_570 = arith.constant 0 : i32
        %sign3A_571 = arith.cmpi sgt, %scan3A_222, %sign3A_570 : i32
        %sign3A_572 = arith.extui %sign3A_571 : i1 to i32
        %sign3A_573 = arith.constant 0 : i32
        %sign3A_574 = arith.cmpi slt, %scan3A_222, %sign3A_573 : i32
        %sign3A_575 = arith.extui %sign3A_574 : i1 to i32
        %sign3A_576 = arith.subi %sign3A_572, %sign3A_575 : i32
        %sign3A_577 = arith.constant 0 : i32
        %sign3A_578 = arith.cmpi sgt, %jit3A_568, %sign3A_577 : i32
        %sign3A_579 = arith.extui %sign3A_578 : i1 to i32
        %sign3A_580 = arith.constant 0 : i32
        %sign3A_581 = arith.cmpi slt, %jit3A_568, %sign3A_580 : i32
        %sign3A_582 = arith.extui %sign3A_581 : i1 to i32
        %sign3A_583 = arith.subi %sign3A_579, %sign3A_582 : i32
        %ne3A_584 = arith.cmpi ne, %sign3A_576, %sign3A_583 : i32
        %rem3A_585 = arith.remsi %scan3A_222, %jit3A_568 : i32
        %ne3A_586 = arith.constant 0 : i32
        %ne3A_587 = arith.cmpi ne, %rem3A_585, %ne3A_586 : i32
        %and3A_588 = arith.andi %ne3A_584, %ne3A_587 : i1
        %sub3A_589 = arith.constant 1 : i32
        %sub3A_590 = arith.subi %div3A_569, %sub3A_589 : i32
        %select_n3A_591 = arith.select %and3A_588, %sub3A_590, %div3A_569 : i32
        %jit3A_592 = arith.constant 4 : i32
        %eq3A_593 = arith.constant 0 : i32
        %eq3A_594 = arith.cmpi eq, %jit3A_592, %eq3A_593 : i32
        %jit3A_595 = arith.constant 1 : i32
        %select_n3A_596 = arith.select %eq3A_594, %jit3A_595, %jit3A_592 : i32
        %rem3A_597 = arith.remsi %scan3A_222, %select_n3A_596 : i32
        %ne3A_598 = arith.constant 0 : i32
        %ne3A_599 = arith.cmpi ne, %rem3A_597, %ne3A_598 : i32
        %lt3A_600 = arith.constant 0 : i32
        %lt3A_601 = arith.cmpi slt, %rem3A_597, %lt3A_600 : i32
        %lt3A_602 = arith.constant 0 : i32
        %lt3A_603 = arith.cmpi slt, %select_n3A_596, %lt3A_602 : i32
        %ne3A_604 = arith.xori %lt3A_601, %lt3A_603 : i1
        %and3A_605 = arith.andi %ne3A_604, %ne3A_599 : i1
        %add3A_606 = arith.addi %rem3A_597, %select_n3A_596 : i32
        %select_n3A_607 = arith.select %and3A_605, %add3A_606, %rem3A_597 : i32
        %mul3A_608 = arith.constant 32 : i32
        %mul3A_609 = arith.muli %select_n3A_607, %mul3A_608 : i32
        %swap3A = arith.index_cast %select_n3A_591 : i32 to index
        %swap3A_610 = arith.index_cast %mul3A_609 : i32 to index
        %swap3A_611 = tpu.vector_load %arg9[%swap3A, %swap3A_610] {strides = array<i32>} : memref<16x128xf32, #tpu.memory_space<vmem>>, vector<1x16xf32>,
        %swap3A_612 = vector.shape_cast %swap3A_611 : vector<1x16xf32> to vector<16xf32>
        %swap3A_613 = vector.shape_cast %add3A_560 : vector<16xf32> to vector<1x16xf32>
        tpu.vector_store %arg9[%swap3A, %swap3A_610], %swap3A_613 {strides = array<i32>} : memref<16x128xf32, #tpu.memory_space<vmem>>, vector<1x16xf32>,
        %add3A_614 = arith.constant 16 : i32
        %add3A_615 = arith.addi %mul3A_609, %add3A_614 : i32
        %swap3A_616 = arith.index_cast %select_n3A_591 : i32 to index
        %swap3A_617 = arith.index_cast %add3A_615 : i32 to index
        %swap3A_618 = tpu.vector_load %arg9[%swap3A_616, %swap3A_617] {strides = array<i32>} : memref<16x128xf32, #tpu.memory_space<vmem>>, vector<1x16xf32>,
        %swap3A_619 = vector.shape_cast %swap3A_618 : vector<1x16xf32> to vector<16xf32>
        %swap3A_620 = vector.shape_cast %add3A_567 : vector<16xf32> to vector<1x16xf32>
        tpu.vector_store %arg9[%swap3A_616, %swap3A_617], %swap3A_620 {strides = array<i32>} : memref<16x128xf32, #tpu.memory_space<vmem>>, vector<1x16xf32>,
      }
      %scan3A_154 = arith.constant 64 : i32
      %dma_start3A_155 = arith.constant 0 : i32
      %dma_start3A_156 = tpu.memref_slice %arg4[%select_n3A_146, %dma_start3A_155] : memref<25000x128xf32, #tpu.memory_space<hbm>> -> memref<16x128xf32, #tpu.memory_space<hbm>>
      %dma_start3A_157 = arith.constant 0 : i32
      %dma_start3A_158 = tpu.memref_slice %arg4[%select_n3A_146, %dma_start3A_157] : memref<25000x128xf32, #tpu.memory_space<hbm>> -> memref<16x128xf32, #tpu.memory_space<hbm>>
      tpu.enqueue_dma source(%arg9 : memref<16x128xf32, #tpu.memory_space<vmem>>) target(%dma_start3A_158 : memref<16x128xf32, #tpu.memory_space<hbm>>) target_semaphore(%arg13 : memref<!tpu.dma_semaphore, #tpu.memory_space<semaphore_mem>>)
      %mul3A_159 = arith.constant 2 : i32
      %mul3A_160 = arith.muli %mul3A_159, %while3A_91 : i32
      %add3A_161 = arith.constant 2 : i32
      %add3A_162 = arith.addi %mul3A_160, %add3A_161 : i32
      %lt3A_163 = arith.cmpi slt, %add3A_162, %add3A_20 : i32
      %convert_element_type3A_164 = arith.extui %lt3A_163 : i1 to i32
      %cond3A_165 = arith.constant 0 : i32
      %cond3A_166 = arith.cmpi ne, %convert_element_type3A_164, %cond3A_165 : i32
      scf.if %cond3A_166 {
        %mul3A_222 = arith.constant 2 : i32
        %mul3A_223 = arith.muli %mul3A_222, %while3A_91 : i32
        %add3A_224 = arith.constant 2 : i32
        %add3A_225 = arith.addi %mul3A_223, %add3A_224 : i32
        %mul3A_226 = arith.constant 32 : i32
        %mul3A_227 = arith.muli %mul3A_226, %add3A_225 : i32
        %add3A_228 = arith.addi %add3A, %mul3A_227 : i32
        %mul3A_229 = arith.constant 64 : i32
        %mul3A_230 = arith.muli %add3A_228, %mul3A_229 : i32
        %min3A_231 = arith.constant 99936 : i32
        %min3A_232 = arith.minsi %mul3A_230, %min3A_231 : i32
        %mul3A_233 = arith.constant 25 : i32
        %mul3A_234 = arith.muli %min3A_232, %mul3A_233 : i32
        "tpu.region"() ({
          %run_scoped3A = tpu.sem_alloc : memref<!tpu.dma_semaphore, #tpu.memory_space<semaphore_mem>>
          %dma_start3A_238 = tpu.memref_slice %arg3[%mul3A_234] : memref<2500000xi32, #tpu.memory_space<hbm>> -> memref<1600xi32, #tpu.memory_space<hbm>>
          %dma_start3A_239 = tpu.memref_slice %arg3[%mul3A_234] : memref<2500000xi32, #tpu.memory_space<hbm>> -> memref<1600xi32, #tpu.memory_space<hbm>>
          tpu.enqueue_dma source(%dma_start3A_239 : memref<1600xi32, #tpu.memory_space<hbm>>) target(%arg5 : memref<1600xi32, #tpu.memory_space<vmem>>) target_semaphore(%run_scoped3A : memref<!tpu.dma_semaphore, #tpu.memory_space<semaphore_mem>>)
          %dma_wait3A_240 = tpu.memref_slice %arg3[%mul3A_234] : memref<2500000xi32, #tpu.memory_space<hbm>> -> memref<1600xi32, #tpu.memory_space<hbm>>
          %dma_wait3A_241 = tpu.memref_slice %arg3[%mul3A_234] : memref<2500000xi32, #tpu.memory_space<hbm>> -> memref<1600xi32, #tpu.memory_space<hbm>>
          tpu.wait_dma2 semaphore(%run_scoped3A : memref<!tpu.dma_semaphore, #tpu.memory_space<semaphore_mem>>) src(%dma_wait3A_241 : memref<1600xi32, #tpu.memory_space<hbm>>) dst(%arg5 : memref<1600xi32, #tpu.memory_space<vmem>>)
          tpu.yield
        }) : () -> ()
        %dma_start3A_235 = arith.constant 0 : i32
        %dma_start3A_236 = arith.constant 0 : i32
        %dma_start3A_237 = tpu.memref_slice %arg2[%dma_start3A_235, %dma_start3A_236] : memref<100000x32xf32, #tpu.memory_space<hbm>> -> memref<100000x32xf32, #tpu.memory_space<hbm>>
        tpu.enqueue_indirect_dma source(%dma_start3A_237 : memref<100000x32xf32, #tpu.memory_space<hbm>>) target(%arg7 : memref<1600x32xf32, #tpu.memory_space<vmem>>) offsets(%arg5 : memref<1600xi32, #tpu.memory_space<vmem>>) semaphore(%arg11 : memref<!tpu.dma_semaphore, #tpu.memory_space<semaphore_mem>>)
      } else {
      }
      %mul3A_167 = arith.constant 2 : i32
      %mul3A_168 = arith.muli %mul3A_167, %while3A_91 : i32
      %add3A_169 = arith.constant 1 : i32
      %add3A_170 = arith.addi %mul3A_168, %add3A_169 : i32
      %gt3A_171 = arith.constant 0 : i32
      %gt3A_172 = arith.cmpi sgt, %while3A_91, %gt3A_171 : i32
      %dma_wait3A_173 = arith.constant 0 : i32
      %dma_wait3A_174 = arith.constant 0 : i32
      %dma_wait3A_175 = tpu.memref_slice %arg2[%dma_wait3A_173, %dma_wait3A_174] : memref<100000x32xf32, #tpu.memory_space<hbm>> -> memref<100000x32xf32, #tpu.memory_space<hbm>>
      tpu.wait_indirect_dma semaphore(%arg12 : memref<!tpu.dma_semaphore, #tpu.memory_space<semaphore_mem>>) src(%dma_wait3A_175 : memref<100000x32xf32, #tpu.memory_space<hbm>>) dst(%arg8 : memref<1600x32xf32, #tpu.memory_space<vmem>>)
      %mul3A_176 = arith.constant 32 : i32
      %mul3A_177 = arith.muli %mul3A_176, %add3A_170 : i32
      %add3A_178 = arith.addi %add3A, %mul3A_177 : i32
      %mul3A_179 = arith.constant 64 : i32
      %mul3A_180 = arith.muli %add3A_178, %mul3A_179 : i32
      %min3A_181 = arith.constant 99936 : i32
      %min3A_182 = arith.minsi %mul3A_180, %min3A_181 : i32
      %mul3A_183 = arith.constant 32 : i32
      %mul3A_184 = arith.muli %min3A_182, %mul3A_183 : i32
      %jit3A_185 = arith.constant 128 : i32
      %div3A_186 = arith.divsi %mul3A_184, %jit3A_185 : i32
      %sign3A_187 = arith.constant 0 : i32
      %sign3A_188 = arith.cmpi sgt, %mul3A_184, %sign3A_187 : i32
      %sign3A_189 = arith.extui %sign3A_188 : i1 to i32
      %sign3A_190 = arith.constant 0 : i32
      %sign3A_191 = arith.cmpi slt, %mul3A_184, %sign3A_190 : i32
      %sign3A_192 = arith.extui %sign3A_191 : i1 to i32
      %sign3A_193 = arith.subi %sign3A_189, %sign3A_192 : i32
      %sign3A_194 = arith.constant 0 : i32
      %sign3A_195 = arith.cmpi sgt, %jit3A_185, %sign3A_194 : i32
      %sign3A_196 = arith.extui %sign3A_195 : i1 to i32
      %sign3A_197 = arith.constant 0 : i32
      %sign3A_198 = arith.cmpi slt, %jit3A_185, %sign3A_197 : i32
      %sign3A_199 = arith.extui %sign3A_198 : i1 to i32
      %sign3A_200 = arith.subi %sign3A_196, %sign3A_199 : i32
      %ne3A_201 = arith.cmpi ne, %sign3A_193, %sign3A_200 : i32
      %rem3A_202 = arith.remsi %mul3A_184, %jit3A_185 : i32
      %ne3A_203 = arith.constant 0 : i32
      %ne3A_204 = arith.cmpi ne, %rem3A_202, %ne3A_203 : i32
      %and3A_205 = arith.andi %ne3A_201, %ne3A_204 : i1
      %sub3A_206 = arith.constant 1 : i32
      %sub3A_207 = arith.subi %div3A_186, %sub3A_206 : i32
      %select_n3A_208 = arith.select %and3A_205, %sub3A_207, %div3A_186 : i32
      %convert_element_type3A_209 = arith.extui %gt3A_172 : i1 to i32
      %cond3A_210 = arith.constant 0 : i32
      %cond3A_211 = arith.cmpi ne, %convert_element_type3A_209, %cond3A_210 : i32
      scf.if %cond3A_211 {
        %dma_wait3A_222 = arith.constant 0 : i32
        %dma_wait3A_223 = tpu.memref_slice %arg4[%select_n3A_208, %dma_wait3A_222] : memref<25000x128xf32, #tpu.memory_space<hbm>> -> memref<16x128xf32, #tpu.memory_space<hbm>>
        %dma_wait3A_224 = arith.constant 0 : i32
        %dma_wait3A_225 = tpu.memref_slice %arg4[%select_n3A_208, %dma_wait3A_224] : memref<25000x128xf32, #tpu.memory_space<hbm>> -> memref<16x128xf32, #tpu.memory_space<hbm>>
        tpu.wait_dma2 semaphore(%arg14 : memref<!tpu.dma_semaphore, #tpu.memory_space<semaphore_mem>>) src(%arg10 : memref<16x128xf32, #tpu.memory_space<vmem>>) dst(%dma_wait3A_225 : memref<16x128xf32, #tpu.memory_space<hbm>>)
      } else {
      }
      %scan3A_212 = arith.constant 0 : i32
      %scan3A_213 = arith.constant 0 : i32
      %scan3A_214 = arith.constant 64 : i32
      %scan3A_215 = arith.addi %scan3A_213, %scan3A_214 : i32
      %scan3A_216 = arith.constant 1 : i32
      scf.for %scan3A_222 = %scan3A_213 to %scan3A_215 step %scan3A_216  : i32 {
        %mul3A_223 = arith.constant 25 : i32
        %mul3A_224 = arith.muli %scan3A_222, %mul3A_223 : i32
        %get3A = arith.index_cast %mul3A_224 : i32 to index
        %get3A_225 = arith.constant 0 : index
        %get3A_226 = tpu.vector_load %arg8[%get3A, %get3A_225] {strides = array<i32>} : memref<1600x32xf32, #tpu.memory_space<vmem>>, vector<1x16xf32>,
        %get3A_227 = vector.shape_cast %get3A_226 : vector<1x16xf32> to vector<16xf32>
        %get3A_228 = arith.index_cast %mul3A_224 : i32 to index
        %get3A_229 = arith.constant 16 : index
        %get3A_230 = tpu.vector_load %arg8[%get3A_228, %get3A_229] {strides = array<i32>} : memref<1600x32xf32, #tpu.memory_space<vmem>>, vector<1x16xf32>,
        %get3A_231 = vector.shape_cast %get3A_230 : vector<1x16xf32> to vector<16xf32>
        %add3A_232 = arith.constant 1 : i32
        %add3A_233 = arith.addi %mul3A_224, %add3A_232 : i32
        %get3A_234 = arith.index_cast %add3A_233 : i32 to index
        %get3A_235 = arith.constant 0 : index
        %get3A_236 = tpu.vector_load %arg8[%get3A_234, %get3A_235] {strides = array<i32>} : memref<1600x32xf32, #tpu.memory_space<vmem>>, vector<1x16xf32>,
        %get3A_237 = vector.shape_cast %get3A_236 : vector<1x16xf32> to vector<16xf32>
        %add3A_238 = arith.addf %get3A_227, %get3A_237 : vector<16xf32>
        %add3A_239 = arith.constant 1 : i32
        %add3A_240 = arith.addi %mul3A_224, %add3A_239 : i32
        %get3A_241 = arith.index_cast %add3A_240 : i32 to index
        %get3A_242 = arith.constant 16 : index
        %get3A_243 = tpu.vector_load %arg8[%get3A_241, %get3A_242] {strides = array<i32>} : memref<1600x32xf32, #tpu.memory_space<vmem>>, vector<1x16xf32>,
        %get3A_244 = vector.shape_cast %get3A_243 : vector<1x16xf32> to vector<16xf32>
        %add3A_245 = arith.addf %get3A_231, %get3A_244 : vector<16xf32>
        %add3A_246 = arith.constant 2 : i32
        %add3A_247 = arith.addi %mul3A_224, %add3A_246 : i32
        %get3A_248 = arith.index_cast %add3A_247 : i32 to index
        %get3A_249 = arith.constant 0 : index
        %get3A_250 = tpu.vector_load %arg8[%get3A_248, %get3A_249] {strides = array<i32>} : memref<1600x32xf32, #tpu.memory_space<vmem>>, vector<1x16xf32>,
        %get3A_251 = vector.shape_cast %get3A_250 : vector<1x16xf32> to vector<16xf32>
        %add3A_252 = arith.addf %add3A_238, %get3A_251 : vector<16xf32>
        %add3A_253 = arith.constant 2 : i32
        %add3A_254 = arith.addi %mul3A_224, %add3A_253 : i32
        %get3A_255 = arith.index_cast %add3A_254 : i32 to index
        %get3A_256 = arith.constant 16 : index
        %get3A_257 = tpu.vector_load %arg8[%get3A_255, %get3A_256] {strides = array<i32>} : memref<1600x32xf32, #tpu.memory_space<vmem>>, vector<1x16xf32>,
        %get3A_258 = vector.shape_cast %get3A_257 : vector<1x16xf32> to vector<16xf32>
        %add3A_259 = arith.addf %add3A_245, %get3A_258 : vector<16xf32>
        %add3A_260 = arith.constant 3 : i32
        %add3A_261 = arith.addi %mul3A_224, %add3A_260 : i32
        %get3A_262 = arith.index_cast %add3A_261 : i32 to index
        %get3A_263 = arith.constant 0 : index
        %get3A_264 = tpu.vector_load %arg8[%get3A_262, %get3A_263] {strides = array<i32>} : memref<1600x32xf32, #tpu.memory_space<vmem>>, vector<1x16xf32>,
        %get3A_265 = vector.shape_cast %get3A_264 : vector<1x16xf32> to vector<16xf32>
        %add3A_266 = arith.addf %add3A_252, %get3A_265 : vector<16xf32>
        %add3A_267 = arith.constant 3 : i32
        %add3A_268 = arith.addi %mul3A_224, %add3A_267 : i32
        %get3A_269 = arith.index_cast %add3A_268 : i32 to index
        %get3A_270 = arith.constant 16 : index
        %get3A_271 = tpu.vector_load %arg8[%get3A_269, %get3A_270] {strides = array<i32>} : memref<1600x32xf32, #tpu.memory_space<vmem>>, vector<1x16xf32>,
        %get3A_272 = vector.shape_cast %get3A_271 : vector<1x16xf32> to vector<16xf32>
        %add3A_273 = arith.addf %add3A_259, %get3A_272 : vector<16xf32>
        %add3A_274 = arith.constant 4 : i32
        %add3A_275 = arith.addi %mul3A_224, %add3A_274 : i32
        %get3A_276 = arith.index_cast %add3A_275 : i32 to index
        %get3A_277 = arith.constant 0 : index
        %get3A_278 = tpu.vector_load %arg8[%get3A_276, %get3A_277] {strides = array<i32>} : memref<1600x32xf32, #tpu.memory_space<vmem>>, vector<1x16xf32>,
        %get3A_279 = vector.shape_cast %get3A_278 : vector<1x16xf32> to vector<16xf32>
        %add3A_280 = arith.addf %add3A_266, %get3A_279 : vector<16xf32>
        %add3A_281 = arith.constant 4 : i32
        %add3A_282 = arith.addi %mul3A_224, %add3A_281 : i32
        %get3A_283 = arith.index_cast %add3A_282 : i32 to index
        %get3A_284 = arith.constant 16 : index
        %get3A_285 = tpu.vector_load %arg8[%get3A_283, %get3A_284] {strides = array<i32>} : memref<1600x32xf32, #tpu.memory_space<vmem>>, vector<1x16xf32>,
        %get3A_286 = vector.shape_cast %get3A_285 : vector<1x16xf32> to vector<16xf32>
        %add3A_287 = arith.addf %add3A_273, %get3A_286 : vector<16xf32>
        %add3A_288 = arith.constant 5 : i32
        %add3A_289 = arith.addi %mul3A_224, %add3A_288 : i32
        %get3A_290 = arith.index_cast %add3A_289 : i32 to index
        %get3A_291 = arith.constant 0 : index
        %get3A_292 = tpu.vector_load %arg8[%get3A_290, %get3A_291] {strides = array<i32>} : memref<1600x32xf32, #tpu.memory_space<vmem>>, vector<1x16xf32>,
        %get3A_293 = vector.shape_cast %get3A_292 : vector<1x16xf32> to vector<16xf32>
        %add3A_294 = arith.addf %add3A_280, %get3A_293 : vector<16xf32>
        %add3A_295 = arith.constant 5 : i32
        %add3A_296 = arith.addi %mul3A_224, %add3A_295 : i32
        %get3A_297 = arith.index_cast %add3A_296 : i32 to index
        %get3A_298 = arith.constant 16 : index
        %get3A_299 = tpu.vector_load %arg8[%get3A_297, %get3A_298] {strides = array<i32>} : memref<1600x32xf32, #tpu.memory_space<vmem>>, vector<1x16xf32>,
        %get3A_300 = vector.shape_cast %get3A_299 : vector<1x16xf32> to vector<16xf32>
        %add3A_301 = arith.addf %add3A_287, %get3A_300 : vector<16xf32>
        %add3A_302 = arith.constant 6 : i32
        %add3A_303 = arith.addi %mul3A_224, %add3A_302 : i32
        %get3A_304 = arith.index_cast %add3A_303 : i32 to index
        %get3A_305 = arith.constant 0 : index
        %get3A_306 = tpu.vector_load %arg8[%get3A_304, %get3A_305] {strides = array<i32>} : memref<1600x32xf32, #tpu.memory_space<vmem>>, vector<1x16xf32>,
        %get3A_307 = vector.shape_cast %get3A_306 : vector<1x16xf32> to vector<16xf32>
        %add3A_308 = arith.addf %add3A_294, %get3A_307 : vector<16xf32>
        %add3A_309 = arith.constant 6 : i32
        %add3A_310 = arith.addi %mul3A_224, %add3A_309 : i32
        %get3A_311 = arith.index_cast %add3A_310 : i32 to index
        %get3A_312 = arith.constant 16 : index
        %get3A_313 = tpu.vector_load %arg8[%get3A_311, %get3A_312] {strides = array<i32>} : memref<1600x32xf32, #tpu.memory_space<vmem>>, vector<1x16xf32>,
        %get3A_314 = vector.shape_cast %get3A_313 : vector<1x16xf32> to vector<16xf32>
        %add3A_315 = arith.addf %add3A_301, %get3A_314 : vector<16xf32>
        %add3A_316 = arith.constant 7 : i32
        %add3A_317 = arith.addi %mul3A_224, %add3A_316 : i32
        %get3A_318 = arith.index_cast %add3A_317 : i32 to index
        %get3A_319 = arith.constant 0 : index
        %get3A_320 = tpu.vector_load %arg8[%get3A_318, %get3A_319] {strides = array<i32>} : memref<1600x32xf32, #tpu.memory_space<vmem>>, vector<1x16xf32>,
        %get3A_321 = vector.shape_cast %get3A_320 : vector<1x16xf32> to vector<16xf32>
        %add3A_322 = arith.addf %add3A_308, %get3A_321 : vector<16xf32>
        %add3A_323 = arith.constant 7 : i32
        %add3A_324 = arith.addi %mul3A_224, %add3A_323 : i32
        %get3A_325 = arith.index_cast %add3A_324 : i32 to index
        %get3A_326 = arith.constant 16 : index
        %get3A_327 = tpu.vector_load %arg8[%get3A_325, %get3A_326] {strides = array<i32>} : memref<1600x32xf32, #tpu.memory_space<vmem>>, vector<1x16xf32>,
        %get3A_328 = vector.shape_cast %get3A_327 : vector<1x16xf32> to vector<16xf32>
        %add3A_329 = arith.addf %add3A_315, %get3A_328 : vector<16xf32>
        %add3A_330 = arith.constant 8 : i32
        %add3A_331 = arith.addi %mul3A_224, %add3A_330 : i32
        %get3A_332 = arith.index_cast %add3A_331 : i32 to index
        %get3A_333 = arith.constant 0 : index
        %get3A_334 = tpu.vector_load %arg8[%get3A_332, %get3A_333] {strides = array<i32>} : memref<1600x32xf32, #tpu.memory_space<vmem>>, vector<1x16xf32>,
        %get3A_335 = vector.shape_cast %get3A_334 : vector<1x16xf32> to vector<16xf32>
        %add3A_336 = arith.addf %add3A_322, %get3A_335 : vector<16xf32>
        %add3A_337 = arith.constant 8 : i32
        %add3A_338 = arith.addi %mul3A_224, %add3A_337 : i32
        %get3A_339 = arith.index_cast %add3A_338 : i32 to index
        %get3A_340 = arith.constant 16 : index
        %get3A_341 = tpu.vector_load %arg8[%get3A_339, %get3A_340] {strides = array<i32>} : memref<1600x32xf32, #tpu.memory_space<vmem>>, vector<1x16xf32>,
        %get3A_342 = vector.shape_cast %get3A_341 : vector<1x16xf32> to vector<16xf32>
        %add3A_343 = arith.addf %add3A_329, %get3A_342 : vector<16xf32>
        %add3A_344 = arith.constant 9 : i32
        %add3A_345 = arith.addi %mul3A_224, %add3A_344 : i32
        %get3A_346 = arith.index_cast %add3A_345 : i32 to index
        %get3A_347 = arith.constant 0 : index
        %get3A_348 = tpu.vector_load %arg8[%get3A_346, %get3A_347] {strides = array<i32>} : memref<1600x32xf32, #tpu.memory_space<vmem>>, vector<1x16xf32>,
        %get3A_349 = vector.shape_cast %get3A_348 : vector<1x16xf32> to vector<16xf32>
        %add3A_350 = arith.addf %add3A_336, %get3A_349 : vector<16xf32>
        %add3A_351 = arith.constant 9 : i32
        %add3A_352 = arith.addi %mul3A_224, %add3A_351 : i32
        %get3A_353 = arith.index_cast %add3A_352 : i32 to index
        %get3A_354 = arith.constant 16 : index
        %get3A_355 = tpu.vector_load %arg8[%get3A_353, %get3A_354] {strides = array<i32>} : memref<1600x32xf32, #tpu.memory_space<vmem>>, vector<1x16xf32>,
        %get3A_356 = vector.shape_cast %get3A_355 : vector<1x16xf32> to vector<16xf32>
        %add3A_357 = arith.addf %add3A_343, %get3A_356 : vector<16xf32>
        %add3A_358 = arith.constant 10 : i32
        %add3A_359 = arith.addi %mul3A_224, %add3A_358 : i32
        %get3A_360 = arith.index_cast %add3A_359 : i32 to index
        %get3A_361 = arith.constant 0 : index
        %get3A_362 = tpu.vector_load %arg8[%get3A_360, %get3A_361] {strides = array<i32>} : memref<1600x32xf32, #tpu.memory_space<vmem>>, vector<1x16xf32>,
        %get3A_363 = vector.shape_cast %get3A_362 : vector<1x16xf32> to vector<16xf32>
        %add3A_364 = arith.addf %add3A_350, %get3A_363 : vector<16xf32>
        %add3A_365 = arith.constant 10 : i32
        %add3A_366 = arith.addi %mul3A_224, %add3A_365 : i32
        %get3A_367 = arith.index_cast %add3A_366 : i32 to index
        %get3A_368 = arith.constant 16 : index
        %get3A_369 = tpu.vector_load %arg8[%get3A_367, %get3A_368] {strides = array<i32>} : memref<1600x32xf32, #tpu.memory_space<vmem>>, vector<1x16xf32>,
        %get3A_370 = vector.shape_cast %get3A_369 : vector<1x16xf32> to vector<16xf32>
        %add3A_371 = arith.addf %add3A_357, %get3A_370 : vector<16xf32>
        %add3A_372 = arith.constant 11 : i32
        %add3A_373 = arith.addi %mul3A_224, %add3A_372 : i32
        %get3A_374 = arith.index_cast %add3A_373 : i32 to index
        %get3A_375 = arith.constant 0 : index
        %get3A_376 = tpu.vector_load %arg8[%get3A_374, %get3A_375] {strides = array<i32>} : memref<1600x32xf32, #tpu.memory_space<vmem>>, vector<1x16xf32>,
        %get3A_377 = vector.shape_cast %get3A_376 : vector<1x16xf32> to vector<16xf32>
        %add3A_378 = arith.addf %add3A_364, %get3A_377 : vector<16xf32>
        %add3A_379 = arith.constant 11 : i32
        %add3A_380 = arith.addi %mul3A_224, %add3A_379 : i32
        %get3A_381 = arith.index_cast %add3A_380 : i32 to index
        %get3A_382 = arith.constant 16 : index
        %get3A_383 = tpu.vector_load %arg8[%get3A_381, %get3A_382] {strides = array<i32>} : memref<1600x32xf32, #tpu.memory_space<vmem>>, vector<1x16xf32>,
        %get3A_384 = vector.shape_cast %get3A_383 : vector<1x16xf32> to vector<16xf32>
        %add3A_385 = arith.addf %add3A_371, %get3A_384 : vector<16xf32>
        %add3A_386 = arith.constant 12 : i32
        %add3A_387 = arith.addi %mul3A_224, %add3A_386 : i32
        %get3A_388 = arith.index_cast %add3A_387 : i32 to index
        %get3A_389 = arith.constant 0 : index
        %get3A_390 = tpu.vector_load %arg8[%get3A_388, %get3A_389] {strides = array<i32>} : memref<1600x32xf32, #tpu.memory_space<vmem>>, vector<1x16xf32>,
        %get3A_391 = vector.shape_cast %get3A_390 : vector<1x16xf32> to vector<16xf32>
        %add3A_392 = arith.addf %add3A_378, %get3A_391 : vector<16xf32>
        %add3A_393 = arith.constant 12 : i32
        %add3A_394 = arith.addi %mul3A_224, %add3A_393 : i32
        %get3A_395 = arith.index_cast %add3A_394 : i32 to index
        %get3A_396 = arith.constant 16 : index
        %get3A_397 = tpu.vector_load %arg8[%get3A_395, %get3A_396] {strides = array<i32>} : memref<1600x32xf32, #tpu.memory_space<vmem>>, vector<1x16xf32>,
        %get3A_398 = vector.shape_cast %get3A_397 : vector<1x16xf32> to vector<16xf32>
        %add3A_399 = arith.addf %add3A_385, %get3A_398 : vector<16xf32>
        %add3A_400 = arith.constant 13 : i32
        %add3A_401 = arith.addi %mul3A_224, %add3A_400 : i32
        %get3A_402 = arith.index_cast %add3A_401 : i32 to index
        %get3A_403 = arith.constant 0 : index
        %get3A_404 = tpu.vector_load %arg8[%get3A_402, %get3A_403] {strides = array<i32>} : memref<1600x32xf32, #tpu.memory_space<vmem>>, vector<1x16xf32>,
        %get3A_405 = vector.shape_cast %get3A_404 : vector<1x16xf32> to vector<16xf32>
        %add3A_406 = arith.addf %add3A_392, %get3A_405 : vector<16xf32>
        %add3A_407 = arith.constant 13 : i32
        %add3A_408 = arith.addi %mul3A_224, %add3A_407 : i32
        %get3A_409 = arith.index_cast %add3A_408 : i32 to index
        %get3A_410 = arith.constant 16 : index
        %get3A_411 = tpu.vector_load %arg8[%get3A_409, %get3A_410] {strides = array<i32>} : memref<1600x32xf32, #tpu.memory_space<vmem>>, vector<1x16xf32>,
        %get3A_412 = vector.shape_cast %get3A_411 : vector<1x16xf32> to vector<16xf32>
        %add3A_413 = arith.addf %add3A_399, %get3A_412 : vector<16xf32>
        %add3A_414 = arith.constant 14 : i32
        %add3A_415 = arith.addi %mul3A_224, %add3A_414 : i32
        %get3A_416 = arith.index_cast %add3A_415 : i32 to index
        %get3A_417 = arith.constant 0 : index
        %get3A_418 = tpu.vector_load %arg8[%get3A_416, %get3A_417] {strides = array<i32>} : memref<1600x32xf32, #tpu.memory_space<vmem>>, vector<1x16xf32>,
        %get3A_419 = vector.shape_cast %get3A_418 : vector<1x16xf32> to vector<16xf32>
        %add3A_420 = arith.addf %add3A_406, %get3A_419 : vector<16xf32>
        %add3A_421 = arith.constant 14 : i32
        %add3A_422 = arith.addi %mul3A_224, %add3A_421 : i32
        %get3A_423 = arith.index_cast %add3A_422 : i32 to index
        %get3A_424 = arith.constant 16 : index
        %get3A_425 = tpu.vector_load %arg8[%get3A_423, %get3A_424] {strides = array<i32>} : memref<1600x32xf32, #tpu.memory_space<vmem>>, vector<1x16xf32>,
        %get3A_426 = vector.shape_cast %get3A_425 : vector<1x16xf32> to vector<16xf32>
        %add3A_427 = arith.addf %add3A_413, %get3A_426 : vector<16xf32>
        %add3A_428 = arith.constant 15 : i32
        %add3A_429 = arith.addi %mul3A_224, %add3A_428 : i32
        %get3A_430 = arith.index_cast %add3A_429 : i32 to index
        %get3A_431 = arith.constant 0 : index
        %get3A_432 = tpu.vector_load %arg8[%get3A_430, %get3A_431] {strides = array<i32>} : memref<1600x32xf32, #tpu.memory_space<vmem>>, vector<1x16xf32>,
        %get3A_433 = vector.shape_cast %get3A_432 : vector<1x16xf32> to vector<16xf32>
        %add3A_434 = arith.addf %add3A_420, %get3A_433 : vector<16xf32>
        %add3A_435 = arith.constant 15 : i32
        %add3A_436 = arith.addi %mul3A_224, %add3A_435 : i32
        %get3A_437 = arith.index_cast %add3A_436 : i32 to index
        %get3A_438 = arith.constant 16 : index
        %get3A_439 = tpu.vector_load %arg8[%get3A_437, %get3A_438] {strides = array<i32>} : memref<1600x32xf32, #tpu.memory_space<vmem>>, vector<1x16xf32>,
        %get3A_440 = vector.shape_cast %get3A_439 : vector<1x16xf32> to vector<16xf32>
        %add3A_441 = arith.addf %add3A_427, %get3A_440 : vector<16xf32>
        %add3A_442 = arith.constant 16 : i32
        %add3A_443 = arith.addi %mul3A_224, %add3A_442 : i32
        %get3A_444 = arith.index_cast %add3A_443 : i32 to index
        %get3A_445 = arith.constant 0 : index
        %get3A_446 = tpu.vector_load %arg8[%get3A_444, %get3A_445] {strides = array<i32>} : memref<1600x32xf32, #tpu.memory_space<vmem>>, vector<1x16xf32>,
        %get3A_447 = vector.shape_cast %get3A_446 : vector<1x16xf32> to vector<16xf32>
        %add3A_448 = arith.addf %add3A_434, %get3A_447 : vector<16xf32>
        %add3A_449 = arith.constant 16 : i32
        %add3A_450 = arith.addi %mul3A_224, %add3A_449 : i32
        %get3A_451 = arith.index_cast %add3A_450 : i32 to index
        %get3A_452 = arith.constant 16 : index
        %get3A_453 = tpu.vector_load %arg8[%get3A_451, %get3A_452] {strides = array<i32>} : memref<1600x32xf32, #tpu.memory_space<vmem>>, vector<1x16xf32>,
        %get3A_454 = vector.shape_cast %get3A_453 : vector<1x16xf32> to vector<16xf32>
        %add3A_455 = arith.addf %add3A_441, %get3A_454 : vector<16xf32>
        %add3A_456 = arith.constant 17 : i32
        %add3A_457 = arith.addi %mul3A_224, %add3A_456 : i32
        %get3A_458 = arith.index_cast %add3A_457 : i32 to index
        %get3A_459 = arith.constant 0 : index
        %get3A_460 = tpu.vector_load %arg8[%get3A_458, %get3A_459] {strides = array<i32>} : memref<1600x32xf32, #tpu.memory_space<vmem>>, vector<1x16xf32>,
        %get3A_461 = vector.shape_cast %get3A_460 : vector<1x16xf32> to vector<16xf32>
        %add3A_462 = arith.addf %add3A_448, %get3A_461 : vector<16xf32>
        %add3A_463 = arith.constant 17 : i32
        %add3A_464 = arith.addi %mul3A_224, %add3A_463 : i32
        %get3A_465 = arith.index_cast %add3A_464 : i32 to index
        %get3A_466 = arith.constant 16 : index
        %get3A_467 = tpu.vector_load %arg8[%get3A_465, %get3A_466] {strides = array<i32>} : memref<1600x32xf32, #tpu.memory_space<vmem>>, vector<1x16xf32>,
        %get3A_468 = vector.shape_cast %get3A_467 : vector<1x16xf32> to vector<16xf32>
        %add3A_469 = arith.addf %add3A_455, %get3A_468 : vector<16xf32>
        %add3A_470 = arith.constant 18 : i32
        %add3A_471 = arith.addi %mul3A_224, %add3A_470 : i32
        %get3A_472 = arith.index_cast %add3A_471 : i32 to index
        %get3A_473 = arith.constant 0 : index
        %get3A_474 = tpu.vector_load %arg8[%get3A_472, %get3A_473] {strides = array<i32>} : memref<1600x32xf32, #tpu.memory_space<vmem>>, vector<1x16xf32>,
        %get3A_475 = vector.shape_cast %get3A_474 : vector<1x16xf32> to vector<16xf32>
        %add3A_476 = arith.addf %add3A_462, %get3A_475 : vector<16xf32>
        %add3A_477 = arith.constant 18 : i32
        %add3A_478 = arith.addi %mul3A_224, %add3A_477 : i32
        %get3A_479 = arith.index_cast %add3A_478 : i32 to index
        %get3A_480 = arith.constant 16 : index
        %get3A_481 = tpu.vector_load %arg8[%get3A_479, %get3A_480] {strides = array<i32>} : memref<1600x32xf32, #tpu.memory_space<vmem>>, vector<1x16xf32>,
        %get3A_482 = vector.shape_cast %get3A_481 : vector<1x16xf32> to vector<16xf32>
        %add3A_483 = arith.addf %add3A_469, %get3A_482 : vector<16xf32>
        %add3A_484 = arith.constant 19 : i32
        %add3A_485 = arith.addi %mul3A_224, %add3A_484 : i32
        %get3A_486 = arith.index_cast %add3A_485 : i32 to index
        %get3A_487 = arith.constant 0 : index
        %get3A_488 = tpu.vector_load %arg8[%get3A_486, %get3A_487] {strides = array<i32>} : memref<1600x32xf32, #tpu.memory_space<vmem>>, vector<1x16xf32>,
        %get3A_489 = vector.shape_cast %get3A_488 : vector<1x16xf32> to vector<16xf32>
        %add3A_490 = arith.addf %add3A_476, %get3A_489 : vector<16xf32>
        %add3A_491 = arith.constant 19 : i32
        %add3A_492 = arith.addi %mul3A_224, %add3A_491 : i32
        %get3A_493 = arith.index_cast %add3A_492 : i32 to index
        %get3A_494 = arith.constant 16 : index
        %get3A_495 = tpu.vector_load %arg8[%get3A_493, %get3A_494] {strides = array<i32>} : memref<1600x32xf32, #tpu.memory_space<vmem>>, vector<1x16xf32>,
        %get3A_496 = vector.shape_cast %get3A_495 : vector<1x16xf32> to vector<16xf32>
        %add3A_497 = arith.addf %add3A_483, %get3A_496 : vector<16xf32>
        %add3A_498 = arith.constant 20 : i32
        %add3A_499 = arith.addi %mul3A_224, %add3A_498 : i32
        %get3A_500 = arith.index_cast %add3A_499 : i32 to index
        %get3A_501 = arith.constant 0 : index
        %get3A_502 = tpu.vector_load %arg8[%get3A_500, %get3A_501] {strides = array<i32>} : memref<1600x32xf32, #tpu.memory_space<vmem>>, vector<1x16xf32>,
        %get3A_503 = vector.shape_cast %get3A_502 : vector<1x16xf32> to vector<16xf32>
        %add3A_504 = arith.addf %add3A_490, %get3A_503 : vector<16xf32>
        %add3A_505 = arith.constant 20 : i32
        %add3A_506 = arith.addi %mul3A_224, %add3A_505 : i32
        %get3A_507 = arith.index_cast %add3A_506 : i32 to index
        %get3A_508 = arith.constant 16 : index
        %get3A_509 = tpu.vector_load %arg8[%get3A_507, %get3A_508] {strides = array<i32>} : memref<1600x32xf32, #tpu.memory_space<vmem>>, vector<1x16xf32>,
        %get3A_510 = vector.shape_cast %get3A_509 : vector<1x16xf32> to vector<16xf32>
        %add3A_511 = arith.addf %add3A_497, %get3A_510 : vector<16xf32>
        %add3A_512 = arith.constant 21 : i32
        %add3A_513 = arith.addi %mul3A_224, %add3A_512 : i32
        %get3A_514 = arith.index_cast %add3A_513 : i32 to index
        %get3A_515 = arith.constant 0 : index
        %get3A_516 = tpu.vector_load %arg8[%get3A_514, %get3A_515] {strides = array<i32>} : memref<1600x32xf32, #tpu.memory_space<vmem>>, vector<1x16xf32>,
        %get3A_517 = vector.shape_cast %get3A_516 : vector<1x16xf32> to vector<16xf32>
        %add3A_518 = arith.addf %add3A_504, %get3A_517 : vector<16xf32>
        %add3A_519 = arith.constant 21 : i32
        %add3A_520 = arith.addi %mul3A_224, %add3A_519 : i32
        %get3A_521 = arith.index_cast %add3A_520 : i32 to index
        %get3A_522 = arith.constant 16 : index
        %get3A_523 = tpu.vector_load %arg8[%get3A_521, %get3A_522] {strides = array<i32>} : memref<1600x32xf32, #tpu.memory_space<vmem>>, vector<1x16xf32>,
        %get3A_524 = vector.shape_cast %get3A_523 : vector<1x16xf32> to vector<16xf32>
        %add3A_525 = arith.addf %add3A_511, %get3A_524 : vector<16xf32>
        %add3A_526 = arith.constant 22 : i32
        %add3A_527 = arith.addi %mul3A_224, %add3A_526 : i32
        %get3A_528 = arith.index_cast %add3A_527 : i32 to index
        %get3A_529 = arith.constant 0 : index
        %get3A_530 = tpu.vector_load %arg8[%get3A_528, %get3A_529] {strides = array<i32>} : memref<1600x32xf32, #tpu.memory_space<vmem>>, vector<1x16xf32>,
        %get3A_531 = vector.shape_cast %get3A_530 : vector<1x16xf32> to vector<16xf32>
        %add3A_532 = arith.addf %add3A_518, %get3A_531 : vector<16xf32>
        %add3A_533 = arith.constant 22 : i32
        %add3A_534 = arith.addi %mul3A_224, %add3A_533 : i32
        %get3A_535 = arith.index_cast %add3A_534 : i32 to index
        %get3A_536 = arith.constant 16 : index
        %get3A_537 = tpu.vector_load %arg8[%get3A_535, %get3A_536] {strides = array<i32>} : memref<1600x32xf32, #tpu.memory_space<vmem>>, vector<1x16xf32>,
        %get3A_538 = vector.shape_cast %get3A_537 : vector<1x16xf32> to vector<16xf32>
        %add3A_539 = arith.addf %add3A_525, %get3A_538 : vector<16xf32>
        %add3A_540 = arith.constant 23 : i32
        %add3A_541 = arith.addi %mul3A_224, %add3A_540 : i32
        %get3A_542 = arith.index_cast %add3A_541 : i32 to index
        %get3A_543 = arith.constant 0 : index
        %get3A_544 = tpu.vector_load %arg8[%get3A_542, %get3A_543] {strides = array<i32>} : memref<1600x32xf32, #tpu.memory_space<vmem>>, vector<1x16xf32>,
        %get3A_545 = vector.shape_cast %get3A_544 : vector<1x16xf32> to vector<16xf32>
        %add3A_546 = arith.addf %add3A_532, %get3A_545 : vector<16xf32>
        %add3A_547 = arith.constant 23 : i32
        %add3A_548 = arith.addi %mul3A_224, %add3A_547 : i32
        %get3A_549 = arith.index_cast %add3A_548 : i32 to index
        %get3A_550 = arith.constant 16 : index
        %get3A_551 = tpu.vector_load %arg8[%get3A_549, %get3A_550] {strides = array<i32>} : memref<1600x32xf32, #tpu.memory_space<vmem>>, vector<1x16xf32>,
        %get3A_552 = vector.shape_cast %get3A_551 : vector<1x16xf32> to vector<16xf32>
        %add3A_553 = arith.addf %add3A_539, %get3A_552 : vector<16xf32>
        %add3A_554 = arith.constant 24 : i32
        %add3A_555 = arith.addi %mul3A_224, %add3A_554 : i32
        %get3A_556 = arith.index_cast %add3A_555 : i32 to index
        %get3A_557 = arith.constant 0 : index
        %get3A_558 = tpu.vector_load %arg8[%get3A_556, %get3A_557] {strides = array<i32>} : memref<1600x32xf32, #tpu.memory_space<vmem>>, vector<1x16xf32>,
        %get3A_559 = vector.shape_cast %get3A_558 : vector<1x16xf32> to vector<16xf32>
        %add3A_560 = arith.addf %add3A_546, %get3A_559 : vector<16xf32>
        %add3A_561 = arith.constant 24 : i32
        %add3A_562 = arith.addi %mul3A_224, %add3A_561 : i32
        %get3A_563 = arith.index_cast %add3A_562 : i32 to index
        %get3A_564 = arith.constant 16 : index
        %get3A_565 = tpu.vector_load %arg8[%get3A_563, %get3A_564] {strides = array<i32>} : memref<1600x32xf32, #tpu.memory_space<vmem>>, vector<1x16xf32>,
        %get3A_566 = vector.shape_cast %get3A_565 : vector<1x16xf32> to vector<16xf32>
        %add3A_567 = arith.addf %add3A_553, %get3A_566 : vector<16xf32>
        %jit3A_568 = arith.constant 4 : i32
        %div3A_569 = arith.divsi %scan3A_222, %jit3A_568 : i32
        %sign3A_570 = arith.constant 0 : i32
        %sign3A_571 = arith.cmpi sgt, %scan3A_222, %sign3A_570 : i32
        %sign3A_572 = arith.extui %sign3A_571 : i1 to i32
        %sign3A_573 = arith.constant 0 : i32
        %sign3A_574 = arith.cmpi slt, %scan3A_222, %sign3A_573 : i32
        %sign3A_575 = arith.extui %sign3A_574 : i1 to i32
        %sign3A_576 = arith.subi %sign3A_572, %sign3A_575 : i32
        %sign3A_577 = arith.constant 0 : i32
        %sign3A_578 = arith.cmpi sgt, %jit3A_568, %sign3A_577 : i32
        %sign3A_579 = arith.extui %sign3A_578 : i1 to i32
        %sign3A_580 = arith.constant 0 : i32
        %sign3A_581 = arith.cmpi slt, %jit3A_568, %sign3A_580 : i32
        %sign3A_582 = arith.extui %sign3A_581 : i1 to i32
        %sign3A_583 = arith.subi %sign3A_579, %sign3A_582 : i32
        %ne3A_584 = arith.cmpi ne, %sign3A_576, %sign3A_583 : i32
        %rem3A_585 = arith.remsi %scan3A_222, %jit3A_568 : i32
        %ne3A_586 = arith.constant 0 : i32
        %ne3A_587 = arith.cmpi ne, %rem3A_585, %ne3A_586 : i32
        %and3A_588 = arith.andi %ne3A_584, %ne3A_587 : i1
        %sub3A_589 = arith.constant 1 : i32
        %sub3A_590 = arith.subi %div3A_569, %sub3A_589 : i32
        %select_n3A_591 = arith.select %and3A_588, %sub3A_590, %div3A_569 : i32
        %jit3A_592 = arith.constant 4 : i32
        %eq3A_593 = arith.constant 0 : i32
        %eq3A_594 = arith.cmpi eq, %jit3A_592, %eq3A_593 : i32
        %jit3A_595 = arith.constant 1 : i32
        %select_n3A_596 = arith.select %eq3A_594, %jit3A_595, %jit3A_592 : i32
        %rem3A_597 = arith.remsi %scan3A_222, %select_n3A_596 : i32
        %ne3A_598 = arith.constant 0 : i32
        %ne3A_599 = arith.cmpi ne, %rem3A_597, %ne3A_598 : i32
        %lt3A_600 = arith.constant 0 : i32
        %lt3A_601 = arith.cmpi slt, %rem3A_597, %lt3A_600 : i32
        %lt3A_602 = arith.constant 0 : i32
        %lt3A_603 = arith.cmpi slt, %select_n3A_596, %lt3A_602 : i32
        %ne3A_604 = arith.xori %lt3A_601, %lt3A_603 : i1
        %and3A_605 = arith.andi %ne3A_604, %ne3A_599 : i1
        %add3A_606 = arith.addi %rem3A_597, %select_n3A_596 : i32
        %select_n3A_607 = arith.select %and3A_605, %add3A_606, %rem3A_597 : i32
        %mul3A_608 = arith.constant 32 : i32
        %mul3A_609 = arith.muli %select_n3A_607, %mul3A_608 : i32
        %swap3A = arith.index_cast %select_n3A_591 : i32 to index
        %swap3A_610 = arith.index_cast %mul3A_609 : i32 to index
        %swap3A_611 = tpu.vector_load %arg10[%swap3A, %swap3A_610] {strides = array<i32>} : memref<16x128xf32, #tpu.memory_space<vmem>>, vector<1x16xf32>,
        %swap3A_612 = vector.shape_cast %swap3A_611 : vector<1x16xf32> to vector<16xf32>
        %swap3A_613 = vector.shape_cast %add3A_560 : vector<16xf32> to vector<1x16xf32>
        tpu.vector_store %arg10[%swap3A, %swap3A_610], %swap3A_613 {strides = array<i32>} : memref<16x128xf32, #tpu.memory_space<vmem>>, vector<1x16xf32>,
        %add3A_614 = arith.constant 16 : i32
        %add3A_615 = arith.addi %mul3A_609, %add3A_614 : i32
        %swap3A_616 = arith.index_cast %select_n3A_591 : i32 to index
        %swap3A_617 = arith.index_cast %add3A_615 : i32 to index
        %swap3A_618 = tpu.vector_load %arg10[%swap3A_616, %swap3A_617] {strides = array<i32>} : memref<16x128xf32, #tpu.memory_space<vmem>>, vector<1x16xf32>,
        %swap3A_619 = vector.shape_cast %swap3A_618 : vector<1x16xf32> to vector<16xf32>
        %swap3A_620 = vector.shape_cast %add3A_567 : vector<16xf32> to vector<1x16xf32>
        tpu.vector_store %arg10[%swap3A_616, %swap3A_617], %swap3A_620 {strides = array<i32>} : memref<16x128xf32, #tpu.memory_space<vmem>>, vector<1x16xf32>,
      }
      %scan3A_217 = arith.constant 64 : i32
      %dma_start3A_218 = arith.constant 0 : i32
      %dma_start3A_219 = tpu.memref_slice %arg4[%select_n3A_208, %dma_start3A_218] : memref<25000x128xf32, #tpu.memory_space<hbm>> -> memref<16x128xf32, #tpu.memory_space<hbm>>
      %dma_start3A_220 = arith.constant 0 : i32
      %dma_start3A_221 = tpu.memref_slice %arg4[%select_n3A_208, %dma_start3A_220] : memref<25000x128xf32, #tpu.memory_space<hbm>> -> memref<16x128xf32, #tpu.memory_space<hbm>>
      tpu.enqueue_dma source(%arg10 : memref<16x128xf32, #tpu.memory_space<vmem>>) target(%dma_start3A_221 : memref<16x128xf32, #tpu.memory_space<hbm>>) target_semaphore(%arg14 : memref<!tpu.dma_semaphore, #tpu.memory_space<semaphore_mem>>)
    }
    %jit3A_63 = arith.constant 2 : i32
    %eq3A = arith.constant 0 : i32
    %eq3A_64 = arith.cmpi eq, %jit3A_63, %eq3A : i32
    %jit3A_65 = arith.constant 1 : i32
    %select_n3A_66 = arith.select %eq3A_64, %jit3A_65, %jit3A_63 : i32
    %rem3A_67 = arith.remsi %add3A_20, %select_n3A_66 : i32
    %ne3A_68 = arith.constant 0 : i32
    %ne3A_69 = arith.cmpi ne, %rem3A_67, %ne3A_68 : i32
    %lt3A = arith.constant 0 : i32
    %lt3A_70 = arith.cmpi slt, %rem3A_67, %lt3A : i32
    %lt3A_71 = arith.constant 0 : i32
    %lt3A_72 = arith.cmpi slt, %select_n3A_66, %lt3A_71 : i32
    %ne3A_73 = arith.xori %lt3A_70, %lt3A_72 : i1
    %and3A_74 = arith.andi %ne3A_73, %ne3A_69 : i1
    %add3A_75 = arith.addi %rem3A_67, %select_n3A_66 : i32
    %select_n3A_76 = arith.select %and3A_74, %add3A_75, %rem3A_67 : i32
    %eq3A_77 = arith.constant 1 : i32
    %eq3A_78 = arith.cmpi eq, %select_n3A_76, %eq3A_77 : i32
    %convert_element_type3A = arith.extui %eq3A_78 : i1 to i32
    %cond3A = arith.constant 0 : i32
    %cond3A_79 = arith.cmpi ne, %convert_element_type3A, %cond3A : i32
    scf.if %cond3A_79 {
      %sub3A_91 = arith.constant 1 : i32
      %sub3A_92 = arith.subi %add3A_20, %sub3A_91 : i32
      %gt3A = arith.constant 0 : i32
      %gt3A_93 = arith.cmpi sgt, %select_n3A_44, %gt3A : i32
      %dma_wait3A_94 = arith.constant 0 : i32
      %dma_wait3A_95 = arith.constant 0 : i32
      %dma_wait3A_96 = tpu.memref_slice %arg2[%dma_wait3A_94, %dma_wait3A_95] : memref<100000x32xf32, #tpu.memory_space<hbm>> -> memref<100000x32xf32, #tpu.memory_space<hbm>>
      tpu.wait_indirect_dma semaphore(%arg11 : memref<!tpu.dma_semaphore, #tpu.memory_space<semaphore_mem>>) src(%dma_wait3A_96 : memref<100000x32xf32, #tpu.memory_space<hbm>>) dst(%arg7 : memref<1600x32xf32, #tpu.memory_space<vmem>>)
      %mul3A_97 = arith.constant 32 : i32
      %mul3A_98 = arith.muli %mul3A_97, %sub3A_92 : i32
      %add3A_99 = arith.addi %add3A, %mul3A_98 : i32
      %mul3A_100 = arith.constant 64 : i32
      %mul3A_101 = arith.muli %add3A_99, %mul3A_100 : i32
      %min3A_102 = arith.constant 99936 : i32
      %min3A_103 = arith.minsi %mul3A_101, %min3A_102 : i32
      %mul3A_104 = arith.constant 32 : i32
      %mul3A_105 = arith.muli %min3A_103, %mul3A_104 : i32
      %jit3A_106 = arith.constant 128 : i32
      %div3A_107 = arith.divsi %mul3A_105, %jit3A_106 : i32
      %sign3A_108 = arith.constant 0 : i32
      %sign3A_109 = arith.cmpi sgt, %mul3A_105, %sign3A_108 : i32
      %sign3A_110 = arith.extui %sign3A_109 : i1 to i32
      %sign3A_111 = arith.constant 0 : i32
      %sign3A_112 = arith.cmpi slt, %mul3A_105, %sign3A_111 : i32
      %sign3A_113 = arith.extui %sign3A_112 : i1 to i32
      %sign3A_114 = arith.subi %sign3A_110, %sign3A_113 : i32
      %sign3A_115 = arith.constant 0 : i32
      %sign3A_116 = arith.cmpi sgt, %jit3A_106, %sign3A_115 : i32
      %sign3A_117 = arith.extui %sign3A_116 : i1 to i32
      %sign3A_118 = arith.constant 0 : i32
      %sign3A_119 = arith.cmpi slt, %jit3A_106, %sign3A_118 : i32
      %sign3A_120 = arith.extui %sign3A_119 : i1 to i32
      %sign3A_121 = arith.subi %sign3A_117, %sign3A_120 : i32
      %ne3A_122 = arith.cmpi ne, %sign3A_114, %sign3A_121 : i32
      %rem3A_123 = arith.remsi %mul3A_105, %jit3A_106 : i32
      %ne3A_124 = arith.constant 0 : i32
      %ne3A_125 = arith.cmpi ne, %rem3A_123, %ne3A_124 : i32
      %and3A_126 = arith.andi %ne3A_122, %ne3A_125 : i1
      %sub3A_127 = arith.constant 1 : i32
      %sub3A_128 = arith.subi %div3A_107, %sub3A_127 : i32
      %select_n3A_129 = arith.select %and3A_126, %sub3A_128, %div3A_107 : i32
      %convert_element_type3A_130 = arith.extui %gt3A_93 : i1 to i32
      %cond3A_131 = arith.constant 0 : i32
      %cond3A_132 = arith.cmpi ne, %convert_element_type3A_130, %cond3A_131 : i32
      scf.if %cond3A_132 {
        %dma_wait3A_142 = arith.constant 0 : i32
        %dma_wait3A_143 = tpu.memref_slice %arg4[%select_n3A_129, %dma_wait3A_142] : memref<25000x128xf32, #tpu.memory_space<hbm>> -> memref<16x128xf32, #tpu.memory_space<hbm>>
        %dma_wait3A_144 = arith.constant 0 : i32
        %dma_wait3A_145 = tpu.memref_slice %arg4[%select_n3A_129, %dma_wait3A_144] : memref<25000x128xf32, #tpu.memory_space<hbm>> -> memref<16x128xf32, #tpu.memory_space<hbm>>
        tpu.wait_dma2 semaphore(%arg13 : memref<!tpu.dma_semaphore, #tpu.memory_space<semaphore_mem>>) src(%arg9 : memref<16x128xf32, #tpu.memory_space<vmem>>) dst(%dma_wait3A_145 : memref<16x128xf32, #tpu.memory_space<hbm>>)
      } else {
      }
      %scan3A = arith.constant 0 : i32
      %scan3A_133 = arith.constant 0 : i32
      %scan3A_134 = arith.constant 64 : i32
      %scan3A_135 = arith.addi %scan3A_133, %scan3A_134 : i32
      %scan3A_136 = arith.constant 1 : i32
      scf.for %scan3A_142 = %scan3A_133 to %scan3A_135 step %scan3A_136  : i32 {
        %mul3A_143 = arith.constant 25 : i32
        %mul3A_144 = arith.muli %scan3A_142, %mul3A_143 : i32
        %get3A = arith.index_cast %mul3A_144 : i32 to index
        %get3A_145 = arith.constant 0 : index
        %get3A_146 = tpu.vector_load %arg7[%get3A, %get3A_145] {strides = array<i32>} : memref<1600x32xf32, #tpu.memory_space<vmem>>, vector<1x16xf32>,
        %get3A_147 = vector.shape_cast %get3A_146 : vector<1x16xf32> to vector<16xf32>
        %get3A_148 = arith.index_cast %mul3A_144 : i32 to index
        %get3A_149 = arith.constant 16 : index
        %get3A_150 = tpu.vector_load %arg7[%get3A_148, %get3A_149] {strides = array<i32>} : memref<1600x32xf32, #tpu.memory_space<vmem>>, vector<1x16xf32>,
        %get3A_151 = vector.shape_cast %get3A_150 : vector<1x16xf32> to vector<16xf32>
        %add3A_152 = arith.constant 1 : i32
        %add3A_153 = arith.addi %mul3A_144, %add3A_152 : i32
        %get3A_154 = arith.index_cast %add3A_153 : i32 to index
        %get3A_155 = arith.constant 0 : index
        %get3A_156 = tpu.vector_load %arg7[%get3A_154, %get3A_155] {strides = array<i32>} : memref<1600x32xf32, #tpu.memory_space<vmem>>, vector<1x16xf32>,
        %get3A_157 = vector.shape_cast %get3A_156 : vector<1x16xf32> to vector<16xf32>
        %add3A_158 = arith.addf %get3A_147, %get3A_157 : vector<16xf32>
        %add3A_159 = arith.constant 1 : i32
        %add3A_160 = arith.addi %mul3A_144, %add3A_159 : i32
        %get3A_161 = arith.index_cast %add3A_160 : i32 to index
        %get3A_162 = arith.constant 16 : index
        %get3A_163 = tpu.vector_load %arg7[%get3A_161, %get3A_162] {strides = array<i32>} : memref<1600x32xf32, #tpu.memory_space<vmem>>, vector<1x16xf32>,
        %get3A_164 = vector.shape_cast %get3A_163 : vector<1x16xf32> to vector<16xf32>
        %add3A_165 = arith.addf %get3A_151, %get3A_164 : vector<16xf32>
        %add3A_166 = arith.constant 2 : i32
        %add3A_167 = arith.addi %mul3A_144, %add3A_166 : i32
        %get3A_168 = arith.index_cast %add3A_167 : i32 to index
        %get3A_169 = arith.constant 0 : index
        %get3A_170 = tpu.vector_load %arg7[%get3A_168, %get3A_169] {strides = array<i32>} : memref<1600x32xf32, #tpu.memory_space<vmem>>, vector<1x16xf32>,
        %get3A_171 = vector.shape_cast %get3A_170 : vector<1x16xf32> to vector<16xf32>
        %add3A_172 = arith.addf %add3A_158, %get3A_171 : vector<16xf32>
        %add3A_173 = arith.constant 2 : i32
        %add3A_174 = arith.addi %mul3A_144, %add3A_173 : i32
        %get3A_175 = arith.index_cast %add3A_174 : i32 to index
        %get3A_176 = arith.constant 16 : index
        %get3A_177 = tpu.vector_load %arg7[%get3A_175, %get3A_176] {strides = array<i32>} : memref<1600x32xf32, #tpu.memory_space<vmem>>, vector<1x16xf32>,
        %get3A_178 = vector.shape_cast %get3A_177 : vector<1x16xf32> to vector<16xf32>
        %add3A_179 = arith.addf %add3A_165, %get3A_178 : vector<16xf32>
        %add3A_180 = arith.constant 3 : i32
        %add3A_181 = arith.addi %mul3A_144, %add3A_180 : i32
        %get3A_182 = arith.index_cast %add3A_181 : i32 to index
        %get3A_183 = arith.constant 0 : index
        %get3A_184 = tpu.vector_load %arg7[%get3A_182, %get3A_183] {strides = array<i32>} : memref<1600x32xf32, #tpu.memory_space<vmem>>, vector<1x16xf32>,
        %get3A_185 = vector.shape_cast %get3A_184 : vector<1x16xf32> to vector<16xf32>
        %add3A_186 = arith.addf %add3A_172, %get3A_185 : vector<16xf32>
        %add3A_187 = arith.constant 3 : i32
        %add3A_188 = arith.addi %mul3A_144, %add3A_187 : i32
        %get3A_189 = arith.index_cast %add3A_188 : i32 to index
        %get3A_190 = arith.constant 16 : index
        %get3A_191 = tpu.vector_load %arg7[%get3A_189, %get3A_190] {strides = array<i32>} : memref<1600x32xf32, #tpu.memory_space<vmem>>, vector<1x16xf32>,
        %get3A_192 = vector.shape_cast %get3A_191 : vector<1x16xf32> to vector<16xf32>
        %add3A_193 = arith.addf %add3A_179, %get3A_192 : vector<16xf32>
        %add3A_194 = arith.constant 4 : i32
        %add3A_195 = arith.addi %mul3A_144, %add3A_194 : i32
        %get3A_196 = arith.index_cast %add3A_195 : i32 to index
        %get3A_197 = arith.constant 0 : index
        %get3A_198 = tpu.vector_load %arg7[%get3A_196, %get3A_197] {strides = array<i32>} : memref<1600x32xf32, #tpu.memory_space<vmem>>, vector<1x16xf32>,
        %get3A_199 = vector.shape_cast %get3A_198 : vector<1x16xf32> to vector<16xf32>
        %add3A_200 = arith.addf %add3A_186, %get3A_199 : vector<16xf32>
        %add3A_201 = arith.constant 4 : i32
        %add3A_202 = arith.addi %mul3A_144, %add3A_201 : i32
        %get3A_203 = arith.index_cast %add3A_202 : i32 to index
        %get3A_204 = arith.constant 16 : index
        %get3A_205 = tpu.vector_load %arg7[%get3A_203, %get3A_204] {strides = array<i32>} : memref<1600x32xf32, #tpu.memory_space<vmem>>, vector<1x16xf32>,
        %get3A_206 = vector.shape_cast %get3A_205 : vector<1x16xf32> to vector<16xf32>
        %add3A_207 = arith.addf %add3A_193, %get3A_206 : vector<16xf32>
        %add3A_208 = arith.constant 5 : i32
        %add3A_209 = arith.addi %mul3A_144, %add3A_208 : i32
        %get3A_210 = arith.index_cast %add3A_209 : i32 to index
        %get3A_211 = arith.constant 0 : index
        %get3A_212 = tpu.vector_load %arg7[%get3A_210, %get3A_211] {strides = array<i32>} : memref<1600x32xf32, #tpu.memory_space<vmem>>, vector<1x16xf32>,
        %get3A_213 = vector.shape_cast %get3A_212 : vector<1x16xf32> to vector<16xf32>
        %add3A_214 = arith.addf %add3A_200, %get3A_213 : vector<16xf32>
        %add3A_215 = arith.constant 5 : i32
        %add3A_216 = arith.addi %mul3A_144, %add3A_215 : i32
        %get3A_217 = arith.index_cast %add3A_216 : i32 to index
        %get3A_218 = arith.constant 16 : index
        %get3A_219 = tpu.vector_load %arg7[%get3A_217, %get3A_218] {strides = array<i32>} : memref<1600x32xf32, #tpu.memory_space<vmem>>, vector<1x16xf32>,
        %get3A_220 = vector.shape_cast %get3A_219 : vector<1x16xf32> to vector<16xf32>
        %add3A_221 = arith.addf %add3A_207, %get3A_220 : vector<16xf32>
        %add3A_222 = arith.constant 6 : i32
        %add3A_223 = arith.addi %mul3A_144, %add3A_222 : i32
        %get3A_224 = arith.index_cast %add3A_223 : i32 to index
        %get3A_225 = arith.constant 0 : index
        %get3A_226 = tpu.vector_load %arg7[%get3A_224, %get3A_225] {strides = array<i32>} : memref<1600x32xf32, #tpu.memory_space<vmem>>, vector<1x16xf32>,
        %get3A_227 = vector.shape_cast %get3A_226 : vector<1x16xf32> to vector<16xf32>
        %add3A_228 = arith.addf %add3A_214, %get3A_227 : vector<16xf32>
        %add3A_229 = arith.constant 6 : i32
        %add3A_230 = arith.addi %mul3A_144, %add3A_229 : i32
        %get3A_231 = arith.index_cast %add3A_230 : i32 to index
        %get3A_232 = arith.constant 16 : index
        %get3A_233 = tpu.vector_load %arg7[%get3A_231, %get3A_232] {strides = array<i32>} : memref<1600x32xf32, #tpu.memory_space<vmem>>, vector<1x16xf32>,
        %get3A_234 = vector.shape_cast %get3A_233 : vector<1x16xf32> to vector<16xf32>
        %add3A_235 = arith.addf %add3A_221, %get3A_234 : vector<16xf32>
        %add3A_236 = arith.constant 7 : i32
        %add3A_237 = arith.addi %mul3A_144, %add3A_236 : i32
        %get3A_238 = arith.index_cast %add3A_237 : i32 to index
        %get3A_239 = arith.constant 0 : index
        %get3A_240 = tpu.vector_load %arg7[%get3A_238, %get3A_239] {strides = array<i32>} : memref<1600x32xf32, #tpu.memory_space<vmem>>, vector<1x16xf32>,
        %get3A_241 = vector.shape_cast %get3A_240 : vector<1x16xf32> to vector<16xf32>
        %add3A_242 = arith.addf %add3A_228, %get3A_241 : vector<16xf32>
        %add3A_243 = arith.constant 7 : i32
        %add3A_244 = arith.addi %mul3A_144, %add3A_243 : i32
        %get3A_245 = arith.index_cast %add3A_244 : i32 to index
        %get3A_246 = arith.constant 16 : index
        %get3A_247 = tpu.vector_load %arg7[%get3A_245, %get3A_246] {strides = array<i32>} : memref<1600x32xf32, #tpu.memory_space<vmem>>, vector<1x16xf32>,
        %get3A_248 = vector.shape_cast %get3A_247 : vector<1x16xf32> to vector<16xf32>
        %add3A_249 = arith.addf %add3A_235, %get3A_248 : vector<16xf32>
        %add3A_250 = arith.constant 8 : i32
        %add3A_251 = arith.addi %mul3A_144, %add3A_250 : i32
        %get3A_252 = arith.index_cast %add3A_251 : i32 to index
        %get3A_253 = arith.constant 0 : index
        %get3A_254 = tpu.vector_load %arg7[%get3A_252, %get3A_253] {strides = array<i32>} : memref<1600x32xf32, #tpu.memory_space<vmem>>, vector<1x16xf32>,
        %get3A_255 = vector.shape_cast %get3A_254 : vector<1x16xf32> to vector<16xf32>
        %add3A_256 = arith.addf %add3A_242, %get3A_255 : vector<16xf32>
        %add3A_257 = arith.constant 8 : i32
        %add3A_258 = arith.addi %mul3A_144, %add3A_257 : i32
        %get3A_259 = arith.index_cast %add3A_258 : i32 to index
        %get3A_260 = arith.constant 16 : index
        %get3A_261 = tpu.vector_load %arg7[%get3A_259, %get3A_260] {strides = array<i32>} : memref<1600x32xf32, #tpu.memory_space<vmem>>, vector<1x16xf32>,
        %get3A_262 = vector.shape_cast %get3A_261 : vector<1x16xf32> to vector<16xf32>
        %add3A_263 = arith.addf %add3A_249, %get3A_262 : vector<16xf32>
        %add3A_264 = arith.constant 9 : i32
        %add3A_265 = arith.addi %mul3A_144, %add3A_264 : i32
        %get3A_266 = arith.index_cast %add3A_265 : i32 to index
        %get3A_267 = arith.constant 0 : index
        %get3A_268 = tpu.vector_load %arg7[%get3A_266, %get3A_267] {strides = array<i32>} : memref<1600x32xf32, #tpu.memory_space<vmem>>, vector<1x16xf32>,
        %get3A_269 = vector.shape_cast %get3A_268 : vector<1x16xf32> to vector<16xf32>
        %add3A_270 = arith.addf %add3A_256, %get3A_269 : vector<16xf32>
        %add3A_271 = arith.constant 9 : i32
        %add3A_272 = arith.addi %mul3A_144, %add3A_271 : i32
        %get3A_273 = arith.index_cast %add3A_272 : i32 to index
        %get3A_274 = arith.constant 16 : index
        %get3A_275 = tpu.vector_load %arg7[%get3A_273, %get3A_274] {strides = array<i32>} : memref<1600x32xf32, #tpu.memory_space<vmem>>, vector<1x16xf32>,
        %get3A_276 = vector.shape_cast %get3A_275 : vector<1x16xf32> to vector<16xf32>
        %add3A_277 = arith.addf %add3A_263, %get3A_276 : vector<16xf32>
        %add3A_278 = arith.constant 10 : i32
        %add3A_279 = arith.addi %mul3A_144, %add3A_278 : i32
        %get3A_280 = arith.index_cast %add3A_279 : i32 to index
        %get3A_281 = arith.constant 0 : index
        %get3A_282 = tpu.vector_load %arg7[%get3A_280, %get3A_281] {strides = array<i32>} : memref<1600x32xf32, #tpu.memory_space<vmem>>, vector<1x16xf32>,
        %get3A_283 = vector.shape_cast %get3A_282 : vector<1x16xf32> to vector<16xf32>
        %add3A_284 = arith.addf %add3A_270, %get3A_283 : vector<16xf32>
        %add3A_285 = arith.constant 10 : i32
        %add3A_286 = arith.addi %mul3A_144, %add3A_285 : i32
        %get3A_287 = arith.index_cast %add3A_286 : i32 to index
        %get3A_288 = arith.constant 16 : index
        %get3A_289 = tpu.vector_load %arg7[%get3A_287, %get3A_288] {strides = array<i32>} : memref<1600x32xf32, #tpu.memory_space<vmem>>, vector<1x16xf32>,
        %get3A_290 = vector.shape_cast %get3A_289 : vector<1x16xf32> to vector<16xf32>
        %add3A_291 = arith.addf %add3A_277, %get3A_290 : vector<16xf32>
        %add3A_292 = arith.constant 11 : i32
        %add3A_293 = arith.addi %mul3A_144, %add3A_292 : i32
        %get3A_294 = arith.index_cast %add3A_293 : i32 to index
        %get3A_295 = arith.constant 0 : index
        %get3A_296 = tpu.vector_load %arg7[%get3A_294, %get3A_295] {strides = array<i32>} : memref<1600x32xf32, #tpu.memory_space<vmem>>, vector<1x16xf32>,
        %get3A_297 = vector.shape_cast %get3A_296 : vector<1x16xf32> to vector<16xf32>
        %add3A_298 = arith.addf %add3A_284, %get3A_297 : vector<16xf32>
        %add3A_299 = arith.constant 11 : i32
        %add3A_300 = arith.addi %mul3A_144, %add3A_299 : i32
        %get3A_301 = arith.index_cast %add3A_300 : i32 to index
        %get3A_302 = arith.constant 16 : index
        %get3A_303 = tpu.vector_load %arg7[%get3A_301, %get3A_302] {strides = array<i32>} : memref<1600x32xf32, #tpu.memory_space<vmem>>, vector<1x16xf32>,
        %get3A_304 = vector.shape_cast %get3A_303 : vector<1x16xf32> to vector<16xf32>
        %add3A_305 = arith.addf %add3A_291, %get3A_304 : vector<16xf32>
        %add3A_306 = arith.constant 12 : i32
        %add3A_307 = arith.addi %mul3A_144, %add3A_306 : i32
        %get3A_308 = arith.index_cast %add3A_307 : i32 to index
        %get3A_309 = arith.constant 0 : index
        %get3A_310 = tpu.vector_load %arg7[%get3A_308, %get3A_309] {strides = array<i32>} : memref<1600x32xf32, #tpu.memory_space<vmem>>, vector<1x16xf32>,
        %get3A_311 = vector.shape_cast %get3A_310 : vector<1x16xf32> to vector<16xf32>
        %add3A_312 = arith.addf %add3A_298, %get3A_311 : vector<16xf32>
        %add3A_313 = arith.constant 12 : i32
        %add3A_314 = arith.addi %mul3A_144, %add3A_313 : i32
        %get3A_315 = arith.index_cast %add3A_314 : i32 to index
        %get3A_316 = arith.constant 16 : index
        %get3A_317 = tpu.vector_load %arg7[%get3A_315, %get3A_316] {strides = array<i32>} : memref<1600x32xf32, #tpu.memory_space<vmem>>, vector<1x16xf32>,
        %get3A_318 = vector.shape_cast %get3A_317 : vector<1x16xf32> to vector<16xf32>
        %add3A_319 = arith.addf %add3A_305, %get3A_318 : vector<16xf32>
        %add3A_320 = arith.constant 13 : i32
        %add3A_321 = arith.addi %mul3A_144, %add3A_320 : i32
        %get3A_322 = arith.index_cast %add3A_321 : i32 to index
        %get3A_323 = arith.constant 0 : index
        %get3A_324 = tpu.vector_load %arg7[%get3A_322, %get3A_323] {strides = array<i32>} : memref<1600x32xf32, #tpu.memory_space<vmem>>, vector<1x16xf32>,
        %get3A_325 = vector.shape_cast %get3A_324 : vector<1x16xf32> to vector<16xf32>
        %add3A_326 = arith.addf %add3A_312, %get3A_325 : vector<16xf32>
        %add3A_327 = arith.constant 13 : i32
        %add3A_328 = arith.addi %mul3A_144, %add3A_327 : i32
        %get3A_329 = arith.index_cast %add3A_328 : i32 to index
        %get3A_330 = arith.constant 16 : index
        %get3A_331 = tpu.vector_load %arg7[%get3A_329, %get3A_330] {strides = array<i32>} : memref<1600x32xf32, #tpu.memory_space<vmem>>, vector<1x16xf32>,
        %get3A_332 = vector.shape_cast %get3A_331 : vector<1x16xf32> to vector<16xf32>
        %add3A_333 = arith.addf %add3A_319, %get3A_332 : vector<16xf32>
        %add3A_334 = arith.constant 14 : i32
        %add3A_335 = arith.addi %mul3A_144, %add3A_334 : i32
        %get3A_336 = arith.index_cast %add3A_335 : i32 to index
        %get3A_337 = arith.constant 0 : index
        %get3A_338 = tpu.vector_load %arg7[%get3A_336, %get3A_337] {strides = array<i32>} : memref<1600x32xf32, #tpu.memory_space<vmem>>, vector<1x16xf32>,
        %get3A_339 = vector.shape_cast %get3A_338 : vector<1x16xf32> to vector<16xf32>
        %add3A_340 = arith.addf %add3A_326, %get3A_339 : vector<16xf32>
        %add3A_341 = arith.constant 14 : i32
        %add3A_342 = arith.addi %mul3A_144, %add3A_341 : i32
        %get3A_343 = arith.index_cast %add3A_342 : i32 to index
        %get3A_344 = arith.constant 16 : index
        %get3A_345 = tpu.vector_load %arg7[%get3A_343, %get3A_344] {strides = array<i32>} : memref<1600x32xf32, #tpu.memory_space<vmem>>, vector<1x16xf32>,
        %get3A_346 = vector.shape_cast %get3A_345 : vector<1x16xf32> to vector<16xf32>
        %add3A_347 = arith.addf %add3A_333, %get3A_346 : vector<16xf32>
        %add3A_348 = arith.constant 15 : i32
        %add3A_349 = arith.addi %mul3A_144, %add3A_348 : i32
        %get3A_350 = arith.index_cast %add3A_349 : i32 to index
        %get3A_351 = arith.constant 0 : index
        %get3A_352 = tpu.vector_load %arg7[%get3A_350, %get3A_351] {strides = array<i32>} : memref<1600x32xf32, #tpu.memory_space<vmem>>, vector<1x16xf32>,
        %get3A_353 = vector.shape_cast %get3A_352 : vector<1x16xf32> to vector<16xf32>
        %add3A_354 = arith.addf %add3A_340, %get3A_353 : vector<16xf32>
        %add3A_355 = arith.constant 15 : i32
        %add3A_356 = arith.addi %mul3A_144, %add3A_355 : i32
        %get3A_357 = arith.index_cast %add3A_356 : i32 to index
        %get3A_358 = arith.constant 16 : index
        %get3A_359 = tpu.vector_load %arg7[%get3A_357, %get3A_358] {strides = array<i32>} : memref<1600x32xf32, #tpu.memory_space<vmem>>, vector<1x16xf32>,
        %get3A_360 = vector.shape_cast %get3A_359 : vector<1x16xf32> to vector<16xf32>
        %add3A_361 = arith.addf %add3A_347, %get3A_360 : vector<16xf32>
        %add3A_362 = arith.constant 16 : i32
        %add3A_363 = arith.addi %mul3A_144, %add3A_362 : i32
        %get3A_364 = arith.index_cast %add3A_363 : i32 to index
        %get3A_365 = arith.constant 0 : index
        %get3A_366 = tpu.vector_load %arg7[%get3A_364, %get3A_365] {strides = array<i32>} : memref<1600x32xf32, #tpu.memory_space<vmem>>, vector<1x16xf32>,
        %get3A_367 = vector.shape_cast %get3A_366 : vector<1x16xf32> to vector<16xf32>
        %add3A_368 = arith.addf %add3A_354, %get3A_367 : vector<16xf32>
        %add3A_369 = arith.constant 16 : i32
        %add3A_370 = arith.addi %mul3A_144, %add3A_369 : i32
        %get3A_371 = arith.index_cast %add3A_370 : i32 to index
        %get3A_372 = arith.constant 16 : index
        %get3A_373 = tpu.vector_load %arg7[%get3A_371, %get3A_372] {strides = array<i32>} : memref<1600x32xf32, #tpu.memory_space<vmem>>, vector<1x16xf32>,
        %get3A_374 = vector.shape_cast %get3A_373 : vector<1x16xf32> to vector<16xf32>
        %add3A_375 = arith.addf %add3A_361, %get3A_374 : vector<16xf32>
        %add3A_376 = arith.constant 17 : i32
        %add3A_377 = arith.addi %mul3A_144, %add3A_376 : i32
        %get3A_378 = arith.index_cast %add3A_377 : i32 to index
        %get3A_379 = arith.constant 0 : index
        %get3A_380 = tpu.vector_load %arg7[%get3A_378, %get3A_379] {strides = array<i32>} : memref<1600x32xf32, #tpu.memory_space<vmem>>, vector<1x16xf32>,
        %get3A_381 = vector.shape_cast %get3A_380 : vector<1x16xf32> to vector<16xf32>
        %add3A_382 = arith.addf %add3A_368, %get3A_381 : vector<16xf32>
        %add3A_383 = arith.constant 17 : i32
        %add3A_384 = arith.addi %mul3A_144, %add3A_383 : i32
        %get3A_385 = arith.index_cast %add3A_384 : i32 to index
        %get3A_386 = arith.constant 16 : index
        %get3A_387 = tpu.vector_load %arg7[%get3A_385, %get3A_386] {strides = array<i32>} : memref<1600x32xf32, #tpu.memory_space<vmem>>, vector<1x16xf32>,
        %get3A_388 = vector.shape_cast %get3A_387 : vector<1x16xf32> to vector<16xf32>
        %add3A_389 = arith.addf %add3A_375, %get3A_388 : vector<16xf32>
        %add3A_390 = arith.constant 18 : i32
        %add3A_391 = arith.addi %mul3A_144, %add3A_390 : i32
        %get3A_392 = arith.index_cast %add3A_391 : i32 to index
        %get3A_393 = arith.constant 0 : index
        %get3A_394 = tpu.vector_load %arg7[%get3A_392, %get3A_393] {strides = array<i32>} : memref<1600x32xf32, #tpu.memory_space<vmem>>, vector<1x16xf32>,
        %get3A_395 = vector.shape_cast %get3A_394 : vector<1x16xf32> to vector<16xf32>
        %add3A_396 = arith.addf %add3A_382, %get3A_395 : vector<16xf32>
        %add3A_397 = arith.constant 18 : i32
        %add3A_398 = arith.addi %mul3A_144, %add3A_397 : i32
        %get3A_399 = arith.index_cast %add3A_398 : i32 to index
        %get3A_400 = arith.constant 16 : index
        %get3A_401 = tpu.vector_load %arg7[%get3A_399, %get3A_400] {strides = array<i32>} : memref<1600x32xf32, #tpu.memory_space<vmem>>, vector<1x16xf32>,
        %get3A_402 = vector.shape_cast %get3A_401 : vector<1x16xf32> to vector<16xf32>
        %add3A_403 = arith.addf %add3A_389, %get3A_402 : vector<16xf32>
        %add3A_404 = arith.constant 19 : i32
        %add3A_405 = arith.addi %mul3A_144, %add3A_404 : i32
        %get3A_406 = arith.index_cast %add3A_405 : i32 to index
        %get3A_407 = arith.constant 0 : index
        %get3A_408 = tpu.vector_load %arg7[%get3A_406, %get3A_407] {strides = array<i32>} : memref<1600x32xf32, #tpu.memory_space<vmem>>, vector<1x16xf32>,
        %get3A_409 = vector.shape_cast %get3A_408 : vector<1x16xf32> to vector<16xf32>
        %add3A_410 = arith.addf %add3A_396, %get3A_409 : vector<16xf32>
        %add3A_411 = arith.constant 19 : i32
        %add3A_412 = arith.addi %mul3A_144, %add3A_411 : i32
        %get3A_413 = arith.index_cast %add3A_412 : i32 to index
        %get3A_414 = arith.constant 16 : index
        %get3A_415 = tpu.vector_load %arg7[%get3A_413, %get3A_414] {strides = array<i32>} : memref<1600x32xf32, #tpu.memory_space<vmem>>, vector<1x16xf32>,
        %get3A_416 = vector.shape_cast %get3A_415 : vector<1x16xf32> to vector<16xf32>
        %add3A_417 = arith.addf %add3A_403, %get3A_416 : vector<16xf32>
        %add3A_418 = arith.constant 20 : i32
        %add3A_419 = arith.addi %mul3A_144, %add3A_418 : i32
        %get3A_420 = arith.index_cast %add3A_419 : i32 to index
        %get3A_421 = arith.constant 0 : index
        %get3A_422 = tpu.vector_load %arg7[%get3A_420, %get3A_421] {strides = array<i32>} : memref<1600x32xf32, #tpu.memory_space<vmem>>, vector<1x16xf32>,
        %get3A_423 = vector.shape_cast %get3A_422 : vector<1x16xf32> to vector<16xf32>
        %add3A_424 = arith.addf %add3A_410, %get3A_423 : vector<16xf32>
        %add3A_425 = arith.constant 20 : i32
        %add3A_426 = arith.addi %mul3A_144, %add3A_425 : i32
        %get3A_427 = arith.index_cast %add3A_426 : i32 to index
        %get3A_428 = arith.constant 16 : index
        %get3A_429 = tpu.vector_load %arg7[%get3A_427, %get3A_428] {strides = array<i32>} : memref<1600x32xf32, #tpu.memory_space<vmem>>, vector<1x16xf32>,
        %get3A_430 = vector.shape_cast %get3A_429 : vector<1x16xf32> to vector<16xf32>
        %add3A_431 = arith.addf %add3A_417, %get3A_430 : vector<16xf32>
        %add3A_432 = arith.constant 21 : i32
        %add3A_433 = arith.addi %mul3A_144, %add3A_432 : i32
        %get3A_434 = arith.index_cast %add3A_433 : i32 to index
        %get3A_435 = arith.constant 0 : index
        %get3A_436 = tpu.vector_load %arg7[%get3A_434, %get3A_435] {strides = array<i32>} : memref<1600x32xf32, #tpu.memory_space<vmem>>, vector<1x16xf32>,
        %get3A_437 = vector.shape_cast %get3A_436 : vector<1x16xf32> to vector<16xf32>
        %add3A_438 = arith.addf %add3A_424, %get3A_437 : vector<16xf32>
        %add3A_439 = arith.constant 21 : i32
        %add3A_440 = arith.addi %mul3A_144, %add3A_439 : i32
        %get3A_441 = arith.index_cast %add3A_440 : i32 to index
        %get3A_442 = arith.constant 16 : index
        %get3A_443 = tpu.vector_load %arg7[%get3A_441, %get3A_442] {strides = array<i32>} : memref<1600x32xf32, #tpu.memory_space<vmem>>, vector<1x16xf32>,
        %get3A_444 = vector.shape_cast %get3A_443 : vector<1x16xf32> to vector<16xf32>
        %add3A_445 = arith.addf %add3A_431, %get3A_444 : vector<16xf32>
        %add3A_446 = arith.constant 22 : i32
        %add3A_447 = arith.addi %mul3A_144, %add3A_446 : i32
        %get3A_448 = arith.index_cast %add3A_447 : i32 to index
        %get3A_449 = arith.constant 0 : index
        %get3A_450 = tpu.vector_load %arg7[%get3A_448, %get3A_449] {strides = array<i32>} : memref<1600x32xf32, #tpu.memory_space<vmem>>, vector<1x16xf32>,
        %get3A_451 = vector.shape_cast %get3A_450 : vector<1x16xf32> to vector<16xf32>
        %add3A_452 = arith.addf %add3A_438, %get3A_451 : vector<16xf32>
        %add3A_453 = arith.constant 22 : i32
        %add3A_454 = arith.addi %mul3A_144, %add3A_453 : i32
        %get3A_455 = arith.index_cast %add3A_454 : i32 to index
        %get3A_456 = arith.constant 16 : index
        %get3A_457 = tpu.vector_load %arg7[%get3A_455, %get3A_456] {strides = array<i32>} : memref<1600x32xf32, #tpu.memory_space<vmem>>, vector<1x16xf32>,
        %get3A_458 = vector.shape_cast %get3A_457 : vector<1x16xf32> to vector<16xf32>
        %add3A_459 = arith.addf %add3A_445, %get3A_458 : vector<16xf32>
        %add3A_460 = arith.constant 23 : i32
        %add3A_461 = arith.addi %mul3A_144, %add3A_460 : i32
        %get3A_462 = arith.index_cast %add3A_461 : i32 to index
        %get3A_463 = arith.constant 0 : index
        %get3A_464 = tpu.vector_load %arg7[%get3A_462, %get3A_463] {strides = array<i32>} : memref<1600x32xf32, #tpu.memory_space<vmem>>, vector<1x16xf32>,
        %get3A_465 = vector.shape_cast %get3A_464 : vector<1x16xf32> to vector<16xf32>
        %add3A_466 = arith.addf %add3A_452, %get3A_465 : vector<16xf32>
        %add3A_467 = arith.constant 23 : i32
        %add3A_468 = arith.addi %mul3A_144, %add3A_467 : i32
        %get3A_469 = arith.index_cast %add3A_468 : i32 to index
        %get3A_470 = arith.constant 16 : index
        %get3A_471 = tpu.vector_load %arg7[%get3A_469, %get3A_470] {strides = array<i32>} : memref<1600x32xf32, #tpu.memory_space<vmem>>, vector<1x16xf32>,
        %get3A_472 = vector.shape_cast %get3A_471 : vector<1x16xf32> to vector<16xf32>
        %add3A_473 = arith.addf %add3A_459, %get3A_472 : vector<16xf32>
        %add3A_474 = arith.constant 24 : i32
        %add3A_475 = arith.addi %mul3A_144, %add3A_474 : i32
        %get3A_476 = arith.index_cast %add3A_475 : i32 to index
        %get3A_477 = arith.constant 0 : index
        %get3A_478 = tpu.vector_load %arg7[%get3A_476, %get3A_477] {strides = array<i32>} : memref<1600x32xf32, #tpu.memory_space<vmem>>, vector<1x16xf32>,
        %get3A_479 = vector.shape_cast %get3A_478 : vector<1x16xf32> to vector<16xf32>
        %add3A_480 = arith.addf %add3A_466, %get3A_479 : vector<16xf32>
        %add3A_481 = arith.constant 24 : i32
        %add3A_482 = arith.addi %mul3A_144, %add3A_481 : i32
        %get3A_483 = arith.index_cast %add3A_482 : i32 to index
        %get3A_484 = arith.constant 16 : index
        %get3A_485 = tpu.vector_load %arg7[%get3A_483, %get3A_484] {strides = array<i32>} : memref<1600x32xf32, #tpu.memory_space<vmem>>, vector<1x16xf32>,
        %get3A_486 = vector.shape_cast %get3A_485 : vector<1x16xf32> to vector<16xf32>
        %add3A_487 = arith.addf %add3A_473, %get3A_486 : vector<16xf32>
        %jit3A_488 = arith.constant 4 : i32
        %div3A_489 = arith.divsi %scan3A_142, %jit3A_488 : i32
        %sign3A_490 = arith.constant 0 : i32
        %sign3A_491 = arith.cmpi sgt, %scan3A_142, %sign3A_490 : i32
        %sign3A_492 = arith.extui %sign3A_491 : i1 to i32
        %sign3A_493 = arith.constant 0 : i32
        %sign3A_494 = arith.cmpi slt, %scan3A_142, %sign3A_493 : i32
        %sign3A_495 = arith.extui %sign3A_494 : i1 to i32
        %sign3A_496 = arith.subi %sign3A_492, %sign3A_495 : i32
        %sign3A_497 = arith.constant 0 : i32
        %sign3A_498 = arith.cmpi sgt, %jit3A_488, %sign3A_497 : i32
        %sign3A_499 = arith.extui %sign3A_498 : i1 to i32
        %sign3A_500 = arith.constant 0 : i32
        %sign3A_501 = arith.cmpi slt, %jit3A_488, %sign3A_500 : i32
        %sign3A_502 = arith.extui %sign3A_501 : i1 to i32
        %sign3A_503 = arith.subi %sign3A_499, %sign3A_502 : i32
        %ne3A_504 = arith.cmpi ne, %sign3A_496, %sign3A_503 : i32
        %rem3A_505 = arith.remsi %scan3A_142, %jit3A_488 : i32
        %ne3A_506 = arith.constant 0 : i32
        %ne3A_507 = arith.cmpi ne, %rem3A_505, %ne3A_506 : i32
        %and3A_508 = arith.andi %ne3A_504, %ne3A_507 : i1
        %sub3A_509 = arith.constant 1 : i32
        %sub3A_510 = arith.subi %div3A_489, %sub3A_509 : i32
        %select_n3A_511 = arith.select %and3A_508, %sub3A_510, %div3A_489 : i32
        %jit3A_512 = arith.constant 4 : i32
        %eq3A_513 = arith.constant 0 : i32
        %eq3A_514 = arith.cmpi eq, %jit3A_512, %eq3A_513 : i32
        %jit3A_515 = arith.constant 1 : i32
        %select_n3A_516 = arith.select %eq3A_514, %jit3A_515, %jit3A_512 : i32
        %rem3A_517 = arith.remsi %scan3A_142, %select_n3A_516 : i32
        %ne3A_518 = arith.constant 0 : i32
        %ne3A_519 = arith.cmpi ne, %rem3A_517, %ne3A_518 : i32
        %lt3A_520 = arith.constant 0 : i32
        %lt3A_521 = arith.cmpi slt, %rem3A_517, %lt3A_520 : i32
        %lt3A_522 = arith.constant 0 : i32
        %lt3A_523 = arith.cmpi slt, %select_n3A_516, %lt3A_522 : i32
        %ne3A_524 = arith.xori %lt3A_521, %lt3A_523 : i1
        %and3A_525 = arith.andi %ne3A_524, %ne3A_519 : i1
        %add3A_526 = arith.addi %rem3A_517, %select_n3A_516 : i32
        %select_n3A_527 = arith.select %and3A_525, %add3A_526, %rem3A_517 : i32
        %mul3A_528 = arith.constant 32 : i32
        %mul3A_529 = arith.muli %select_n3A_527, %mul3A_528 : i32
        %swap3A = arith.index_cast %select_n3A_511 : i32 to index
        %swap3A_530 = arith.index_cast %mul3A_529 : i32 to index
        %swap3A_531 = tpu.vector_load %arg9[%swap3A, %swap3A_530] {strides = array<i32>} : memref<16x128xf32, #tpu.memory_space<vmem>>, vector<1x16xf32>,
        %swap3A_532 = vector.shape_cast %swap3A_531 : vector<1x16xf32> to vector<16xf32>
        %swap3A_533 = vector.shape_cast %add3A_480 : vector<16xf32> to vector<1x16xf32>
        tpu.vector_store %arg9[%swap3A, %swap3A_530], %swap3A_533 {strides = array<i32>} : memref<16x128xf32, #tpu.memory_space<vmem>>, vector<1x16xf32>,
        %add3A_534 = arith.constant 16 : i32
        %add3A_535 = arith.addi %mul3A_529, %add3A_534 : i32
        %swap3A_536 = arith.index_cast %select_n3A_511 : i32 to index
        %swap3A_537 = arith.index_cast %add3A_535 : i32 to index
        %swap3A_538 = tpu.vector_load %arg9[%swap3A_536, %swap3A_537] {strides = array<i32>} : memref<16x128xf32, #tpu.memory_space<vmem>>, vector<1x16xf32>,
        %swap3A_539 = vector.shape_cast %swap3A_538 : vector<1x16xf32> to vector<16xf32>
        %swap3A_540 = vector.shape_cast %add3A_487 : vector<16xf32> to vector<1x16xf32>
        tpu.vector_store %arg9[%swap3A_536, %swap3A_537], %swap3A_540 {strides = array<i32>} : memref<16x128xf32, #tpu.memory_space<vmem>>, vector<1x16xf32>,
      }
      %scan3A_137 = arith.constant 64 : i32
      %dma_start3A_138 = arith.constant 0 : i32
      %dma_start3A_139 = tpu.memref_slice %arg4[%select_n3A_129, %dma_start3A_138] : memref<25000x128xf32, #tpu.memory_space<hbm>> -> memref<16x128xf32, #tpu.memory_space<hbm>>
      %dma_start3A_140 = arith.constant 0 : i32
      %dma_start3A_141 = tpu.memref_slice %arg4[%select_n3A_129, %dma_start3A_140] : memref<25000x128xf32, #tpu.memory_space<hbm>> -> memref<16x128xf32, #tpu.memory_space<hbm>>
      tpu.enqueue_dma source(%arg9 : memref<16x128xf32, #tpu.memory_space<vmem>>) target(%dma_start3A_141 : memref<16x128xf32, #tpu.memory_space<hbm>>) target_semaphore(%arg13 : memref<!tpu.dma_semaphore, #tpu.memory_space<semaphore_mem>>)
    } else {
    }
    %dma_wait3A = arith.constant 0 : i32
    %dma_wait3A_80 = arith.constant 0 : i32
    %dma_wait3A_81 = tpu.memref_slice %arg4[%dma_wait3A, %dma_wait3A_80] : memref<25000x128xf32, #tpu.memory_space<hbm>> -> memref<16x128xf32, #tpu.memory_space<hbm>>
    %dma_wait3A_82 = arith.constant 0 : i32
    %dma_wait3A_83 = arith.constant 0 : i32
    %dma_wait3A_84 = tpu.memref_slice %arg4[%dma_wait3A_82, %dma_wait3A_83] : memref<25000x128xf32, #tpu.memory_space<hbm>> -> memref<16x128xf32, #tpu.memory_space<hbm>>
    tpu.wait_dma2 semaphore(%arg13 : memref<!tpu.dma_semaphore, #tpu.memory_space<semaphore_mem>>) src(%arg9 : memref<16x128xf32, #tpu.memory_space<vmem>>) dst(%dma_wait3A_84 : memref<16x128xf32, #tpu.memory_space<hbm>>)
    %dma_wait3A_85 = arith.constant 0 : i32
    %dma_wait3A_86 = arith.constant 0 : i32
    %dma_wait3A_87 = tpu.memref_slice %arg4[%dma_wait3A_85, %dma_wait3A_86] : memref<25000x128xf32, #tpu.memory_space<hbm>> -> memref<16x128xf32, #tpu.memory_space<hbm>>
    %dma_wait3A_88 = arith.constant 0 : i32
    %dma_wait3A_89 = arith.constant 0 : i32
    %dma_wait3A_90 = tpu.memref_slice %arg4[%dma_wait3A_88, %dma_wait3A_89] : memref<25000x128xf32, #tpu.memory_space<hbm>> -> memref<16x128xf32, #tpu.memory_space<hbm>>
    tpu.wait_dma2 semaphore(%arg14 : memref<!tpu.dma_semaphore, #tpu.memory_space<semaphore_mem>>) src(%arg10 : memref<16x128xf32, #tpu.memory_space<vmem>>) dst(%dma_wait3A_90 : memref<16x128xf32, #tpu.memory_space<hbm>>)
    return
  }
}

module attributes {stable_mosaic.version = 14 : i64} {
  func.func @_map_body(%arg0: i32, %arg1: memref<1000x512xf32, #tpu.memory_space<vmem>>, %arg2: memref<512x128xf32, #tpu.memory_space<vmem>>, %arg3: memref<1000x128xf32, #tpu.memory_space<vmem>>) attributes {dimension_semantics = [#tpu.dimension_semantics<arbitrary>], iteration_bounds = array<i64: 25>, scalar_prefetch = 0 : i64, scratch_operands = 0 : i64, tpu.core_type = #tpu.core_type<tc>, window_params = [{transform_indices = @transform_0, window_bounds = array<i64: 1000, 512>}, {pipeline_mode = #tpu.pipeline_mode<synchronous>, transform_indices = @transform_1, window_bounds = array<i64: 512, 128>}, {transform_indices = @transform_2, window_bounds = array<i64: 1000, 128>}]} {
    %get3A = arith.constant 0 : index
    %get3A_0 = arith.constant 0 : index
    %get3A_1 = vector.load %arg1[%get3A, %get3A_0] : memref<1000x512xf32, #tpu.memory_space<vmem>>, vector<1000x512xf32>
    %get3A_2 = arith.constant 0 : index
    %get3A_3 = arith.constant 0 : index
    %get3A_4 = vector.load %arg2[%get3A_2, %get3A_3] : memref<512x128xf32, #tpu.memory_space<vmem>>, vector<512x128xf32>
    %dot_general3A = arith.constant dense<0.000000e+00> : vector<1000x128xf32>
    %dot_general3A_5 = tpu.matmul %get3A_1, %get3A_4, %dot_general3A {dimension_numbers = #tpu.dot_dimension_numbers<[1], [0], [0], [1], [0, 0, 1, 1], [], []>, transpose_lhs_hint = false} : vector<1000x512xf32>, vector<512x128xf32>, vector<1000x128xf32> -> vector<1000x128xf32>
    %swap3A = arith.constant 0 : index
    %swap3A_6 = arith.constant 0 : index
    %swap3A_7 = vector.load %arg3[%swap3A, %swap3A_6] : memref<1000x128xf32, #tpu.memory_space<vmem>>, vector<1000x128xf32>
    tpu.vector_store %arg3[%swap3A, %swap3A_6], %dot_general3A_5 {strides = array<i32>} : memref<1000x128xf32, #tpu.memory_space<vmem>>, vector<1000x128xf32>,
    return
  }
  func.func @transform_0(%arg0: i32) -> (i32, i32) {
    %c0_i32 = arith.constant 0 : i32
    %c0_i32_0 = arith.constant 0 : i32
    return %arg0, %c0_i32 : i32, i32
  }
  func.func @transform_1(%arg0: i32) -> (i32, i32) {
    %c0_i32 = arith.constant 0 : i32
    %c0_i32_0 = arith.constant 0 : i32
    %c0_i32_1 = arith.constant 0 : i32
    return %c0_i32, %c0_i32_0 : i32, i32
  }
  func.func @transform_2(%arg0: i32) -> (i32, i32) {
    %c0_i32 = arith.constant 0 : i32
    %c0_i32_0 = arith.constant 0 : i32
    return %arg0, %c0_i32 : i32, i32
  }
}

module attributes {stable_mosaic.version = 14 : i64} {
  func.func @_layer_body(%arg0: i32, %arg1: memref<1000x128xf32, #tpu.memory_space<vmem>>, %arg2: memref<1000x128xf32, #tpu.memory_space<vmem>>, %arg3: memref<128x128xf32, #tpu.memory_space<vmem>>, %arg4: memref<128x4xf32, #tpu.memory_space<vmem>>, %arg5: memref<4x128xf32, #tpu.memory_space<vmem>>, %arg6: memref<1000x128xf32, #tpu.memory_space<vmem>>) attributes {dimension_semantics = [#tpu.dimension_semantics<arbitrary>], iteration_bounds = array<i64: 25>, scalar_prefetch = 0 : i64, scratch_operands = 0 : i64, tpu.core_type = #tpu.core_type<tc>, window_params = [{transform_indices = @transform_0, window_bounds = array<i64: 1000, 128>}, {transform_indices = @transform_1, window_bounds = array<i64: 1000, 128>}, {pipeline_mode = #tpu.pipeline_mode<synchronous>, transform_indices = @transform_2, window_bounds = array<i64: 128, 128>}, {pipeline_mode = #tpu.pipeline_mode<synchronous>, transform_indices = @transform_3, window_bounds = array<i64: 128, 4>}, {pipeline_mode = #tpu.pipeline_mode<synchronous>, transform_indices = @transform_4, window_bounds = array<i64: 4, 128>}, {transform_indices = @transform_5, window_bounds = array<i64: 1000, 128>}]} {
    %get3A = arith.constant 0 : index
    %get3A_0 = arith.constant 0 : index
    %get3A_1 = vector.load %arg1[%get3A, %get3A_0] : memref<1000x128xf32, #tpu.memory_space<vmem>>, vector<1000x128xf32>
    %get3A_2 = arith.constant 0 : index
    %get3A_3 = arith.constant 0 : index
    %get3A_4 = vector.load %arg2[%get3A_2, %get3A_3] : memref<1000x128xf32, #tpu.memory_space<vmem>>, vector<1000x128xf32>
    %add3A = arith.addf %get3A_1, %get3A_4 : vector<1000x128xf32>
    %mul3A = arith.constant 0.0384615399 : f32
    %mul3A_5 = vector.broadcast %mul3A : f32 to vector<1000x128xf32>
    %mul3A_6 = arith.mulf %add3A, %mul3A_5 : vector<1000x128xf32>
    %get3A_7 = arith.constant 0 : index
    %get3A_8 = arith.constant 0 : index
    %get3A_9 = vector.load %arg3[%get3A_7, %get3A_8] : memref<128x128xf32, #tpu.memory_space<vmem>>, vector<128x128xf32>
    %dot_general3A = arith.constant dense<0.000000e+00> : vector<1000x128xf32>
    %dot_general3A_10 = tpu.matmul %mul3A_6, %get3A_9, %dot_general3A {dimension_numbers = #tpu.dot_dimension_numbers<[1], [0], [0], [1], [0, 0, 1, 1], [], []>, transpose_lhs_hint = false} : vector<1000x128xf32>, vector<128x128xf32>, vector<1000x128xf32> -> vector<1000x128xf32>
    %max3A = arith.constant 0.000000e+00 : f32
    %max3A_11 = vector.broadcast %max3A : f32 to vector<1000x128xf32>
    %max3A_12 = arith.maximumf %dot_general3A_10, %max3A_11 : vector<1000x128xf32>
    %mul3A_13 = arith.mulf %max3A_12, %max3A_12 : vector<1000x128xf32>
    %get3A_14 = arith.constant 0 : index
    %get3A_15 = arith.constant 0 : index
    %get3A_16 = vector.load %arg4[%get3A_14, %get3A_15] : memref<128x4xf32, #tpu.memory_space<vmem>>, vector<128x4xf32>
    %dot_general3A_17 = arith.constant dense<0.000000e+00> : vector<1000x4xf32>
    %dot_general3A_18 = tpu.matmul %mul3A_13, %get3A_16, %dot_general3A_17 {dimension_numbers = #tpu.dot_dimension_numbers<[1], [0], [0], [1], [0, 0, 1, 1], [], []>, transpose_lhs_hint = false} : vector<1000x128xf32>, vector<128x4xf32>, vector<1000x4xf32> -> vector<1000x4xf32>
    %sqrt3A = math.sqrt %dot_general3A_18 : vector<1000x4xf32>
    %max3A_19 = arith.constant 9.99999996E-13 : f32
    %max3A_20 = vector.broadcast %max3A_19 : f32 to vector<1000x4xf32>
    %max3A_21 = arith.maximumf %sqrt3A, %max3A_20 : vector<1000x4xf32>
    %div3A = arith.constant 1.000000e+00 : f32
    %div3A_22 = vector.broadcast %div3A : f32 to vector<1000x4xf32>
    %div3A_23 = arith.divf %div3A_22, %max3A_21 : vector<1000x4xf32>
    %get3A_24 = arith.constant 0 : index
    %get3A_25 = arith.constant 0 : index
    %get3A_26 = vector.load %arg5[%get3A_24, %get3A_25] : memref<4x128xf32, #tpu.memory_space<vmem>>, vector<4x128xf32>
    %dot_general3A_27 = arith.constant dense<0.000000e+00> : vector<1000x128xf32>
    %dot_general3A_28 = tpu.matmul %div3A_23, %get3A_26, %dot_general3A_27 {dimension_numbers = #tpu.dot_dimension_numbers<[1], [0], [0], [1], [0, 0, 1, 1], [], []>, transpose_lhs_hint = false} : vector<1000x4xf32>, vector<4x128xf32>, vector<1000x128xf32> -> vector<1000x128xf32>
    %mul3A_29 = arith.mulf %max3A_12, %dot_general3A_28 : vector<1000x128xf32>
    %swap3A = arith.constant 0 : index
    %swap3A_30 = arith.constant 0 : index
    %swap3A_31 = vector.load %arg6[%swap3A, %swap3A_30] : memref<1000x128xf32, #tpu.memory_space<vmem>>, vector<1000x128xf32>
    tpu.vector_store %arg6[%swap3A, %swap3A_30], %mul3A_29 {strides = array<i32>} : memref<1000x128xf32, #tpu.memory_space<vmem>>, vector<1000x128xf32>,
    return
  }
  func.func @transform_0(%arg0: i32) -> (i32, i32) {
    %c0_i32 = arith.constant 0 : i32
    %c0_i32_0 = arith.constant 0 : i32
    return %arg0, %c0_i32 : i32, i32
  }
  func.func @transform_1(%arg0: i32) -> (i32, i32) {
    %c0_i32 = arith.constant 0 : i32
    %c0_i32_0 = arith.constant 0 : i32
    return %arg0, %c0_i32 : i32, i32
  }
  func.func @transform_2(%arg0: i32) -> (i32, i32) {
    %c0_i32 = arith.constant 0 : i32
    %c0_i32_0 = arith.constant 0 : i32
    %c0_i32_1 = arith.constant 0 : i32
    return %c0_i32, %c0_i32_0 : i32, i32
  }
  func.func @transform_3(%arg0: i32) -> (i32, i32) {
    %c0_i32 = arith.constant 0 : i32
    %c0_i32_0 = arith.constant 0 : i32
    %c0_i32_1 = arith.constant 0 : i32
    return %c0_i32, %c0_i32_0 : i32, i32
  }
  func.func @transform_4(%arg0: i32) -> (i32, i32) {
    %c0_i32 = arith.constant 0 : i32
    %c0_i32_0 = arith.constant 0 : i32
    %c0_i32_1 = arith.constant 0 : i32
    return %c0_i32, %c0_i32_0 : i32, i32
  }
  func.func @transform_5(%arg0: i32) -> (i32, i32) {
    %c0_i32 = arith.constant 0 : i32
    %c0_i32_0 = arith.constant 0 : i32
    return %arg0, %c0_i32 : i32, i32
  }
}

module attributes {stable_mosaic.version = 14 : i64} {
  func.func @_layer_body(%arg0: i32, %arg1: memref<1000x128xf32, #tpu.memory_space<vmem>>, %arg2: memref<1000x128xf32, #tpu.memory_space<vmem>>, %arg3: memref<128x128xf32, #tpu.memory_space<vmem>>, %arg4: memref<128x4xf32, #tpu.memory_space<vmem>>, %arg5: memref<4x128xf32, #tpu.memory_space<vmem>>, %arg6: memref<1000x128xf32, #tpu.memory_space<vmem>>) attributes {dimension_semantics = [#tpu.dimension_semantics<arbitrary>], iteration_bounds = array<i64: 25>, scalar_prefetch = 0 : i64, scratch_operands = 0 : i64, tpu.core_type = #tpu.core_type<tc>, window_params = [{transform_indices = @transform_0, window_bounds = array<i64: 1000, 128>}, {transform_indices = @transform_1, window_bounds = array<i64: 1000, 128>}, {pipeline_mode = #tpu.pipeline_mode<synchronous>, transform_indices = @transform_2, window_bounds = array<i64: 128, 128>}, {pipeline_mode = #tpu.pipeline_mode<synchronous>, transform_indices = @transform_3, window_bounds = array<i64: 128, 4>}, {pipeline_mode = #tpu.pipeline_mode<synchronous>, transform_indices = @transform_4, window_bounds = array<i64: 4, 128>}, {transform_indices = @transform_5, window_bounds = array<i64: 1000, 128>}]} {
    %get3A = arith.constant 0 : index
    %get3A_0 = arith.constant 0 : index
    %get3A_1 = vector.load %arg1[%get3A, %get3A_0] : memref<1000x128xf32, #tpu.memory_space<vmem>>, vector<1000x128xf32>
    %get3A_2 = arith.constant 0 : index
    %get3A_3 = arith.constant 0 : index
    %get3A_4 = vector.load %arg2[%get3A_2, %get3A_3] : memref<1000x128xf32, #tpu.memory_space<vmem>>, vector<1000x128xf32>
    %add3A = arith.addf %get3A_1, %get3A_4 : vector<1000x128xf32>
    %mul3A = arith.constant 0.0909090936 : f32
    %mul3A_5 = vector.broadcast %mul3A : f32 to vector<1000x128xf32>
    %mul3A_6 = arith.mulf %add3A, %mul3A_5 : vector<1000x128xf32>
    %get3A_7 = arith.constant 0 : index
    %get3A_8 = arith.constant 0 : index
    %get3A_9 = vector.load %arg3[%get3A_7, %get3A_8] : memref<128x128xf32, #tpu.memory_space<vmem>>, vector<128x128xf32>
    %dot_general3A = arith.constant dense<0.000000e+00> : vector<1000x128xf32>
    %dot_general3A_10 = tpu.matmul %mul3A_6, %get3A_9, %dot_general3A {dimension_numbers = #tpu.dot_dimension_numbers<[1], [0], [0], [1], [0, 0, 1, 1], [], []>, transpose_lhs_hint = false} : vector<1000x128xf32>, vector<128x128xf32>, vector<1000x128xf32> -> vector<1000x128xf32>
    %max3A = arith.constant 0.000000e+00 : f32
    %max3A_11 = vector.broadcast %max3A : f32 to vector<1000x128xf32>
    %max3A_12 = arith.maximumf %dot_general3A_10, %max3A_11 : vector<1000x128xf32>
    %mul3A_13 = arith.mulf %max3A_12, %max3A_12 : vector<1000x128xf32>
    %get3A_14 = arith.constant 0 : index
    %get3A_15 = arith.constant 0 : index
    %get3A_16 = vector.load %arg4[%get3A_14, %get3A_15] : memref<128x4xf32, #tpu.memory_space<vmem>>, vector<128x4xf32>
    %dot_general3A_17 = arith.constant dense<0.000000e+00> : vector<1000x4xf32>
    %dot_general3A_18 = tpu.matmul %mul3A_13, %get3A_16, %dot_general3A_17 {dimension_numbers = #tpu.dot_dimension_numbers<[1], [0], [0], [1], [0, 0, 1, 1], [], []>, transpose_lhs_hint = false} : vector<1000x128xf32>, vector<128x4xf32>, vector<1000x4xf32> -> vector<1000x4xf32>
    %sqrt3A = math.sqrt %dot_general3A_18 : vector<1000x4xf32>
    %max3A_19 = arith.constant 9.99999996E-13 : f32
    %max3A_20 = vector.broadcast %max3A_19 : f32 to vector<1000x4xf32>
    %max3A_21 = arith.maximumf %sqrt3A, %max3A_20 : vector<1000x4xf32>
    %div3A = arith.constant 1.000000e+00 : f32
    %div3A_22 = vector.broadcast %div3A : f32 to vector<1000x4xf32>
    %div3A_23 = arith.divf %div3A_22, %max3A_21 : vector<1000x4xf32>
    %get3A_24 = arith.constant 0 : index
    %get3A_25 = arith.constant 0 : index
    %get3A_26 = vector.load %arg5[%get3A_24, %get3A_25] : memref<4x128xf32, #tpu.memory_space<vmem>>, vector<4x128xf32>
    %dot_general3A_27 = arith.constant dense<0.000000e+00> : vector<1000x128xf32>
    %dot_general3A_28 = tpu.matmul %div3A_23, %get3A_26, %dot_general3A_27 {dimension_numbers = #tpu.dot_dimension_numbers<[1], [0], [0], [1], [0, 0, 1, 1], [], []>, transpose_lhs_hint = false} : vector<1000x4xf32>, vector<4x128xf32>, vector<1000x128xf32> -> vector<1000x128xf32>
    %mul3A_29 = arith.mulf %max3A_12, %dot_general3A_28 : vector<1000x128xf32>
    %swap3A = arith.constant 0 : index
    %swap3A_30 = arith.constant 0 : index
    %swap3A_31 = vector.load %arg6[%swap3A, %swap3A_30] : memref<1000x128xf32, #tpu.memory_space<vmem>>, vector<1000x128xf32>
    tpu.vector_store %arg6[%swap3A, %swap3A_30], %mul3A_29 {strides = array<i32>} : memref<1000x128xf32, #tpu.memory_space<vmem>>, vector<1000x128xf32>,
    return
  }
  func.func @transform_0(%arg0: i32) -> (i32, i32) {
    %c0_i32 = arith.constant 0 : i32
    %c0_i32_0 = arith.constant 0 : i32
    return %arg0, %c0_i32 : i32, i32
  }
  func.func @transform_1(%arg0: i32) -> (i32, i32) {
    %c0_i32 = arith.constant 0 : i32
    %c0_i32_0 = arith.constant 0 : i32
    return %arg0, %c0_i32 : i32, i32
  }
  func.func @transform_2(%arg0: i32) -> (i32, i32) {
    %c0_i32 = arith.constant 0 : i32
    %c0_i32_0 = arith.constant 0 : i32
    %c0_i32_1 = arith.constant 0 : i32
    return %c0_i32, %c0_i32_0 : i32, i32
  }
  func.func @transform_3(%arg0: i32) -> (i32, i32) {
    %c0_i32 = arith.constant 0 : i32
    %c0_i32_0 = arith.constant 0 : i32
    %c0_i32_1 = arith.constant 0 : i32
    return %c0_i32, %c0_i32_0 : i32, i32
  }
  func.func @transform_4(%arg0: i32) -> (i32, i32) {
    %c0_i32 = arith.constant 0 : i32
    %c0_i32_0 = arith.constant 0 : i32
    %c0_i32_1 = arith.constant 0 : i32
    return %c0_i32, %c0_i32_0 : i32, i32
  }
  func.func @transform_5(%arg0: i32) -> (i32, i32) {
    %c0_i32 = arith.constant 0 : i32
    %c0_i32_0 = arith.constant 0 : i32
    return %arg0, %c0_i32 : i32, i32
  }
}

</mosaic_0001>

<sc_bundles>
// kernel: kernel.10.cloned.1.call-start
scs
__scs_entry_jumppad:
0x0: {  	(pc) =	sbr.rel $0x88, $3  }
0x1: {  	(tag) =	ssettag $0x0;
	lr =	simm.s32 $0x1  }
0x2: {  	[smem:$0x3F9B] =	sst lr;
	_ =	strace $0xD0000000  }
0x3: {  	_ = 	snop  }
0x4: {  	_ = 	snop  }
0x5: {  	_ = 	snop  }
0x6: {  	_ = 	snop  }
0x7: {  	_ = 	snop  }
__scs_overlays_trampoline_lowered:
0x8: {  	[smem:$0x3FAA] =	sst s0  }
0x9: {  	[smem:$0x3FAB] =	sst s1  }
0xa: {  	[smem:$0x3FAC] =	sst s2  }
0xb: {  	[smem:$0x3FAD] =	sst s3  }
0xc: {  	[smem:$0x3FAE] =	sst s4  }
0xd: {  	[smem:$0x3FAF] =	sst s5  }
0xe: {  	[smem:$0x3FB0] =	sst s6  }
0xf: {  	[smem:$0x3FB1] =	sst s7  }
0x10: {  	[smem:$0x3FB2] =	sst s8  }
0x11: {  	[smem:$0x3FB3] =	sst s9;
	s0 =	simm.s32 @!p0 $0x0  }
0x12: {  	s1 =	sld [smem:$0x3F99];
	s0 =	simm.s32 @p0 $0x1  }
0x13: {  	[smem:$0x3FB4] =	sst s0;
	s0 =	simm.s32 @!p1 $0x0  }
0x14: {  	s2 =	sld [smem:$0x3F98];
	s0 =	simm.s32 @p1 $0x1  }
0x15: {  	[smem:$0x3FB5] =	sst s0;
	s0 =	simm.s32 @!p2 $0x0  }
0x16: {  	s3 =	sld [smem:$0x3FDB];
	s0 =	simm.s32 @p2 $0x1  }
0x17: {  	s4 =	simm.s32 $0x1BF5;
	[smem:$0x3FB7] =	sst s0  }
0x18: {  	s0 =	sld [smem:$0x3F9A];
	_ =	swait.ge [sflag:s4], $0x0  }
0x19: {  	s7 =	sld [smem:$0x3F9B]  }
0x1a: {  	s8 =	sadd.s32 $0xFFFFE003, lr  }
0x1b: {  	s9 =	sadd.s32 $0xFFFFFEF7, lr;
	s5 =	simm.s32 $0xFFFFFFFF;
	p2 =	slt.u32 s8, $0xFFFFF086  }
0x1c: {  	p1 =	slt.u32 s9, $0xF7A;
	s5 =	simm.s32 @!p2 $0x0  }
0x1d: {  	s5 =	simm.s32 @p1 $0x1;
	p0 =	seq.s32 s7, s2  }
0x1e: {  	s7 =	smul.u32 @!p0 $0xF7A, s2;
	p2 =	seq.s32 @!p0 s5, $0x0  }
0x1f: {  	s9 =	smul.u32 $0xF7A, s1;
	s8 =	simm.s32 @!p0 $0x1BF5;
	p2 =	por !p2, p0  }
0x20: {  	[sflag:s8] =	ssyncset.s32 @!p0 $0xFFFFF086;
	s6 =	sadd.s32 @!p0 s3, s7;
	s7 =	simm.s32 @!p0 $0x108  }
0x21: {  	s3 =	sadd.s32 s3, s9;
	s6 =	sadd.s32 @!p0 $0x88, s6;
	s7 =	simm.s32 @p2 $0x1082  }
0x22: {  	[simem:s7], [sflag:s8] =	dma.local @!p0 [hbm:s6], $0xF7A  }
0x23: {  	s9 =	sor.u32 $0xD0000000, s2;
	s6 =	simm.s32 $0x108;
	_ =	swait.ge @!p0 [sflag:s8], $0x0  }
0x24: {  	s3 =	sadd.s32 $0x88, s3;
	s6 =	simm.s32 @!p1 $0x1082;
	[sflag:s4] =	ssyncset.s32 $0xFFFFF086  }
0x25: {  	[simem:s6], [sflag:s4] =	dma.local [hbm:s3], $0xF7A  }
0x26: {  	[smem:$0x3F9B] =	sst s1;
	(tag) =	ssettag s2;
	_ =	strace s9  }
0x27: {  	s1 =	sld [smem:$0x3FAB]  }
0x28: {  	s2 =	sld [smem:$0x3FAC]  }
0x29: {  	s4 =	sld [smem:$0x3FAE]  }
0x2a: {  	p0 =	seq.s32 s5, $0x0;
	s5 =	sld [smem:$0x3FAF]  }
0x2b: {  	s6 =	sld [smem:$0x3FB0]  }
0x2c: {  	s7 =	sld [smem:$0x3FB1]  }
0x2d: {  	s3 =	simm.s32 $0x108;
	s8 =	sld [smem:$0x3FB2]  }
0x2e: {  	s3 =	simm.s32 @!p0 $0x1082;
	s9 =	sld [smem:$0x3FB3]  }
0x2f: {  	lr =	sadd.s32 s0, s3;
	s0 =	sld [smem:$0x3FAA]  }
0x30: {  	s3 =	sld [smem:$0x3FAD]  }
0x31: {  	[smem:$0x3FB6] =	sst s10  }
0x32: {  	s10 =	sld [smem:$0x3FB4];
	_ =	sdelay $0x3  }
0x33: {  	p0 =	seq.s32 s10, $0x1;
	s10 =	sld [smem:$0x3FB6];
	_ =	sdelay $0x3  }
0x34: {  	[smem:$0x3FB6] =	sst s10  }
0x35: {  	s10 =	sld [smem:$0x3FB5];
	_ =	sdelay $0x3  }
0x36: {  	p1 =	seq.s32 s10, $0x1;
	s10 =	sld [smem:$0x3FB6];
	_ =	sdelay $0x3  }
0x37: {  	[smem:$0x3FB6] =	sst s10  }
0x38: {  	s10 =	sld [smem:$0x3FB7]  }
0x39: {  	_ = 	snop;
	(pc) =	sbr.ind lr, $3  }
0x3a: {  	_ = 	snop  }
0x3b: {  	_ = 	snop  }
0x3c: {  	p2 =	seq.s32 s10, $0x1;
	s10 =	sld [smem:$0x3FB6]  }
0x3d: {  	_ =	shalt  }
0x3e: {  	_ =	shalt  }
0x3f: {  	_ =	shalt  }
0x40: {  	_ =	shalt  }
0x41: {  	_ =	shalt  }
0x42: {  	_ =	shalt  }
0x43: {  	_ =	shalt  }
0x44: {  	_ =	shalt  }
0x45: {  	_ =	shalt  }
0x46: {  	_ =	shalt  }
0x47: {  	_ =	shalt  }
0x48: {  	_ =	shalt  }
0x49: {  	_ =	shalt  }
0x4a: {  	_ =	shalt  }
0x4b: {  	_ =	shalt  }
0x4c: {  	_ =	shalt  }
0x4d: {  	_ =	shalt  }
0x4e: {  	_ =	shalt  }
0x4f: {  	_ =	shalt  }
0x50: {  	_ =	shalt  }
0x51: {  	_ =	shalt  }
0x52: {  	_ =	shalt  }
0x53: {  	_ =	shalt  }
0x54: {  	_ =	shalt  }
0x55: {  	_ =	shalt  }
0x56: {  	_ =	shalt  }
0x57: {  	_ =	shalt  }
0x58: {  	_ =	shalt  }
0x59: {  	_ =	shalt  }
0x5a: {  	_ =	shalt  }
0x5b: {  	_ =	shalt  }
0x5c: {  	_ =	shalt  }
0x5d: {  	_ =	shalt  }
0x5e: {  	_ =	shalt  }
0x5f: {  	_ =	shalt  }
0x60: {  	_ =	shalt  }
0x61: {  	_ =	shalt  }
0x62: {  	_ =	shalt  }
0x63: {  	_ =	shalt  }
0x64: {  	_ =	shalt  }
0x65: {  	_ =	shalt  }
0x66: {  	_ =	shalt  }
0x67: {  	_ =	shalt  }
0x68: {  	_ =	shalt  }
0x69: {  	_ =	shalt  }
0x6a: {  	_ =	shalt  }
0x6b: {  	_ =	shalt  }
0x6c: {  	_ =	shalt  }
0x6d: {  	_ =	shalt  }
0x6e: {  	_ =	shalt  }
0x6f: {  	_ =	shalt  }
0x70: {  	_ =	shalt  }
0x71: {  	_ =	shalt  }
0x72: {  	_ =	shalt  }
0x73: {  	_ =	shalt  }
0x74: {  	_ =	shalt  }
0x75: {  	_ =	shalt  }
0x76: {  	_ =	shalt  }
0x77: {  	_ =	shalt  }
0x78: {  	_ =	shalt  }
0x79: {  	_ =	shalt  }
0x7a: {  	_ =	shalt  }
0x7b: {  	_ =	shalt  }
0x7c: {  	_ =	shalt  }
0x7d: {  	_ =	shalt  }
0x7e: {  	_ =	shalt  }
0x7f: {  	_ =	shalt  }
0x80: {  	_ =	shalt  }
0x81: {  	_ =	shalt  }
0x82: {  	_ =	shalt  }
0x83: {  	_ =	shalt  }
0x84: {  	_ =	shalt  }
0x85: {  	_ =	shalt  }
0x86: {  	_ =	shalt  }
0x87: {  	_ =	shalt  }
.Lfunc_end0:
.L_simem_size_0:
called_computation.1_lowered:
.L_overlay_start_0:
0x88: {  	s2 =	sld [smem:$0x3FD9]  }
0x89: {  	s3 =	sld [smem:$0x3FFE];
	_ =	sdelay $0x1  }
0x8a: {  	s1 =	srdreg.scid  }
0x8b: {  	s0 =	sand.u32 $0x1, s1  }
0x8c: {  	s17 =	sshll.u32 s0, $0xA;
	s2 =	sadd.s32 s3, s2  }
0x8d: {  	s2 =	sadd.s32 s2, s17  }
0x8e: {  	[smem:$0x3FC2] =	sst s2  }
0x8f: {  	_ = 	snop  }
0x90: {  	s2 =	sld [smem:$0x3FD0];
	(tm) =	ssettm $0x1  }
0x91: {  	s18 =	sld [smem:$0x3FFB];
	_ =	sdelay $0x3  }
0x92: {  	_ =	strace s18  }
0x93: {  	s3 =	sld [smem:$0x3FFC];
	_ =	sdelay $0x3  }
0x94: {  	_ =	strace s3  }
0x95: {  	s3 =	sld [smem:$0x3FFD];
	_ =	sdelay $0x3  }
0x96: {  	_ =	strace s3  }
0x97: {  	_ =	strace $0x8FFFFFFF  }
0x98: {  	s19 =	sld [smem:$0x3FDB];
	_ =	sdelay $0x1  }
0x99: {  	s4 =	simm.s32 $_scs_section_size  }
0x9a: {  	s5 =	simm.s32 $_size__tile_overlayer_lowered;
	s6 =	simm.s32 $_tile_overlayer_lowered  }
0x9b: {  	s22 =	simm.s32 $0x1BFF;
	s21 =	sshll.u32 s6, $0x1;
	s3 =	sadd.s32 s4, s19  }
0x9c: {  	s7 =	simm.s32 $0x0;
	s20 =	sshll.u32 s5, $0x1;
	s5 =	sadd.s32 s21, s3  }
0x9d: {  	[timem:s7], [sflag:s22] =	dma.local [hbm:s5], s20  }
0x9e: {  	_ =	swait.ge [sflag:s22], s20  }
0x9f: {  	s4 =	ssub.s32 $0x0, s20;
	[sflag:s22] =	ssyncset.done $0x0  }
0xa0: {  	[sflag:s22] =	ssyncadd.s32 s4;
	_ =	sdelay $0x1  }
0xa1: {  	s23 =	simm.s32 $0x1B8B  }
0xa2: {  	_ =	swait.ge [sflag:s23], $0x1  }
0xa3: {  	[sflag:s23] =	ssyncset.done $0x0  }
0xa4: {  	s25 =	simm.s32 $0x1B8E;
	s24 =	sld [smem:$0x3FFE];
	[sflag:s23] =	ssyncadd.s32 $0xFFFFFFFF  }
0xa5: {  	s26 =	simm.s32 $execute0_lowered;
	[smem:$0x3FD2] =	sst s25  }
0xa6: {  	s5 =	sshll.u32 s26, $0x1;
	_ =	strace $0x80000049;
	[dreg:$0x1] =	wrdreg $0xFFFFFFFF  }
0xa7: {  	s28 =	simm.s32 $_size_execute0_lowered;
	s3 =	sadd.s32 s3, s5;
	[dreg:$0x0] =	wrdreg $0x0  }
0xa8: {  	s5 =	sshll.u32 s28, $0x1;
	[dreg:$0x2] =	wrdreg s3  }
0xa9: {  	[dreg:$0x3] =	wrdreg s5  }
0xaa: {  	[dreg:$0x4] =	wrdreg $0xC0  }
0xab: {  	_ =	task [dreg:s7], $0x5FFFF  }
0xac: {  	[dreg:$0x1] =	wrdreg $0xFFFFFFFF  }
0xad: {  	[dreg:$0x0] =	wrdreg $0x60  }
0xae: {  	[dreg:$0x2] =	wrdreg s2  }
0xaf: {  	[dreg:$0x3] =	wrdreg s24  }
0xb0: {  	[dreg:$0x4] =	wrdreg $0x9  }
0xb1: {  	_ =	task.clear_ibuf [dreg:s7], $0x5FFFF;
	_ =	strace $0x90000049  }
0xb2: {  	s29 =	simm.s32 $0x9;
	_ =	strace $0x8000004B  }
0xb3: {  	_ =	swait.ge [sflag:s29], $0x1  }
0xb4: {  	[sflag:s29] =	ssyncadd.s32 $0xFFFFFFFF  }
0xb5: {  	_ =	strace $0x9000004B  }
0xb6: {  	_ =	sfence  }
0xb7: {  	s30 =	sld [smem:$0x0];
	_ =	sdelay $0x2  }
0xb8: {  	s31 =	sshll.u32 s1, $0xD;
	s1 =	sshrl.u32 s1, $0x2  }
0xb9: {  	s3 =	sand.u32 $0x4000, s31;
	s1 =	sadd.s32 s1, s30  }
0xba: {  	s0 =	sor.u32 s3, s0;
	s1 =	sshll.u32 s1, $0x11  }
0xbb: {  	s0 =	sor.u32 s1, s0  }
0xbc: {  	s0 =	sadd.s32 $0x8F2B, s0  }
0xbd: {  	[sflag:s0] =	ssyncadd.remote.s32 $0x1  }
0xbe: {  	_ =	sfence.sel $0xFFFF  }
0xbf: {  	[dreg:$0x0] =	wrdreg $0xFFFFFFFF;
	(pc) =	sbr.abs _section_cstart, $3  }
0xc0: {  	[dreg:$0x1] =	wrdreg $0xFFFFFFFF  }
0xc1: {  	_ =	task.clear_ibuf [dreg:s7], $0x2FFFF;
	_ =	strace $0x9FFFFFFF  }
0xc2: {  	(tm) =	ssettm $0x7FFFFFFF  }
0xc3: {  	_ =	shalt  }
tec
execute0_lowered:
.L_overlay_start_1:
0x0: {  	(tag) =	ssettag $0x1  }
0x1: {  	s1 =	rddreg [dreg:$0x0]  }
0x2: {  	s6 =	rddreg [dreg:$0x1];
	s3 =	simm.s32 $0x0  }
0x3: {  	s4 =	srdreg.scid;
	s2 =	stileid.u32;
	s13 =	simm.s32 $0x640  }
0x4: {  	s14 =	simm.s32 $0xC80;
	s15 =	simm.s32 $0xD480;
	s16 =	simm.s32 $0x1  }
0x5: {  	s17 =	simm.s32 $0x19C80;
	s18 =	simm.s32 $0x2;
	s19 =	simm.s32 $0x1B080  }
0x6: {  	s21 =	simm.s32 $0x4;
	s7 =	sand.u32 $0x1, s4;
	s5 =	sshll.u32 s2, $0x1  }
0x7: {  	s22 =	simm.s32 $0x0;
	[smem:$0x7FF] =	sst s3;
	s5 =	sor.u32 s7, s5  }
0x8: {  	s4 =	sadd.s32 $0x1EA400, s6;
	s6 =	sadd.s32 $0x1E00, s6;
	s8 =	smul.u32 $0xC8, s5  }
0x9: {  	_ =	strace $0x8000004A;
	s7 =	ssub.s32 $0x2, s7;
	s11 =	smul.u32 $0x280, s5  }
.Ltmp0:
0xa: {  	s9 =	sshrl.u32 s7, $0x1;
	s10 =	ssub.s32 $0x270, s5;
	(pc) =	sbr.rel .LBB2_1-.Ltmp0, $4  }
0xb: {  	s12 =	ssub.s32 s7, s9;
	s7 =	sshrl.u32 s10, $0x5;
	s20 =	sand.u32 $0x20, s10  }
0xc: {  	s8 =	sadd.s32 s4, s8;
	s30 =	sadd.s32 s11, s6;
	s31 =	sadd.s32 $0x1, s7  }
0xd: {  	s11 =	smax.u32 s12, $0x1;
	s12 =	simm.s32 $0x5;
	p0 =	sne.s32 s20, $0x0  }
0xe: {  	s20 =	simm.s32 $0x3;
	s9 =	sadd.s32 $0x5A000, s30;
	s10 =	sshrl.u32 s31, $0x1  }
.LBB2_11:
0xf: {  	s22 =	sadd.s32 $0x1, s22  }
0x10: {  	_ =	swait.ge [sflag:s20], $0x1400;
	p1 =	sne.s32 s22, s11  }
.Ltmp1:
0x11: {  	[sflag:s20] =	ssyncset.done $0x0;
	(pc) =	sbr.rel @!p1 .LBB2_12-.Ltmp1, $4  }
0x12: {  	[sflag:s20] =	ssyncadd.s32 $0xFFFFEC00  }
0x13: {  	_ =	swait.ge [sflag:s21], $0x1400  }
0x14: {  	[sflag:s21] =	ssyncset.done $0x0  }
0x15: {  	[sflag:s21] =	ssyncadd.s32 $0xFFFFEC00  }
.LBB2_1:
0x16: {  	[tilespmem:s3], [sflag:$0x5] =	stream.linear.gather [hbm4b:s8+s3], $0x640, $0x38;
	[tilespmem:$0x1C480] =	vst v63  }
0x17: {  	_ =	swait.ge [sflag:s12], $0x640  }
0x18: {  	[sflag:s12] =	ssyncset.done $0x0  }
0x19: {  	s23 =	simm.s32 $0x0;
	[sflag:s12] =	ssyncadd.s32 $0xFFFFF9C0  }
0x1a: {  	[tilespmem:s14], [sflag:$0x1] =	stream.indirect.gather [hbm4b:s1+s13], $0x20, s3, s13, $0xb8;
	[tilespmem:$0x1C480] =	vst v63  }
.LBB2_2:
0x1b: {  	s24 =	sshll.u32 s23, $0x6  }
0x1c: {  	s24 =	sor.u32 s5, s24  }
0x1d: {  	s25 =	smul.u32 $0xA0, s24;
	_ =	sdelay $0x1  }
0x1e: {  	s24 =	sadd.s32 $0x1400, s25  }
0x1f: {  	p1 =	slt.s32 s24, $0x18600  }
0x20: {  	s24 =	simm.s32 @!p1 $0x18600  }
0x21: {  	s26 =	smul.u32 $0xA, s24;
	_ =	sdelay $0x1  }
0x22: {  	s26 =	sshrl.u32 s26, $0x3  }
0x23: {  	s26 =	sadd.s32 s4, s26  }
0x24: {  	[tilespmem:s13], [sflag:$0x5] =	stream.linear.gather [hbm4b:s26+s3], $0x640, $0x38;
	[tilespmem:$0x1C480] =	vst v63  }
0x25: {  	_ =	swait.ge [sflag:s12], $0x640  }
0x26: {  	[sflag:s12] =	ssyncset.done $0x0  }
0x27: {  	[sflag:s12] =	ssyncadd.s32 $0xFFFFF9C0  }
0x28: {  	[tilespmem:s15], [sflag:$0x2] =	stream.indirect.gather [hbm4b:s1+s13], $0x20, s13, s13, $0xb8;
	[tilespmem:$0x1C480] =	vst v63  }
0x29: {  	_ =	swait.ge [sflag:s16], $0xC800  }
0x2a: {  	p1 =	seq.s32 s23, $0x0;
	[sflag:s16] =	ssyncset.done $0x0  }
0x2b: {  	s26 =	simm.s32 @!p1 $0x3;
	[sflag:s16] =	ssyncadd.s32 $0xFFFF3800  }
0x2c: {  	_ =	swait.ge @!p1 [sflag:s26], $0x1400  }
0x2d: {  	[sflag:s26] =	ssyncset.done @!p1 $0x0  }
0x2e: {  	s28 =	simm.s32 $0xD20;
	[sflag:s26] =	ssyncadd.s32 @!p1 $0xFFFFEC00  }
0x2f: {  	v0 =	vld [tilespmem:s28+$0xFFFFFF90]  }
0x30: {  	v1 =	vld [tilespmem:s28+$0xFFFFFF80]  }
0x31: {  	s29 =	sshll.u32 s23, $0x1;
	p2 =	slt.s32 s25, $0x18600;
	v2 =	vld [tilespmem:s28+$0xFFFFFF60]  }
0x32: {  	s30 =	simm.s32 $0x20;
	s25 =	simm.s32 @!p2 $0x18600;
	s26 =	simm.s32 $0x0;
	v3 =	vld [tilespmem:s28+$0xFFFFFF70]  }
.LBB2_3:
0x33: {  	p2 =	sne.s32 s30, $0x13E0;
	v4 =	vld [tilespmem:s28+$0xFFFFFFA0]  }
0x34: {  	v5 =	vld [tilespmem:s28+$0xFFFFFFB0]  }
0x35: {  	v6 =	vld [tilespmem:s28+$0xFFFFFFC0]  }
0x36: {  	v1 =	vadd.f32 v1, v2;
	v2 =	vld [tilespmem:s28+$0xFFFFFFD0]  }
0x37: {  	v0 =	vadd.f32 v0, v3;
	v3 =	vld [tilespmem:s28+$0xFFFFFFE0]  }
0x38: {  	v1 =	vadd.f32 v4, v1;
	v4 =	vld [tilespmem:s28+$0xFFFFFFF0]  }
0x39: {  	v0 =	vadd.f32 v5, v0;
	v5 =	vld [tilespmem:s28+$0x0]  }
0x3a: {  	v1 =	vadd.f32 v6, v1;
	v6 =	vld [tilespmem:s28+$0x10]  }
0x3b: {  	v0 =	vadd.f32 v2, v0;
	v2 =	vld [tilespmem:s28+$0x20]  }
0x3c: {  	v1 =	vadd.f32 v3, v1;
	v3 =	vld [tilespmem:s28+$0x30]  }
0x3d: {  	v0 =	vadd.f32 v4, v0;
	v4 =	vld [tilespmem:s28+$0x40]  }
0x3e: {  	v1 =	vadd.f32 v5, v1;
	v5 =	vld [tilespmem:s28+$0x50]  }
0x3f: {  	v0 =	vadd.f32 v6, v0;
	v6 =	vld [tilespmem:s28+$0x60]  }
0x40: {  	v1 =	vadd.f32 v2, v1;
	v2 =	vld [tilespmem:s28+$0x70]  }
0x41: {  	v0 =	vadd.f32 v3, v0;
	v3 =	vld [tilespmem:s28+$0x80]  }
0x42: {  	v1 =	vadd.f32 v4, v1;
	v4 =	vld [tilespmem:s28+$0x90]  }
0x43: {  	v0 =	vadd.f32 v5, v0  }
0x44: {  	v1 =	vadd.f32 v6, v1  }
0x45: {  	v0 =	vadd.f32 v2, v0  }
0x46: {  	v1 =	vadd.f32 v3, v1  }
0x47: {  	s31 =	sand.u32 $0x1FE0, s26;
	s26 =	smov.u32 s30;
	v0 =	vadd.f32 v4, v0  }
0x48: {  	s0 =	sadd.s32 $0x19C80, s31;
	[tilespmem:s31+$0x19C80] =	vst v1  }
.Ltmp2:
0x49: {  	s28 =	sadd.s32 $0x140, s28;
	[tilespmem:s0+$0x10] =	vst v0;
	(pc) =	sbr.rel @p2 .LBB2_3-.Ltmp2, $4  }
0x4a: {  	v0 =	vld [tilespmem:s28+$0xFFFFFF90]  }
0x4b: {  	v1 =	vld [tilespmem:s28+$0xFFFFFF80]  }
0x4c: {  	v2 =	vld [tilespmem:s28+$0xFFFFFF60]  }
0x4d: {  	s30 =	sadd.s32 $0x20, s30;
	v3 =	vld [tilespmem:s28+$0xFFFFFF70]  }
0x4e: {  	v4 =	vld [tilespmem:s28+$0xFFFFFFA0]  }
0x4f: {  	v5 =	vld [tilespmem:s28+$0xFFFFFFB0]  }
0x50: {  	v6 =	vld [tilespmem:s28+$0xFFFFFFC0]  }
0x51: {  	v1 =	vadd.f32 v1, v2;
	v2 =	vld [tilespmem:s28+$0xFFFFFFD0]  }
0x52: {  	v0 =	vadd.f32 v0, v3;
	v3 =	vld [tilespmem:s28+$0xFFFFFFE0]  }
0x53: {  	v1 =	vadd.f32 v4, v1;
	v4 =	vld [tilespmem:s28+$0xFFFFFFF0]  }
0x54: {  	v0 =	vadd.f32 v5, v0;
	v5 =	vld [tilespmem:s28+$0x0]  }
0x55: {  	v62 =	vld [tilespmem:s28+$0x10];
	v1 =	vadd.f32 v6, v1  }
0x56: {  	v0 =	vadd.f32 v2, v0;
	v2 =	vld [tilespmem:s28+$0x20]  }
0x57: {  	v1 =	vadd.f32 v3, v1;
	v3 =	vld [tilespmem:s28+$0x30]  }
0x58: {  	v0 =	vadd.f32 v4, v0;
	v4 =	vld [tilespmem:s28+$0x40]  }
0x59: {  	v1 =	vadd.f32 v5, v1;
	v5 =	vld [tilespmem:s28+$0x50]  }
0x5a: {  	v63 =	vld [tilespmem:s28+$0x60];
	v0 =	vadd.f32 v62, v0  }
0x5b: {  	s0 =	sadd.s32 $0x2, s29;
	v1 =	vadd.f32 v2, v1;
	v2 =	vld [tilespmem:s28+$0x70]  }
0x5c: {  	p2 =	sgt.u32 s0, s7;
	v0 =	vadd.f32 v3, v0;
	v3 =	vld [tilespmem:s28+$0x80]  }
0x5d: {  	s0 =	sshll.u32 @!p2 s0, $0x5;
	v1 =	vadd.f32 v4, v1;
	v4 =	vld [tilespmem:s28+$0x90]  }
0x5e: {  	s0 =	sor.u32 @!p2 s5, s0;
	v0 =	vadd.f32 v5, v0  }
0x5f: {  	s0 =	smul.u32 @!p2 $0xA0, s0;
	v1 =	vadd.f32 v63, v1  }
0x60: {  	v0 =	vadd.f32 v2, v0  }
0x61: {  	s0 =	smin.u32 @!p2 s0, $0x18600;
	v1 =	vadd.f32 v3, v1  }
0x62: {  	s26 =	sand.u32 $0x1FE0, s26;
	s25 =	sshll.u32 s25, $0x2;
	s0 =	smul.u32 @!p2 $0xA, s0;
	v0 =	vadd.f32 v4, v0  }
0x63: {  	s25 =	sand.u32 $0x1FFFFF80, s25;
	s28 =	sadd.s32 $0x19C80, s26;
	[tilespmem:s26+$0x19C80] =	vst v1  }
0x64: {  	s25 =	sadd.s32 s6, s25;
	s0 =	sshrl.u32 @!p2 s0, $0x3;
	[tilespmem:s28+$0x10] =	vst v0  }
0x65: {  	[hbm4b:s25+s3] =	stream.linear.scatter [tilespmem:s17], [sflag:$0x3], $0x1400, $0x38;
	[tilespmem:$0x1C480] =	vst v63  }
0x66: {  	s0 =	sadd.s32 @!p2 s4, s0;
	s25 =	simm.s32 @!p2 $0x0  }
0x67: {  	[tilespmem:s25], [sflag:$0x5] =	stream.linear.gather @!p2 [hbm4b:s0+s25], $0x640, $0x38;
	[tilespmem:$0x1C480] =	vst v63  }
0x68: {  	s0 =	simm.s32 @!p2 $0x5  }
0x69: {  	_ =	swait.ge @!p2 [sflag:s0], $0x640  }
0x6a: {  	[sflag:s0] =	ssyncset.done @!p2 $0x0  }
0x6b: {  	s26 =	simm.s32 @!p2 $0xC80;
	[sflag:s0] =	ssyncadd.s32 @!p2 $0xFFFFF9C0;
	s0 =	simm.s32 @!p2 $0x640  }
0x6c: {  	[tilespmem:s26], [sflag:$0x1] =	stream.indirect.gather @!p2 [hbm4b:s1+s0], $0x20, s25, s0, $0xb8;
	[tilespmem:$0x1C480] =	vst v63  }
0x6d: {  	_ =	swait.ge [sflag:s18], $0xC800  }
0x6e: {  	[sflag:s18] =	ssyncset.done $0x0  }
0x6f: {  	s0 =	simm.s32 @!p1 $0x4;
	[sflag:s18] =	ssyncadd.s32 $0xFFFF3800  }
0x70: {  	_ =	swait.ge @!p1 [sflag:s0], $0x1400  }
0x71: {  	[sflag:s0] =	ssyncset.done @!p1 $0x0  }
0x72: {  	s26 =	simm.s32 $0xD520;
	[sflag:s0] =	ssyncadd.s32 @!p1 $0xFFFFEC00  }
0x73: {  	v0 =	vld [tilespmem:s26+$0xFFFFFF90]  }
0x74: {  	v1 =	vld [tilespmem:s26+$0xFFFFFF80]  }
0x75: {  	v3 =	vld [tilespmem:s26+$0xFFFFFF60]  }
0x76: {  	s28 =	simm.s32 $0x20;
	s25 =	simm.s32 $0x0;
	v2 =	vld [tilespmem:s26+$0xFFFFFF70]  }
.LBB2_5:
0x77: {  	p1 =	sne.s32 s28, $0x13E0;
	v4 =	vld [tilespmem:s26+$0xFFFFFFA0]  }
0x78: {  	v5 =	vld [tilespmem:s26+$0xFFFFFFB0]  }
0x79: {  	v6 =	vld [tilespmem:s26+$0xFFFFFFC0]  }
0x7a: {  	v1 =	vadd.f32 v1, v3;
	v3 =	vld [tilespmem:s26+$0xFFFFFFD0]  }
0x7b: {  	v0 =	vadd.f32 v0, v2;
	v2 =	vld [tilespmem:s26+$0xFFFFFFE0]  }
0x7c: {  	v1 =	vadd.f32 v4, v1;
	v4 =	vld [tilespmem:s26+$0xFFFFFFF0]  }
0x7d: {  	v0 =	vadd.f32 v5, v0;
	v5 =	vld [tilespmem:s26+$0x0]  }
0x7e: {  	v1 =	vadd.f32 v6, v1;
	v6 =	vld [tilespmem:s26+$0x10]  }
0x7f: {  	v0 =	vadd.f32 v3, v0;
	v3 =	vld [tilespmem:s26+$0x20]  }
0x80: {  	v1 =	vadd.f32 v2, v1;
	v2 =	vld [tilespmem:s26+$0x30]  }
0x81: {  	v0 =	vadd.f32 v4, v0;
	v4 =	vld [tilespmem:s26+$0x40]  }
0x82: {  	v1 =	vadd.f32 v5, v1;
	v5 =	vld [tilespmem:s26+$0x50]  }
0x83: {  	v0 =	vadd.f32 v6, v0;
	v6 =	vld [tilespmem:s26+$0x60]  }
0x84: {  	v1 =	vadd.f32 v3, v1;
	v3 =	vld [tilespmem:s26+$0x70]  }
0x85: {  	v0 =	vadd.f32 v2, v0;
	v2 =	vld [tilespmem:s26+$0x80]  }
0x86: {  	v1 =	vadd.f32 v4, v1;
	v4 =	vld [tilespmem:s26+$0x90]  }
0x87: {  	v0 =	vadd.f32 v5, v0  }
0x88: {  	v1 =	vadd.f32 v6, v1  }
0x89: {  	v0 =	vadd.f32 v3, v0  }
0x8a: {  	v1 =	vadd.f32 v2, v1  }
0x8b: {  	s0 =	sand.u32 $0x1FE0, s25;
	s25 =	smov.u32 s28;
	v0 =	vadd.f32 v4, v0  }
0x8c: {  	s29 =	sadd.s32 $0x1B080, s0;
	[tilespmem:s0+$0x1B080] =	vst v1  }
.Ltmp3:
0x8d: {  	s26 =	sadd.s32 $0x140, s26;
	[tilespmem:s29+$0x10] =	vst v0;
	(pc) =	sbr.rel @p1 .LBB2_5-.Ltmp3, $4  }
0x8e: {  	v0 =	vld [tilespmem:s26+$0xFFFFFF90]  }
0x8f: {  	v1 =	vld [tilespmem:s26+$0xFFFFFF80]  }
0x90: {  	v3 =	vld [tilespmem:s26+$0xFFFFFF60]  }
0x91: {  	s28 =	sadd.s32 $0x20, s28;
	v2 =	vld [tilespmem:s26+$0xFFFFFF70]  }
0x92: {  	v4 =	vld [tilespmem:s26+$0xFFFFFFA0]  }
0x93: {  	v5 =	vld [tilespmem:s26+$0xFFFFFFB0]  }
0x94: {  	v6 =	vld [tilespmem:s26+$0xFFFFFFC0]  }
0x95: {  	v51 =	vld [tilespmem:s26+$0xFFFFFFD0];
	v1 =	vadd.f32 v1, v3  }
0x96: {  	v52 =	vld [tilespmem:s26+$0xFFFFFFE0];
	v0 =	vadd.f32 v0, v2  }
0x97: {  	v53 =	vld [tilespmem:s26+$0xFFFFFFF0];
	v1 =	vadd.f32 v4, v1  }
0x98: {  	v54 =	vld [tilespmem:s26+$0x0];
	v0 =	vadd.f32 v5, v0  }
0x99: {  	v55 =	vld [tilespmem:s26+$0x10];
	v1 =	vadd.f32 v6, v1  }
0x9a: {  	v56 =	vld [tilespmem:s26+$0x20];
	v0 =	vadd.f32 v51, v0  }
0x9b: {  	v57 =	vld [tilespmem:s26+$0x30];
	v1 =	vadd.f32 v52, v1  }
0x9c: {  	v58 =	vld [tilespmem:s26+$0x40];
	v0 =	vadd.f32 v53, v0  }
0x9d: {  	v59 =	vld [tilespmem:s26+$0x50];
	v1 =	vadd.f32 v54, v1  }
0x9e: {  	v60 =	vld [tilespmem:s26+$0x60];
	v0 =	vadd.f32 v55, v0  }
0x9f: {  	v61 =	vld [tilespmem:s26+$0x70];
	v1 =	vadd.f32 v56, v1  }
0xa0: {  	v62 =	vld [tilespmem:s26+$0x80];
	v0 =	vadd.f32 v57, v0  }
0xa1: {  	v63 =	vld [tilespmem:s26+$0x90];
	v1 =	vadd.f32 v58, v1  }
0xa2: {  	v0 =	vadd.f32 v59, v0  }
0xa3: {  	s23 =	sadd.s32 $0x1, s23;
	v1 =	vadd.f32 v60, v1  }
0xa4: {  	p1 =	sne.s32 s23, s10;
	v0 =	vadd.f32 v61, v0  }
.Ltmp4:
0xa5: {  	v1 =	vadd.f32 v62, v1;
	(pc) =	sbr.rel @p1 .LBB2_2-.Ltmp4, $4  }
0xa6: {  	s0 =	sand.u32 $0x1FE0, s25;
	s24 =	sshll.u32 s24, $0x2;
	v0 =	vadd.f32 v63, v0  }
0xa7: {  	s25 =	sadd.s32 $0x1B080, s0;
	s31 =	sand.u32 $0x1FFFFF80, s24;
	[tilespmem:s0+$0x1B080] =	vst v1  }
0xa8: {  	s0 =	sadd.s32 s6, s31;
	[tilespmem:s25+$0x10] =	vst v0  }
0xa9: {  	[hbm4b:s0+s3] =	stream.linear.scatter [tilespmem:s19], [sflag:$0x4], $0x1400, $0x38;
	[tilespmem:$0x1C480] =	vst v63  }
.Ltmp5:
0xaa: {  	(pc) =	sbr.rel @p0 .LBB2_11-.Ltmp5, $1  }
0xab: {  	_ =	sdelay $0x3  }
0xac: {  	_ =	swait.ge [sflag:s16], $0xC800  }
0xad: {  	[sflag:s16] =	ssyncset.done $0x0  }
0xae: {  	[sflag:s16] =	ssyncadd.s32 $0xFFFF3800  }
0xaf: {  	_ =	swait.ge [sflag:s20], $0x1400  }
0xb0: {  	[sflag:s20] =	ssyncset.done $0x0  }
0xb1: {  	s24 =	simm.s32 $0xD20;
	[sflag:s20] =	ssyncadd.s32 $0xFFFFEC00  }
0xb2: {  	v0 =	vld [tilespmem:s24+$0xFFFFFF90]  }
0xb3: {  	v1 =	vld [tilespmem:s24+$0xFFFFFF80]  }
0xb4: {  	v3 =	vld [tilespmem:s24+$0xFFFFFF60]  }
0xb5: {  	s23 =	simm.s32 $0x0;
	s25 =	simm.s32 $0x20;
	v2 =	vld [tilespmem:s24+$0xFFFFFF70]  }
.LBB2_9:
0xb6: {  	p1 =	sne.s32 s25, $0x13E0;
	v4 =	vld [tilespmem:s24+$0xFFFFFFA0]  }
0xb7: {  	v5 =	vld [tilespmem:s24+$0xFFFFFFB0]  }
0xb8: {  	v6 =	vld [tilespmem:s24+$0xFFFFFFC0]  }
0xb9: {  	v1 =	vadd.f32 v1, v3;
	v3 =	vld [tilespmem:s24+$0xFFFFFFD0]  }
0xba: {  	v0 =	vadd.f32 v0, v2;
	v2 =	vld [tilespmem:s24+$0xFFFFFFE0]  }
0xbb: {  	v1 =	vadd.f32 v4, v1;
	v4 =	vld [tilespmem:s24+$0xFFFFFFF0]  }
0xbc: {  	v0 =	vadd.f32 v5, v0;
	v5 =	vld [tilespmem:s24+$0x0]  }
0xbd: {  	v1 =	vadd.f32 v6, v1;
	v6 =	vld [tilespmem:s24+$0x10]  }
0xbe: {  	v0 =	vadd.f32 v3, v0;
	v3 =	vld [tilespmem:s24+$0x20]  }
0xbf: {  	v1 =	vadd.f32 v2, v1;
	v2 =	vld [tilespmem:s24+$0x30]  }
0xc0: {  	v0 =	vadd.f32 v4, v0;
	v4 =	vld [tilespmem:s24+$0x40]  }
0xc1: {  	v1 =	vadd.f32 v5, v1;
	v5 =	vld [tilespmem:s24+$0x50]  }
0xc2: {  	v0 =	vadd.f32 v6, v0;
	v6 =	vld [tilespmem:s24+$0x60]  }
0xc3: {  	v1 =	vadd.f32 v3, v1;
	v3 =	vld [tilespmem:s24+$0x70]  }
0xc4: {  	v0 =	vadd.f32 v2, v0;
	v2 =	vld [tilespmem:s24+$0x80]  }
0xc5: {  	v1 =	vadd.f32 v4, v1;
	v4 =	vld [tilespmem:s24+$0x90]  }
0xc6: {  	v0 =	vadd.f32 v5, v0  }
0xc7: {  	v1 =	vadd.f32 v6, v1  }
0xc8: {  	v0 =	vadd.f32 v3, v0  }
0xc9: {  	v1 =	vadd.f32 v2, v1  }
0xca: {  	s0 =	sand.u32 $0x1FE0, s23;
	s23 =	smov.u32 s25;
	v0 =	vadd.f32 v4, v0  }
0xcb: {  	s26 =	sadd.s32 $0x19C80, s0;
	[tilespmem:s0+$0x19C80] =	vst v1  }
.Ltmp6:
0xcc: {  	s24 =	sadd.s32 $0x140, s24;
	[tilespmem:s26+$0x10] =	vst v0;
	(pc) =	sbr.rel @p1 .LBB2_9-.Ltmp6, $4  }
0xcd: {  	v0 =	vld [tilespmem:s24+$0xFFFFFF90]  }
0xce: {  	v1 =	vld [tilespmem:s24+$0xFFFFFF80]  }
0xcf: {  	v3 =	vld [tilespmem:s24+$0xFFFFFF60]  }
0xd0: {  	s25 =	sadd.s32 $0x20, s25;
	v2 =	vld [tilespmem:s24+$0xFFFFFF70]  }
0xd1: {  	v4 =	vld [tilespmem:s24+$0xFFFFFFA0]  }
0xd2: {  	v5 =	vld [tilespmem:s24+$0xFFFFFFB0]  }
0xd3: {  	v6 =	vld [tilespmem:s24+$0xFFFFFFC0]  }
0xd4: {  	v51 =	vld [tilespmem:s24+$0xFFFFFFD0];
	v1 =	vadd.f32 v1, v3  }
0xd5: {  	v52 =	vld [tilespmem:s24+$0xFFFFFFE0];
	v0 =	vadd.f32 v0, v2  }
0xd6: {  	v53 =	vld [tilespmem:s24+$0xFFFFFFF0];
	v1 =	vadd.f32 v4, v1  }
0xd7: {  	v54 =	vld [tilespmem:s24+$0x0];
	v0 =	vadd.f32 v5, v0  }
0xd8: {  	v55 =	vld [tilespmem:s24+$0x10];
	v1 =	vadd.f32 v6, v1  }
0xd9: {  	v56 =	vld [tilespmem:s24+$0x20];
	v0 =	vadd.f32 v51, v0  }
0xda: {  	v57 =	vld [tilespmem:s24+$0x30];
	v1 =	vadd.f32 v52, v1  }
0xdb: {  	v58 =	vld [tilespmem:s24+$0x40];
	v0 =	vadd.f32 v53, v0  }
0xdc: {  	v59 =	vld [tilespmem:s24+$0x50];
	v1 =	vadd.f32 v54, v1  }
0xdd: {  	v60 =	vld [tilespmem:s24+$0x60];
	v0 =	vadd.f32 v55, v0  }
0xde: {  	v61 =	vld [tilespmem:s24+$0x70];
	v1 =	vadd.f32 v56, v1  }
0xdf: {  	v62 =	vld [tilespmem:s24+$0x80];
	v0 =	vadd.f32 v57, v0  }
0xe0: {  	v63 =	vld [tilespmem:s24+$0x90];
	v1 =	vadd.f32 v58, v1  }
0xe1: {  	v0 =	vadd.f32 v59, v0  }
0xe2: {  	v1 =	vadd.f32 v60, v1  }
0xe3: {  	v0 =	vadd.f32 v61, v0  }
.Ltmp7:
0xe4: {  	v1 =	vadd.f32 v62, v1;
	(pc) =	sbr.rel .LBB2_11-.Ltmp7, $4  }
0xe5: {  	s0 =	sand.u32 $0x1FE0, s23;
	v0 =	vadd.f32 v63, v0  }
0xe6: {  	s23 =	sadd.s32 $0x19C80, s0;
	[tilespmem:s0+$0x19C80] =	vst v1  }
0xe7: {  	[tilespmem:s23+$0x10] =	vst v0  }
0xe8: {  	[hbm4b:s9+s3] =	stream.linear.scatter [tilespmem:s17], [sflag:$0x3], $0x1400, $0x38;
	[tilespmem:$0x1C480] =	vst v63  }
.LBB2_12:
0xe9: {  	_ =	sfence.sel $0x180000  }
0xea: {  	[bflag:$0x0] =	sbarrier.arrive $0xFFFF  }
0xeb: {  	_ =	strace $0x9000004A  }
0xec: {  	[bflag:$0x2] =	sbarrier.arrive $0xFFFF  }
0xed: {  	p0 =	sne.s32 s2, $0x0;
	s0 =	rddreg [dreg:$0x2]  }
0xee: {  	s0 =	sadd.s32 @!p0 $0x100000, s0  }
0xef: {  	[sflag:s0] =	ssyncadd.tile.s32 @!p0 $0x1;
	_ =	shalt  }
.Lfunc_end2:
_tile_overlayer_lowered:
.L_overlay_start_2:
0xf0: {  	(tag) =	ssettag $0x2  }
0xf1: {  	s0 =	rddreg [dreg:$0x0];
	s2 =	stileid.u32  }
0xf2: {  	s1 =	rddreg [dreg:$0x1];
	p0 =	sne.s32 s2, $0x0  }
0xf3: {  	s3 =	rddreg [dreg:$0x2];
	[bflag:$0x3] =	sbarrier.arrive $0xFFFF;
	s2 =	simm.s32 @!p0 $0x1C05  }
0xf4: {  	[timem:s3], [sflag:s2] =	dma.local @!p0 [hbm:s0], s1  }
0xf5: {  	s0 =	simm.s32 @!p0 $0x5  }
0xf6: {  	_ =	swait.ge @!p0 [sflag:s0], s1  }
0xf7: {  	s1 =	ssub.s32 @!p0 $0x0, s1;
	[sflag:s0] =	ssyncset.done @!p0 $0x0  }
0xf8: {  	[sflag:s0] =	ssyncadd.s32 @!p0 s1  }
0xf9: {  	[bflag:$0x3] =	sbarrier.arrive $0xFFFF  }
0xfa: {  	_ =	shalt  }

// kernel: kernel.7.cloned.1.call-start
scs
__scs_entry_jumppad:
0x0: {  	(pc) =	sbr.rel $0x88, $3  }
0x1: {  	(tag) =	ssettag $0x0;
	lr =	simm.s32 $0x1  }
0x2: {  	[smem:$0x3F9B] =	sst lr;
	_ =	strace $0xD0000000  }
0x3: {  	_ = 	snop  }
0x4: {  	_ = 	snop  }
0x5: {  	_ = 	snop  }
0x6: {  	_ = 	snop  }
0x7: {  	_ = 	snop  }
__scs_overlays_trampoline_lowered:
0x8: {  	[smem:$0x3FAA] =	sst s0  }
0x9: {  	[smem:$0x3FAB] =	sst s1  }
0xa: {  	[smem:$0x3FAC] =	sst s2  }
0xb: {  	[smem:$0x3FAD] =	sst s3  }
0xc: {  	[smem:$0x3FAE] =	sst s4  }
0xd: {  	[smem:$0x3FAF] =	sst s5  }
0xe: {  	[smem:$0x3FB0] =	sst s6  }
0xf: {  	[smem:$0x3FB1] =	sst s7  }
0x10: {  	[smem:$0x3FB2] =	sst s8  }
0x11: {  	[smem:$0x3FB3] =	sst s9;
	s0 =	simm.s32 @!p0 $0x0  }
0x12: {  	s1 =	sld [smem:$0x3F99];
	s0 =	simm.s32 @p0 $0x1  }
0x13: {  	[smem:$0x3FB4] =	sst s0;
	s0 =	simm.s32 @!p1 $0x0  }
0x14: {  	s2 =	sld [smem:$0x3F98];
	s0 =	simm.s32 @p1 $0x1  }
0x15: {  	[smem:$0x3FB5] =	sst s0;
	s0 =	simm.s32 @!p2 $0x0  }
0x16: {  	s3 =	sld [smem:$0x3FDB];
	s0 =	simm.s32 @p2 $0x1  }
0x17: {  	s4 =	simm.s32 $0x1BF5;
	[smem:$0x3FB7] =	sst s0  }
0x18: {  	s0 =	sld [smem:$0x3F9A];
	_ =	swait.ge [sflag:s4], $0x0  }
0x19: {  	s7 =	sld [smem:$0x3F9B]  }
0x1a: {  	s8 =	sadd.s32 $0xFFFFE003, lr  }
0x1b: {  	s9 =	sadd.s32 $0xFFFFFEF7, lr;
	s5 =	simm.s32 $0xFFFFFFFF;
	p2 =	slt.u32 s8, $0xFFFFF086  }
0x1c: {  	p1 =	slt.u32 s9, $0xF7A;
	s5 =	simm.s32 @!p2 $0x0  }
0x1d: {  	s5 =	simm.s32 @p1 $0x1;
	p0 =	seq.s32 s7, s2  }
0x1e: {  	s7 =	smul.u32 @!p0 $0xF7A, s2;
	p2 =	seq.s32 @!p0 s5, $0x0  }
0x1f: {  	s9 =	smul.u32 $0xF7A, s1;
	s8 =	simm.s32 @!p0 $0x1BF5;
	p2 =	por !p2, p0  }
0x20: {  	[sflag:s8] =	ssyncset.s32 @!p0 $0xFFFFF086;
	s6 =	sadd.s32 @!p0 s3, s7;
	s7 =	simm.s32 @!p0 $0x108  }
0x21: {  	s3 =	sadd.s32 s3, s9;
	s6 =	sadd.s32 @!p0 $0x88, s6;
	s7 =	simm.s32 @p2 $0x1082  }
0x22: {  	[simem:s7], [sflag:s8] =	dma.local @!p0 [hbm:s6], $0xF7A  }
0x23: {  	s9 =	sor.u32 $0xD0000000, s2;
	s6 =	simm.s32 $0x108;
	_ =	swait.ge @!p0 [sflag:s8], $0x0  }
0x24: {  	s3 =	sadd.s32 $0x88, s3;
	s6 =	simm.s32 @!p1 $0x1082;
	[sflag:s4] =	ssyncset.s32 $0xFFFFF086  }
0x25: {  	[simem:s6], [sflag:s4] =	dma.local [hbm:s3], $0xF7A  }
0x26: {  	[smem:$0x3F9B] =	sst s1;
	(tag) =	ssettag s2;
	_ =	strace s9  }
0x27: {  	s1 =	sld [smem:$0x3FAB]  }
0x28: {  	s2 =	sld [smem:$0x3FAC]  }
0x29: {  	s4 =	sld [smem:$0x3FAE]  }
0x2a: {  	p0 =	seq.s32 s5, $0x0;
	s5 =	sld [smem:$0x3FAF]  }
0x2b: {  	s6 =	sld [smem:$0x3FB0]  }
0x2c: {  	s7 =	sld [smem:$0x3FB1]  }
0x2d: {  	s3 =	simm.s32 $0x108;
	s8 =	sld [smem:$0x3FB2]  }
0x2e: {  	s3 =	simm.s32 @!p0 $0x1082;
	s9 =	sld [smem:$0x3FB3]  }
0x2f: {  	lr =	sadd.s32 s0, s3;
	s0 =	sld [smem:$0x3FAA]  }
0x30: {  	s3 =	sld [smem:$0x3FAD]  }
0x31: {  	[smem:$0x3FB6] =	sst s10  }
0x32: {  	s10 =	sld [smem:$0x3FB4];
	_ =	sdelay $0x3  }
0x33: {  	p0 =	seq.s32 s10, $0x1;
	s10 =	sld [smem:$0x3FB6];
	_ =	sdelay $0x3  }
0x34: {  	[smem:$0x3FB6] =	sst s10  }
0x35: {  	s10 =	sld [smem:$0x3FB5];
	_ =	sdelay $0x3  }
0x36: {  	p1 =	seq.s32 s10, $0x1;
	s10 =	sld [smem:$0x3FB6];
	_ =	sdelay $0x3  }
0x37: {  	[smem:$0x3FB6] =	sst s10  }
0x38: {  	s10 =	sld [smem:$0x3FB7]  }
0x39: {  	_ = 	snop;
	(pc) =	sbr.ind lr, $3  }
0x3a: {  	_ = 	snop  }
0x3b: {  	_ = 	snop  }
0x3c: {  	p2 =	seq.s32 s10, $0x1;
	s10 =	sld [smem:$0x3FB6]  }
0x3d: {  	_ =	shalt  }
0x3e: {  	_ =	shalt  }
0x3f: {  	_ =	shalt  }
0x40: {  	_ =	shalt  }
0x41: {  	_ =	shalt  }
0x42: {  	_ =	shalt  }
0x43: {  	_ =	shalt  }
0x44: {  	_ =	shalt  }
0x45: {  	_ =	shalt  }
0x46: {  	_ =	shalt  }
0x47: {  	_ =	shalt  }
0x48: {  	_ =	shalt  }
0x49: {  	_ =	shalt  }
0x4a: {  	_ =	shalt  }
0x4b: {  	_ =	shalt  }
0x4c: {  	_ =	shalt  }
0x4d: {  	_ =	shalt  }
0x4e: {  	_ =	shalt  }
0x4f: {  	_ =	shalt  }
0x50: {  	_ =	shalt  }
0x51: {  	_ =	shalt  }
0x52: {  	_ =	shalt  }
0x53: {  	_ =	shalt  }
0x54: {  	_ =	shalt  }
0x55: {  	_ =	shalt  }
0x56: {  	_ =	shalt  }
0x57: {  	_ =	shalt  }
0x58: {  	_ =	shalt  }
0x59: {  	_ =	shalt  }
0x5a: {  	_ =	shalt  }
0x5b: {  	_ =	shalt  }
0x5c: {  	_ =	shalt  }
0x5d: {  	_ =	shalt  }
0x5e: {  	_ =	shalt  }
0x5f: {  	_ =	shalt  }
0x60: {  	_ =	shalt  }
0x61: {  	_ =	shalt  }
0x62: {  	_ =	shalt  }
0x63: {  	_ =	shalt  }
0x64: {  	_ =	shalt  }
0x65: {  	_ =	shalt  }
0x66: {  	_ =	shalt  }
0x67: {  	_ =	shalt  }
0x68: {  	_ =	shalt  }
0x69: {  	_ =	shalt  }
0x6a: {  	_ =	shalt  }
0x6b: {  	_ =	shalt  }
0x6c: {  	_ =	shalt  }
0x6d: {  	_ =	shalt  }
0x6e: {  	_ =	shalt  }
0x6f: {  	_ =	shalt  }
0x70: {  	_ =	shalt  }
0x71: {  	_ =	shalt  }
0x72: {  	_ =	shalt  }
0x73: {  	_ =	shalt  }
0x74: {  	_ =	shalt  }
0x75: {  	_ =	shalt  }
0x76: {  	_ =	shalt  }
0x77: {  	_ =	shalt  }
0x78: {  	_ =	shalt  }
0x79: {  	_ =	shalt  }
0x7a: {  	_ =	shalt  }
0x7b: {  	_ =	shalt  }
0x7c: {  	_ =	shalt  }
0x7d: {  	_ =	shalt  }
0x7e: {  	_ =	shalt  }
0x7f: {  	_ =	shalt  }
0x80: {  	_ =	shalt  }
0x81: {  	_ =	shalt  }
0x82: {  	_ =	shalt  }
0x83: {  	_ =	shalt  }
0x84: {  	_ =	shalt  }
0x85: {  	_ =	shalt  }
0x86: {  	_ =	shalt  }
0x87: {  	_ =	shalt  }
.Lfunc_end0:
.L_simem_size_0:
called_computation_lowered:
.L_overlay_start_0:
0x88: {  	s2 =	sld [smem:$0x3FD9]  }
0x89: {  	s3 =	sld [smem:$0x3FFE];
	_ =	sdelay $0x1  }
0x8a: {  	s1 =	srdreg.scid  }
0x8b: {  	s0 =	sand.u32 $0x1, s1  }
0x8c: {  	s17 =	sshll.u32 s0, $0xA;
	s2 =	sadd.s32 s3, s2  }
0x8d: {  	s2 =	sadd.s32 s2, s17  }
0x8e: {  	[smem:$0x3FC2] =	sst s2  }
0x8f: {  	_ = 	snop  }
0x90: {  	s2 =	sld [smem:$0x3FD0];
	(tm) =	ssettm $0x1  }
0x91: {  	s18 =	sld [smem:$0x3FFB];
	_ =	sdelay $0x3  }
0x92: {  	_ =	strace s18  }
0x93: {  	s3 =	sld [smem:$0x3FFC];
	_ =	sdelay $0x3  }
0x94: {  	_ =	strace s3  }
0x95: {  	s3 =	sld [smem:$0x3FFD];
	_ =	sdelay $0x3  }
0x96: {  	_ =	strace s3  }
0x97: {  	_ =	strace $0x8FFFFFFF  }
0x98: {  	s19 =	sld [smem:$0x3FDB];
	_ =	sdelay $0x1  }
0x99: {  	s4 =	simm.s32 $_scs_section_size  }
0x9a: {  	s5 =	simm.s32 $_size__tile_overlayer_lowered;
	s6 =	simm.s32 $_tile_overlayer_lowered  }
0x9b: {  	s22 =	simm.s32 $0x1BFF;
	s21 =	sshll.u32 s6, $0x1;
	s3 =	sadd.s32 s4, s19  }
0x9c: {  	s7 =	simm.s32 $0x0;
	s20 =	sshll.u32 s5, $0x1;
	s5 =	sadd.s32 s21, s3  }
0x9d: {  	[timem:s7], [sflag:s22] =	dma.local [hbm:s5], s20  }
0x9e: {  	_ =	swait.ge [sflag:s22], s20  }
0x9f: {  	s4 =	ssub.s32 $0x0, s20;
	[sflag:s22] =	ssyncset.done $0x0  }
0xa0: {  	[sflag:s22] =	ssyncadd.s32 s4;
	_ =	sdelay $0x1  }
0xa1: {  	s23 =	simm.s32 $0x1B8B  }
0xa2: {  	_ =	swait.ge [sflag:s23], $0x1  }
0xa3: {  	[sflag:s23] =	ssyncset.done $0x0  }
0xa4: {  	s25 =	simm.s32 $0x1B8E;
	s24 =	sld [smem:$0x3FFE];
	[sflag:s23] =	ssyncadd.s32 $0xFFFFFFFF  }
0xa5: {  	s26 =	simm.s32 $execute0_lowered;
	[smem:$0x3FD2] =	sst s25  }
0xa6: {  	s5 =	sshll.u32 s26, $0x1;
	_ =	strace $0x80000046;
	[dreg:$0x1] =	wrdreg $0xFFFFFFFF  }
0xa7: {  	s28 =	simm.s32 $_size_execute0_lowered;
	s3 =	sadd.s32 s3, s5;
	[dreg:$0x0] =	wrdreg $0x0  }
0xa8: {  	s5 =	sshll.u32 s28, $0x1;
	[dreg:$0x2] =	wrdreg s3  }
0xa9: {  	[dreg:$0x3] =	wrdreg s5  }
0xaa: {  	[dreg:$0x4] =	wrdreg $0xC0  }
0xab: {  	_ =	task [dreg:s7], $0x5FFFF  }
0xac: {  	[dreg:$0x1] =	wrdreg $0xFFFFFFFF  }
0xad: {  	[dreg:$0x0] =	wrdreg $0x60  }
0xae: {  	[dreg:$0x2] =	wrdreg s2  }
0xaf: {  	[dreg:$0x3] =	wrdreg s24  }
0xb0: {  	[dreg:$0x4] =	wrdreg $0x9  }
0xb1: {  	_ =	task.clear_ibuf [dreg:s7], $0x5FFFF;
	_ =	strace $0x90000046  }
0xb2: {  	s29 =	simm.s32 $0x9;
	_ =	strace $0x80000048  }
0xb3: {  	_ =	swait.ge [sflag:s29], $0x1  }
0xb4: {  	[sflag:s29] =	ssyncadd.s32 $0xFFFFFFFF  }
0xb5: {  	_ =	strace $0x90000048  }
0xb6: {  	_ =	sfence  }
0xb7: {  	s30 =	sld [smem:$0x0];
	_ =	sdelay $0x2  }
0xb8: {  	s31 =	sshll.u32 s1, $0xD;
	s1 =	sshrl.u32 s1, $0x2  }
0xb9: {  	s3 =	sand.u32 $0x4000, s31;
	s1 =	sadd.s32 s1, s30  }
0xba: {  	s0 =	sor.u32 s3, s0;
	s1 =	sshll.u32 s1, $0x11  }
0xbb: {  	s0 =	sor.u32 s1, s0  }
0xbc: {  	s0 =	sadd.s32 $0x8F2B, s0  }
0xbd: {  	[sflag:s0] =	ssyncadd.remote.s32 $0x1  }
0xbe: {  	_ =	sfence.sel $0xFFFF  }
0xbf: {  	[dreg:$0x0] =	wrdreg $0xFFFFFFFF;
	(pc) =	sbr.abs _section_cstart, $3  }
0xc0: {  	[dreg:$0x1] =	wrdreg $0xFFFFFFFF  }
0xc1: {  	_ =	task.clear_ibuf [dreg:s7], $0x2FFFF;
	_ =	strace $0x9FFFFFFF  }
0xc2: {  	(tm) =	ssettm $0x7FFFFFFF  }
0xc3: {  	_ =	shalt  }
tec
execute0_lowered:
.L_overlay_start_1:
0x0: {  	(tag) =	ssettag $0x1  }
0x1: {  	s2 =	rddreg [dreg:$0x0];
	s1 =	srdreg.scid  }
0x2: {  	s0 =	stileid.u32;
	s7 =	rddreg [dreg:$0x1];
	s3 =	simm.s32 $0x0  }
0x3: {  	s13 =	simm.s32 $0x640;
	s14 =	simm.s32 $0xC80;
	s15 =	simm.s32 $0xD480  }
0x4: {  	s16 =	simm.s32 $0x1;
	s17 =	simm.s32 $0x19C80;
	s18 =	simm.s32 $0x2  }
0x5: {  	s19 =	simm.s32 $0x1A480;
	s21 =	simm.s32 $0x4;
	s22 =	simm.s32 $0x0  }
0x6: {  	s6 =	sand.u32 $0x1, s1;
	s4 =	sshll.u32 s0, $0x1;
	[smem:$0x7FF] =	sst s3  }
0x7: {  	s8 =	sor.u32 s6, s4;
	_ =	strace $0x80000047;
	s4 =	sadd.s32 $0x30F200, s7  }
0x8: {  	s10 =	ssub.s32 $0x2, s6;
	s7 =	sadd.s32 $0x1E00, s7;
	s9 =	ssub.s32 $0x61A, s8  }
0x9: {  	s6 =	sshll.u32 s8, $0x6;
	s8 =	smul.u32 $0xC8, s8;
	s5 =	sshrl.u32 s9, $0x5  }
.Ltmp0:
0xa: {  	s12 =	sshrl.u32 s10, $0x1;
	s11 =	sshll.u32 s5, $0xB;
	(pc) =	sbr.rel .LBB2_1-.Ltmp0, $4  }
0xb: {  	s10 =	ssub.s32 s10, s12;
	s20 =	sand.u32 $0x20, s9;
	s11 =	sor.u32 s6, s11  }
0xc: {  	s12 =	simm.s32 $0x5;
	s8 =	sadd.s32 s4, s8;
	s11 =	smin.u32 s11, $0x18660  }
0xd: {  	s10 =	smax.u32 s10, $0x1;
	p0 =	sne.s32 s20, $0x0;
	s31 =	sshll.u32 s11, $0x2  }
0xe: {  	s20 =	simm.s32 $0x3;
	s11 =	sor.u32 $0x800, s6;
	s9 =	sadd.s32 s7, s31  }
.LBB2_11:
0xf: {  	s22 =	sadd.s32 $0x1, s22  }
0x10: {  	_ =	swait.ge [sflag:s20], $0x800;
	p1 =	sne.s32 s22, s10  }
.Ltmp1:
0x11: {  	[sflag:s20] =	ssyncset.done $0x0;
	(pc) =	sbr.rel @!p1 .LBB2_12-.Ltmp1, $4  }
0x12: {  	[sflag:s20] =	ssyncadd.s32 $0xFFFFF800  }
0x13: {  	_ =	swait.ge [sflag:s21], $0x800  }
0x14: {  	[sflag:s21] =	ssyncset.done $0x0  }
0x15: {  	[sflag:s21] =	ssyncadd.s32 $0xFFFFF800  }
.LBB2_1:
0x16: {  	[tilespmem:s3], [sflag:$0x5] =	stream.linear.gather [hbm4b:s8+s3], $0x640, $0x38;
	[tilespmem:$0x1AC80] =	vst v63  }
0x17: {  	_ =	swait.ge [sflag:s12], $0x640  }
0x18: {  	[sflag:s12] =	ssyncset.done $0x0  }
0x19: {  	s23 =	simm.s32 $0x0;
	[sflag:s12] =	ssyncadd.s32 $0xFFFFF9C0  }
0x1a: {  	[tilespmem:s14], [sflag:$0x1] =	stream.indirect.gather [hbm4b:s2+s13], $0x20, s3, s13, $0xb8;
	[tilespmem:$0x1AC80] =	vst v63  }
.LBB2_2:
0x1b: {  	s25 =	sshll.u32 s23, $0xC  }
0x1c: {  	s24 =	sor.u32 s11, s25  }
0x1d: {  	s26 =	smul.u32 $0x19, s24;
	_ =	sdelay $0x1  }
0x1e: {  	s26 =	sshrl.u32 s26, $0x3  }
0x1f: {  	s26 =	sadd.s32 s4, s26  }
0x20: {  	[tilespmem:s13], [sflag:$0x5] =	stream.linear.gather [hbm4b:s26+s3], $0x640, $0x38;
	[tilespmem:$0x1AC80] =	vst v63  }
0x21: {  	_ =	swait.ge [sflag:s12], $0x640  }
0x22: {  	[sflag:s12] =	ssyncset.done $0x0  }
0x23: {  	[sflag:s12] =	ssyncadd.s32 $0xFFFFF9C0  }
0x24: {  	[tilespmem:s15], [sflag:$0x2] =	stream.indirect.gather [hbm4b:s2+s13], $0x20, s13, s13, $0xb8;
	[tilespmem:$0x1AC80] =	vst v63  }
0x25: {  	_ =	swait.ge [sflag:s16], $0xC800  }
0x26: {  	p1 =	seq.s32 s23, $0x0;
	[sflag:s16] =	ssyncset.done $0x0  }
0x27: {  	s26 =	simm.s32 @!p1 $0x3;
	[sflag:s16] =	ssyncadd.s32 $0xFFFF3800  }
0x28: {  	_ =	swait.ge @!p1 [sflag:s26], $0x800  }
0x29: {  	[sflag:s26] =	ssyncset.done @!p1 $0x0  }
0x2a: {  	s29 =	simm.s32 $0xE10;
	[sflag:s26] =	ssyncadd.s32 @!p1 $0xFFFFF800  }
0x2b: {  	v0 =	vld [tilespmem:s29+$0xFFFFFEA0]  }
0x2c: {  	v1 =	vld [tilespmem:s29+$0xFFFFFE90]  }
0x2d: {  	s28 =	sshll.u32 s23, $0x1;
	v2 =	vld [tilespmem:s29+$0xFFFFFE70]  }
0x2e: {  	s30 =	simm.s32 $0x20;
	s25 =	sor.u32 s6, s25;
	s26 =	simm.s32 $0x0;
	v3 =	vld [tilespmem:s29+$0xFFFFFE80]  }
.LBB2_3:
0x2f: {  	p2 =	sne.s32 s30, $0x7E0;
	v4 =	vld [tilespmem:s29+$0xFFFFFEB0]  }
0x30: {  	v5 =	vld [tilespmem:s29+$0xFFFFFEC0]  }
0x31: {  	v6 =	vld [tilespmem:s29+$0xFFFFFED0]  }
0x32: {  	v1 =	vadd.f32 v1, v2;
	v2 =	vld [tilespmem:s29+$0xFFFFFEE0]  }
0x33: {  	v0 =	vadd.f32 v0, v3;
	v3 =	vld [tilespmem:s29+$0xFFFFFEF0]  }
0x34: {  	v1 =	vadd.f32 v4, v1;
	v4 =	vld [tilespmem:s29+$0xFFFFFF00]  }
0x35: {  	v0 =	vadd.f32 v5, v0;
	v5 =	vld [tilespmem:s29+$0xFFFFFF10]  }
0x36: {  	v1 =	vadd.f32 v6, v1;
	v6 =	vld [tilespmem:s29+$0xFFFFFF20]  }
0x37: {  	v0 =	vadd.f32 v2, v0;
	v2 =	vld [tilespmem:s29+$0xFFFFFF30]  }
0x38: {  	v1 =	vadd.f32 v3, v1;
	v3 =	vld [tilespmem:s29+$0xFFFFFF40]  }
0x39: {  	v0 =	vadd.f32 v4, v0;
	v4 =	vld [tilespmem:s29+$0xFFFFFF50]  }
0x3a: {  	v1 =	vadd.f32 v5, v1;
	v5 =	vld [tilespmem:s29+$0xFFFFFF60]  }
0x3b: {  	v0 =	vadd.f32 v6, v0;
	v6 =	vld [tilespmem:s29+$0xFFFFFF70]  }
0x3c: {  	v1 =	vadd.f32 v2, v1;
	v2 =	vld [tilespmem:s29+$0xFFFFFF80]  }
0x3d: {  	v0 =	vadd.f32 v3, v0;
	v3 =	vld [tilespmem:s29+$0xFFFFFF90]  }
0x3e: {  	v1 =	vadd.f32 v4, v1;
	v4 =	vld [tilespmem:s29+$0xFFFFFFA0]  }
0x3f: {  	v0 =	vadd.f32 v5, v0;
	v5 =	vld [tilespmem:s29+$0xFFFFFFB0]  }
0x40: {  	v1 =	vadd.f32 v6, v1;
	v6 =	vld [tilespmem:s29+$0xFFFFFFC0]  }
0x41: {  	v0 =	vadd.f32 v2, v0;
	v2 =	vld [tilespmem:s29+$0xFFFFFFD0]  }
0x42: {  	v1 =	vadd.f32 v3, v1;
	v3 =	vld [tilespmem:s29+$0xFFFFFFE0]  }
0x43: {  	v0 =	vadd.f32 v4, v0;
	v4 =	vld [tilespmem:s29+$0xFFFFFFF0]  }
0x44: {  	v1 =	vadd.f32 v5, v1;
	v5 =	vld [tilespmem:s29+$0x0]  }
0x45: {  	v0 =	vadd.f32 v6, v0;
	v6 =	vld [tilespmem:s29+$0x10]  }
0x46: {  	v1 =	vadd.f32 v2, v1;
	v2 =	vld [tilespmem:s29+$0x20]  }
0x47: {  	v0 =	vadd.f32 v3, v0;
	v3 =	vld [tilespmem:s29+$0x30]  }
0x48: {  	v1 =	vadd.f32 v4, v1;
	v4 =	vld [tilespmem:s29+$0x40]  }
0x49: {  	v0 =	vadd.f32 v5, v0;
	v5 =	vld [tilespmem:s29+$0x50]  }
0x4a: {  	v1 =	vadd.f32 v6, v1;
	v6 =	vld [tilespmem:s29+$0x60]  }
0x4b: {  	v0 =	vadd.f32 v2, v0;
	v2 =	vld [tilespmem:s29+$0x70]  }
0x4c: {  	v1 =	vadd.f32 v3, v1;
	v3 =	vld [tilespmem:s29+$0x80]  }
0x4d: {  	v0 =	vadd.f32 v4, v0;
	v4 =	vld [tilespmem:s29+$0x90]  }
0x4e: {  	v1 =	vadd.f32 v5, v1;
	v5 =	vld [tilespmem:s29+$0xA0]  }
0x4f: {  	v0 =	vadd.f32 v6, v0;
	v6 =	vld [tilespmem:s29+$0xB0]  }
0x50: {  	v1 =	vadd.f32 v2, v1;
	v2 =	vld [tilespmem:s29+$0xC0]  }
0x51: {  	v0 =	vadd.f32 v3, v0;
	v3 =	vld [tilespmem:s29+$0xD0]  }
0x52: {  	v1 =	vadd.f32 v4, v1;
	v4 =	vld [tilespmem:s29+$0xE0]  }
0x53: {  	v0 =	vadd.f32 v5, v0;
	v5 =	vld [tilespmem:s29+$0xF0]  }
0x54: {  	v1 =	vadd.f32 v6, v1;
	v6 =	vld [tilespmem:s29+$0x100]  }
0x55: {  	v0 =	vadd.f32 v2, v0;
	v2 =	vld [tilespmem:s29+$0x110]  }
0x56: {  	v1 =	vadd.f32 v3, v1;
	v3 =	vld [tilespmem:s29+$0x120]  }
0x57: {  	v0 =	vadd.f32 v4, v0;
	v4 =	vld [tilespmem:s29+$0x130]  }
0x58: {  	v1 =	vadd.f32 v5, v1;
	v5 =	vld [tilespmem:s29+$0x140]  }
0x59: {  	v0 =	vadd.f32 v6, v0;
	v6 =	vld [tilespmem:s29+$0x150]  }
0x5a: {  	v1 =	vadd.f32 v2, v1;
	v2 =	vld [tilespmem:s29+$0x160]  }
0x5b: {  	v0 =	vadd.f32 v3, v0;
	v3 =	vld [tilespmem:s29+$0x170]  }
0x5c: {  	v1 =	vadd.f32 v4, v1;
	v4 =	vld [tilespmem:s29+$0x180]  }
0x5d: {  	v0 =	vadd.f32 v5, v0  }
0x5e: {  	v1 =	vadd.f32 v6, v1  }
0x5f: {  	v0 =	vadd.f32 v2, v0  }
0x60: {  	v1 =	vadd.f32 v3, v1  }
0x61: {  	s31 =	sand.u32 $0x7E0, s26;
	s26 =	smov.u32 s30;
	v0 =	vadd.f32 v4, v0  }
0x62: {  	s1 =	sadd.s32 $0x19C80, s31;
	[tilespmem:s31+$0x19C80] =	vst v1  }
.Ltmp2:
0x63: {  	s29 =	sadd.s32 $0x320, s29;
	[tilespmem:s1+$0x10] =	vst v0;
	(pc) =	sbr.rel @p2 .LBB2_3-.Ltmp2, $4  }
0x64: {  	v0 =	vld [tilespmem:s29+$0xFFFFFEA0]  }
0x65: {  	v1 =	vld [tilespmem:s29+$0xFFFFFE90]  }
0x66: {  	v2 =	vld [tilespmem:s29+$0xFFFFFE70]  }
0x67: {  	s30 =	sadd.s32 $0x20, s30;
	v3 =	vld [tilespmem:s29+$0xFFFFFE80]  }
0x68: {  	v4 =	vld [tilespmem:s29+$0xFFFFFEB0]  }
0x69: {  	v5 =	vld [tilespmem:s29+$0xFFFFFEC0]  }
0x6a: {  	v6 =	vld [tilespmem:s29+$0xFFFFFED0]  }
0x6b: {  	v1 =	vadd.f32 v1, v2;
	v2 =	vld [tilespmem:s29+$0xFFFFFEE0]  }
0x6c: {  	v0 =	vadd.f32 v0, v3;
	v3 =	vld [tilespmem:s29+$0xFFFFFEF0]  }
0x6d: {  	v1 =	vadd.f32 v4, v1;
	v4 =	vld [tilespmem:s29+$0xFFFFFF00]  }
0x6e: {  	v0 =	vadd.f32 v5, v0;
	v5 =	vld [tilespmem:s29+$0xFFFFFF10]  }
0x6f: {  	v56 =	vld [tilespmem:s29+$0xFFFFFF20];
	v1 =	vadd.f32 v6, v1  }
0x70: {  	v0 =	vadd.f32 v2, v0;
	v2 =	vld [tilespmem:s29+$0xFFFFFF30]  }
0x71: {  	v1 =	vadd.f32 v3, v1;
	v3 =	vld [tilespmem:s29+$0xFFFFFF40]  }
0x72: {  	v0 =	vadd.f32 v4, v0;
	v4 =	vld [tilespmem:s29+$0xFFFFFF50]  }
0x73: {  	v1 =	vadd.f32 v5, v1;
	v5 =	vld [tilespmem:s29+$0xFFFFFF60]  }
0x74: {  	v57 =	vld [tilespmem:s29+$0xFFFFFF70];
	v0 =	vadd.f32 v56, v0  }
0x75: {  	v1 =	vadd.f32 v2, v1;
	v2 =	vld [tilespmem:s29+$0xFFFFFF80]  }
0x76: {  	v0 =	vadd.f32 v3, v0;
	v3 =	vld [tilespmem:s29+$0xFFFFFF90]  }
0x77: {  	v1 =	vadd.f32 v4, v1;
	v4 =	vld [tilespmem:s29+$0xFFFFFFA0]  }
0x78: {  	v0 =	vadd.f32 v5, v0;
	v5 =	vld [tilespmem:s29+$0xFFFFFFB0]  }
0x79: {  	v58 =	vld [tilespmem:s29+$0xFFFFFFC0];
	v1 =	vadd.f32 v57, v1  }
0x7a: {  	v0 =	vadd.f32 v2, v0;
	v2 =	vld [tilespmem:s29+$0xFFFFFFD0]  }
0x7b: {  	v1 =	vadd.f32 v3, v1;
	v3 =	vld [tilespmem:s29+$0xFFFFFFE0]  }
0x7c: {  	v0 =	vadd.f32 v4, v0;
	v4 =	vld [tilespmem:s29+$0xFFFFFFF0]  }
0x7d: {  	v1 =	vadd.f32 v5, v1;
	v5 =	vld [tilespmem:s29+$0x0]  }
0x7e: {  	v59 =	vld [tilespmem:s29+$0x10];
	v0 =	vadd.f32 v58, v0  }
0x7f: {  	v1 =	vadd.f32 v2, v1;
	v2 =	vld [tilespmem:s29+$0x20]  }
0x80: {  	v0 =	vadd.f32 v3, v0;
	v3 =	vld [tilespmem:s29+$0x30]  }
0x81: {  	v1 =	vadd.f32 v4, v1;
	v4 =	vld [tilespmem:s29+$0x40]  }
0x82: {  	v0 =	vadd.f32 v5, v0;
	v5 =	vld [tilespmem:s29+$0x50]  }
0x83: {  	v60 =	vld [tilespmem:s29+$0x60];
	v1 =	vadd.f32 v59, v1  }
0x84: {  	v0 =	vadd.f32 v2, v0;
	v2 =	vld [tilespmem:s29+$0x70]  }
0x85: {  	v1 =	vadd.f32 v3, v1;
	v3 =	vld [tilespmem:s29+$0x80]  }
0x86: {  	v0 =	vadd.f32 v4, v0;
	v4 =	vld [tilespmem:s29+$0x90]  }
0x87: {  	v1 =	vadd.f32 v5, v1;
	v5 =	vld [tilespmem:s29+$0xA0]  }
0x88: {  	v61 =	vld [tilespmem:s29+$0xB0];
	v0 =	vadd.f32 v60, v0  }
0x89: {  	v1 =	vadd.f32 v2, v1;
	v2 =	vld [tilespmem:s29+$0xC0]  }
0x8a: {  	v0 =	vadd.f32 v3, v0;
	v3 =	vld [tilespmem:s29+$0xD0]  }
0x8b: {  	v1 =	vadd.f32 v4, v1;
	v4 =	vld [tilespmem:s29+$0xE0]  }
0x8c: {  	v0 =	vadd.f32 v5, v0;
	v5 =	vld [tilespmem:s29+$0xF0]  }
0x8d: {  	v62 =	vld [tilespmem:s29+$0x100];
	v1 =	vadd.f32 v61, v1  }
0x8e: {  	v0 =	vadd.f32 v2, v0;
	v2 =	vld [tilespmem:s29+$0x110]  }
0x8f: {  	v1 =	vadd.f32 v3, v1;
	v3 =	vld [tilespmem:s29+$0x120]  }
0x90: {  	v0 =	vadd.f32 v4, v0;
	v4 =	vld [tilespmem:s29+$0x130]  }
0x91: {  	v1 =	vadd.f32 v5, v1;
	v5 =	vld [tilespmem:s29+$0x140]  }
0x92: {  	v63 =	vld [tilespmem:s29+$0x150];
	v0 =	vadd.f32 v62, v0  }
0x93: {  	v1 =	vadd.f32 v2, v1;
	v2 =	vld [tilespmem:s29+$0x160]  }
0x94: {  	v0 =	vadd.f32 v3, v0;
	v3 =	vld [tilespmem:s29+$0x170]  }
0x95: {  	s1 =	sadd.s32 $0x2, s28;
	v1 =	vadd.f32 v4, v1;
	v4 =	vld [tilespmem:s29+$0x180]  }
0x96: {  	p2 =	sgt.u32 s1, s5;
	v0 =	vadd.f32 v5, v0  }
0x97: {  	s1 =	sshll.u32 @!p2 s1, $0xB;
	v1 =	vadd.f32 v63, v1  }
0x98: {  	s1 =	sor.u32 @!p2 s6, s1;
	v0 =	vadd.f32 v2, v0  }
0x99: {  	s1 =	smin.u32 @!p2 s1, $0x18660;
	v1 =	vadd.f32 v3, v1  }
0x9a: {  	s26 =	sand.u32 $0x7E0, s26;
	s1 =	smul.u32 @!p2 $0x19, s1;
	v0 =	vadd.f32 v4, v0  }
0x9b: {  	s25 =	sshll.u32 s25, $0x2;
	s28 =	sadd.s32 $0x19C80, s26;
	[tilespmem:s26+$0x19C80] =	vst v1  }
0x9c: {  	s25 =	sadd.s32 s7, s25;
	s1 =	sshrl.u32 @!p2 s1, $0x3;
	[tilespmem:s28+$0x10] =	vst v0  }
0x9d: {  	[hbm4b:s25+s3] =	stream.linear.scatter [tilespmem:s17], [sflag:$0x3], $0x800, $0x38;
	[tilespmem:$0x1AC80] =	vst v63  }
0x9e: {  	s1 =	sadd.s32 @!p2 s4, s1;
	s25 =	simm.s32 @!p2 $0x0  }
0x9f: {  	[tilespmem:s25], [sflag:$0x5] =	stream.linear.gather @!p2 [hbm4b:s1+s25], $0x640, $0x38;
	[tilespmem:$0x1AC80] =	vst v63  }
0xa0: {  	s1 =	simm.s32 @!p2 $0x5  }
0xa1: {  	_ =	swait.ge @!p2 [sflag:s1], $0x640  }
0xa2: {  	[sflag:s1] =	ssyncset.done @!p2 $0x0  }
0xa3: {  	s26 =	simm.s32 @!p2 $0xC80;
	[sflag:s1] =	ssyncadd.s32 @!p2 $0xFFFFF9C0;
	s1 =	simm.s32 @!p2 $0x640  }
0xa4: {  	[tilespmem:s26], [sflag:$0x1] =	stream.indirect.gather @!p2 [hbm4b:s2+s1], $0x20, s25, s1, $0xb8;
	[tilespmem:$0x1AC80] =	vst v63  }
0xa5: {  	_ =	swait.ge [sflag:s18], $0xC800  }
0xa6: {  	[sflag:s18] =	ssyncset.done $0x0  }
0xa7: {  	s1 =	simm.s32 @!p1 $0x4;
	[sflag:s18] =	ssyncadd.s32 $0xFFFF3800  }
0xa8: {  	_ =	swait.ge @!p1 [sflag:s1], $0x800  }
0xa9: {  	[sflag:s1] =	ssyncset.done @!p1 $0x0  }
0xaa: {  	s26 =	simm.s32 $0xD610;
	[sflag:s1] =	ssyncadd.s32 @!p1 $0xFFFFF800  }
0xab: {  	v0 =	vld [tilespmem:s26+$0xFFFFFEA0]  }
0xac: {  	v1 =	vld [tilespmem:s26+$0xFFFFFE90]  }
0xad: {  	v3 =	vld [tilespmem:s26+$0xFFFFFE70]  }
0xae: {  	s28 =	simm.s32 $0x20;
	s25 =	simm.s32 $0x0;
	v2 =	vld [tilespmem:s26+$0xFFFFFE80]  }
.LBB2_5:
0xaf: {  	p1 =	sne.s32 s28, $0x7E0;
	v4 =	vld [tilespmem:s26+$0xFFFFFEB0]  }
0xb0: {  	v5 =	vld [tilespmem:s26+$0xFFFFFEC0]  }
0xb1: {  	v6 =	vld [tilespmem:s26+$0xFFFFFED0]  }
0xb2: {  	v1 =	vadd.f32 v1, v3;
	v3 =	vld [tilespmem:s26+$0xFFFFFEE0]  }
0xb3: {  	v0 =	vadd.f32 v0, v2;
	v2 =	vld [tilespmem:s26+$0xFFFFFEF0]  }
0xb4: {  	v1 =	vadd.f32 v4, v1;
	v4 =	vld [tilespmem:s26+$0xFFFFFF00]  }
0xb5: {  	v0 =	vadd.f32 v5, v0;
	v5 =	vld [tilespmem:s26+$0xFFFFFF10]  }
0xb6: {  	v1 =	vadd.f32 v6, v1;
	v6 =	vld [tilespmem:s26+$0xFFFFFF20]  }
0xb7: {  	v0 =	vadd.f32 v3, v0;
	v3 =	vld [tilespmem:s26+$0xFFFFFF30]  }
0xb8: {  	v1 =	vadd.f32 v2, v1;
	v2 =	vld [tilespmem:s26+$0xFFFFFF40]  }
0xb9: {  	v0 =	vadd.f32 v4, v0;
	v4 =	vld [tilespmem:s26+$0xFFFFFF50]  }
0xba: {  	v1 =	vadd.f32 v5, v1;
	v5 =	vld [tilespmem:s26+$0xFFFFFF60]  }
0xbb: {  	v0 =	vadd.f32 v6, v0;
	v6 =	vld [tilespmem:s26+$0xFFFFFF70]  }
0xbc: {  	v1 =	vadd.f32 v3, v1;
	v3 =	vld [tilespmem:s26+$0xFFFFFF80]  }
0xbd: {  	v0 =	vadd.f32 v2, v0;
	v2 =	vld [tilespmem:s26+$0xFFFFFF90]  }
0xbe: {  	v1 =	vadd.f32 v4, v1;
	v4 =	vld [tilespmem:s26+$0xFFFFFFA0]  }
0xbf: {  	v0 =	vadd.f32 v5, v0;
	v5 =	vld [tilespmem:s26+$0xFFFFFFB0]  }
0xc0: {  	v1 =	vadd.f32 v6, v1;
	v6 =	vld [tilespmem:s26+$0xFFFFFFC0]  }
0xc1: {  	v0 =	vadd.f32 v3, v0;
	v3 =	vld [tilespmem:s26+$0xFFFFFFD0]  }
0xc2: {  	v1 =	vadd.f32 v2, v1;
	v2 =	vld [tilespmem:s26+$0xFFFFFFE0]  }
0xc3: {  	v0 =	vadd.f32 v4, v0;
	v4 =	vld [tilespmem:s26+$0xFFFFFFF0]  }
0xc4: {  	v1 =	vadd.f32 v5, v1;
	v5 =	vld [tilespmem:s26+$0x0]  }
0xc5: {  	v0 =	vadd.f32 v6, v0;
	v6 =	vld [tilespmem:s26+$0x10]  }
0xc6: {  	v1 =	vadd.f32 v3, v1;
	v3 =	vld [tilespmem:s26+$0x20]  }
0xc7: {  	v0 =	vadd.f32 v2, v0;
	v2 =	vld [tilespmem:s26+$0x30]  }
0xc8: {  	v1 =	vadd.f32 v4, v1;
	v4 =	vld [tilespmem:s26+$0x40]  }
0xc9: {  	v0 =	vadd.f32 v5, v0;
	v5 =	vld [tilespmem:s26+$0x50]  }
0xca: {  	v1 =	vadd.f32 v6, v1;
	v6 =	vld [tilespmem:s26+$0x60]  }
0xcb: {  	v0 =	vadd.f32 v3, v0;
	v3 =	vld [tilespmem:s26+$0x70]  }
0xcc: {  	v1 =	vadd.f32 v2, v1;
	v2 =	vld [tilespmem:s26+$0x80]  }
0xcd: {  	v0 =	vadd.f32 v4, v0;
	v4 =	vld [tilespmem:s26+$0x90]  }
0xce: {  	v1 =	vadd.f32 v5, v1;
	v5 =	vld [tilespmem:s26+$0xA0]  }
0xcf: {  	v0 =	vadd.f32 v6, v0;
	v6 =	vld [tilespmem:s26+$0xB0]  }
0xd0: {  	v1 =	vadd.f32 v3, v1;
	v3 =	vld [tilespmem:s26+$0xC0]  }
0xd1: {  	v0 =	vadd.f32 v2, v0;
	v2 =	vld [tilespmem:s26+$0xD0]  }
0xd2: {  	v1 =	vadd.f32 v4, v1;
	v4 =	vld [tilespmem:s26+$0xE0]  }
0xd3: {  	v0 =	vadd.f32 v5, v0;
	v5 =	vld [tilespmem:s26+$0xF0]  }
0xd4: {  	v1 =	vadd.f32 v6, v1;
	v6 =	vld [tilespmem:s26+$0x100]  }
0xd5: {  	v0 =	vadd.f32 v3, v0;
	v3 =	vld [tilespmem:s26+$0x110]  }
0xd6: {  	v1 =	vadd.f32 v2, v1;
	v2 =	vld [tilespmem:s26+$0x120]  }
0xd7: {  	v0 =	vadd.f32 v4, v0;
	v4 =	vld [tilespmem:s26+$0x130]  }
0xd8: {  	v1 =	vadd.f32 v5, v1;
	v5 =	vld [tilespmem:s26+$0x140]  }
0xd9: {  	v0 =	vadd.f32 v6, v0;
	v6 =	vld [tilespmem:s26+$0x150]  }
0xda: {  	v1 =	vadd.f32 v3, v1;
	v3 =	vld [tilespmem:s26+$0x160]  }
0xdb: {  	v0 =	vadd.f32 v2, v0;
	v2 =	vld [tilespmem:s26+$0x170]  }
0xdc: {  	v1 =	vadd.f32 v4, v1;
	v4 =	vld [tilespmem:s26+$0x180]  }
0xdd: {  	v0 =	vadd.f32 v5, v0  }
0xde: {  	v1 =	vadd.f32 v6, v1  }
0xdf: {  	v0 =	vadd.f32 v3, v0  }
0xe0: {  	v1 =	vadd.f32 v2, v1  }
0xe1: {  	s1 =	sand.u32 $0x7E0, s25;
	s25 =	smov.u32 s28;
	v0 =	vadd.f32 v4, v0  }
0xe2: {  	s29 =	sadd.s32 $0x1A480, s1;
	[tilespmem:s1+$0x1A480] =	vst v1  }
.Ltmp3:
0xe3: {  	s26 =	sadd.s32 $0x320, s26;
	[tilespmem:s29+$0x10] =	vst v0;
	(pc) =	sbr.rel @p1 .LBB2_5-.Ltmp3, $4  }
0xe4: {  	v0 =	vld [tilespmem:s26+$0xFFFFFEA0]  }
0xe5: {  	v1 =	vld [tilespmem:s26+$0xFFFFFE90]  }
0xe6: {  	v3 =	vld [tilespmem:s26+$0xFFFFFE70]  }
0xe7: {  	s28 =	sadd.s32 $0x20, s28;
	v2 =	vld [tilespmem:s26+$0xFFFFFE80]  }
0xe8: {  	v4 =	vld [tilespmem:s26+$0xFFFFFEB0]  }
0xe9: {  	v5 =	vld [tilespmem:s26+$0xFFFFFEC0]  }
0xea: {  	v6 =	vld [tilespmem:s26+$0xFFFFFED0]  }
0xeb: {  	v21 =	vld [tilespmem:s26+$0xFFFFFEE0];
	v1 =	vadd.f32 v1, v3  }
0xec: {  	v22 =	vld [tilespmem:s26+$0xFFFFFEF0];
	v0 =	vadd.f32 v0, v2  }
0xed: {  	v23 =	vld [tilespmem:s26+$0xFFFFFF00];
	v1 =	vadd.f32 v4, v1  }
0xee: {  	v24 =	vld [tilespmem:s26+$0xFFFFFF10];
	v0 =	vadd.f32 v5, v0  }
0xef: {  	v25 =	vld [tilespmem:s26+$0xFFFFFF20];
	v1 =	vadd.f32 v6, v1  }
0xf0: {  	v26 =	vld [tilespmem:s26+$0xFFFFFF30];
	v0 =	vadd.f32 v21, v0  }
0xf1: {  	v27 =	vld [tilespmem:s26+$0xFFFFFF40];
	v1 =	vadd.f32 v22, v1  }
0xf2: {  	v28 =	vld [tilespmem:s26+$0xFFFFFF50];
	v0 =	vadd.f32 v23, v0  }
0xf3: {  	v29 =	vld [tilespmem:s26+$0xFFFFFF60];
	v1 =	vadd.f32 v24, v1  }
0xf4: {  	v30 =	vld [tilespmem:s26+$0xFFFFFF70];
	v0 =	vadd.f32 v25, v0  }
0xf5: {  	v31 =	vld [tilespmem:s26+$0xFFFFFF80];
	v1 =	vadd.f32 v26, v1  }
0xf6: {  	v32 =	vld [tilespmem:s26+$0xFFFFFF90];
	v0 =	vadd.f32 v27, v0  }
0xf7: {  	v33 =	vld [tilespmem:s26+$0xFFFFFFA0];
	v1 =	vadd.f32 v28, v1  }
0xf8: {  	v34 =	vld [tilespmem:s26+$0xFFFFFFB0];
	v0 =	vadd.f32 v29, v0  }
0xf9: {  	v35 =	vld [tilespmem:s26+$0xFFFFFFC0];
	v1 =	vadd.f32 v30, v1  }
0xfa: {  	v36 =	vld [tilespmem:s26+$0xFFFFFFD0];
	v0 =	vadd.f32 v31, v0  }
0xfb: {  	v37 =	vld [tilespmem:s26+$0xFFFFFFE0];
	v1 =	vadd.f32 v32, v1  }
0xfc: {  	v38 =	vld [tilespmem:s26+$0xFFFFFFF0];
	v0 =	vadd.f32 v33, v0  }
0xfd: {  	v39 =	vld [tilespmem:s26+$0x0];
	v1 =	vadd.f32 v34, v1  }
0xfe: {  	v40 =	vld [tilespmem:s26+$0x10];
	v0 =	vadd.f32 v35, v0  }
0xff: {  	v41 =	vld [tilespmem:s26+$0x20];
	v1 =	vadd.f32 v36, v1  }
0x100: {  	v42 =	vld [tilespmem:s26+$0x30];
	v0 =	vadd.f32 v37, v0  }
0x101: {  	v43 =	vld [tilespmem:s26+$0x40];
	v1 =	vadd.f32 v38, v1  }
0x102: {  	v44 =	vld [tilespmem:s26+$0x50];
	v0 =	vadd.f32 v39, v0  }
0x103: {  	v45 =	vld [tilespmem:s26+$0x60];
	v1 =	vadd.f32 v40, v1  }
0x104: {  	v46 =	vld [tilespmem:s26+$0x70];
	v0 =	vadd.f32 v41, v0  }
0x105: {  	v47 =	vld [tilespmem:s26+$0x80];
	v1 =	vadd.f32 v42, v1  }
0x106: {  	v48 =	vld [tilespmem:s26+$0x90];
	v0 =	vadd.f32 v43, v0  }
0x107: {  	v49 =	vld [tilespmem:s26+$0xA0];
	v1 =	vadd.f32 v44, v1  }
0x108: {  	v50 =	vld [tilespmem:s26+$0xB0];
	v0 =	vadd.f32 v45, v0  }
0x109: {  	v51 =	vld [tilespmem:s26+$0xC0];
	v1 =	vadd.f32 v46, v1  }
0x10a: {  	v52 =	vld [tilespmem:s26+$0xD0];
	v0 =	vadd.f32 v47, v0  }
0x10b: {  	v53 =	vld [tilespmem:s26+$0xE0];
	v1 =	vadd.f32 v48, v1  }
0x10c: {  	v54 =	vld [tilespmem:s26+$0xF0];
	v0 =	vadd.f32 v49, v0  }
0x10d: {  	v55 =	vld [tilespmem:s26+$0x100];
	v1 =	vadd.f32 v50, v1  }
0x10e: {  	v56 =	vld [tilespmem:s26+$0x110];
	v0 =	vadd.f32 v51, v0  }
0x10f: {  	v57 =	vld [tilespmem:s26+$0x120];
	v1 =	vadd.f32 v52, v1  }
0x110: {  	v58 =	vld [tilespmem:s26+$0x130];
	v0 =	vadd.f32 v53, v0  }
0x111: {  	v59 =	vld [tilespmem:s26+$0x140];
	v1 =	vadd.f32 v54, v1  }
0x112: {  	v60 =	vld [tilespmem:s26+$0x150];
	v0 =	vadd.f32 v55, v0  }
0x113: {  	v61 =	vld [tilespmem:s26+$0x160];
	v1 =	vadd.f32 v56, v1  }
0x114: {  	v62 =	vld [tilespmem:s26+$0x170];
	v0 =	vadd.f32 v57, v0  }
0x115: {  	v63 =	vld [tilespmem:s26+$0x180];
	v1 =	vadd.f32 v58, v1  }
0x116: {  	v0 =	vadd.f32 v59, v0  }
0x117: {  	s23 =	sadd.s32 $0x1, s23;
	v1 =	vadd.f32 v60, v1  }
0x118: {  	p1 =	sne.s32 s23, $0x18;
	v0 =	vadd.f32 v61, v0  }
.Ltmp4:
0x119: {  	v1 =	vadd.f32 v62, v1;
	(pc) =	sbr.rel @p1 .LBB2_2-.Ltmp4, $4  }
0x11a: {  	s1 =	sand.u32 $0x7E0, s25;
	v0 =	vadd.f32 v63, v0  }
0x11b: {  	s31 =	sshll.u32 s24, $0x2;
	s25 =	sadd.s32 $0x1A480, s1;
	[tilespmem:s1+$0x1A480] =	vst v1  }
0x11c: {  	s1 =	sadd.s32 s7, s31;
	[tilespmem:s25+$0x10] =	vst v0  }
0x11d: {  	[hbm4b:s1+s3] =	stream.linear.scatter [tilespmem:s19], [sflag:$0x4], $0x800, $0x38;
	[tilespmem:$0x1AC80] =	vst v63  }
.Ltmp5:
0x11e: {  	(pc) =	sbr.rel @p0 .LBB2_11-.Ltmp5, $1  }
0x11f: {  	_ =	sdelay $0x3  }
0x120: {  	_ =	swait.ge [sflag:s16], $0xC800  }
0x121: {  	[sflag:s16] =	ssyncset.done $0x0  }
0x122: {  	[sflag:s16] =	ssyncadd.s32 $0xFFFF3800  }
0x123: {  	_ =	swait.ge [sflag:s20], $0x800  }
0x124: {  	[sflag:s20] =	ssyncset.done $0x0  }
0x125: {  	s24 =	simm.s32 $0xE10;
	[sflag:s20] =	ssyncadd.s32 $0xFFFFF800  }
0x126: {  	v0 =	vld [tilespmem:s24+$0xFFFFFEA0]  }
0x127: {  	v1 =	vld [tilespmem:s24+$0xFFFFFE90]  }
0x128: {  	v3 =	vld [tilespmem:s24+$0xFFFFFE70]  }
0x129: {  	s23 =	simm.s32 $0x0;
	s25 =	simm.s32 $0x20;
	v2 =	vld [tilespmem:s24+$0xFFFFFE80]  }
.LBB2_9:
0x12a: {  	p1 =	sne.s32 s25, $0x7E0;
	v4 =	vld [tilespmem:s24+$0xFFFFFEB0]  }
0x12b: {  	v5 =	vld [tilespmem:s24+$0xFFFFFEC0]  }
0x12c: {  	v6 =	vld [tilespmem:s24+$0xFFFFFED0]  }
0x12d: {  	v1 =	vadd.f32 v1, v3;
	v3 =	vld [tilespmem:s24+$0xFFFFFEE0]  }
0x12e: {  	v0 =	vadd.f32 v0, v2;
	v2 =	vld [tilespmem:s24+$0xFFFFFEF0]  }
0x12f: {  	v1 =	vadd.f32 v4, v1;
	v4 =	vld [tilespmem:s24+$0xFFFFFF00]  }
0x130: {  	v0 =	vadd.f32 v5, v0;
	v5 =	vld [tilespmem:s24+$0xFFFFFF10]  }
0x131: {  	v1 =	vadd.f32 v6, v1;
	v6 =	vld [tilespmem:s24+$0xFFFFFF20]  }
0x132: {  	v0 =	vadd.f32 v3, v0;
	v3 =	vld [tilespmem:s24+$0xFFFFFF30]  }
0x133: {  	v1 =	vadd.f32 v2, v1;
	v2 =	vld [tilespmem:s24+$0xFFFFFF40]  }
0x134: {  	v0 =	vadd.f32 v4, v0;
	v4 =	vld [tilespmem:s24+$0xFFFFFF50]  }
0x135: {  	v1 =	vadd.f32 v5, v1;
	v5 =	vld [tilespmem:s24+$0xFFFFFF60]  }
0x136: {  	v0 =	vadd.f32 v6, v0;
	v6 =	vld [tilespmem:s24+$0xFFFFFF70]  }
0x137: {  	v1 =	vadd.f32 v3, v1;
	v3 =	vld [tilespmem:s24+$0xFFFFFF80]  }
0x138: {  	v0 =	vadd.f32 v2, v0;
	v2 =	vld [tilespmem:s24+$0xFFFFFF90]  }
0x139: {  	v1 =	vadd.f32 v4, v1;
	v4 =	vld [tilespmem:s24+$0xFFFFFFA0]  }
0x13a: {  	v0 =	vadd.f32 v5, v0;
	v5 =	vld [tilespmem:s24+$0xFFFFFFB0]  }
0x13b: {  	v1 =	vadd.f32 v6, v1;
	v6 =	vld [tilespmem:s24+$0xFFFFFFC0]  }
0x13c: {  	v0 =	vadd.f32 v3, v0;
	v3 =	vld [tilespmem:s24+$0xFFFFFFD0]  }
0x13d: {  	v1 =	vadd.f32 v2, v1;
	v2 =	vld [tilespmem:s24+$0xFFFFFFE0]  }
0x13e: {  	v0 =	vadd.f32 v4, v0;
	v4 =	vld [tilespmem:s24+$0xFFFFFFF0]  }
0x13f: {  	v1 =	vadd.f32 v5, v1;
	v5 =	vld [tilespmem:s24+$0x0]  }
0x140: {  	v0 =	vadd.f32 v6, v0;
	v6 =	vld [tilespmem:s24+$0x10]  }
0x141: {  	v1 =	vadd.f32 v3, v1;
	v3 =	vld [tilespmem:s24+$0x20]  }
0x142: {  	v0 =	vadd.f32 v2, v0;
	v2 =	vld [tilespmem:s24+$0x30]  }
0x143: {  	v1 =	vadd.f32 v4, v1;
	v4 =	vld [tilespmem:s24+$0x40]  }
0x144: {  	v0 =	vadd.f32 v5, v0;
	v5 =	vld [tilespmem:s24+$0x50]  }
0x145: {  	v1 =	vadd.f32 v6, v1;
	v6 =	vld [tilespmem:s24+$0x60]  }
0x146: {  	v0 =	vadd.f32 v3, v0;
	v3 =	vld [tilespmem:s24+$0x70]  }
0x147: {  	v1 =	vadd.f32 v2, v1;
	v2 =	vld [tilespmem:s24+$0x80]  }
0x148: {  	v0 =	vadd.f32 v4, v0;
	v4 =	vld [tilespmem:s24+$0x90]  }
0x149: {  	v1 =	vadd.f32 v5, v1;
	v5 =	vld [tilespmem:s24+$0xA0]  }
0x14a: {  	v0 =	vadd.f32 v6, v0;
	v6 =	vld [tilespmem:s24+$0xB0]  }
0x14b: {  	v1 =	vadd.f32 v3, v1;
	v3 =	vld [tilespmem:s24+$0xC0]  }
0x14c: {  	v0 =	vadd.f32 v2, v0;
	v2 =	vld [tilespmem:s24+$0xD0]  }
0x14d: {  	v1 =	vadd.f32 v4, v1;
	v4 =	vld [tilespmem:s24+$0xE0]  }
0x14e: {  	v0 =	vadd.f32 v5, v0;
	v5 =	vld [tilespmem:s24+$0xF0]  }
0x14f: {  	v1 =	vadd.f32 v6, v1;
	v6 =	vld [tilespmem:s24+$0x100]  }
0x150: {  	v0 =	vadd.f32 v3, v0;
	v3 =	vld [tilespmem:s24+$0x110]  }
0x151: {  	v1 =	vadd.f32 v2, v1;
	v2 =	vld [tilespmem:s24+$0x120]  }
0x152: {  	v0 =	vadd.f32 v4, v0;
	v4 =	vld [tilespmem:s24+$0x130]  }
0x153: {  	v1 =	vadd.f32 v5, v1;
	v5 =	vld [tilespmem:s24+$0x140]  }
0x154: {  	v0 =	vadd.f32 v6, v0;
	v6 =	vld [tilespmem:s24+$0x150]  }
0x155: {  	v1 =	vadd.f32 v3, v1;
	v3 =	vld [tilespmem:s24+$0x160]  }
0x156: {  	v0 =	vadd.f32 v2, v0;
	v2 =	vld [tilespmem:s24+$0x170]  }
0x157: {  	v1 =	vadd.f32 v4, v1;
	v4 =	vld [tilespmem:s24+$0x180]  }
0x158: {  	v0 =	vadd.f32 v5, v0  }
0x159: {  	v1 =	vadd.f32 v6, v1  }
0x15a: {  	v0 =	vadd.f32 v3, v0  }
0x15b: {  	v1 =	vadd.f32 v2, v1  }
0x15c: {  	s1 =	sand.u32 $0x7E0, s23;
	s23 =	smov.u32 s25;
	v0 =	vadd.f32 v4, v0  }
0x15d: {  	s26 =	sadd.s32 $0x19C80, s1;
	[tilespmem:s1+$0x19C80] =	vst v1  }
.Ltmp6:
0x15e: {  	s24 =	sadd.s32 $0x320, s24;
	[tilespmem:s26+$0x10] =	vst v0;
	(pc) =	sbr.rel @p1 .LBB2_9-.Ltmp6, $4  }
0x15f: {  	v0 =	vld [tilespmem:s24+$0xFFFFFEA0]  }
0x160: {  	v1 =	vld [tilespmem:s24+$0xFFFFFE90]  }
0x161: {  	v3 =	vld [tilespmem:s24+$0xFFFFFE70]  }
0x162: {  	s25 =	sadd.s32 $0x20, s25;
	v2 =	vld [tilespmem:s24+$0xFFFFFE80]  }
0x163: {  	v4 =	vld [tilespmem:s24+$0xFFFFFEB0]  }
0x164: {  	v5 =	vld [tilespmem:s24+$0xFFFFFEC0]  }
0x165: {  	v6 =	vld [tilespmem:s24+$0xFFFFFED0]  }
0x166: {  	v21 =	vld [tilespmem:s24+$0xFFFFFEE0];
	v1 =	vadd.f32 v1, v3  }
0x167: {  	v22 =	vld [tilespmem:s24+$0xFFFFFEF0];
	v0 =	vadd.f32 v0, v2  }
0x168: {  	v23 =	vld [tilespmem:s24+$0xFFFFFF00];
	v1 =	vadd.f32 v4, v1  }
0x169: {  	v24 =	vld [tilespmem:s24+$0xFFFFFF10];
	v0 =	vadd.f32 v5, v0  }
0x16a: {  	v25 =	vld [tilespmem:s24+$0xFFFFFF20];
	v1 =	vadd.f32 v6, v1  }
0x16b: {  	v26 =	vld [tilespmem:s24+$0xFFFFFF30];
	v0 =	vadd.f32 v21, v0  }
0x16c: {  	v27 =	vld [tilespmem:s24+$0xFFFFFF40];
	v1 =	vadd.f32 v22, v1  }
0x16d: {  	v28 =	vld [tilespmem:s24+$0xFFFFFF50];
	v0 =	vadd.f32 v23, v0  }
0x16e: {  	v29 =	vld [tilespmem:s24+$0xFFFFFF60];
	v1 =	vadd.f32 v24, v1  }
0x16f: {  	v30 =	vld [tilespmem:s24+$0xFFFFFF70];
	v0 =	vadd.f32 v25, v0  }
0x170: {  	v31 =	vld [tilespmem:s24+$0xFFFFFF80];
	v1 =	vadd.f32 v26, v1  }
0x171: {  	v32 =	vld [tilespmem:s24+$0xFFFFFF90];
	v0 =	vadd.f32 v27, v0  }
0x172: {  	v33 =	vld [tilespmem:s24+$0xFFFFFFA0];
	v1 =	vadd.f32 v28, v1  }
0x173: {  	v34 =	vld [tilespmem:s24+$0xFFFFFFB0];
	v0 =	vadd.f32 v29, v0  }
0x174: {  	v35 =	vld [tilespmem:s24+$0xFFFFFFC0];
	v1 =	vadd.f32 v30, v1  }
0x175: {  	v36 =	vld [tilespmem:s24+$0xFFFFFFD0];
	v0 =	vadd.f32 v31, v0  }
0x176: {  	v37 =	vld [tilespmem:s24+$0xFFFFFFE0];
	v1 =	vadd.f32 v32, v1  }
0x177: {  	v38 =	vld [tilespmem:s24+$0xFFFFFFF0];
	v0 =	vadd.f32 v33, v0  }
0x178: {  	v39 =	vld [tilespmem:s24+$0x0];
	v1 =	vadd.f32 v34, v1  }
0x179: {  	v40 =	vld [tilespmem:s24+$0x10];
	v0 =	vadd.f32 v35, v0  }
0x17a: {  	v41 =	vld [tilespmem:s24+$0x20];
	v1 =	vadd.f32 v36, v1  }
0x17b: {  	v42 =	vld [tilespmem:s24+$0x30];
	v0 =	vadd.f32 v37, v0  }
0x17c: {  	v43 =	vld [tilespmem:s24+$0x40];
	v1 =	vadd.f32 v38, v1  }
0x17d: {  	v44 =	vld [tilespmem:s24+$0x50];
	v0 =	vadd.f32 v39, v0  }
0x17e: {  	v45 =	vld [tilespmem:s24+$0x60];
	v1 =	vadd.f32 v40, v1  }
0x17f: {  	v46 =	vld [tilespmem:s24+$0x70];
	v0 =	vadd.f32 v41, v0  }
0x180: {  	v47 =	vld [tilespmem:s24+$0x80];
	v1 =	vadd.f32 v42, v1  }
0x181: {  	v48 =	vld [tilespmem:s24+$0x90];
	v0 =	vadd.f32 v43, v0  }
0x182: {  	v49 =	vld [tilespmem:s24+$0xA0];
	v1 =	vadd.f32 v44, v1  }
0x183: {  	v50 =	vld [tilespmem:s24+$0xB0];
	v0 =	vadd.f32 v45, v0  }
0x184: {  	v51 =	vld [tilespmem:s24+$0xC0];
	v1 =	vadd.f32 v46, v1  }
0x185: {  	v52 =	vld [tilespmem:s24+$0xD0];
	v0 =	vadd.f32 v47, v0  }
0x186: {  	v53 =	vld [tilespmem:s24+$0xE0];
	v1 =	vadd.f32 v48, v1  }
0x187: {  	v54 =	vld [tilespmem:s24+$0xF0];
	v0 =	vadd.f32 v49, v0  }
0x188: {  	v55 =	vld [tilespmem:s24+$0x100];
	v1 =	vadd.f32 v50, v1  }
0x189: {  	v56 =	vld [tilespmem:s24+$0x110];
	v0 =	vadd.f32 v51, v0  }
0x18a: {  	v57 =	vld [tilespmem:s24+$0x120];
	v1 =	vadd.f32 v52, v1  }
0x18b: {  	v58 =	vld [tilespmem:s24+$0x130];
	v0 =	vadd.f32 v53, v0  }
0x18c: {  	v59 =	vld [tilespmem:s24+$0x140];
	v1 =	vadd.f32 v54, v1  }
0x18d: {  	v60 =	vld [tilespmem:s24+$0x150];
	v0 =	vadd.f32 v55, v0  }
0x18e: {  	v61 =	vld [tilespmem:s24+$0x160];
	v1 =	vadd.f32 v56, v1  }
0x18f: {  	v62 =	vld [tilespmem:s24+$0x170];
	v0 =	vadd.f32 v57, v0  }
0x190: {  	v63 =	vld [tilespmem:s24+$0x180];
	v1 =	vadd.f32 v58, v1  }
0x191: {  	v0 =	vadd.f32 v59, v0  }
0x192: {  	v1 =	vadd.f32 v60, v1  }
0x193: {  	v0 =	vadd.f32 v61, v0  }
.Ltmp7:
0x194: {  	v1 =	vadd.f32 v62, v1;
	(pc) =	sbr.rel .LBB2_11-.Ltmp7, $4  }
0x195: {  	s1 =	sand.u32 $0x7E0, s23;
	v0 =	vadd.f32 v63, v0  }
0x196: {  	s23 =	sadd.s32 $0x19C80, s1;
	[tilespmem:s1+$0x19C80] =	vst v1  }
0x197: {  	[tilespmem:s23+$0x10] =	vst v0  }
0x198: {  	[hbm4b:s9+s3] =	stream.linear.scatter [tilespmem:s17], [sflag:$0x3], $0x800, $0x38;
	[tilespmem:$0x1AC80] =	vst v63  }
.LBB2_12:
0x199: {  	_ =	sfence.sel $0x180000  }
0x19a: {  	[bflag:$0x0] =	sbarrier.arrive $0xFFFF  }
0x19b: {  	_ =	strace $0x90000047  }
0x19c: {  	[bflag:$0x2] =	sbarrier.arrive $0xFFFF  }
0x19d: {  	p0 =	sne.s32 s0, $0x0;
	s0 =	rddreg [dreg:$0x2]  }
0x19e: {  	s0 =	sadd.s32 @!p0 $0x100000, s0  }
0x19f: {  	[sflag:s0] =	ssyncadd.tile.s32 @!p0 $0x1;
	_ =	shalt  }
.Lfunc_end2:
_tile_overlayer_lowered:
.L_overlay_start_2:
0x1a0: {  	(tag) =	ssettag $0x2  }
0x1a1: {  	s0 =	rddreg [dreg:$0x0];
	s2 =	stileid.u32  }
0x1a2: {  	s1 =	rddreg [dreg:$0x1];
	p0 =	sne.s32 s2, $0x0  }
0x1a3: {  	s3 =	rddreg [dreg:$0x2];
	[bflag:$0x3] =	sbarrier.arrive $0xFFFF;
	s2 =	simm.s32 @!p0 $0x1C05  }
0x1a4: {  	[timem:s3], [sflag:s2] =	dma.local @!p0 [hbm:s0], s1  }
0x1a5: {  	s0 =	simm.s32 @!p0 $0x5  }
0x1a6: {  	_ =	swait.ge @!p0 [sflag:s0], s1  }
0x1a7: {  	s1 =	ssub.s32 @!p0 $0x0, s1;
	[sflag:s0] =	ssyncset.done @!p0 $0x0  }
0x1a8: {  	[sflag:s0] =	ssyncadd.s32 @!p0 s1  }
0x1a9: {  	[bflag:$0x3] =	sbarrier.arrive $0xFFFF  }
0x1aa: {  	_ =	shalt  }

</sc_bundles>
